<compile_context>
chip_gen: v7x
topology: tpu7x:2x2x1
jax: 0.10.2.dev20260603
libtpu: 0.0.44.dev20260713+nightly
codegen_flags: <defaults>
</compile_context>

<pallas_src>
import functools

import jax
import jax.numpy as jnp
from jax import lax
from jax.experimental import pallas as pl
from jax.experimental.pallas import tpu as pltpu
from jax.experimental.pallas import tpu_sc as plsc

N = 100000
D = 128
B = 64
NW = 32
CHUNK = N // NW
SUB = 125
NSUB = CHUNK // SUB
LANES = 16
JB = D // LANES
DP = D + LANES
NGRP = -(-SUB // LANES)
OFF_PAD = 80


def _sc_body(feat_hbm, w_hbm, b_hbm, off_hbm, acc_out,
             feat_v, e_v, w_v, b_v, off_v, acc_v):
    cid = lax.axis_index("c")
    sid = lax.axis_index("s")
    wid = cid * 16 + sid
    base = wid * CHUNK

    pltpu.sync_copy(w_hbm, w_v)
    pltpu.sync_copy(b_hbm, b_v)
    pltpu.sync_copy(off_hbm, off_v)

    lane = lax.iota(jnp.int32, LANES)
    zeros = jnp.zeros((LANES,), jnp.float32)

    def _zero(b, _):
        for jb in range(DP // LANES):
            acc_v[pl.ds(b * DP + jb * LANES, LANES)] = zeros
        return 0
    lax.fori_loop(0, B, _zero, 0)

    bias = b_v[...][0]
    wvecs = [w_v[pl.ds(jb * LANES, LANES)] for jb in range(JB)]

    def _sub_chunk(s, _):
        g0 = base + s * SUB
        pltpu.sync_copy(feat_hbm.at[pl.ds(g0 * D, SUB * D)], feat_v)

        def _gate_grp(g, _):
            gvec = zeros
            for i in range(LANES):
                r = jnp.minimum(g * LANES + i, SUB - 1)
                v = feat_v[pl.ds(r * D, LANES)] * wvecs[0]
                for jb in range(1, JB):
                    v = v + feat_v[pl.ds(r * D + jb * LANES, LANES)] * wvecs[jb]
                gvec = jnp.where(lane == i, jnp.sum(v), gvec)
            e_v[pl.ds(g * LANES, LANES)] = jnp.exp(gvec + bias)
            return 0
        lax.fori_loop(0, NGRP, _gate_grp, 0)

        def _seg(b, _):
            ovec = plsc.load_gather(off_v, [jnp.minimum(b + lane, OFF_PAD - 1)])
            r_lo = jnp.clip(ovec[0] - g0, 0, SUB)
            r_hi = jnp.clip(ovec[1] - g0, 0, SUB)

            @pl.when(r_lo < r_hi)
            def _():
                accs = tuple(
                    acc_v[pl.ds(b * DP + jb * LANES, LANES)] for jb in range(JB))
                g_lo = r_lo // LANES
                g_hi = (r_hi + LANES - 1) // LANES

                def _grp(g, carry):
                    accs, dsum = carry
                    evec = e_v[pl.ds(g * LANES, LANES)]
                    pos = g * LANES + lane
                    em = jnp.where((pos >= r_lo) & (pos < r_hi), evec, 0.0)
                    for i in range(LANES):
                        r = jnp.minimum(g * LANES + i, SUB - 1)
                        e_r = em[i]
                        accs = tuple(
                            accs[jb] + feat_v[pl.ds(r * D + jb * LANES, LANES)] * e_r
                            for jb in range(JB)
                        )
                    return accs, dsum + jnp.sum(em)

                accs, dsum = lax.fori_loop(
                    g_lo, g_hi, _grp, (accs, jnp.float32(0.0)))
                for jb in range(JB):
                    acc_v[pl.ds(b * DP + jb * LANES, LANES)] = accs[jb]
                dvec = acc_v[pl.ds(b * DP + D, LANES)]
                acc_v[pl.ds(b * DP + D, LANES)] = dvec + jnp.where(
                    lane == 0, dsum, 0.0)
            return 0
        lax.fori_loop(0, B, _seg, 0)
        return 0

    lax.fori_loop(0, NSUB, _sub_chunk, 0)

    pltpu.sync_copy(acc_v, acc_out.at[pl.ds(wid * B * DP, B * DP)])


def _merge_body(acc_ref, out_ref):
    full = jnp.sum(acc_ref[...], axis=0)
    a = full[:, :D]
    d = full[:, D:D + 1]
    safe = jnp.where(d != 0.0, d, 1.0)
    out_ref[...] = jnp.where(d != 0.0, a / safe, 0.0)


@jax.jit
def kernel(feat, segment_ids, W_gate, b_gate):
    w_vec = W_gate[:, 0]
    b_pad = jnp.pad(b_gate, (0, LANES - 1))
    offsets = jnp.searchsorted(
        segment_ids, jnp.arange(B + 1, dtype=jnp.int32), side="left"
    ).astype(jnp.int32)
    offsets = jnp.pad(offsets, (0, OFF_PAD - (B + 1)))

    mesh = plsc.VectorSubcoreMesh(core_axis_name="c", subcore_axis_name="s")
    sc = functools.partial(
        pl.kernel,
        mesh=mesh,
        compiler_params=pltpu.CompilerParams(needs_layout_passes=False),
        out_type=[
            jax.ShapeDtypeStruct((NW * B * DP,), jnp.float32),
        ],
        scratch_types=[
            pltpu.VMEM((SUB * D,), jnp.float32),
            pltpu.VMEM((NGRP * LANES,), jnp.float32),
            pltpu.VMEM((D,), jnp.float32),
            pltpu.VMEM((LANES,), jnp.float32),
            pltpu.VMEM((OFF_PAD,), jnp.int32),
            pltpu.VMEM((B * DP,), jnp.float32),
        ],
    )(_sc_body)
    (acc_flat,) = sc(feat.reshape(-1), w_vec, b_pad, offsets)
    acc_part = acc_flat.reshape(NW, B, DP)

    out = pl.pallas_call(
        _merge_body,
        out_shape=jax.ShapeDtypeStruct((B, D), jnp.float32),
    )(acc_part)
    return out

# --- scband reference (transcript-rebuilt; emitter-appended) ---
"""Pipeline reference for scband-global-attention-pooling-64905545777761 (READ-ONLY COPY).

The authoritative reference and input builder live on the scoring server;
editing this copy changes nothing except your own understanding.
"""

import jax, jax.numpy as jnp
import numpy as np

N = 100000
D = 128
B = 64


def setup_inputs(seed: int = 0) -> dict:
    key = jax.random.key(seed)
    k1, k2, k3 = jax.random.split(key, 3)
    feat = jax.random.normal(k1, (N, D), dtype=jnp.float32)
    segment_ids = jnp.sort(jax.random.randint(k2, (N,), 0, B)).astype(jnp.int32)
    # gate_nn: Dense(D -> 1), feat_feats == 0 so no feat_nn
    W_gate = jax.random.normal(k3, (D, 1), dtype=jnp.float32) * 0.05
    b_gate = jnp.zeros((1,), dtype=jnp.float32)
    return {"feat": feat, "segment_ids": segment_ids, "W_gate": W_gate, "b_gate": b_gate}


def reference(feat, segment_ids, W_gate, b_gate):
    # gate = gate_nn(feat), shape [N, 1]
    gate = feat @ W_gate + b_gate
    # softmax_nodes: segment-wise softmax over nodes of each graph
    seg_max = jax.ops.segment_max(gate, segment_ids, num_segments=B)
    seg_max = jax.lax.stop_gradient(seg_max)
    gate = gate - seg_max[segment_ids]
    e = jnp.exp(gate)
    denom = jax.ops.segment_sum(e, segment_ids, num_segments=B)
    alpha = e / denom[segment_ids]
    # r = feat * gate; readout = sum_nodes per graph -> [B, D]
    r = feat * alpha
    readout = jax.ops.segment_sum(r, segment_ids, num_segments=B)
    return readout

if __name__ == "__main__":
    import jax
    _d = setup_inputs()
    print(jax.jit(kernel)(*tuple(_d.values())))

</pallas_src>

<mosaic_0001>
#map = affine_map<(d0, d1) -> (0)>
module attributes {stable_mosaic.version = 14 : i64} {
  func.func @_sc_body(%arg0: i32, %arg1: i32, %arg2: memref<12800000xf32, #tpu.memory_space<hbm>>, %arg3: memref<128xf32, #tpu.memory_space<hbm>>, %arg4: memref<16xf32, #tpu.memory_space<hbm>>, %arg5: memref<80xi32, #tpu.memory_space<hbm>>, %arg6: memref<294912xf32, #tpu.memory_space<hbm>>, %arg7: memref<16000xf32, #tpu.memory_space<vmem>>, %arg8: memref<128xf32, #tpu.memory_space<vmem>>, %arg9: memref<128xf32, #tpu.memory_space<vmem>>, %arg10: memref<16xf32, #tpu.memory_space<vmem>>, %arg11: memref<80xi32, #tpu.memory_space<vmem>>, %arg12: memref<9216xf32, #tpu.memory_space<vmem>>) attributes {dimension_semantics = [#tpu.dimension_semantics<core_parallel>, #tpu.dimension_semantics<subcore_parallel>], iteration_bounds = array<i64: 2, 16>, scalar_prefetch = 0 : i64, scratch_operands = 6 : i64, tpu.core_type = #tpu.core_type<sc_vector_subcore>, window_params = [{transform_indices = #map}, {transform_indices = #map}, {transform_indices = #map}, {transform_indices = #map}, {transform_indices = #map}]} {
    %mul3A = arith.constant 16 : i32
    %mul3A_0 = arith.muli %arg0, %mul3A : i32
    %add3A = arith.addi %mul3A_0, %arg1 : i32
    %mul3A_1 = arith.constant 3125 : i32
    %mul3A_2 = arith.muli %add3A, %mul3A_1 : i32
    "tpu.region"() ({
      %run_scoped3A = tpu.sem_alloc : memref<!tpu.dma_semaphore, #tpu.memory_space<semaphore_mem>>
      tpu.enqueue_dma source(%arg3 : memref<128xf32, #tpu.memory_space<hbm>>) target(%arg9 : memref<128xf32, #tpu.memory_space<vmem>>) target_semaphore(%run_scoped3A : memref<!tpu.dma_semaphore, #tpu.memory_space<semaphore_mem>>)
      tpu.wait_dma2 semaphore(%run_scoped3A : memref<!tpu.dma_semaphore, #tpu.memory_space<semaphore_mem>>) src(%arg3 : memref<128xf32, #tpu.memory_space<hbm>>) dst(%arg9 : memref<128xf32, #tpu.memory_space<vmem>>)
      tpu.yield
    }) : () -> ()
    "tpu.region"() ({
      %run_scoped3A = tpu.sem_alloc : memref<!tpu.dma_semaphore, #tpu.memory_space<semaphore_mem>>
      tpu.enqueue_dma source(%arg4 : memref<16xf32, #tpu.memory_space<hbm>>) target(%arg10 : memref<16xf32, #tpu.memory_space<vmem>>) target_semaphore(%run_scoped3A : memref<!tpu.dma_semaphore, #tpu.memory_space<semaphore_mem>>)
      tpu.wait_dma2 semaphore(%run_scoped3A : memref<!tpu.dma_semaphore, #tpu.memory_space<semaphore_mem>>) src(%arg4 : memref<16xf32, #tpu.memory_space<hbm>>) dst(%arg10 : memref<16xf32, #tpu.memory_space<vmem>>)
      tpu.yield
    }) : () -> ()
    "tpu.region"() ({
      %run_scoped3A = tpu.sem_alloc : memref<!tpu.dma_semaphore, #tpu.memory_space<semaphore_mem>>
      tpu.enqueue_dma source(%arg5 : memref<80xi32, #tpu.memory_space<hbm>>) target(%arg11 : memref<80xi32, #tpu.memory_space<vmem>>) target_semaphore(%run_scoped3A : memref<!tpu.dma_semaphore, #tpu.memory_space<semaphore_mem>>)
      tpu.wait_dma2 semaphore(%run_scoped3A : memref<!tpu.dma_semaphore, #tpu.memory_space<semaphore_mem>>) src(%arg5 : memref<80xi32, #tpu.memory_space<hbm>>) dst(%arg11 : memref<80xi32, #tpu.memory_space<vmem>>)
      tpu.yield
    }) : () -> ()
    %iota3A = tpu.iota {dimensions = array<i32: 0>} : vector<16xi32>
    %broadcast_in_dim3A = arith.constant 0.000000e+00 : f32
    %broadcast_in_dim3A_3 = vector.broadcast %broadcast_in_dim3A : f32 to vector<16xf32>
    %scan3A = arith.constant 0 : i32
    %scan3A_4 = arith.constant 0 : i32
    %scan3A_5 = arith.constant 64 : i32
    %scan3A_6 = arith.addi %scan3A_4, %scan3A_5 : i32
    %scan3A_7 = arith.constant 1 : i32
    %scan3A_8 = scf.for %scan3A_38 = %scan3A_4 to %scan3A_6 step %scan3A_7 iter_args(%scan3A_39 = %scan3A) -> (i32)  : i32 {
      %mul3A_40 = arith.constant 144 : i32
      %mul3A_41 = arith.muli %scan3A_38, %mul3A_40 : i32
      %add3A_42 = arith.constant 0 : i32
      %add3A_43 = arith.addi %mul3A_41, %add3A_42 : i32
      %swap3A = arith.index_cast %add3A_43 : i32 to index
      %swap3A_44 = tpu.vector_load %arg12[%swap3A] {strides = array<i32>} : memref<9216xf32, #tpu.memory_space<vmem>>, vector<16xf32>,
      tpu.vector_store %arg12[%swap3A], %broadcast_in_dim3A_3 {strides = array<i32>} : memref<9216xf32, #tpu.memory_space<vmem>>, vector<16xf32>,
      %mul3A_45 = arith.constant 144 : i32
      %mul3A_46 = arith.muli %scan3A_38, %mul3A_45 : i32
      %add3A_47 = arith.constant 16 : i32
      %add3A_48 = arith.addi %mul3A_46, %add3A_47 : i32
      %swap3A_49 = arith.index_cast %add3A_48 : i32 to index
      %swap3A_50 = tpu.vector_load %arg12[%swap3A_49] {strides = array<i32>} : memref<9216xf32, #tpu.memory_space<vmem>>, vector<16xf32>,
      tpu.vector_store %arg12[%swap3A_49], %broadcast_in_dim3A_3 {strides = array<i32>} : memref<9216xf32, #tpu.memory_space<vmem>>, vector<16xf32>,
      %mul3A_51 = arith.constant 144 : i32
      %mul3A_52 = arith.muli %scan3A_38, %mul3A_51 : i32
      %add3A_53 = arith.constant 32 : i32
      %add3A_54 = arith.addi %mul3A_52, %add3A_53 : i32
      %swap3A_55 = arith.index_cast %add3A_54 : i32 to index
      %swap3A_56 = tpu.vector_load %arg12[%swap3A_55] {strides = array<i32>} : memref<9216xf32, #tpu.memory_space<vmem>>, vector<16xf32>,
      tpu.vector_store %arg12[%swap3A_55], %broadcast_in_dim3A_3 {strides = array<i32>} : memref<9216xf32, #tpu.memory_space<vmem>>, vector<16xf32>,
      %mul3A_57 = arith.constant 144 : i32
      %mul3A_58 = arith.muli %scan3A_38, %mul3A_57 : i32
      %add3A_59 = arith.constant 48 : i32
      %add3A_60 = arith.addi %mul3A_58, %add3A_59 : i32
      %swap3A_61 = arith.index_cast %add3A_60 : i32 to index
      %swap3A_62 = tpu.vector_load %arg12[%swap3A_61] {strides = array<i32>} : memref<9216xf32, #tpu.memory_space<vmem>>, vector<16xf32>,
      tpu.vector_store %arg12[%swap3A_61], %broadcast_in_dim3A_3 {strides = array<i32>} : memref<9216xf32, #tpu.memory_space<vmem>>, vector<16xf32>,
      %mul3A_63 = arith.constant 144 : i32
      %mul3A_64 = arith.muli %scan3A_38, %mul3A_63 : i32
      %add3A_65 = arith.constant 64 : i32
      %add3A_66 = arith.addi %mul3A_64, %add3A_65 : i32
      %swap3A_67 = arith.index_cast %add3A_66 : i32 to index
      %swap3A_68 = tpu.vector_load %arg12[%swap3A_67] {strides = array<i32>} : memref<9216xf32, #tpu.memory_space<vmem>>, vector<16xf32>,
      tpu.vector_store %arg12[%swap3A_67], %broadcast_in_dim3A_3 {strides = array<i32>} : memref<9216xf32, #tpu.memory_space<vmem>>, vector<16xf32>,
      %mul3A_69 = arith.constant 144 : i32
      %mul3A_70 = arith.muli %scan3A_38, %mul3A_69 : i32
      %add3A_71 = arith.constant 80 : i32
      %add3A_72 = arith.addi %mul3A_70, %add3A_71 : i32
      %swap3A_73 = arith.index_cast %add3A_72 : i32 to index
      %swap3A_74 = tpu.vector_load %arg12[%swap3A_73] {strides = array<i32>} : memref<9216xf32, #tpu.memory_space<vmem>>, vector<16xf32>,
      tpu.vector_store %arg12[%swap3A_73], %broadcast_in_dim3A_3 {strides = array<i32>} : memref<9216xf32, #tpu.memory_space<vmem>>, vector<16xf32>,
      %mul3A_75 = arith.constant 144 : i32
      %mul3A_76 = arith.muli %scan3A_38, %mul3A_75 : i32
      %add3A_77 = arith.constant 96 : i32
      %add3A_78 = arith.addi %mul3A_76, %add3A_77 : i32
      %swap3A_79 = arith.index_cast %add3A_78 : i32 to index
      %swap3A_80 = tpu.vector_load %arg12[%swap3A_79] {strides = array<i32>} : memref<9216xf32, #tpu.memory_space<vmem>>, vector<16xf32>,
      tpu.vector_store %arg12[%swap3A_79], %broadcast_in_dim3A_3 {strides = array<i32>} : memref<9216xf32, #tpu.memory_space<vmem>>, vector<16xf32>,
      %mul3A_81 = arith.constant 144 : i32
      %mul3A_82 = arith.muli %scan3A_38, %mul3A_81 : i32
      %add3A_83 = arith.constant 112 : i32
      %add3A_84 = arith.addi %mul3A_82, %add3A_83 : i32
      %swap3A_85 = arith.index_cast %add3A_84 : i32 to index
      %swap3A_86 = tpu.vector_load %arg12[%swap3A_85] {strides = array<i32>} : memref<9216xf32, #tpu.memory_space<vmem>>, vector<16xf32>,
      tpu.vector_store %arg12[%swap3A_85], %broadcast_in_dim3A_3 {strides = array<i32>} : memref<9216xf32, #tpu.memory_space<vmem>>, vector<16xf32>,
      %mul3A_87 = arith.constant 144 : i32
      %mul3A_88 = arith.muli %scan3A_38, %mul3A_87 : i32
      %add3A_89 = arith.constant 128 : i32
      %add3A_90 = arith.addi %mul3A_88, %add3A_89 : i32
      %swap3A_91 = arith.index_cast %add3A_90 : i32 to index
      %swap3A_92 = tpu.vector_load %arg12[%swap3A_91] {strides = array<i32>} : memref<9216xf32, #tpu.memory_space<vmem>>, vector<16xf32>,
      tpu.vector_store %arg12[%swap3A_91], %broadcast_in_dim3A_3 {strides = array<i32>} : memref<9216xf32, #tpu.memory_space<vmem>>, vector<16xf32>,
      %scan3A_93 = arith.constant 0 : i32
      scf.yield %scan3A_93 : i32
    }
    %scan3A_9 = arith.constant 64 : i32
    %get3A = arith.constant 0 : index
    %get3A_10 = tpu.vector_load %arg10[%get3A] {strides = array<i32>} : memref<16xf32, #tpu.memory_space<vmem>>, vector<16xf32>,
    %slice3A = vector.extract_strided_slice %get3A_10 {offsets = [0], sizes = [1], strides = [1]} : vector<16xf32> to vector<1xf32>
    %squeeze3A = vector.extract %slice3A[0] : f32 from vector<1xf32>
    %get3A_11 = arith.constant 0 : index
    %get3A_12 = tpu.vector_load %arg9[%get3A_11] {strides = array<i32>} : memref<128xf32, #tpu.memory_space<vmem>>, vector<16xf32>,
    %get3A_13 = arith.constant 16 : index
    %get3A_14 = tpu.vector_load %arg9[%get3A_13] {strides = array<i32>} : memref<128xf32, #tpu.memory_space<vmem>>, vector<16xf32>,
    %get3A_15 = arith.constant 32 : index
    %get3A_16 = tpu.vector_load %arg9[%get3A_15] {strides = array<i32>} : memref<128xf32, #tpu.memory_space<vmem>>, vector<16xf32>,
    %get3A_17 = arith.constant 48 : index
    %get3A_18 = tpu.vector_load %arg9[%get3A_17] {strides = array<i32>} : memref<128xf32, #tpu.memory_space<vmem>>, vector<16xf32>,
    %get3A_19 = arith.constant 64 : index
    %get3A_20 = tpu.vector_load %arg9[%get3A_19] {strides = array<i32>} : memref<128xf32, #tpu.memory_space<vmem>>, vector<16xf32>,
    %get3A_21 = arith.constant 80 : index
    %get3A_22 = tpu.vector_load %arg9[%get3A_21] {strides = array<i32>} : memref<128xf32, #tpu.memory_space<vmem>>, vector<16xf32>,
    %get3A_23 = arith.constant 96 : index
    %get3A_24 = tpu.vector_load %arg9[%get3A_23] {strides = array<i32>} : memref<128xf32, #tpu.memory_space<vmem>>, vector<16xf32>,
    %get3A_25 = arith.constant 112 : index
    %get3A_26 = tpu.vector_load %arg9[%get3A_25] {strides = array<i32>} : memref<128xf32, #tpu.memory_space<vmem>>, vector<16xf32>,
    %scan3A_27 = arith.constant 0 : i32
    %scan3A_28 = arith.constant 0 : i32
    %scan3A_29 = arith.constant 25 : i32
    %scan3A_30 = arith.addi %scan3A_28, %scan3A_29 : i32
    %scan3A_31 = arith.constant 1 : i32
    %scan3A_32 = scf.for %scan3A_38 = %scan3A_28 to %scan3A_30 step %scan3A_31 iter_args(%scan3A_39 = %scan3A_27) -> (i32)  : i32 {
      %mul3A_40 = arith.constant 125 : i32
      %mul3A_41 = arith.muli %scan3A_38, %mul3A_40 : i32
      %add3A_42 = arith.addi %mul3A_2, %mul3A_41 : i32
      %mul3A_43 = arith.constant 128 : i32
      %mul3A_44 = arith.muli %add3A_42, %mul3A_43 : i32
      "tpu.region"() ({
        %run_scoped3A = tpu.sem_alloc : memref<!tpu.dma_semaphore, #tpu.memory_space<semaphore_mem>>
        %dma_start3A = tpu.memref_slice %arg2[%mul3A_44] : memref<12800000xf32, #tpu.memory_space<hbm>> -> memref<16000xf32, #tpu.memory_space<hbm>>
        %dma_start3A_60 = tpu.memref_slice %arg2[%mul3A_44] : memref<12800000xf32, #tpu.memory_space<hbm>> -> memref<16000xf32, #tpu.memory_space<hbm>>
        tpu.enqueue_dma source(%dma_start3A_60 : memref<16000xf32, #tpu.memory_space<hbm>>) target(%arg7 : memref<16000xf32, #tpu.memory_space<vmem>>) target_semaphore(%run_scoped3A : memref<!tpu.dma_semaphore, #tpu.memory_space<semaphore_mem>>)
        %dma_wait3A = tpu.memref_slice %arg2[%mul3A_44] : memref<12800000xf32, #tpu.memory_space<hbm>> -> memref<16000xf32, #tpu.memory_space<hbm>>
        %dma_wait3A_61 = tpu.memref_slice %arg2[%mul3A_44] : memref<12800000xf32, #tpu.memory_space<hbm>> -> memref<16000xf32, #tpu.memory_space<hbm>>
        tpu.wait_dma2 semaphore(%run_scoped3A : memref<!tpu.dma_semaphore, #tpu.memory_space<semaphore_mem>>) src(%dma_wait3A_61 : memref<16000xf32, #tpu.memory_space<hbm>>) dst(%arg7 : memref<16000xf32, #tpu.memory_space<vmem>>)
        tpu.yield
      }) : () -> ()
      %scan3A_45 = arith.constant 0 : i32
      %scan3A_46 = arith.constant 0 : i32
      %scan3A_47 = arith.constant 8 : i32
      %scan3A_48 = arith.addi %scan3A_46, %scan3A_47 : i32
      %scan3A_49 = arith.constant 1 : i32
      %scan3A_50 = scf.for %scan3A_60 = %scan3A_46 to %scan3A_48 step %scan3A_49 iter_args(%scan3A_61 = %scan3A_45) -> (i32)  : i32 {
        %mul3A_62 = arith.constant 16 : i32
        %mul3A_63 = arith.muli %scan3A_60, %mul3A_62 : i32
        %add3A_64 = arith.constant 0 : i32
        %add3A_65 = arith.addi %mul3A_63, %add3A_64 : i32
        %min3A = arith.constant 124 : i32
        %min3A_66 = arith.minsi %add3A_65, %min3A : i32
        %mul3A_67 = arith.constant 128 : i32
        %mul3A_68 = arith.muli %min3A_66, %mul3A_67 : i32
        %get3A_69 = arith.index_cast %mul3A_68 : i32 to index
        %get3A_70 = tpu.vector_load %arg7[%get3A_69] {strides = array<i32>} : memref<16000xf32, #tpu.memory_space<vmem>>, vector<16xf32>,
        %mul3A_71 = arith.mulf %get3A_70, %get3A_12 : vector<16xf32>
        %mul3A_72 = arith.constant 128 : i32
        %mul3A_73 = arith.muli %min3A_66, %mul3A_72 : i32
        %add3A_74 = arith.constant 16 : i32
        %add3A_75 = arith.addi %mul3A_73, %add3A_74 : i32
        %get3A_76 = arith.index_cast %add3A_75 : i32 to index
        %get3A_77 = tpu.vector_load %arg7[%get3A_76] {strides = array<i32>} : memref<16000xf32, #tpu.memory_space<vmem>>, vector<16xf32>,
        %mul3A_78 = arith.mulf %get3A_77, %get3A_14 : vector<16xf32>
        %add3A_79 = arith.addf %mul3A_71, %mul3A_78 : vector<16xf32>
        %mul3A_80 = arith.constant 128 : i32
        %mul3A_81 = arith.muli %min3A_66, %mul3A_80 : i32
        %add3A_82 = arith.constant 32 : i32
        %add3A_83 = arith.addi %mul3A_81, %add3A_82 : i32
        %get3A_84 = arith.index_cast %add3A_83 : i32 to index
        %get3A_85 = tpu.vector_load %arg7[%get3A_84] {strides = array<i32>} : memref<16000xf32, #tpu.memory_space<vmem>>, vector<16xf32>,
        %mul3A_86 = arith.mulf %get3A_85, %get3A_16 : vector<16xf32>
        %add3A_87 = arith.addf %add3A_79, %mul3A_86 : vector<16xf32>
        %mul3A_88 = arith.constant 128 : i32
        %mul3A_89 = arith.muli %min3A_66, %mul3A_88 : i32
        %add3A_90 = arith.constant 48 : i32
        %add3A_91 = arith.addi %mul3A_89, %add3A_90 : i32
        %get3A_92 = arith.index_cast %add3A_91 : i32 to index
        %get3A_93 = tpu.vector_load %arg7[%get3A_92] {strides = array<i32>} : memref<16000xf32, #tpu.memory_space<vmem>>, vector<16xf32>,
        %mul3A_94 = arith.mulf %get3A_93, %get3A_18 : vector<16xf32>
        %add3A_95 = arith.addf %add3A_87, %mul3A_94 : vector<16xf32>
        %mul3A_96 = arith.constant 128 : i32
        %mul3A_97 = arith.muli %min3A_66, %mul3A_96 : i32
        %add3A_98 = arith.constant 64 : i32
        %add3A_99 = arith.addi %mul3A_97, %add3A_98 : i32
        %get3A_100 = arith.index_cast %add3A_99 : i32 to index
        %get3A_101 = tpu.vector_load %arg7[%get3A_100] {strides = array<i32>} : memref<16000xf32, #tpu.memory_space<vmem>>, vector<16xf32>,
        %mul3A_102 = arith.mulf %get3A_101, %get3A_20 : vector<16xf32>
        %add3A_103 = arith.addf %add3A_95, %mul3A_102 : vector<16xf32>
        %mul3A_104 = arith.constant 128 : i32
        %mul3A_105 = arith.muli %min3A_66, %mul3A_104 : i32
        %add3A_106 = arith.constant 80 : i32
        %add3A_107 = arith.addi %mul3A_105, %add3A_106 : i32
        %get3A_108 = arith.index_cast %add3A_107 : i32 to index
        %get3A_109 = tpu.vector_load %arg7[%get3A_108] {strides = array<i32>} : memref<16000xf32, #tpu.memory_space<vmem>>, vector<16xf32>,
        %mul3A_110 = arith.mulf %get3A_109, %get3A_22 : vector<16xf32>
        %add3A_111 = arith.addf %add3A_103, %mul3A_110 : vector<16xf32>
        %mul3A_112 = arith.constant 128 : i32
        %mul3A_113 = arith.muli %min3A_66, %mul3A_112 : i32
        %add3A_114 = arith.constant 96 : i32
        %add3A_115 = arith.addi %mul3A_113, %add3A_114 : i32
        %get3A_116 = arith.index_cast %add3A_115 : i32 to index
        %get3A_117 = tpu.vector_load %arg7[%get3A_116] {strides = array<i32>} : memref<16000xf32, #tpu.memory_space<vmem>>, vector<16xf32>,
        %mul3A_118 = arith.mulf %get3A_117, %get3A_24 : vector<16xf32>
        %add3A_119 = arith.addf %add3A_111, %mul3A_118 : vector<16xf32>
        %mul3A_120 = arith.constant 128 : i32
        %mul3A_121 = arith.muli %min3A_66, %mul3A_120 : i32
        %add3A_122 = arith.constant 112 : i32
        %add3A_123 = arith.addi %mul3A_121, %add3A_122 : i32
        %get3A_124 = arith.index_cast %add3A_123 : i32 to index
        %get3A_125 = tpu.vector_load %arg7[%get3A_124] {strides = array<i32>} : memref<16000xf32, #tpu.memory_space<vmem>>, vector<16xf32>,
        %mul3A_126 = arith.mulf %get3A_125, %get3A_26 : vector<16xf32>
        %add3A_127 = arith.addf %add3A_119, %mul3A_126 : vector<16xf32>
        %eq3A = arith.constant 0 : i32
        %eq3A_128 = vector.broadcast %eq3A : i32 to vector<16xi32>
        %eq3A_129 = arith.cmpi eq, %iota3A, %eq3A_128 : vector<16xi32>
        %reduce_sum3A = arith.constant true
        %reduce_sum3A_130 = vector.broadcast %reduce_sum3A : i1 to vector<16xi1>
        %reduce_sum3A_131 = tpu.scan <sum>, %add3A_127 masked %reduce_sum3A_130 : vector<16xf32>, vector<16xi1> -> vector<16xf32>
        %reduce_sum3A_132 = vector.extract %reduce_sum3A_131[15] : f32 from vector<16xf32>
        %broadcast_in_dim3A_133 = vector.broadcast %reduce_sum3A_132 : f32 to vector<16xf32>
        %select_n3A = arith.select %eq3A_129, %broadcast_in_dim3A_133, %broadcast_in_dim3A_3 : vector<16xi1>, vector<16xf32>
        %mul3A_134 = arith.constant 16 : i32
        %mul3A_135 = arith.muli %scan3A_60, %mul3A_134 : i32
        %add3A_136 = arith.constant 1 : i32
        %add3A_137 = arith.addi %mul3A_135, %add3A_136 : i32
        %min3A_138 = arith.constant 124 : i32
        %min3A_139 = arith.minsi %add3A_137, %min3A_138 : i32
        %mul3A_140 = arith.constant 128 : i32
        %mul3A_141 = arith.muli %min3A_139, %mul3A_140 : i32
        %get3A_142 = arith.index_cast %mul3A_141 : i32 to index
        %get3A_143 = tpu.vector_load %arg7[%get3A_142] {strides = array<i32>} : memref<16000xf32, #tpu.memory_space<vmem>>, vector<16xf32>,
        %mul3A_144 = arith.mulf %get3A_143, %get3A_12 : vector<16xf32>
        %mul3A_145 = arith.constant 128 : i32
        %mul3A_146 = arith.muli %min3A_139, %mul3A_145 : i32
        %add3A_147 = arith.constant 16 : i32
        %add3A_148 = arith.addi %mul3A_146, %add3A_147 : i32
        %get3A_149 = arith.index_cast %add3A_148 : i32 to index
        %get3A_150 = tpu.vector_load %arg7[%get3A_149] {strides = array<i32>} : memref<16000xf32, #tpu.memory_space<vmem>>, vector<16xf32>,
        %mul3A_151 = arith.mulf %get3A_150, %get3A_14 : vector<16xf32>
        %add3A_152 = arith.addf %mul3A_144, %mul3A_151 : vector<16xf32>
        %mul3A_153 = arith.constant 128 : i32
        %mul3A_154 = arith.muli %min3A_139, %mul3A_153 : i32
        %add3A_155 = arith.constant 32 : i32
        %add3A_156 = arith.addi %mul3A_154, %add3A_155 : i32
        %get3A_157 = arith.index_cast %add3A_156 : i32 to index
        %get3A_158 = tpu.vector_load %arg7[%get3A_157] {strides = array<i32>} : memref<16000xf32, #tpu.memory_space<vmem>>, vector<16xf32>,
        %mul3A_159 = arith.mulf %get3A_158, %get3A_16 : vector<16xf32>
        %add3A_160 = arith.addf %add3A_152, %mul3A_159 : vector<16xf32>
        %mul3A_161 = arith.constant 128 : i32
        %mul3A_162 = arith.muli %min3A_139, %mul3A_161 : i32
        %add3A_163 = arith.constant 48 : i32
        %add3A_164 = arith.addi %mul3A_162, %add3A_163 : i32
        %get3A_165 = arith.index_cast %add3A_164 : i32 to index
        %get3A_166 = tpu.vector_load %arg7[%get3A_165] {strides = array<i32>} : memref<16000xf32, #tpu.memory_space<vmem>>, vector<16xf32>,
        %mul3A_167 = arith.mulf %get3A_166, %get3A_18 : vector<16xf32>
        %add3A_168 = arith.addf %add3A_160, %mul3A_167 : vector<16xf32>
        %mul3A_169 = arith.constant 128 : i32
        %mul3A_170 = arith.muli %min3A_139, %mul3A_169 : i32
        %add3A_171 = arith.constant 64 : i32
        %add3A_172 = arith.addi %mul3A_170, %add3A_171 : i32
        %get3A_173 = arith.index_cast %add3A_172 : i32 to index
        %get3A_174 = tpu.vector_load %arg7[%get3A_173] {strides = array<i32>} : memref<16000xf32, #tpu.memory_space<vmem>>, vector<16xf32>,
        %mul3A_175 = arith.mulf %get3A_174, %get3A_20 : vector<16xf32>
        %add3A_176 = arith.addf %add3A_168, %mul3A_175 : vector<16xf32>
        %mul3A_177 = arith.constant 128 : i32
        %mul3A_178 = arith.muli %min3A_139, %mul3A_177 : i32
        %add3A_179 = arith.constant 80 : i32
        %add3A_180 = arith.addi %mul3A_178, %add3A_179 : i32
        %get3A_181 = arith.index_cast %add3A_180 : i32 to index
        %get3A_182 = tpu.vector_load %arg7[%get3A_181] {strides = array<i32>} : memref<16000xf32, #tpu.memory_space<vmem>>, vector<16xf32>,
        %mul3A_183 = arith.mulf %get3A_182, %get3A_22 : vector<16xf32>
        %add3A_184 = arith.addf %add3A_176, %mul3A_183 : vector<16xf32>
        %mul3A_185 = arith.constant 128 : i32
        %mul3A_186 = arith.muli %min3A_139, %mul3A_185 : i32
        %add3A_187 = arith.constant 96 : i32
        %add3A_188 = arith.addi %mul3A_186, %add3A_187 : i32
        %get3A_189 = arith.index_cast %add3A_188 : i32 to index
        %get3A_190 = tpu.vector_load %arg7[%get3A_189] {strides = array<i32>} : memref<16000xf32, #tpu.memory_space<vmem>>, vector<16xf32>,
        %mul3A_191 = arith.mulf %get3A_190, %get3A_24 : vector<16xf32>
        %add3A_192 = arith.addf %add3A_184, %mul3A_191 : vector<16xf32>
        %mul3A_193 = arith.constant 128 : i32
        %mul3A_194 = arith.muli %min3A_139, %mul3A_193 : i32
        %add3A_195 = arith.constant 112 : i32
        %add3A_196 = arith.addi %mul3A_194, %add3A_195 : i32
        %get3A_197 = arith.index_cast %add3A_196 : i32 to index
        %get3A_198 = tpu.vector_load %arg7[%get3A_197] {strides = array<i32>} : memref<16000xf32, #tpu.memory_space<vmem>>, vector<16xf32>,
        %mul3A_199 = arith.mulf %get3A_198, %get3A_26 : vector<16xf32>
        %add3A_200 = arith.addf %add3A_192, %mul3A_199 : vector<16xf32>
        %eq3A_201 = arith.constant 1 : i32
        %eq3A_202 = vector.broadcast %eq3A_201 : i32 to vector<16xi32>
        %eq3A_203 = arith.cmpi eq, %iota3A, %eq3A_202 : vector<16xi32>
        %reduce_sum3A_204 = arith.constant true
        %reduce_sum3A_205 = vector.broadcast %reduce_sum3A_204 : i1 to vector<16xi1>
        %reduce_sum3A_206 = tpu.scan <sum>, %add3A_200 masked %reduce_sum3A_205 : vector<16xf32>, vector<16xi1> -> vector<16xf32>
        %reduce_sum3A_207 = vector.extract %reduce_sum3A_206[15] : f32 from vector<16xf32>
        %broadcast_in_dim3A_208 = vector.broadcast %reduce_sum3A_207 : f32 to vector<16xf32>
        %select_n3A_209 = arith.select %eq3A_203, %broadcast_in_dim3A_208, %select_n3A : vector<16xi1>, vector<16xf32>
        %mul3A_210 = arith.constant 16 : i32
        %mul3A_211 = arith.muli %scan3A_60, %mul3A_210 : i32
        %add3A_212 = arith.constant 2 : i32
        %add3A_213 = arith.addi %mul3A_211, %add3A_212 : i32
        %min3A_214 = arith.constant 124 : i32
        %min3A_215 = arith.minsi %add3A_213, %min3A_214 : i32
        %mul3A_216 = arith.constant 128 : i32
        %mul3A_217 = arith.muli %min3A_215, %mul3A_216 : i32
        %get3A_218 = arith.index_cast %mul3A_217 : i32 to index
        %get3A_219 = tpu.vector_load %arg7[%get3A_218] {strides = array<i32>} : memref<16000xf32, #tpu.memory_space<vmem>>, vector<16xf32>,
        %mul3A_220 = arith.mulf %get3A_219, %get3A_12 : vector<16xf32>
        %mul3A_221 = arith.constant 128 : i32
        %mul3A_222 = arith.muli %min3A_215, %mul3A_221 : i32
        %add3A_223 = arith.constant 16 : i32
        %add3A_224 = arith.addi %mul3A_222, %add3A_223 : i32
        %get3A_225 = arith.index_cast %add3A_224 : i32 to index
        %get3A_226 = tpu.vector_load %arg7[%get3A_225] {strides = array<i32>} : memref<16000xf32, #tpu.memory_space<vmem>>, vector<16xf32>,
        %mul3A_227 = arith.mulf %get3A_226, %get3A_14 : vector<16xf32>
        %add3A_228 = arith.addf %mul3A_220, %mul3A_227 : vector<16xf32>
        %mul3A_229 = arith.constant 128 : i32
        %mul3A_230 = arith.muli %min3A_215, %mul3A_229 : i32
        %add3A_231 = arith.constant 32 : i32
        %add3A_232 = arith.addi %mul3A_230, %add3A_231 : i32
        %get3A_233 = arith.index_cast %add3A_232 : i32 to index
        %get3A_234 = tpu.vector_load %arg7[%get3A_233] {strides = array<i32>} : memref<16000xf32, #tpu.memory_space<vmem>>, vector<16xf32>,
        %mul3A_235 = arith.mulf %get3A_234, %get3A_16 : vector<16xf32>
        %add3A_236 = arith.addf %add3A_228, %mul3A_235 : vector<16xf32>
        %mul3A_237 = arith.constant 128 : i32
        %mul3A_238 = arith.muli %min3A_215, %mul3A_237 : i32
        %add3A_239 = arith.constant 48 : i32
        %add3A_240 = arith.addi %mul3A_238, %add3A_239 : i32
        %get3A_241 = arith.index_cast %add3A_240 : i32 to index
        %get3A_242 = tpu.vector_load %arg7[%get3A_241] {strides = array<i32>} : memref<16000xf32, #tpu.memory_space<vmem>>, vector<16xf32>,
        %mul3A_243 = arith.mulf %get3A_242, %get3A_18 : vector<16xf32>
        %add3A_244 = arith.addf %add3A_236, %mul3A_243 : vector<16xf32>
        %mul3A_245 = arith.constant 128 : i32
        %mul3A_246 = arith.muli %min3A_215, %mul3A_245 : i32
        %add3A_247 = arith.constant 64 : i32
        %add3A_248 = arith.addi %mul3A_246, %add3A_247 : i32
        %get3A_249 = arith.index_cast %add3A_248 : i32 to index
        %get3A_250 = tpu.vector_load %arg7[%get3A_249] {strides = array<i32>} : memref<16000xf32, #tpu.memory_space<vmem>>, vector<16xf32>,
        %mul3A_251 = arith.mulf %get3A_250, %get3A_20 : vector<16xf32>
        %add3A_252 = arith.addf %add3A_244, %mul3A_251 : vector<16xf32>
        %mul3A_253 = arith.constant 128 : i32
        %mul3A_254 = arith.muli %min3A_215, %mul3A_253 : i32
        %add3A_255 = arith.constant 80 : i32
        %add3A_256 = arith.addi %mul3A_254, %add3A_255 : i32
        %get3A_257 = arith.index_cast %add3A_256 : i32 to index
        %get3A_258 = tpu.vector_load %arg7[%get3A_257] {strides = array<i32>} : memref<16000xf32, #tpu.memory_space<vmem>>, vector<16xf32>,
        %mul3A_259 = arith.mulf %get3A_258, %get3A_22 : vector<16xf32>
        %add3A_260 = arith.addf %add3A_252, %mul3A_259 : vector<16xf32>
        %mul3A_261 = arith.constant 128 : i32
        %mul3A_262 = arith.muli %min3A_215, %mul3A_261 : i32
        %add3A_263 = arith.constant 96 : i32
        %add3A_264 = arith.addi %mul3A_262, %add3A_263 : i32
        %get3A_265 = arith.index_cast %add3A_264 : i32 to index
        %get3A_266 = tpu.vector_load %arg7[%get3A_265] {strides = array<i32>} : memref<16000xf32, #tpu.memory_space<vmem>>, vector<16xf32>,
        %mul3A_267 = arith.mulf %get3A_266, %get3A_24 : vector<16xf32>
        %add3A_268 = arith.addf %add3A_260, %mul3A_267 : vector<16xf32>
        %mul3A_269 = arith.constant 128 : i32
        %mul3A_270 = arith.muli %min3A_215, %mul3A_269 : i32
        %add3A_271 = arith.constant 112 : i32
        %add3A_272 = arith.addi %mul3A_270, %add3A_271 : i32
        %get3A_273 = arith.index_cast %add3A_272 : i32 to index
        %get3A_274 = tpu.vector_load %arg7[%get3A_273] {strides = array<i32>} : memref<16000xf32, #tpu.memory_space<vmem>>, vector<16xf32>,
        %mul3A_275 = arith.mulf %get3A_274, %get3A_26 : vector<16xf32>
        %add3A_276 = arith.addf %add3A_268, %mul3A_275 : vector<16xf32>
        %eq3A_277 = arith.constant 2 : i32
        %eq3A_278 = vector.broadcast %eq3A_277 : i32 to vector<16xi32>
        %eq3A_279 = arith.cmpi eq, %iota3A, %eq3A_278 : vector<16xi32>
        %reduce_sum3A_280 = arith.constant true
        %reduce_sum3A_281 = vector.broadcast %reduce_sum3A_280 : i1 to vector<16xi1>
        %reduce_sum3A_282 = tpu.scan <sum>, %add3A_276 masked %reduce_sum3A_281 : vector<16xf32>, vector<16xi1> -> vector<16xf32>
        %reduce_sum3A_283 = vector.extract %reduce_sum3A_282[15] : f32 from vector<16xf32>
        %broadcast_in_dim3A_284 = vector.broadcast %reduce_sum3A_283 : f32 to vector<16xf32>
        %select_n3A_285 = arith.select %eq3A_279, %broadcast_in_dim3A_284, %select_n3A_209 : vector<16xi1>, vector<16xf32>
        %mul3A_286 = arith.constant 16 : i32
        %mul3A_287 = arith.muli %scan3A_60, %mul3A_286 : i32
        %add3A_288 = arith.constant 3 : i32
        %add3A_289 = arith.addi %mul3A_287, %add3A_288 : i32
        %min3A_290 = arith.constant 124 : i32
        %min3A_291 = arith.minsi %add3A_289, %min3A_290 : i32
        %mul3A_292 = arith.constant 128 : i32
        %mul3A_293 = arith.muli %min3A_291, %mul3A_292 : i32
        %get3A_294 = arith.index_cast %mul3A_293 : i32 to index
        %get3A_295 = tpu.vector_load %arg7[%get3A_294] {strides = array<i32>} : memref<16000xf32, #tpu.memory_space<vmem>>, vector<16xf32>,
        %mul3A_296 = arith.mulf %get3A_295, %get3A_12 : vector<16xf32>
        %mul3A_297 = arith.constant 128 : i32
        %mul3A_298 = arith.muli %min3A_291, %mul3A_297 : i32
        %add3A_299 = arith.constant 16 : i32
        %add3A_300 = arith.addi %mul3A_298, %add3A_299 : i32
        %get3A_301 = arith.index_cast %add3A_300 : i32 to index
        %get3A_302 = tpu.vector_load %arg7[%get3A_301] {strides = array<i32>} : memref<16000xf32, #tpu.memory_space<vmem>>, vector<16xf32>,
        %mul3A_303 = arith.mulf %get3A_302, %get3A_14 : vector<16xf32>
        %add3A_304 = arith.addf %mul3A_296, %mul3A_303 : vector<16xf32>
        %mul3A_305 = arith.constant 128 : i32
        %mul3A_306 = arith.muli %min3A_291, %mul3A_305 : i32
        %add3A_307 = arith.constant 32 : i32
        %add3A_308 = arith.addi %mul3A_306, %add3A_307 : i32
        %get3A_309 = arith.index_cast %add3A_308 : i32 to index
        %get3A_310 = tpu.vector_load %arg7[%get3A_309] {strides = array<i32>} : memref<16000xf32, #tpu.memory_space<vmem>>, vector<16xf32>,
        %mul3A_311 = arith.mulf %get3A_310, %get3A_16 : vector<16xf32>
        %add3A_312 = arith.addf %add3A_304, %mul3A_311 : vector<16xf32>
        %mul3A_313 = arith.constant 128 : i32
        %mul3A_314 = arith.muli %min3A_291, %mul3A_313 : i32
        %add3A_315 = arith.constant 48 : i32
        %add3A_316 = arith.addi %mul3A_314, %add3A_315 : i32
        %get3A_317 = arith.index_cast %add3A_316 : i32 to index
        %get3A_318 = tpu.vector_load %arg7[%get3A_317] {strides = array<i32>} : memref<16000xf32, #tpu.memory_space<vmem>>, vector<16xf32>,
        %mul3A_319 = arith.mulf %get3A_318, %get3A_18 : vector<16xf32>
        %add3A_320 = arith.addf %add3A_312, %mul3A_319 : vector<16xf32>
        %mul3A_321 = arith.constant 128 : i32
        %mul3A_322 = arith.muli %min3A_291, %mul3A_321 : i32
        %add3A_323 = arith.constant 64 : i32
        %add3A_324 = arith.addi %mul3A_322, %add3A_323 : i32
        %get3A_325 = arith.index_cast %add3A_324 : i32 to index
        %get3A_326 = tpu.vector_load %arg7[%get3A_325] {strides = array<i32>} : memref<16000xf32, #tpu.memory_space<vmem>>, vector<16xf32>,
        %mul3A_327 = arith.mulf %get3A_326, %get3A_20 : vector<16xf32>
        %add3A_328 = arith.addf %add3A_320, %mul3A_327 : vector<16xf32>
        %mul3A_329 = arith.constant 128 : i32
        %mul3A_330 = arith.muli %min3A_291, %mul3A_329 : i32
        %add3A_331 = arith.constant 80 : i32
        %add3A_332 = arith.addi %mul3A_330, %add3A_331 : i32
        %get3A_333 = arith.index_cast %add3A_332 : i32 to index
        %get3A_334 = tpu.vector_load %arg7[%get3A_333] {strides = array<i32>} : memref<16000xf32, #tpu.memory_space<vmem>>, vector<16xf32>,
        %mul3A_335 = arith.mulf %get3A_334, %get3A_22 : vector<16xf32>
        %add3A_336 = arith.addf %add3A_328, %mul3A_335 : vector<16xf32>
        %mul3A_337 = arith.constant 128 : i32
        %mul3A_338 = arith.muli %min3A_291, %mul3A_337 : i32
        %add3A_339 = arith.constant 96 : i32
        %add3A_340 = arith.addi %mul3A_338, %add3A_339 : i32
        %get3A_341 = arith.index_cast %add3A_340 : i32 to index
        %get3A_342 = tpu.vector_load %arg7[%get3A_341] {strides = array<i32>} : memref<16000xf32, #tpu.memory_space<vmem>>, vector<16xf32>,
        %mul3A_343 = arith.mulf %get3A_342, %get3A_24 : vector<16xf32>
        %add3A_344 = arith.addf %add3A_336, %mul3A_343 : vector<16xf32>
        %mul3A_345 = arith.constant 128 : i32
        %mul3A_346 = arith.muli %min3A_291, %mul3A_345 : i32
        %add3A_347 = arith.constant 112 : i32
        %add3A_348 = arith.addi %mul3A_346, %add3A_347 : i32
        %get3A_349 = arith.index_cast %add3A_348 : i32 to index
        %get3A_350 = tpu.vector_load %arg7[%get3A_349] {strides = array<i32>} : memref<16000xf32, #tpu.memory_space<vmem>>, vector<16xf32>,
        %mul3A_351 = arith.mulf %get3A_350, %get3A_26 : vector<16xf32>
        %add3A_352 = arith.addf %add3A_344, %mul3A_351 : vector<16xf32>
        %eq3A_353 = arith.constant 3 : i32
        %eq3A_354 = vector.broadcast %eq3A_353 : i32 to vector<16xi32>
        %eq3A_355 = arith.cmpi eq, %iota3A, %eq3A_354 : vector<16xi32>
        %reduce_sum3A_356 = arith.constant true
        %reduce_sum3A_357 = vector.broadcast %reduce_sum3A_356 : i1 to vector<16xi1>
        %reduce_sum3A_358 = tpu.scan <sum>, %add3A_352 masked %reduce_sum3A_357 : vector<16xf32>, vector<16xi1> -> vector<16xf32>
        %reduce_sum3A_359 = vector.extract %reduce_sum3A_358[15] : f32 from vector<16xf32>
        %broadcast_in_dim3A_360 = vector.broadcast %reduce_sum3A_359 : f32 to vector<16xf32>
        %select_n3A_361 = arith.select %eq3A_355, %broadcast_in_dim3A_360, %select_n3A_285 : vector<16xi1>, vector<16xf32>
        %mul3A_362 = arith.constant 16 : i32
        %mul3A_363 = arith.muli %scan3A_60, %mul3A_362 : i32
        %add3A_364 = arith.constant 4 : i32
        %add3A_365 = arith.addi %mul3A_363, %add3A_364 : i32
        %min3A_366 = arith.constant 124 : i32
        %min3A_367 = arith.minsi %add3A_365, %min3A_366 : i32
        %mul3A_368 = arith.constant 128 : i32
        %mul3A_369 = arith.muli %min3A_367, %mul3A_368 : i32
        %get3A_370 = arith.index_cast %mul3A_369 : i32 to index
        %get3A_371 = tpu.vector_load %arg7[%get3A_370] {strides = array<i32>} : memref<16000xf32, #tpu.memory_space<vmem>>, vector<16xf32>,
        %mul3A_372 = arith.mulf %get3A_371, %get3A_12 : vector<16xf32>
        %mul3A_373 = arith.constant 128 : i32
        %mul3A_374 = arith.muli %min3A_367, %mul3A_373 : i32
        %add3A_375 = arith.constant 16 : i32
        %add3A_376 = arith.addi %mul3A_374, %add3A_375 : i32
        %get3A_377 = arith.index_cast %add3A_376 : i32 to index
        %get3A_378 = tpu.vector_load %arg7[%get3A_377] {strides = array<i32>} : memref<16000xf32, #tpu.memory_space<vmem>>, vector<16xf32>,
        %mul3A_379 = arith.mulf %get3A_378, %get3A_14 : vector<16xf32>
        %add3A_380 = arith.addf %mul3A_372, %mul3A_379 : vector<16xf32>
        %mul3A_381 = arith.constant 128 : i32
        %mul3A_382 = arith.muli %min3A_367, %mul3A_381 : i32
        %add3A_383 = arith.constant 32 : i32
        %add3A_384 = arith.addi %mul3A_382, %add3A_383 : i32
        %get3A_385 = arith.index_cast %add3A_384 : i32 to index
        %get3A_386 = tpu.vector_load %arg7[%get3A_385] {strides = array<i32>} : memref<16000xf32, #tpu.memory_space<vmem>>, vector<16xf32>,
        %mul3A_387 = arith.mulf %get3A_386, %get3A_16 : vector<16xf32>
        %add3A_388 = arith.addf %add3A_380, %mul3A_387 : vector<16xf32>
        %mul3A_389 = arith.constant 128 : i32
        %mul3A_390 = arith.muli %min3A_367, %mul3A_389 : i32
        %add3A_391 = arith.constant 48 : i32
        %add3A_392 = arith.addi %mul3A_390, %add3A_391 : i32
        %get3A_393 = arith.index_cast %add3A_392 : i32 to index
        %get3A_394 = tpu.vector_load %arg7[%get3A_393] {strides = array<i32>} : memref<16000xf32, #tpu.memory_space<vmem>>, vector<16xf32>,
        %mul3A_395 = arith.mulf %get3A_394, %get3A_18 : vector<16xf32>
        %add3A_396 = arith.addf %add3A_388, %mul3A_395 : vector<16xf32>
        %mul3A_397 = arith.constant 128 : i32
        %mul3A_398 = arith.muli %min3A_367, %mul3A_397 : i32
        %add3A_399 = arith.constant 64 : i32
        %add3A_400 = arith.addi %mul3A_398, %add3A_399 : i32
        %get3A_401 = arith.index_cast %add3A_400 : i32 to index
        %get3A_402 = tpu.vector_load %arg7[%get3A_401] {strides = array<i32>} : memref<16000xf32, #tpu.memory_space<vmem>>, vector<16xf32>,
        %mul3A_403 = arith.mulf %get3A_402, %get3A_20 : vector<16xf32>
        %add3A_404 = arith.addf %add3A_396, %mul3A_403 : vector<16xf32>
        %mul3A_405 = arith.constant 128 : i32
        %mul3A_406 = arith.muli %min3A_367, %mul3A_405 : i32
        %add3A_407 = arith.constant 80 : i32
        %add3A_408 = arith.addi %mul3A_406, %add3A_407 : i32
        %get3A_409 = arith.index_cast %add3A_408 : i32 to index
        %get3A_410 = tpu.vector_load %arg7[%get3A_409] {strides = array<i32>} : memref<16000xf32, #tpu.memory_space<vmem>>, vector<16xf32>,
        %mul3A_411 = arith.mulf %get3A_410, %get3A_22 : vector<16xf32>
        %add3A_412 = arith.addf %add3A_404, %mul3A_411 : vector<16xf32>
        %mul3A_413 = arith.constant 128 : i32
        %mul3A_414 = arith.muli %min3A_367, %mul3A_413 : i32
        %add3A_415 = arith.constant 96 : i32
        %add3A_416 = arith.addi %mul3A_414, %add3A_415 : i32
        %get3A_417 = arith.index_cast %add3A_416 : i32 to index
        %get3A_418 = tpu.vector_load %arg7[%get3A_417] {strides = array<i32>} : memref<16000xf32, #tpu.memory_space<vmem>>, vector<16xf32>,
        %mul3A_419 = arith.mulf %get3A_418, %get3A_24 : vector<16xf32>
        %add3A_420 = arith.addf %add3A_412, %mul3A_419 : vector<16xf32>
        %mul3A_421 = arith.constant 128 : i32
        %mul3A_422 = arith.muli %min3A_367, %mul3A_421 : i32
        %add3A_423 = arith.constant 112 : i32
        %add3A_424 = arith.addi %mul3A_422, %add3A_423 : i32
        %get3A_425 = arith.index_cast %add3A_424 : i32 to index
        %get3A_426 = tpu.vector_load %arg7[%get3A_425] {strides = array<i32>} : memref<16000xf32, #tpu.memory_space<vmem>>, vector<16xf32>,
        %mul3A_427 = arith.mulf %get3A_426, %get3A_26 : vector<16xf32>
        %add3A_428 = arith.addf %add3A_420, %mul3A_427 : vector<16xf32>
        %eq3A_429 = arith.constant 4 : i32
        %eq3A_430 = vector.broadcast %eq3A_429 : i32 to vector<16xi32>
        %eq3A_431 = arith.cmpi eq, %iota3A, %eq3A_430 : vector<16xi32>
        %reduce_sum3A_432 = arith.constant true
        %reduce_sum3A_433 = vector.broadcast %reduce_sum3A_432 : i1 to vector<16xi1>
        %reduce_sum3A_434 = tpu.scan <sum>, %add3A_428 masked %reduce_sum3A_433 : vector<16xf32>, vector<16xi1> -> vector<16xf32>
        %reduce_sum3A_435 = vector.extract %reduce_sum3A_434[15] : f32 from vector<16xf32>
        %broadcast_in_dim3A_436 = vector.broadcast %reduce_sum3A_435 : f32 to vector<16xf32>
        %select_n3A_437 = arith.select %eq3A_431, %broadcast_in_dim3A_436, %select_n3A_361 : vector<16xi1>, vector<16xf32>
        %mul3A_438 = arith.constant 16 : i32
        %mul3A_439 = arith.muli %scan3A_60, %mul3A_438 : i32
        %add3A_440 = arith.constant 5 : i32
        %add3A_441 = arith.addi %mul3A_439, %add3A_440 : i32
        %min3A_442 = arith.constant 124 : i32
        %min3A_443 = arith.minsi %add3A_441, %min3A_442 : i32
        %mul3A_444 = arith.constant 128 : i32
        %mul3A_445 = arith.muli %min3A_443, %mul3A_444 : i32
        %get3A_446 = arith.index_cast %mul3A_445 : i32 to index
        %get3A_447 = tpu.vector_load %arg7[%get3A_446] {strides = array<i32>} : memref<16000xf32, #tpu.memory_space<vmem>>, vector<16xf32>,
        %mul3A_448 = arith.mulf %get3A_447, %get3A_12 : vector<16xf32>
        %mul3A_449 = arith.constant 128 : i32
        %mul3A_450 = arith.muli %min3A_443, %mul3A_449 : i32
        %add3A_451 = arith.constant 16 : i32
        %add3A_452 = arith.addi %mul3A_450, %add3A_451 : i32
        %get3A_453 = arith.index_cast %add3A_452 : i32 to index
        %get3A_454 = tpu.vector_load %arg7[%get3A_453] {strides = array<i32>} : memref<16000xf32, #tpu.memory_space<vmem>>, vector<16xf32>,
        %mul3A_455 = arith.mulf %get3A_454, %get3A_14 : vector<16xf32>
        %add3A_456 = arith.addf %mul3A_448, %mul3A_455 : vector<16xf32>
        %mul3A_457 = arith.constant 128 : i32
        %mul3A_458 = arith.muli %min3A_443, %mul3A_457 : i32
        %add3A_459 = arith.constant 32 : i32
        %add3A_460 = arith.addi %mul3A_458, %add3A_459 : i32
        %get3A_461 = arith.index_cast %add3A_460 : i32 to index
        %get3A_462 = tpu.vector_load %arg7[%get3A_461] {strides = array<i32>} : memref<16000xf32, #tpu.memory_space<vmem>>, vector<16xf32>,
        %mul3A_463 = arith.mulf %get3A_462, %get3A_16 : vector<16xf32>
        %add3A_464 = arith.addf %add3A_456, %mul3A_463 : vector<16xf32>
        %mul3A_465 = arith.constant 128 : i32
        %mul3A_466 = arith.muli %min3A_443, %mul3A_465 : i32
        %add3A_467 = arith.constant 48 : i32
        %add3A_468 = arith.addi %mul3A_466, %add3A_467 : i32
        %get3A_469 = arith.index_cast %add3A_468 : i32 to index
        %get3A_470 = tpu.vector_load %arg7[%get3A_469] {strides = array<i32>} : memref<16000xf32, #tpu.memory_space<vmem>>, vector<16xf32>,
        %mul3A_471 = arith.mulf %get3A_470, %get3A_18 : vector<16xf32>
        %add3A_472 = arith.addf %add3A_464, %mul3A_471 : vector<16xf32>
        %mul3A_473 = arith.constant 128 : i32
        %mul3A_474 = arith.muli %min3A_443, %mul3A_473 : i32
        %add3A_475 = arith.constant 64 : i32
        %add3A_476 = arith.addi %mul3A_474, %add3A_475 : i32
        %get3A_477 = arith.index_cast %add3A_476 : i32 to index
        %get3A_478 = tpu.vector_load %arg7[%get3A_477] {strides = array<i32>} : memref<16000xf32, #tpu.memory_space<vmem>>, vector<16xf32>,
        %mul3A_479 = arith.mulf %get3A_478, %get3A_20 : vector<16xf32>
        %add3A_480 = arith.addf %add3A_472, %mul3A_479 : vector<16xf32>
        %mul3A_481 = arith.constant 128 : i32
        %mul3A_482 = arith.muli %min3A_443, %mul3A_481 : i32
        %add3A_483 = arith.constant 80 : i32
        %add3A_484 = arith.addi %mul3A_482, %add3A_483 : i32
        %get3A_485 = arith.index_cast %add3A_484 : i32 to index
        %get3A_486 = tpu.vector_load %arg7[%get3A_485] {strides = array<i32>} : memref<16000xf32, #tpu.memory_space<vmem>>, vector<16xf32>,
        %mul3A_487 = arith.mulf %get3A_486, %get3A_22 : vector<16xf32>
        %add3A_488 = arith.addf %add3A_480, %mul3A_487 : vector<16xf32>
        %mul3A_489 = arith.constant 128 : i32
        %mul3A_490 = arith.muli %min3A_443, %mul3A_489 : i32
        %add3A_491 = arith.constant 96 : i32
        %add3A_492 = arith.addi %mul3A_490, %add3A_491 : i32
        %get3A_493 = arith.index_cast %add3A_492 : i32 to index
        %get3A_494 = tpu.vector_load %arg7[%get3A_493] {strides = array<i32>} : memref<16000xf32, #tpu.memory_space<vmem>>, vector<16xf32>,
        %mul3A_495 = arith.mulf %get3A_494, %get3A_24 : vector<16xf32>
        %add3A_496 = arith.addf %add3A_488, %mul3A_495 : vector<16xf32>
        %mul3A_497 = arith.constant 128 : i32
        %mul3A_498 = arith.muli %min3A_443, %mul3A_497 : i32
        %add3A_499 = arith.constant 112 : i32
        %add3A_500 = arith.addi %mul3A_498, %add3A_499 : i32
        %get3A_501 = arith.index_cast %add3A_500 : i32 to index
        %get3A_502 = tpu.vector_load %arg7[%get3A_501] {strides = array<i32>} : memref<16000xf32, #tpu.memory_space<vmem>>, vector<16xf32>,
        %mul3A_503 = arith.mulf %get3A_502, %get3A_26 : vector<16xf32>
        %add3A_504 = arith.addf %add3A_496, %mul3A_503 : vector<16xf32>
        %eq3A_505 = arith.constant 5 : i32
        %eq3A_506 = vector.broadcast %eq3A_505 : i32 to vector<16xi32>
        %eq3A_507 = arith.cmpi eq, %iota3A, %eq3A_506 : vector<16xi32>
        %reduce_sum3A_508 = arith.constant true
        %reduce_sum3A_509 = vector.broadcast %reduce_sum3A_508 : i1 to vector<16xi1>
        %reduce_sum3A_510 = tpu.scan <sum>, %add3A_504 masked %reduce_sum3A_509 : vector<16xf32>, vector<16xi1> -> vector<16xf32>
        %reduce_sum3A_511 = vector.extract %reduce_sum3A_510[15] : f32 from vector<16xf32>
        %broadcast_in_dim3A_512 = vector.broadcast %reduce_sum3A_511 : f32 to vector<16xf32>
        %select_n3A_513 = arith.select %eq3A_507, %broadcast_in_dim3A_512, %select_n3A_437 : vector<16xi1>, vector<16xf32>
        %mul3A_514 = arith.constant 16 : i32
        %mul3A_515 = arith.muli %scan3A_60, %mul3A_514 : i32
        %add3A_516 = arith.constant 6 : i32
        %add3A_517 = arith.addi %mul3A_515, %add3A_516 : i32
        %min3A_518 = arith.constant 124 : i32
        %min3A_519 = arith.minsi %add3A_517, %min3A_518 : i32
        %mul3A_520 = arith.constant 128 : i32
        %mul3A_521 = arith.muli %min3A_519, %mul3A_520 : i32
        %get3A_522 = arith.index_cast %mul3A_521 : i32 to index
        %get3A_523 = tpu.vector_load %arg7[%get3A_522] {strides = array<i32>} : memref<16000xf32, #tpu.memory_space<vmem>>, vector<16xf32>,
        %mul3A_524 = arith.mulf %get3A_523, %get3A_12 : vector<16xf32>
        %mul3A_525 = arith.constant 128 : i32
        %mul3A_526 = arith.muli %min3A_519, %mul3A_525 : i32
        %add3A_527 = arith.constant 16 : i32
        %add3A_528 = arith.addi %mul3A_526, %add3A_527 : i32
        %get3A_529 = arith.index_cast %add3A_528 : i32 to index
        %get3A_530 = tpu.vector_load %arg7[%get3A_529] {strides = array<i32>} : memref<16000xf32, #tpu.memory_space<vmem>>, vector<16xf32>,
        %mul3A_531 = arith.mulf %get3A_530, %get3A_14 : vector<16xf32>
        %add3A_532 = arith.addf %mul3A_524, %mul3A_531 : vector<16xf32>
        %mul3A_533 = arith.constant 128 : i32
        %mul3A_534 = arith.muli %min3A_519, %mul3A_533 : i32
        %add3A_535 = arith.constant 32 : i32
        %add3A_536 = arith.addi %mul3A_534, %add3A_535 : i32
        %get3A_537 = arith.index_cast %add3A_536 : i32 to index
        %get3A_538 = tpu.vector_load %arg7[%get3A_537] {strides = array<i32>} : memref<16000xf32, #tpu.memory_space<vmem>>, vector<16xf32>,
        %mul3A_539 = arith.mulf %get3A_538, %get3A_16 : vector<16xf32>
        %add3A_540 = arith.addf %add3A_532, %mul3A_539 : vector<16xf32>
        %mul3A_541 = arith.constant 128 : i32
        %mul3A_542 = arith.muli %min3A_519, %mul3A_541 : i32
        %add3A_543 = arith.constant 48 : i32
        %add3A_544 = arith.addi %mul3A_542, %add3A_543 : i32
        %get3A_545 = arith.index_cast %add3A_544 : i32 to index
        %get3A_546 = tpu.vector_load %arg7[%get3A_545] {strides = array<i32>} : memref<16000xf32, #tpu.memory_space<vmem>>, vector<16xf32>,
        %mul3A_547 = arith.mulf %get3A_546, %get3A_18 : vector<16xf32>
        %add3A_548 = arith.addf %add3A_540, %mul3A_547 : vector<16xf32>
        %mul3A_549 = arith.constant 128 : i32
        %mul3A_550 = arith.muli %min3A_519, %mul3A_549 : i32
        %add3A_551 = arith.constant 64 : i32
        %add3A_552 = arith.addi %mul3A_550, %add3A_551 : i32
        %get3A_553 = arith.index_cast %add3A_552 : i32 to index
        %get3A_554 = tpu.vector_load %arg7[%get3A_553] {strides = array<i32>} : memref<16000xf32, #tpu.memory_space<vmem>>, vector<16xf32>,
        %mul3A_555 = arith.mulf %get3A_554, %get3A_20 : vector<16xf32>
        %add3A_556 = arith.addf %add3A_548, %mul3A_555 : vector<16xf32>
        %mul3A_557 = arith.constant 128 : i32
        %mul3A_558 = arith.muli %min3A_519, %mul3A_557 : i32
        %add3A_559 = arith.constant 80 : i32
        %add3A_560 = arith.addi %mul3A_558, %add3A_559 : i32
        %get3A_561 = arith.index_cast %add3A_560 : i32 to index
        %get3A_562 = tpu.vector_load %arg7[%get3A_561] {strides = array<i32>} : memref<16000xf32, #tpu.memory_space<vmem>>, vector<16xf32>,
        %mul3A_563 = arith.mulf %get3A_562, %get3A_22 : vector<16xf32>
        %add3A_564 = arith.addf %add3A_556, %mul3A_563 : vector<16xf32>
        %mul3A_565 = arith.constant 128 : i32
        %mul3A_566 = arith.muli %min3A_519, %mul3A_565 : i32
        %add3A_567 = arith.constant 96 : i32
        %add3A_568 = arith.addi %mul3A_566, %add3A_567 : i32
        %get3A_569 = arith.index_cast %add3A_568 : i32 to index
        %get3A_570 = tpu.vector_load %arg7[%get3A_569] {strides = array<i32>} : memref<16000xf32, #tpu.memory_space<vmem>>, vector<16xf32>,
        %mul3A_571 = arith.mulf %get3A_570, %get3A_24 : vector<16xf32>
        %add3A_572 = arith.addf %add3A_564, %mul3A_571 : vector<16xf32>
        %mul3A_573 = arith.constant 128 : i32
        %mul3A_574 = arith.muli %min3A_519, %mul3A_573 : i32
        %add3A_575 = arith.constant 112 : i32
        %add3A_576 = arith.addi %mul3A_574, %add3A_575 : i32
        %get3A_577 = arith.index_cast %add3A_576 : i32 to index
        %get3A_578 = tpu.vector_load %arg7[%get3A_577] {strides = array<i32>} : memref<16000xf32, #tpu.memory_space<vmem>>, vector<16xf32>,
        %mul3A_579 = arith.mulf %get3A_578, %get3A_26 : vector<16xf32>
        %add3A_580 = arith.addf %add3A_572, %mul3A_579 : vector<16xf32>
        %eq3A_581 = arith.constant 6 : i32
        %eq3A_582 = vector.broadcast %eq3A_581 : i32 to vector<16xi32>
        %eq3A_583 = arith.cmpi eq, %iota3A, %eq3A_582 : vector<16xi32>
        %reduce_sum3A_584 = arith.constant true
        %reduce_sum3A_585 = vector.broadcast %reduce_sum3A_584 : i1 to vector<16xi1>
        %reduce_sum3A_586 = tpu.scan <sum>, %add3A_580 masked %reduce_sum3A_585 : vector<16xf32>, vector<16xi1> -> vector<16xf32>
        %reduce_sum3A_587 = vector.extract %reduce_sum3A_586[15] : f32 from vector<16xf32>
        %broadcast_in_dim3A_588 = vector.broadcast %reduce_sum3A_587 : f32 to vector<16xf32>
        %select_n3A_589 = arith.select %eq3A_583, %broadcast_in_dim3A_588, %select_n3A_513 : vector<16xi1>, vector<16xf32>
        %mul3A_590 = arith.constant 16 : i32
        %mul3A_591 = arith.muli %scan3A_60, %mul3A_590 : i32
        %add3A_592 = arith.constant 7 : i32
        %add3A_593 = arith.addi %mul3A_591, %add3A_592 : i32
        %min3A_594 = arith.constant 124 : i32
        %min3A_595 = arith.minsi %add3A_593, %min3A_594 : i32
        %mul3A_596 = arith.constant 128 : i32
        %mul3A_597 = arith.muli %min3A_595, %mul3A_596 : i32
        %get3A_598 = arith.index_cast %mul3A_597 : i32 to index
        %get3A_599 = tpu.vector_load %arg7[%get3A_598] {strides = array<i32>} : memref<16000xf32, #tpu.memory_space<vmem>>, vector<16xf32>,
        %mul3A_600 = arith.mulf %get3A_599, %get3A_12 : vector<16xf32>
        %mul3A_601 = arith.constant 128 : i32
        %mul3A_602 = arith.muli %min3A_595, %mul3A_601 : i32
        %add3A_603 = arith.constant 16 : i32
        %add3A_604 = arith.addi %mul3A_602, %add3A_603 : i32
        %get3A_605 = arith.index_cast %add3A_604 : i32 to index
        %get3A_606 = tpu.vector_load %arg7[%get3A_605] {strides = array<i32>} : memref<16000xf32, #tpu.memory_space<vmem>>, vector<16xf32>,
        %mul3A_607 = arith.mulf %get3A_606, %get3A_14 : vector<16xf32>
        %add3A_608 = arith.addf %mul3A_600, %mul3A_607 : vector<16xf32>
        %mul3A_609 = arith.constant 128 : i32
        %mul3A_610 = arith.muli %min3A_595, %mul3A_609 : i32
        %add3A_611 = arith.constant 32 : i32
        %add3A_612 = arith.addi %mul3A_610, %add3A_611 : i32
        %get3A_613 = arith.index_cast %add3A_612 : i32 to index
        %get3A_614 = tpu.vector_load %arg7[%get3A_613] {strides = array<i32>} : memref<16000xf32, #tpu.memory_space<vmem>>, vector<16xf32>,
        %mul3A_615 = arith.mulf %get3A_614, %get3A_16 : vector<16xf32>
        %add3A_616 = arith.addf %add3A_608, %mul3A_615 : vector<16xf32>
        %mul3A_617 = arith.constant 128 : i32
        %mul3A_618 = arith.muli %min3A_595, %mul3A_617 : i32
        %add3A_619 = arith.constant 48 : i32
        %add3A_620 = arith.addi %mul3A_618, %add3A_619 : i32
        %get3A_621 = arith.index_cast %add3A_620 : i32 to index
        %get3A_622 = tpu.vector_load %arg7[%get3A_621] {strides = array<i32>} : memref<16000xf32, #tpu.memory_space<vmem>>, vector<16xf32>,
        %mul3A_623 = arith.mulf %get3A_622, %get3A_18 : vector<16xf32>
        %add3A_624 = arith.addf %add3A_616, %mul3A_623 : vector<16xf32>
        %mul3A_625 = arith.constant 128 : i32
        %mul3A_626 = arith.muli %min3A_595, %mul3A_625 : i32
        %add3A_627 = arith.constant 64 : i32
        %add3A_628 = arith.addi %mul3A_626, %add3A_627 : i32
        %get3A_629 = arith.index_cast %add3A_628 : i32 to index
        %get3A_630 = tpu.vector_load %arg7[%get3A_629] {strides = array<i32>} : memref<16000xf32, #tpu.memory_space<vmem>>, vector<16xf32>,
        %mul3A_631 = arith.mulf %get3A_630, %get3A_20 : vector<16xf32>
        %add3A_632 = arith.addf %add3A_624, %mul3A_631 : vector<16xf32>
        %mul3A_633 = arith.constant 128 : i32
        %mul3A_634 = arith.muli %min3A_595, %mul3A_633 : i32
        %add3A_635 = arith.constant 80 : i32
        %add3A_636 = arith.addi %mul3A_634, %add3A_635 : i32
        %get3A_637 = arith.index_cast %add3A_636 : i32 to index
        %get3A_638 = tpu.vector_load %arg7[%get3A_637] {strides = array<i32>} : memref<16000xf32, #tpu.memory_space<vmem>>, vector<16xf32>,
        %mul3A_639 = arith.mulf %get3A_638, %get3A_22 : vector<16xf32>
        %add3A_640 = arith.addf %add3A_632, %mul3A_639 : vector<16xf32>
        %mul3A_641 = arith.constant 128 : i32
        %mul3A_642 = arith.muli %min3A_595, %mul3A_641 : i32
        %add3A_643 = arith.constant 96 : i32
        %add3A_644 = arith.addi %mul3A_642, %add3A_643 : i32
        %get3A_645 = arith.index_cast %add3A_644 : i32 to index
        %get3A_646 = tpu.vector_load %arg7[%get3A_645] {strides = array<i32>} : memref<16000xf32, #tpu.memory_space<vmem>>, vector<16xf32>,
        %mul3A_647 = arith.mulf %get3A_646, %get3A_24 : vector<16xf32>
        %add3A_648 = arith.addf %add3A_640, %mul3A_647 : vector<16xf32>
        %mul3A_649 = arith.constant 128 : i32
        %mul3A_650 = arith.muli %min3A_595, %mul3A_649 : i32
        %add3A_651 = arith.constant 112 : i32
        %add3A_652 = arith.addi %mul3A_650, %add3A_651 : i32
        %get3A_653 = arith.index_cast %add3A_652 : i32 to index
        %get3A_654 = tpu.vector_load %arg7[%get3A_653] {strides = array<i32>} : memref<16000xf32, #tpu.memory_space<vmem>>, vector<16xf32>,
        %mul3A_655 = arith.mulf %get3A_654, %get3A_26 : vector<16xf32>
        %add3A_656 = arith.addf %add3A_648, %mul3A_655 : vector<16xf32>
        %eq3A_657 = arith.constant 7 : i32
        %eq3A_658 = vector.broadcast %eq3A_657 : i32 to vector<16xi32>
        %eq3A_659 = arith.cmpi eq, %iota3A, %eq3A_658 : vector<16xi32>
        %reduce_sum3A_660 = arith.constant true
        %reduce_sum3A_661 = vector.broadcast %reduce_sum3A_660 : i1 to vector<16xi1>
        %reduce_sum3A_662 = tpu.scan <sum>, %add3A_656 masked %reduce_sum3A_661 : vector<16xf32>, vector<16xi1> -> vector<16xf32>
        %reduce_sum3A_663 = vector.extract %reduce_sum3A_662[15] : f32 from vector<16xf32>
        %broadcast_in_dim3A_664 = vector.broadcast %reduce_sum3A_663 : f32 to vector<16xf32>
        %select_n3A_665 = arith.select %eq3A_659, %broadcast_in_dim3A_664, %select_n3A_589 : vector<16xi1>, vector<16xf32>
        %mul3A_666 = arith.constant 16 : i32
        %mul3A_667 = arith.muli %scan3A_60, %mul3A_666 : i32
        %add3A_668 = arith.constant 8 : i32
        %add3A_669 = arith.addi %mul3A_667, %add3A_668 : i32
        %min3A_670 = arith.constant 124 : i32
        %min3A_671 = arith.minsi %add3A_669, %min3A_670 : i32
        %mul3A_672 = arith.constant 128 : i32
        %mul3A_673 = arith.muli %min3A_671, %mul3A_672 : i32
        %get3A_674 = arith.index_cast %mul3A_673 : i32 to index
        %get3A_675 = tpu.vector_load %arg7[%get3A_674] {strides = array<i32>} : memref<16000xf32, #tpu.memory_space<vmem>>, vector<16xf32>,
        %mul3A_676 = arith.mulf %get3A_675, %get3A_12 : vector<16xf32>
        %mul3A_677 = arith.constant 128 : i32
        %mul3A_678 = arith.muli %min3A_671, %mul3A_677 : i32
        %add3A_679 = arith.constant 16 : i32
        %add3A_680 = arith.addi %mul3A_678, %add3A_679 : i32
        %get3A_681 = arith.index_cast %add3A_680 : i32 to index
        %get3A_682 = tpu.vector_load %arg7[%get3A_681] {strides = array<i32>} : memref<16000xf32, #tpu.memory_space<vmem>>, vector<16xf32>,
        %mul3A_683 = arith.mulf %get3A_682, %get3A_14 : vector<16xf32>
        %add3A_684 = arith.addf %mul3A_676, %mul3A_683 : vector<16xf32>
        %mul3A_685 = arith.constant 128 : i32
        %mul3A_686 = arith.muli %min3A_671, %mul3A_685 : i32
        %add3A_687 = arith.constant 32 : i32
        %add3A_688 = arith.addi %mul3A_686, %add3A_687 : i32
        %get3A_689 = arith.index_cast %add3A_688 : i32 to index
        %get3A_690 = tpu.vector_load %arg7[%get3A_689] {strides = array<i32>} : memref<16000xf32, #tpu.memory_space<vmem>>, vector<16xf32>,
        %mul3A_691 = arith.mulf %get3A_690, %get3A_16 : vector<16xf32>
        %add3A_692 = arith.addf %add3A_684, %mul3A_691 : vector<16xf32>
        %mul3A_693 = arith.constant 128 : i32
        %mul3A_694 = arith.muli %min3A_671, %mul3A_693 : i32
        %add3A_695 = arith.constant 48 : i32
        %add3A_696 = arith.addi %mul3A_694, %add3A_695 : i32
        %get3A_697 = arith.index_cast %add3A_696 : i32 to index
        %get3A_698 = tpu.vector_load %arg7[%get3A_697] {strides = array<i32>} : memref<16000xf32, #tpu.memory_space<vmem>>, vector<16xf32>,
        %mul3A_699 = arith.mulf %get3A_698, %get3A_18 : vector<16xf32>
        %add3A_700 = arith.addf %add3A_692, %mul3A_699 : vector<16xf32>
        %mul3A_701 = arith.constant 128 : i32
        %mul3A_702 = arith.muli %min3A_671, %mul3A_701 : i32
        %add3A_703 = arith.constant 64 : i32
        %add3A_704 = arith.addi %mul3A_702, %add3A_703 : i32
        %get3A_705 = arith.index_cast %add3A_704 : i32 to index
        %get3A_706 = tpu.vector_load %arg7[%get3A_705] {strides = array<i32>} : memref<16000xf32, #tpu.memory_space<vmem>>, vector<16xf32>,
        %mul3A_707 = arith.mulf %get3A_706, %get3A_20 : vector<16xf32>
        %add3A_708 = arith.addf %add3A_700, %mul3A_707 : vector<16xf32>
        %mul3A_709 = arith.constant 128 : i32
        %mul3A_710 = arith.muli %min3A_671, %mul3A_709 : i32
        %add3A_711 = arith.constant 80 : i32
        %add3A_712 = arith.addi %mul3A_710, %add3A_711 : i32
        %get3A_713 = arith.index_cast %add3A_712 : i32 to index
        %get3A_714 = tpu.vector_load %arg7[%get3A_713] {strides = array<i32>} : memref<16000xf32, #tpu.memory_space<vmem>>, vector<16xf32>,
        %mul3A_715 = arith.mulf %get3A_714, %get3A_22 : vector<16xf32>
        %add3A_716 = arith.addf %add3A_708, %mul3A_715 : vector<16xf32>
        %mul3A_717 = arith.constant 128 : i32
        %mul3A_718 = arith.muli %min3A_671, %mul3A_717 : i32
        %add3A_719 = arith.constant 96 : i32
        %add3A_720 = arith.addi %mul3A_718, %add3A_719 : i32
        %get3A_721 = arith.index_cast %add3A_720 : i32 to index
        %get3A_722 = tpu.vector_load %arg7[%get3A_721] {strides = array<i32>} : memref<16000xf32, #tpu.memory_space<vmem>>, vector<16xf32>,
        %mul3A_723 = arith.mulf %get3A_722, %get3A_24 : vector<16xf32>
        %add3A_724 = arith.addf %add3A_716, %mul3A_723 : vector<16xf32>
        %mul3A_725 = arith.constant 128 : i32
        %mul3A_726 = arith.muli %min3A_671, %mul3A_725 : i32
        %add3A_727 = arith.constant 112 : i32
        %add3A_728 = arith.addi %mul3A_726, %add3A_727 : i32
        %get3A_729 = arith.index_cast %add3A_728 : i32 to index
        %get3A_730 = tpu.vector_load %arg7[%get3A_729] {strides = array<i32>} : memref<16000xf32, #tpu.memory_space<vmem>>, vector<16xf32>,
        %mul3A_731 = arith.mulf %get3A_730, %get3A_26 : vector<16xf32>
        %add3A_732 = arith.addf %add3A_724, %mul3A_731 : vector<16xf32>
        %eq3A_733 = arith.constant 8 : i32
        %eq3A_734 = vector.broadcast %eq3A_733 : i32 to vector<16xi32>
        %eq3A_735 = arith.cmpi eq, %iota3A, %eq3A_734 : vector<16xi32>
        %reduce_sum3A_736 = arith.constant true
        %reduce_sum3A_737 = vector.broadcast %reduce_sum3A_736 : i1 to vector<16xi1>
        %reduce_sum3A_738 = tpu.scan <sum>, %add3A_732 masked %reduce_sum3A_737 : vector<16xf32>, vector<16xi1> -> vector<16xf32>
        %reduce_sum3A_739 = vector.extract %reduce_sum3A_738[15] : f32 from vector<16xf32>
        %broadcast_in_dim3A_740 = vector.broadcast %reduce_sum3A_739 : f32 to vector<16xf32>
        %select_n3A_741 = arith.select %eq3A_735, %broadcast_in_dim3A_740, %select_n3A_665 : vector<16xi1>, vector<16xf32>
        %mul3A_742 = arith.constant 16 : i32
        %mul3A_743 = arith.muli %scan3A_60, %mul3A_742 : i32
        %add3A_744 = arith.constant 9 : i32
        %add3A_745 = arith.addi %mul3A_743, %add3A_744 : i32
        %min3A_746 = arith.constant 124 : i32
        %min3A_747 = arith.minsi %add3A_745, %min3A_746 : i32
        %mul3A_748 = arith.constant 128 : i32
        %mul3A_749 = arith.muli %min3A_747, %mul3A_748 : i32
        %get3A_750 = arith.index_cast %mul3A_749 : i32 to index
        %get3A_751 = tpu.vector_load %arg7[%get3A_750] {strides = array<i32>} : memref<16000xf32, #tpu.memory_space<vmem>>, vector<16xf32>,
        %mul3A_752 = arith.mulf %get3A_751, %get3A_12 : vector<16xf32>
        %mul3A_753 = arith.constant 128 : i32
        %mul3A_754 = arith.muli %min3A_747, %mul3A_753 : i32
        %add3A_755 = arith.constant 16 : i32
        %add3A_756 = arith.addi %mul3A_754, %add3A_755 : i32
        %get3A_757 = arith.index_cast %add3A_756 : i32 to index
        %get3A_758 = tpu.vector_load %arg7[%get3A_757] {strides = array<i32>} : memref<16000xf32, #tpu.memory_space<vmem>>, vector<16xf32>,
        %mul3A_759 = arith.mulf %get3A_758, %get3A_14 : vector<16xf32>
        %add3A_760 = arith.addf %mul3A_752, %mul3A_759 : vector<16xf32>
        %mul3A_761 = arith.constant 128 : i32
        %mul3A_762 = arith.muli %min3A_747, %mul3A_761 : i32
        %add3A_763 = arith.constant 32 : i32
        %add3A_764 = arith.addi %mul3A_762, %add3A_763 : i32
        %get3A_765 = arith.index_cast %add3A_764 : i32 to index
        %get3A_766 = tpu.vector_load %arg7[%get3A_765] {strides = array<i32>} : memref<16000xf32, #tpu.memory_space<vmem>>, vector<16xf32>,
        %mul3A_767 = arith.mulf %get3A_766, %get3A_16 : vector<16xf32>
        %add3A_768 = arith.addf %add3A_760, %mul3A_767 : vector<16xf32>
        %mul3A_769 = arith.constant 128 : i32
        %mul3A_770 = arith.muli %min3A_747, %mul3A_769 : i32
        %add3A_771 = arith.constant 48 : i32
        %add3A_772 = arith.addi %mul3A_770, %add3A_771 : i32
        %get3A_773 = arith.index_cast %add3A_772 : i32 to index
        %get3A_774 = tpu.vector_load %arg7[%get3A_773] {strides = array<i32>} : memref<16000xf32, #tpu.memory_space<vmem>>, vector<16xf32>,
        %mul3A_775 = arith.mulf %get3A_774, %get3A_18 : vector<16xf32>
        %add3A_776 = arith.addf %add3A_768, %mul3A_775 : vector<16xf32>
        %mul3A_777 = arith.constant 128 : i32
        %mul3A_778 = arith.muli %min3A_747, %mul3A_777 : i32
        %add3A_779 = arith.constant 64 : i32
        %add3A_780 = arith.addi %mul3A_778, %add3A_779 : i32
        %get3A_781 = arith.index_cast %add3A_780 : i32 to index
        %get3A_782 = tpu.vector_load %arg7[%get3A_781] {strides = array<i32>} : memref<16000xf32, #tpu.memory_space<vmem>>, vector<16xf32>,
        %mul3A_783 = arith.mulf %get3A_782, %get3A_20 : vector<16xf32>
        %add3A_784 = arith.addf %add3A_776, %mul3A_783 : vector<16xf32>
        %mul3A_785 = arith.constant 128 : i32
        %mul3A_786 = arith.muli %min3A_747, %mul3A_785 : i32
        %add3A_787 = arith.constant 80 : i32
        %add3A_788 = arith.addi %mul3A_786, %add3A_787 : i32
        %get3A_789 = arith.index_cast %add3A_788 : i32 to index
        %get3A_790 = tpu.vector_load %arg7[%get3A_789] {strides = array<i32>} : memref<16000xf32, #tpu.memory_space<vmem>>, vector<16xf32>,
        %mul3A_791 = arith.mulf %get3A_790, %get3A_22 : vector<16xf32>
        %add3A_792 = arith.addf %add3A_784, %mul3A_791 : vector<16xf32>
        %mul3A_793 = arith.constant 128 : i32
        %mul3A_794 = arith.muli %min3A_747, %mul3A_793 : i32
        %add3A_795 = arith.constant 96 : i32
        %add3A_796 = arith.addi %mul3A_794, %add3A_795 : i32
        %get3A_797 = arith.index_cast %add3A_796 : i32 to index
        %get3A_798 = tpu.vector_load %arg7[%get3A_797] {strides = array<i32>} : memref<16000xf32, #tpu.memory_space<vmem>>, vector<16xf32>,
        %mul3A_799 = arith.mulf %get3A_798, %get3A_24 : vector<16xf32>
        %add3A_800 = arith.addf %add3A_792, %mul3A_799 : vector<16xf32>
        %mul3A_801 = arith.constant 128 : i32
        %mul3A_802 = arith.muli %min3A_747, %mul3A_801 : i32
        %add3A_803 = arith.constant 112 : i32
        %add3A_804 = arith.addi %mul3A_802, %add3A_803 : i32
        %get3A_805 = arith.index_cast %add3A_804 : i32 to index
        %get3A_806 = tpu.vector_load %arg7[%get3A_805] {strides = array<i32>} : memref<16000xf32, #tpu.memory_space<vmem>>, vector<16xf32>,
        %mul3A_807 = arith.mulf %get3A_806, %get3A_26 : vector<16xf32>
        %add3A_808 = arith.addf %add3A_800, %mul3A_807 : vector<16xf32>
        %eq3A_809 = arith.constant 9 : i32
        %eq3A_810 = vector.broadcast %eq3A_809 : i32 to vector<16xi32>
        %eq3A_811 = arith.cmpi eq, %iota3A, %eq3A_810 : vector<16xi32>
        %reduce_sum3A_812 = arith.constant true
        %reduce_sum3A_813 = vector.broadcast %reduce_sum3A_812 : i1 to vector<16xi1>
        %reduce_sum3A_814 = tpu.scan <sum>, %add3A_808 masked %reduce_sum3A_813 : vector<16xf32>, vector<16xi1> -> vector<16xf32>
        %reduce_sum3A_815 = vector.extract %reduce_sum3A_814[15] : f32 from vector<16xf32>
        %broadcast_in_dim3A_816 = vector.broadcast %reduce_sum3A_815 : f32 to vector<16xf32>
        %select_n3A_817 = arith.select %eq3A_811, %broadcast_in_dim3A_816, %select_n3A_741 : vector<16xi1>, vector<16xf32>
        %mul3A_818 = arith.constant 16 : i32
        %mul3A_819 = arith.muli %scan3A_60, %mul3A_818 : i32
        %add3A_820 = arith.constant 10 : i32
        %add3A_821 = arith.addi %mul3A_819, %add3A_820 : i32
        %min3A_822 = arith.constant 124 : i32
        %min3A_823 = arith.minsi %add3A_821, %min3A_822 : i32
        %mul3A_824 = arith.constant 128 : i32
        %mul3A_825 = arith.muli %min3A_823, %mul3A_824 : i32
        %get3A_826 = arith.index_cast %mul3A_825 : i32 to index
        %get3A_827 = tpu.vector_load %arg7[%get3A_826] {strides = array<i32>} : memref<16000xf32, #tpu.memory_space<vmem>>, vector<16xf32>,
        %mul3A_828 = arith.mulf %get3A_827, %get3A_12 : vector<16xf32>
        %mul3A_829 = arith.constant 128 : i32
        %mul3A_830 = arith.muli %min3A_823, %mul3A_829 : i32
        %add3A_831 = arith.constant 16 : i32
        %add3A_832 = arith.addi %mul3A_830, %add3A_831 : i32
        %get3A_833 = arith.index_cast %add3A_832 : i32 to index
        %get3A_834 = tpu.vector_load %arg7[%get3A_833] {strides = array<i32>} : memref<16000xf32, #tpu.memory_space<vmem>>, vector<16xf32>,
        %mul3A_835 = arith.mulf %get3A_834, %get3A_14 : vector<16xf32>
        %add3A_836 = arith.addf %mul3A_828, %mul3A_835 : vector<16xf32>
        %mul3A_837 = arith.constant 128 : i32
        %mul3A_838 = arith.muli %min3A_823, %mul3A_837 : i32
        %add3A_839 = arith.constant 32 : i32
        %add3A_840 = arith.addi %mul3A_838, %add3A_839 : i32
        %get3A_841 = arith.index_cast %add3A_840 : i32 to index
        %get3A_842 = tpu.vector_load %arg7[%get3A_841] {strides = array<i32>} : memref<16000xf32, #tpu.memory_space<vmem>>, vector<16xf32>,
        %mul3A_843 = arith.mulf %get3A_842, %get3A_16 : vector<16xf32>
        %add3A_844 = arith.addf %add3A_836, %mul3A_843 : vector<16xf32>
        %mul3A_845 = arith.constant 128 : i32
        %mul3A_846 = arith.muli %min3A_823, %mul3A_845 : i32
        %add3A_847 = arith.constant 48 : i32
        %add3A_848 = arith.addi %mul3A_846, %add3A_847 : i32
        %get3A_849 = arith.index_cast %add3A_848 : i32 to index
        %get3A_850 = tpu.vector_load %arg7[%get3A_849] {strides = array<i32>} : memref<16000xf32, #tpu.memory_space<vmem>>, vector<16xf32>,
        %mul3A_851 = arith.mulf %get3A_850, %get3A_18 : vector<16xf32>
        %add3A_852 = arith.addf %add3A_844, %mul3A_851 : vector<16xf32>
        %mul3A_853 = arith.constant 128 : i32
        %mul3A_854 = arith.muli %min3A_823, %mul3A_853 : i32
        %add3A_855 = arith.constant 64 : i32
        %add3A_856 = arith.addi %mul3A_854, %add3A_855 : i32
        %get3A_857 = arith.index_cast %add3A_856 : i32 to index
        %get3A_858 = tpu.vector_load %arg7[%get3A_857] {strides = array<i32>} : memref<16000xf32, #tpu.memory_space<vmem>>, vector<16xf32>,
        %mul3A_859 = arith.mulf %get3A_858, %get3A_20 : vector<16xf32>
        %add3A_860 = arith.addf %add3A_852, %mul3A_859 : vector<16xf32>
        %mul3A_861 = arith.constant 128 : i32
        %mul3A_862 = arith.muli %min3A_823, %mul3A_861 : i32
        %add3A_863 = arith.constant 80 : i32
        %add3A_864 = arith.addi %mul3A_862, %add3A_863 : i32
        %get3A_865 = arith.index_cast %add3A_864 : i32 to index
        %get3A_866 = tpu.vector_load %arg7[%get3A_865] {strides = array<i32>} : memref<16000xf32, #tpu.memory_space<vmem>>, vector<16xf32>,
        %mul3A_867 = arith.mulf %get3A_866, %get3A_22 : vector<16xf32>
        %add3A_868 = arith.addf %add3A_860, %mul3A_867 : vector<16xf32>
        %mul3A_869 = arith.constant 128 : i32
        %mul3A_870 = arith.muli %min3A_823, %mul3A_869 : i32
        %add3A_871 = arith.constant 96 : i32
        %add3A_872 = arith.addi %mul3A_870, %add3A_871 : i32
        %get3A_873 = arith.index_cast %add3A_872 : i32 to index
        %get3A_874 = tpu.vector_load %arg7[%get3A_873] {strides = array<i32>} : memref<16000xf32, #tpu.memory_space<vmem>>, vector<16xf32>,
        %mul3A_875 = arith.mulf %get3A_874, %get3A_24 : vector<16xf32>
        %add3A_876 = arith.addf %add3A_868, %mul3A_875 : vector<16xf32>
        %mul3A_877 = arith.constant 128 : i32
        %mul3A_878 = arith.muli %min3A_823, %mul3A_877 : i32
        %add3A_879 = arith.constant 112 : i32
        %add3A_880 = arith.addi %mul3A_878, %add3A_879 : i32
        %get3A_881 = arith.index_cast %add3A_880 : i32 to index
        %get3A_882 = tpu.vector_load %arg7[%get3A_881] {strides = array<i32>} : memref<16000xf32, #tpu.memory_space<vmem>>, vector<16xf32>,
        %mul3A_883 = arith.mulf %get3A_882, %get3A_26 : vector<16xf32>
        %add3A_884 = arith.addf %add3A_876, %mul3A_883 : vector<16xf32>
        %eq3A_885 = arith.constant 10 : i32
        %eq3A_886 = vector.broadcast %eq3A_885 : i32 to vector<16xi32>
        %eq3A_887 = arith.cmpi eq, %iota3A, %eq3A_886 : vector<16xi32>
        %reduce_sum3A_888 = arith.constant true
        %reduce_sum3A_889 = vector.broadcast %reduce_sum3A_888 : i1 to vector<16xi1>
        %reduce_sum3A_890 = tpu.scan <sum>, %add3A_884 masked %reduce_sum3A_889 : vector<16xf32>, vector<16xi1> -> vector<16xf32>
        %reduce_sum3A_891 = vector.extract %reduce_sum3A_890[15] : f32 from vector<16xf32>
        %broadcast_in_dim3A_892 = vector.broadcast %reduce_sum3A_891 : f32 to vector<16xf32>
        %select_n3A_893 = arith.select %eq3A_887, %broadcast_in_dim3A_892, %select_n3A_817 : vector<16xi1>, vector<16xf32>
        %mul3A_894 = arith.constant 16 : i32
        %mul3A_895 = arith.muli %scan3A_60, %mul3A_894 : i32
        %add3A_896 = arith.constant 11 : i32
        %add3A_897 = arith.addi %mul3A_895, %add3A_896 : i32
        %min3A_898 = arith.constant 124 : i32
        %min3A_899 = arith.minsi %add3A_897, %min3A_898 : i32
        %mul3A_900 = arith.constant 128 : i32
        %mul3A_901 = arith.muli %min3A_899, %mul3A_900 : i32
        %get3A_902 = arith.index_cast %mul3A_901 : i32 to index
        %get3A_903 = tpu.vector_load %arg7[%get3A_902] {strides = array<i32>} : memref<16000xf32, #tpu.memory_space<vmem>>, vector<16xf32>,
        %mul3A_904 = arith.mulf %get3A_903, %get3A_12 : vector<16xf32>
        %mul3A_905 = arith.constant 128 : i32
        %mul3A_906 = arith.muli %min3A_899, %mul3A_905 : i32
        %add3A_907 = arith.constant 16 : i32
        %add3A_908 = arith.addi %mul3A_906, %add3A_907 : i32
        %get3A_909 = arith.index_cast %add3A_908 : i32 to index
        %get3A_910 = tpu.vector_load %arg7[%get3A_909] {strides = array<i32>} : memref<16000xf32, #tpu.memory_space<vmem>>, vector<16xf32>,
        %mul3A_911 = arith.mulf %get3A_910, %get3A_14 : vector<16xf32>
        %add3A_912 = arith.addf %mul3A_904, %mul3A_911 : vector<16xf32>
        %mul3A_913 = arith.constant 128 : i32
        %mul3A_914 = arith.muli %min3A_899, %mul3A_913 : i32
        %add3A_915 = arith.constant 32 : i32
        %add3A_916 = arith.addi %mul3A_914, %add3A_915 : i32
        %get3A_917 = arith.index_cast %add3A_916 : i32 to index
        %get3A_918 = tpu.vector_load %arg7[%get3A_917] {strides = array<i32>} : memref<16000xf32, #tpu.memory_space<vmem>>, vector<16xf32>,
        %mul3A_919 = arith.mulf %get3A_918, %get3A_16 : vector<16xf32>
        %add3A_920 = arith.addf %add3A_912, %mul3A_919 : vector<16xf32>
        %mul3A_921 = arith.constant 128 : i32
        %mul3A_922 = arith.muli %min3A_899, %mul3A_921 : i32
        %add3A_923 = arith.constant 48 : i32
        %add3A_924 = arith.addi %mul3A_922, %add3A_923 : i32
        %get3A_925 = arith.index_cast %add3A_924 : i32 to index
        %get3A_926 = tpu.vector_load %arg7[%get3A_925] {strides = array<i32>} : memref<16000xf32, #tpu.memory_space<vmem>>, vector<16xf32>,
        %mul3A_927 = arith.mulf %get3A_926, %get3A_18 : vector<16xf32>
        %add3A_928 = arith.addf %add3A_920, %mul3A_927 : vector<16xf32>
        %mul3A_929 = arith.constant 128 : i32
        %mul3A_930 = arith.muli %min3A_899, %mul3A_929 : i32
        %add3A_931 = arith.constant 64 : i32
        %add3A_932 = arith.addi %mul3A_930, %add3A_931 : i32
        %get3A_933 = arith.index_cast %add3A_932 : i32 to index
        %get3A_934 = tpu.vector_load %arg7[%get3A_933] {strides = array<i32>} : memref<16000xf32, #tpu.memory_space<vmem>>, vector<16xf32>,
        %mul3A_935 = arith.mulf %get3A_934, %get3A_20 : vector<16xf32>
        %add3A_936 = arith.addf %add3A_928, %mul3A_935 : vector<16xf32>
        %mul3A_937 = arith.constant 128 : i32
        %mul3A_938 = arith.muli %min3A_899, %mul3A_937 : i32
        %add3A_939 = arith.constant 80 : i32
        %add3A_940 = arith.addi %mul3A_938, %add3A_939 : i32
        %get3A_941 = arith.index_cast %add3A_940 : i32 to index
        %get3A_942 = tpu.vector_load %arg7[%get3A_941] {strides = array<i32>} : memref<16000xf32, #tpu.memory_space<vmem>>, vector<16xf32>,
        %mul3A_943 = arith.mulf %get3A_942, %get3A_22 : vector<16xf32>
        %add3A_944 = arith.addf %add3A_936, %mul3A_943 : vector<16xf32>
        %mul3A_945 = arith.constant 128 : i32
        %mul3A_946 = arith.muli %min3A_899, %mul3A_945 : i32
        %add3A_947 = arith.constant 96 : i32
        %add3A_948 = arith.addi %mul3A_946, %add3A_947 : i32
        %get3A_949 = arith.index_cast %add3A_948 : i32 to index
        %get3A_950 = tpu.vector_load %arg7[%get3A_949] {strides = array<i32>} : memref<16000xf32, #tpu.memory_space<vmem>>, vector<16xf32>,
        %mul3A_951 = arith.mulf %get3A_950, %get3A_24 : vector<16xf32>
        %add3A_952 = arith.addf %add3A_944, %mul3A_951 : vector<16xf32>
        %mul3A_953 = arith.constant 128 : i32
        %mul3A_954 = arith.muli %min3A_899, %mul3A_953 : i32
        %add3A_955 = arith.constant 112 : i32
        %add3A_956 = arith.addi %mul3A_954, %add3A_955 : i32
        %get3A_957 = arith.index_cast %add3A_956 : i32 to index
        %get3A_958 = tpu.vector_load %arg7[%get3A_957] {strides = array<i32>} : memref<16000xf32, #tpu.memory_space<vmem>>, vector<16xf32>,
        %mul3A_959 = arith.mulf %get3A_958, %get3A_26 : vector<16xf32>
        %add3A_960 = arith.addf %add3A_952, %mul3A_959 : vector<16xf32>
        %eq3A_961 = arith.constant 11 : i32
        %eq3A_962 = vector.broadcast %eq3A_961 : i32 to vector<16xi32>
        %eq3A_963 = arith.cmpi eq, %iota3A, %eq3A_962 : vector<16xi32>
        %reduce_sum3A_964 = arith.constant true
        %reduce_sum3A_965 = vector.broadcast %reduce_sum3A_964 : i1 to vector<16xi1>
        %reduce_sum3A_966 = tpu.scan <sum>, %add3A_960 masked %reduce_sum3A_965 : vector<16xf32>, vector<16xi1> -> vector<16xf32>
        %reduce_sum3A_967 = vector.extract %reduce_sum3A_966[15] : f32 from vector<16xf32>
        %broadcast_in_dim3A_968 = vector.broadcast %reduce_sum3A_967 : f32 to vector<16xf32>
        %select_n3A_969 = arith.select %eq3A_963, %broadcast_in_dim3A_968, %select_n3A_893 : vector<16xi1>, vector<16xf32>
        %mul3A_970 = arith.constant 16 : i32
        %mul3A_971 = arith.muli %scan3A_60, %mul3A_970 : i32
        %add3A_972 = arith.constant 12 : i32
        %add3A_973 = arith.addi %mul3A_971, %add3A_972 : i32
        %min3A_974 = arith.constant 124 : i32
        %min3A_975 = arith.minsi %add3A_973, %min3A_974 : i32
        %mul3A_976 = arith.constant 128 : i32
        %mul3A_977 = arith.muli %min3A_975, %mul3A_976 : i32
        %get3A_978 = arith.index_cast %mul3A_977 : i32 to index
        %get3A_979 = tpu.vector_load %arg7[%get3A_978] {strides = array<i32>} : memref<16000xf32, #tpu.memory_space<vmem>>, vector<16xf32>,
        %mul3A_980 = arith.mulf %get3A_979, %get3A_12 : vector<16xf32>
        %mul3A_981 = arith.constant 128 : i32
        %mul3A_982 = arith.muli %min3A_975, %mul3A_981 : i32
        %add3A_983 = arith.constant 16 : i32
        %add3A_984 = arith.addi %mul3A_982, %add3A_983 : i32
        %get3A_985 = arith.index_cast %add3A_984 : i32 to index
        %get3A_986 = tpu.vector_load %arg7[%get3A_985] {strides = array<i32>} : memref<16000xf32, #tpu.memory_space<vmem>>, vector<16xf32>,
        %mul3A_987 = arith.mulf %get3A_986, %get3A_14 : vector<16xf32>
        %add3A_988 = arith.addf %mul3A_980, %mul3A_987 : vector<16xf32>
        %mul3A_989 = arith.constant 128 : i32
        %mul3A_990 = arith.muli %min3A_975, %mul3A_989 : i32
        %add3A_991 = arith.constant 32 : i32
        %add3A_992 = arith.addi %mul3A_990, %add3A_991 : i32
        %get3A_993 = arith.index_cast %add3A_992 : i32 to index
        %get3A_994 = tpu.vector_load %arg7[%get3A_993] {strides = array<i32>} : memref<16000xf32, #tpu.memory_space<vmem>>, vector<16xf32>,
        %mul3A_995 = arith.mulf %get3A_994, %get3A_16 : vector<16xf32>
        %add3A_996 = arith.addf %add3A_988, %mul3A_995 : vector<16xf32>
        %mul3A_997 = arith.constant 128 : i32
        %mul3A_998 = arith.muli %min3A_975, %mul3A_997 : i32
        %add3A_999 = arith.constant 48 : i32
        %add3A_1000 = arith.addi %mul3A_998, %add3A_999 : i32
        %get3A_1001 = arith.index_cast %add3A_1000 : i32 to index
        %get3A_1002 = tpu.vector_load %arg7[%get3A_1001] {strides = array<i32>} : memref<16000xf32, #tpu.memory_space<vmem>>, vector<16xf32>,
        %mul3A_1003 = arith.mulf %get3A_1002, %get3A_18 : vector<16xf32>
        %add3A_1004 = arith.addf %add3A_996, %mul3A_1003 : vector<16xf32>
        %mul3A_1005 = arith.constant 128 : i32
        %mul3A_1006 = arith.muli %min3A_975, %mul3A_1005 : i32
        %add3A_1007 = arith.constant 64 : i32
        %add3A_1008 = arith.addi %mul3A_1006, %add3A_1007 : i32
        %get3A_1009 = arith.index_cast %add3A_1008 : i32 to index
        %get3A_1010 = tpu.vector_load %arg7[%get3A_1009] {strides = array<i32>} : memref<16000xf32, #tpu.memory_space<vmem>>, vector<16xf32>,
        %mul3A_1011 = arith.mulf %get3A_1010, %get3A_20 : vector<16xf32>
        %add3A_1012 = arith.addf %add3A_1004, %mul3A_1011 : vector<16xf32>
        %mul3A_1013 = arith.constant 128 : i32
        %mul3A_1014 = arith.muli %min3A_975, %mul3A_1013 : i32
        %add3A_1015 = arith.constant 80 : i32
        %add3A_1016 = arith.addi %mul3A_1014, %add3A_1015 : i32
        %get3A_1017 = arith.index_cast %add3A_1016 : i32 to index
        %get3A_1018 = tpu.vector_load %arg7[%get3A_1017] {strides = array<i32>} : memref<16000xf32, #tpu.memory_space<vmem>>, vector<16xf32>,
        %mul3A_1019 = arith.mulf %get3A_1018, %get3A_22 : vector<16xf32>
        %add3A_1020 = arith.addf %add3A_1012, %mul3A_1019 : vector<16xf32>
        %mul3A_1021 = arith.constant 128 : i32
        %mul3A_1022 = arith.muli %min3A_975, %mul3A_1021 : i32
        %add3A_1023 = arith.constant 96 : i32
        %add3A_1024 = arith.addi %mul3A_1022, %add3A_1023 : i32
        %get3A_1025 = arith.index_cast %add3A_1024 : i32 to index
        %get3A_1026 = tpu.vector_load %arg7[%get3A_1025] {strides = array<i32>} : memref<16000xf32, #tpu.memory_space<vmem>>, vector<16xf32>,
        %mul3A_1027 = arith.mulf %get3A_1026, %get3A_24 : vector<16xf32>
        %add3A_1028 = arith.addf %add3A_1020, %mul3A_1027 : vector<16xf32>
        %mul3A_1029 = arith.constant 128 : i32
        %mul3A_1030 = arith.muli %min3A_975, %mul3A_1029 : i32
        %add3A_1031 = arith.constant 112 : i32
        %add3A_1032 = arith.addi %mul3A_1030, %add3A_1031 : i32
        %get3A_1033 = arith.index_cast %add3A_1032 : i32 to index
        %get3A_1034 = tpu.vector_load %arg7[%get3A_1033] {strides = array<i32>} : memref<16000xf32, #tpu.memory_space<vmem>>, vector<16xf32>,
        %mul3A_1035 = arith.mulf %get3A_1034, %get3A_26 : vector<16xf32>
        %add3A_1036 = arith.addf %add3A_1028, %mul3A_1035 : vector<16xf32>
        %eq3A_1037 = arith.constant 12 : i32
        %eq3A_1038 = vector.broadcast %eq3A_1037 : i32 to vector<16xi32>
        %eq3A_1039 = arith.cmpi eq, %iota3A, %eq3A_1038 : vector<16xi32>
        %reduce_sum3A_1040 = arith.constant true
        %reduce_sum3A_1041 = vector.broadcast %reduce_sum3A_1040 : i1 to vector<16xi1>
        %reduce_sum3A_1042 = tpu.scan <sum>, %add3A_1036 masked %reduce_sum3A_1041 : vector<16xf32>, vector<16xi1> -> vector<16xf32>
        %reduce_sum3A_1043 = vector.extract %reduce_sum3A_1042[15] : f32 from vector<16xf32>
        %broadcast_in_dim3A_1044 = vector.broadcast %reduce_sum3A_1043 : f32 to vector<16xf32>
        %select_n3A_1045 = arith.select %eq3A_1039, %broadcast_in_dim3A_1044, %select_n3A_969 : vector<16xi1>, vector<16xf32>
        %mul3A_1046 = arith.constant 16 : i32
        %mul3A_1047 = arith.muli %scan3A_60, %mul3A_1046 : i32
        %add3A_1048 = arith.constant 13 : i32
        %add3A_1049 = arith.addi %mul3A_1047, %add3A_1048 : i32
        %min3A_1050 = arith.constant 124 : i32
        %min3A_1051 = arith.minsi %add3A_1049, %min3A_1050 : i32
        %mul3A_1052 = arith.constant 128 : i32
        %mul3A_1053 = arith.muli %min3A_1051, %mul3A_1052 : i32
        %get3A_1054 = arith.index_cast %mul3A_1053 : i32 to index
        %get3A_1055 = tpu.vector_load %arg7[%get3A_1054] {strides = array<i32>} : memref<16000xf32, #tpu.memory_space<vmem>>, vector<16xf32>,
        %mul3A_1056 = arith.mulf %get3A_1055, %get3A_12 : vector<16xf32>
        %mul3A_1057 = arith.constant 128 : i32
        %mul3A_1058 = arith.muli %min3A_1051, %mul3A_1057 : i32
        %add3A_1059 = arith.constant 16 : i32
        %add3A_1060 = arith.addi %mul3A_1058, %add3A_1059 : i32
        %get3A_1061 = arith.index_cast %add3A_1060 : i32 to index
        %get3A_1062 = tpu.vector_load %arg7[%get3A_1061] {strides = array<i32>} : memref<16000xf32, #tpu.memory_space<vmem>>, vector<16xf32>,
        %mul3A_1063 = arith.mulf %get3A_1062, %get3A_14 : vector<16xf32>
        %add3A_1064 = arith.addf %mul3A_1056, %mul3A_1063 : vector<16xf32>
        %mul3A_1065 = arith.constant 128 : i32
        %mul3A_1066 = arith.muli %min3A_1051, %mul3A_1065 : i32
        %add3A_1067 = arith.constant 32 : i32
        %add3A_1068 = arith.addi %mul3A_1066, %add3A_1067 : i32
        %get3A_1069 = arith.index_cast %add3A_1068 : i32 to index
        %get3A_1070 = tpu.vector_load %arg7[%get3A_1069] {strides = array<i32>} : memref<16000xf32, #tpu.memory_space<vmem>>, vector<16xf32>,
        %mul3A_1071 = arith.mulf %get3A_1070, %get3A_16 : vector<16xf32>
        %add3A_1072 = arith.addf %add3A_1064, %mul3A_1071 : vector<16xf32>
        %mul3A_1073 = arith.constant 128 : i32
        %mul3A_1074 = arith.muli %min3A_1051, %mul3A_1073 : i32
        %add3A_1075 = arith.constant 48 : i32
        %add3A_1076 = arith.addi %mul3A_1074, %add3A_1075 : i32
        %get3A_1077 = arith.index_cast %add3A_1076 : i32 to index
        %get3A_1078 = tpu.vector_load %arg7[%get3A_1077] {strides = array<i32>} : memref<16000xf32, #tpu.memory_space<vmem>>, vector<16xf32>,
        %mul3A_1079 = arith.mulf %get3A_1078, %get3A_18 : vector<16xf32>
        %add3A_1080 = arith.addf %add3A_1072, %mul3A_1079 : vector<16xf32>
        %mul3A_1081 = arith.constant 128 : i32
        %mul3A_1082 = arith.muli %min3A_1051, %mul3A_1081 : i32
        %add3A_1083 = arith.constant 64 : i32
        %add3A_1084 = arith.addi %mul3A_1082, %add3A_1083 : i32
        %get3A_1085 = arith.index_cast %add3A_1084 : i32 to index
        %get3A_1086 = tpu.vector_load %arg7[%get3A_1085] {strides = array<i32>} : memref<16000xf32, #tpu.memory_space<vmem>>, vector<16xf32>,
        %mul3A_1087 = arith.mulf %get3A_1086, %get3A_20 : vector<16xf32>
        %add3A_1088 = arith.addf %add3A_1080, %mul3A_1087 : vector<16xf32>
        %mul3A_1089 = arith.constant 128 : i32
        %mul3A_1090 = arith.muli %min3A_1051, %mul3A_1089 : i32
        %add3A_1091 = arith.constant 80 : i32
        %add3A_1092 = arith.addi %mul3A_1090, %add3A_1091 : i32
        %get3A_1093 = arith.index_cast %add3A_1092 : i32 to index
        %get3A_1094 = tpu.vector_load %arg7[%get3A_1093] {strides = array<i32>} : memref<16000xf32, #tpu.memory_space<vmem>>, vector<16xf32>,
        %mul3A_1095 = arith.mulf %get3A_1094, %get3A_22 : vector<16xf32>
        %add3A_1096 = arith.addf %add3A_1088, %mul3A_1095 : vector<16xf32>
        %mul3A_1097 = arith.constant 128 : i32
        %mul3A_1098 = arith.muli %min3A_1051, %mul3A_1097 : i32
        %add3A_1099 = arith.constant 96 : i32
        %add3A_1100 = arith.addi %mul3A_1098, %add3A_1099 : i32
        %get3A_1101 = arith.index_cast %add3A_1100 : i32 to index
        %get3A_1102 = tpu.vector_load %arg7[%get3A_1101] {strides = array<i32>} : memref<16000xf32, #tpu.memory_space<vmem>>, vector<16xf32>,
        %mul3A_1103 = arith.mulf %get3A_1102, %get3A_24 : vector<16xf32>
        %add3A_1104 = arith.addf %add3A_1096, %mul3A_1103 : vector<16xf32>
        %mul3A_1105 = arith.constant 128 : i32
        %mul3A_1106 = arith.muli %min3A_1051, %mul3A_1105 : i32
        %add3A_1107 = arith.constant 112 : i32
        %add3A_1108 = arith.addi %mul3A_1106, %add3A_1107 : i32
        %get3A_1109 = arith.index_cast %add3A_1108 : i32 to index
        %get3A_1110 = tpu.vector_load %arg7[%get3A_1109] {strides = array<i32>} : memref<16000xf32, #tpu.memory_space<vmem>>, vector<16xf32>,
        %mul3A_1111 = arith.mulf %get3A_1110, %get3A_26 : vector<16xf32>
        %add3A_1112 = arith.addf %add3A_1104, %mul3A_1111 : vector<16xf32>
        %eq3A_1113 = arith.constant 13 : i32
        %eq3A_1114 = vector.broadcast %eq3A_1113 : i32 to vector<16xi32>
        %eq3A_1115 = arith.cmpi eq, %iota3A, %eq3A_1114 : vector<16xi32>
        %reduce_sum3A_1116 = arith.constant true
        %reduce_sum3A_1117 = vector.broadcast %reduce_sum3A_1116 : i1 to vector<16xi1>
        %reduce_sum3A_1118 = tpu.scan <sum>, %add3A_1112 masked %reduce_sum3A_1117 : vector<16xf32>, vector<16xi1> -> vector<16xf32>
        %reduce_sum3A_1119 = vector.extract %reduce_sum3A_1118[15] : f32 from vector<16xf32>
        %broadcast_in_dim3A_1120 = vector.broadcast %reduce_sum3A_1119 : f32 to vector<16xf32>
        %select_n3A_1121 = arith.select %eq3A_1115, %broadcast_in_dim3A_1120, %select_n3A_1045 : vector<16xi1>, vector<16xf32>
        %mul3A_1122 = arith.constant 16 : i32
        %mul3A_1123 = arith.muli %scan3A_60, %mul3A_1122 : i32
        %add3A_1124 = arith.constant 14 : i32
        %add3A_1125 = arith.addi %mul3A_1123, %add3A_1124 : i32
        %min3A_1126 = arith.constant 124 : i32
        %min3A_1127 = arith.minsi %add3A_1125, %min3A_1126 : i32
        %mul3A_1128 = arith.constant 128 : i32
        %mul3A_1129 = arith.muli %min3A_1127, %mul3A_1128 : i32
        %get3A_1130 = arith.index_cast %mul3A_1129 : i32 to index
        %get3A_1131 = tpu.vector_load %arg7[%get3A_1130] {strides = array<i32>} : memref<16000xf32, #tpu.memory_space<vmem>>, vector<16xf32>,
        %mul3A_1132 = arith.mulf %get3A_1131, %get3A_12 : vector<16xf32>
        %mul3A_1133 = arith.constant 128 : i32
        %mul3A_1134 = arith.muli %min3A_1127, %mul3A_1133 : i32
        %add3A_1135 = arith.constant 16 : i32
        %add3A_1136 = arith.addi %mul3A_1134, %add3A_1135 : i32
        %get3A_1137 = arith.index_cast %add3A_1136 : i32 to index
        %get3A_1138 = tpu.vector_load %arg7[%get3A_1137] {strides = array<i32>} : memref<16000xf32, #tpu.memory_space<vmem>>, vector<16xf32>,
        %mul3A_1139 = arith.mulf %get3A_1138, %get3A_14 : vector<16xf32>
        %add3A_1140 = arith.addf %mul3A_1132, %mul3A_1139 : vector<16xf32>
        %mul3A_1141 = arith.constant 128 : i32
        %mul3A_1142 = arith.muli %min3A_1127, %mul3A_1141 : i32
        %add3A_1143 = arith.constant 32 : i32
        %add3A_1144 = arith.addi %mul3A_1142, %add3A_1143 : i32
        %get3A_1145 = arith.index_cast %add3A_1144 : i32 to index
        %get3A_1146 = tpu.vector_load %arg7[%get3A_1145] {strides = array<i32>} : memref<16000xf32, #tpu.memory_space<vmem>>, vector<16xf32>,
        %mul3A_1147 = arith.mulf %get3A_1146, %get3A_16 : vector<16xf32>
        %add3A_1148 = arith.addf %add3A_1140, %mul3A_1147 : vector<16xf32>
        %mul3A_1149 = arith.constant 128 : i32
        %mul3A_1150 = arith.muli %min3A_1127, %mul3A_1149 : i32
        %add3A_1151 = arith.constant 48 : i32
        %add3A_1152 = arith.addi %mul3A_1150, %add3A_1151 : i32
        %get3A_1153 = arith.index_cast %add3A_1152 : i32 to index
        %get3A_1154 = tpu.vector_load %arg7[%get3A_1153] {strides = array<i32>} : memref<16000xf32, #tpu.memory_space<vmem>>, vector<16xf32>,
        %mul3A_1155 = arith.mulf %get3A_1154, %get3A_18 : vector<16xf32>
        %add3A_1156 = arith.addf %add3A_1148, %mul3A_1155 : vector<16xf32>
        %mul3A_1157 = arith.constant 128 : i32
        %mul3A_1158 = arith.muli %min3A_1127, %mul3A_1157 : i32
        %add3A_1159 = arith.constant 64 : i32
        %add3A_1160 = arith.addi %mul3A_1158, %add3A_1159 : i32
        %get3A_1161 = arith.index_cast %add3A_1160 : i32 to index
        %get3A_1162 = tpu.vector_load %arg7[%get3A_1161] {strides = array<i32>} : memref<16000xf32, #tpu.memory_space<vmem>>, vector<16xf32>,
        %mul3A_1163 = arith.mulf %get3A_1162, %get3A_20 : vector<16xf32>
        %add3A_1164 = arith.addf %add3A_1156, %mul3A_1163 : vector<16xf32>
        %mul3A_1165 = arith.constant 128 : i32
        %mul3A_1166 = arith.muli %min3A_1127, %mul3A_1165 : i32
        %add3A_1167 = arith.constant 80 : i32
        %add3A_1168 = arith.addi %mul3A_1166, %add3A_1167 : i32
        %get3A_1169 = arith.index_cast %add3A_1168 : i32 to index
        %get3A_1170 = tpu.vector_load %arg7[%get3A_1169] {strides = array<i32>} : memref<16000xf32, #tpu.memory_space<vmem>>, vector<16xf32>,
        %mul3A_1171 = arith.mulf %get3A_1170, %get3A_22 : vector<16xf32>
        %add3A_1172 = arith.addf %add3A_1164, %mul3A_1171 : vector<16xf32>
        %mul3A_1173 = arith.constant 128 : i32
        %mul3A_1174 = arith.muli %min3A_1127, %mul3A_1173 : i32
        %add3A_1175 = arith.constant 96 : i32
        %add3A_1176 = arith.addi %mul3A_1174, %add3A_1175 : i32
        %get3A_1177 = arith.index_cast %add3A_1176 : i32 to index
        %get3A_1178 = tpu.vector_load %arg7[%get3A_1177] {strides = array<i32>} : memref<16000xf32, #tpu.memory_space<vmem>>, vector<16xf32>,
        %mul3A_1179 = arith.mulf %get3A_1178, %get3A_24 : vector<16xf32>
        %add3A_1180 = arith.addf %add3A_1172, %mul3A_1179 : vector<16xf32>
        %mul3A_1181 = arith.constant 128 : i32
        %mul3A_1182 = arith.muli %min3A_1127, %mul3A_1181 : i32
        %add3A_1183 = arith.constant 112 : i32
        %add3A_1184 = arith.addi %mul3A_1182, %add3A_1183 : i32
        %get3A_1185 = arith.index_cast %add3A_1184 : i32 to index
        %get3A_1186 = tpu.vector_load %arg7[%get3A_1185] {strides = array<i32>} : memref<16000xf32, #tpu.memory_space<vmem>>, vector<16xf32>,
        %mul3A_1187 = arith.mulf %get3A_1186, %get3A_26 : vector<16xf32>
        %add3A_1188 = arith.addf %add3A_1180, %mul3A_1187 : vector<16xf32>
        %eq3A_1189 = arith.constant 14 : i32
        %eq3A_1190 = vector.broadcast %eq3A_1189 : i32 to vector<16xi32>
        %eq3A_1191 = arith.cmpi eq, %iota3A, %eq3A_1190 : vector<16xi32>
        %reduce_sum3A_1192 = arith.constant true
        %reduce_sum3A_1193 = vector.broadcast %reduce_sum3A_1192 : i1 to vector<16xi1>
        %reduce_sum3A_1194 = tpu.scan <sum>, %add3A_1188 masked %reduce_sum3A_1193 : vector<16xf32>, vector<16xi1> -> vector<16xf32>
        %reduce_sum3A_1195 = vector.extract %reduce_sum3A_1194[15] : f32 from vector<16xf32>
        %broadcast_in_dim3A_1196 = vector.broadcast %reduce_sum3A_1195 : f32 to vector<16xf32>
        %select_n3A_1197 = arith.select %eq3A_1191, %broadcast_in_dim3A_1196, %select_n3A_1121 : vector<16xi1>, vector<16xf32>
        %mul3A_1198 = arith.constant 16 : i32
        %mul3A_1199 = arith.muli %scan3A_60, %mul3A_1198 : i32
        %add3A_1200 = arith.constant 15 : i32
        %add3A_1201 = arith.addi %mul3A_1199, %add3A_1200 : i32
        %min3A_1202 = arith.constant 124 : i32
        %min3A_1203 = arith.minsi %add3A_1201, %min3A_1202 : i32
        %mul3A_1204 = arith.constant 128 : i32
        %mul3A_1205 = arith.muli %min3A_1203, %mul3A_1204 : i32
        %get3A_1206 = arith.index_cast %mul3A_1205 : i32 to index
        %get3A_1207 = tpu.vector_load %arg7[%get3A_1206] {strides = array<i32>} : memref<16000xf32, #tpu.memory_space<vmem>>, vector<16xf32>,
        %mul3A_1208 = arith.mulf %get3A_1207, %get3A_12 : vector<16xf32>
        %mul3A_1209 = arith.constant 128 : i32
        %mul3A_1210 = arith.muli %min3A_1203, %mul3A_1209 : i32
        %add3A_1211 = arith.constant 16 : i32
        %add3A_1212 = arith.addi %mul3A_1210, %add3A_1211 : i32
        %get3A_1213 = arith.index_cast %add3A_1212 : i32 to index
        %get3A_1214 = tpu.vector_load %arg7[%get3A_1213] {strides = array<i32>} : memref<16000xf32, #tpu.memory_space<vmem>>, vector<16xf32>,
        %mul3A_1215 = arith.mulf %get3A_1214, %get3A_14 : vector<16xf32>
        %add3A_1216 = arith.addf %mul3A_1208, %mul3A_1215 : vector<16xf32>
        %mul3A_1217 = arith.constant 128 : i32
        %mul3A_1218 = arith.muli %min3A_1203, %mul3A_1217 : i32
        %add3A_1219 = arith.constant 32 : i32
        %add3A_1220 = arith.addi %mul3A_1218, %add3A_1219 : i32
        %get3A_1221 = arith.index_cast %add3A_1220 : i32 to index
        %get3A_1222 = tpu.vector_load %arg7[%get3A_1221] {strides = array<i32>} : memref<16000xf32, #tpu.memory_space<vmem>>, vector<16xf32>,
        %mul3A_1223 = arith.mulf %get3A_1222, %get3A_16 : vector<16xf32>
        %add3A_1224 = arith.addf %add3A_1216, %mul3A_1223 : vector<16xf32>
        %mul3A_1225 = arith.constant 128 : i32
        %mul3A_1226 = arith.muli %min3A_1203, %mul3A_1225 : i32
        %add3A_1227 = arith.constant 48 : i32
        %add3A_1228 = arith.addi %mul3A_1226, %add3A_1227 : i32
        %get3A_1229 = arith.index_cast %add3A_1228 : i32 to index
        %get3A_1230 = tpu.vector_load %arg7[%get3A_1229] {strides = array<i32>} : memref<16000xf32, #tpu.memory_space<vmem>>, vector<16xf32>,
        %mul3A_1231 = arith.mulf %get3A_1230, %get3A_18 : vector<16xf32>
        %add3A_1232 = arith.addf %add3A_1224, %mul3A_1231 : vector<16xf32>
        %mul3A_1233 = arith.constant 128 : i32
        %mul3A_1234 = arith.muli %min3A_1203, %mul3A_1233 : i32
        %add3A_1235 = arith.constant 64 : i32
        %add3A_1236 = arith.addi %mul3A_1234, %add3A_1235 : i32
        %get3A_1237 = arith.index_cast %add3A_1236 : i32 to index
        %get3A_1238 = tpu.vector_load %arg7[%get3A_1237] {strides = array<i32>} : memref<16000xf32, #tpu.memory_space<vmem>>, vector<16xf32>,
        %mul3A_1239 = arith.mulf %get3A_1238, %get3A_20 : vector<16xf32>
        %add3A_1240 = arith.addf %add3A_1232, %mul3A_1239 : vector<16xf32>
        %mul3A_1241 = arith.constant 128 : i32
        %mul3A_1242 = arith.muli %min3A_1203, %mul3A_1241 : i32
        %add3A_1243 = arith.constant 80 : i32
        %add3A_1244 = arith.addi %mul3A_1242, %add3A_1243 : i32
        %get3A_1245 = arith.index_cast %add3A_1244 : i32 to index
        %get3A_1246 = tpu.vector_load %arg7[%get3A_1245] {strides = array<i32>} : memref<16000xf32, #tpu.memory_space<vmem>>, vector<16xf32>,
        %mul3A_1247 = arith.mulf %get3A_1246, %get3A_22 : vector<16xf32>
        %add3A_1248 = arith.addf %add3A_1240, %mul3A_1247 : vector<16xf32>
        %mul3A_1249 = arith.constant 128 : i32
        %mul3A_1250 = arith.muli %min3A_1203, %mul3A_1249 : i32
        %add3A_1251 = arith.constant 96 : i32
        %add3A_1252 = arith.addi %mul3A_1250, %add3A_1251 : i32
        %get3A_1253 = arith.index_cast %add3A_1252 : i32 to index
        %get3A_1254 = tpu.vector_load %arg7[%get3A_1253] {strides = array<i32>} : memref<16000xf32, #tpu.memory_space<vmem>>, vector<16xf32>,
        %mul3A_1255 = arith.mulf %get3A_1254, %get3A_24 : vector<16xf32>
        %add3A_1256 = arith.addf %add3A_1248, %mul3A_1255 : vector<16xf32>
        %mul3A_1257 = arith.constant 128 : i32
        %mul3A_1258 = arith.muli %min3A_1203, %mul3A_1257 : i32
        %add3A_1259 = arith.constant 112 : i32
        %add3A_1260 = arith.addi %mul3A_1258, %add3A_1259 : i32
        %get3A_1261 = arith.index_cast %add3A_1260 : i32 to index
        %get3A_1262 = tpu.vector_load %arg7[%get3A_1261] {strides = array<i32>} : memref<16000xf32, #tpu.memory_space<vmem>>, vector<16xf32>,
        %mul3A_1263 = arith.mulf %get3A_1262, %get3A_26 : vector<16xf32>
        %add3A_1264 = arith.addf %add3A_1256, %mul3A_1263 : vector<16xf32>
        %eq3A_1265 = arith.constant 15 : i32
        %eq3A_1266 = vector.broadcast %eq3A_1265 : i32 to vector<16xi32>
        %eq3A_1267 = arith.cmpi eq, %iota3A, %eq3A_1266 : vector<16xi32>
        %reduce_sum3A_1268 = arith.constant true
        %reduce_sum3A_1269 = vector.broadcast %reduce_sum3A_1268 : i1 to vector<16xi1>
        %reduce_sum3A_1270 = tpu.scan <sum>, %add3A_1264 masked %reduce_sum3A_1269 : vector<16xf32>, vector<16xi1> -> vector<16xf32>
        %reduce_sum3A_1271 = vector.extract %reduce_sum3A_1270[15] : f32 from vector<16xf32>
        %broadcast_in_dim3A_1272 = vector.broadcast %reduce_sum3A_1271 : f32 to vector<16xf32>
        %select_n3A_1273 = arith.select %eq3A_1267, %broadcast_in_dim3A_1272, %select_n3A_1197 : vector<16xi1>, vector<16xf32>
        %add3A_1274 = vector.broadcast %squeeze3A : f32 to vector<16xf32>
        %add3A_1275 = arith.addf %select_n3A_1273, %add3A_1274 : vector<16xf32>
        %exp3A = math.exp %add3A_1275 : vector<16xf32>
        %mul3A_1276 = arith.constant 16 : i32
        %mul3A_1277 = arith.muli %scan3A_60, %mul3A_1276 : i32
        %swap3A = arith.index_cast %mul3A_1277 : i32 to index
        %swap3A_1278 = tpu.vector_load %arg8[%swap3A] {strides = array<i32>} : memref<128xf32, #tpu.memory_space<vmem>>, vector<16xf32>,
        tpu.vector_store %arg8[%swap3A], %exp3A {strides = array<i32>} : memref<128xf32, #tpu.memory_space<vmem>>, vector<16xf32>,
        %scan3A_1279 = arith.constant 0 : i32
        scf.yield %scan3A_1279 : i32
      }
      %scan3A_51 = arith.constant 8 : i32
      %scan3A_52 = arith.constant 0 : i32
      %scan3A_53 = arith.constant 0 : i32
      %scan3A_54 = arith.constant 64 : i32
      %scan3A_55 = arith.addi %scan3A_53, %scan3A_54 : i32
      %scan3A_56 = arith.constant 1 : i32
      %scan3A_57 = scf.for %scan3A_60 = %scan3A_53 to %scan3A_55 step %scan3A_56 iter_args(%scan3A_61 = %scan3A_52) -> (i32)  : i32 {
        %add3A_62 = vector.broadcast %scan3A_60 : i32 to vector<16xi32>
        %add3A_63 = arith.addi %add3A_62, %iota3A : vector<16xi32>
        %min3A = arith.constant 79 : i32
        %min3A_64 = vector.broadcast %min3A : i32 to vector<16xi32>
        %min3A_65 = arith.minsi %add3A_63, %min3A_64 : vector<16xi32>
        %gather3A = tpu.vector_load_idx %arg11[%min3A_65] : memref<80xi32, #tpu.memory_space<vmem>>[vector<16xi32>], vector<16xi32>,
        %slice3A_66 = vector.extract_strided_slice %gather3A {offsets = [0], sizes = [1], strides = [1]} : vector<16xi32> to vector<1xi32>
        %squeeze3A_67 = vector.extract %slice3A_66[0] : i32 from vector<1xi32>
        %sub3A = arith.subi %squeeze3A_67, %add3A_42 : i32
        %jit3A = arith.constant 0 : i32
        %jit3A_68 = arith.constant 125 : i32
        %max3A = arith.maxsi %jit3A, %sub3A : i32
        %min3A_69 = arith.minsi %jit3A_68, %max3A : i32
        %slice3A_70 = vector.extract_strided_slice %gather3A {offsets = [1], sizes = [1], strides = [1]} : vector<16xi32> to vector<1xi32>
        %squeeze3A_71 = vector.extract %slice3A_70[0] : i32 from vector<1xi32>
        %sub3A_72 = arith.subi %squeeze3A_71, %add3A_42 : i32
        %jit3A_73 = arith.constant 0 : i32
        %jit3A_74 = arith.constant 125 : i32
        %max3A_75 = arith.maxsi %jit3A_73, %sub3A_72 : i32
        %min3A_76 = arith.minsi %jit3A_74, %max3A_75 : i32
        %lt3A = arith.cmpi slt, %min3A_69, %min3A_76 : i32
        %convert_element_type3A = arith.extui %lt3A : i1 to i32
        %cond3A = arith.constant 0 : i32
        %cond3A_77 = arith.cmpi ne, %convert_element_type3A, %cond3A : i32
        scf.if %cond3A_77 {
          %mul3A_79 = arith.constant 144 : i32
          %mul3A_80 = arith.muli %scan3A_60, %mul3A_79 : i32
          %add3A_81 = arith.constant 0 : i32
          %add3A_82 = arith.addi %mul3A_80, %add3A_81 : i32
          %get3A_83 = arith.index_cast %add3A_82 : i32 to index
          %get3A_84 = tpu.vector_load %arg12[%get3A_83] {strides = array<i32>} : memref<9216xf32, #tpu.memory_space<vmem>>, vector<16xf32>,
          %mul3A_85 = arith.constant 144 : i32
          %mul3A_86 = arith.muli %scan3A_60, %mul3A_85 : i32
          %add3A_87 = arith.constant 16 : i32
          %add3A_88 = arith.addi %mul3A_86, %add3A_87 : i32
          %get3A_89 = arith.index_cast %add3A_88 : i32 to index
          %get3A_90 = tpu.vector_load %arg12[%get3A_89] {strides = array<i32>} : memref<9216xf32, #tpu.memory_space<vmem>>, vector<16xf32>,
          %mul3A_91 = arith.constant 144 : i32
          %mul3A_92 = arith.muli %scan3A_60, %mul3A_91 : i32
          %add3A_93 = arith.constant 32 : i32
          %add3A_94 = arith.addi %mul3A_92, %add3A_93 : i32
          %get3A_95 = arith.index_cast %add3A_94 : i32 to index
          %get3A_96 = tpu.vector_load %arg12[%get3A_95] {strides = array<i32>} : memref<9216xf32, #tpu.memory_space<vmem>>, vector<16xf32>,
          %mul3A_97 = arith.constant 144 : i32
          %mul3A_98 = arith.muli %scan3A_60, %mul3A_97 : i32
          %add3A_99 = arith.constant 48 : i32
          %add3A_100 = arith.addi %mul3A_98, %add3A_99 : i32
          %get3A_101 = arith.index_cast %add3A_100 : i32 to index
          %get3A_102 = tpu.vector_load %arg12[%get3A_101] {strides = array<i32>} : memref<9216xf32, #tpu.memory_space<vmem>>, vector<16xf32>,
          %mul3A_103 = arith.constant 144 : i32
          %mul3A_104 = arith.muli %scan3A_60, %mul3A_103 : i32
          %add3A_105 = arith.constant 64 : i32
          %add3A_106 = arith.addi %mul3A_104, %add3A_105 : i32
          %get3A_107 = arith.index_cast %add3A_106 : i32 to index
          %get3A_108 = tpu.vector_load %arg12[%get3A_107] {strides = array<i32>} : memref<9216xf32, #tpu.memory_space<vmem>>, vector<16xf32>,
          %mul3A_109 = arith.constant 144 : i32
          %mul3A_110 = arith.muli %scan3A_60, %mul3A_109 : i32
          %add3A_111 = arith.constant 80 : i32
          %add3A_112 = arith.addi %mul3A_110, %add3A_111 : i32
          %get3A_113 = arith.index_cast %add3A_112 : i32 to index
          %get3A_114 = tpu.vector_load %arg12[%get3A_113] {strides = array<i32>} : memref<9216xf32, #tpu.memory_space<vmem>>, vector<16xf32>,
          %mul3A_115 = arith.constant 144 : i32
          %mul3A_116 = arith.muli %scan3A_60, %mul3A_115 : i32
          %add3A_117 = arith.constant 96 : i32
          %add3A_118 = arith.addi %mul3A_116, %add3A_117 : i32
          %get3A_119 = arith.index_cast %add3A_118 : i32 to index
          %get3A_120 = tpu.vector_load %arg12[%get3A_119] {strides = array<i32>} : memref<9216xf32, #tpu.memory_space<vmem>>, vector<16xf32>,
          %mul3A_121 = arith.constant 144 : i32
          %mul3A_122 = arith.muli %scan3A_60, %mul3A_121 : i32
          %add3A_123 = arith.constant 112 : i32
          %add3A_124 = arith.addi %mul3A_122, %add3A_123 : i32
          %get3A_125 = arith.index_cast %add3A_124 : i32 to index
          %get3A_126 = tpu.vector_load %arg12[%get3A_125] {strides = array<i32>} : memref<9216xf32, #tpu.memory_space<vmem>>, vector<16xf32>,
          %jit3A_127 = arith.constant 16 : i32
          %div3A = arith.divsi %min3A_69, %jit3A_127 : i32
          %sign3A = arith.constant 0 : i32
          %sign3A_128 = arith.cmpi sgt, %min3A_69, %sign3A : i32
          %sign3A_129 = arith.extui %sign3A_128 : i1 to i32
          %sign3A_130 = arith.constant 0 : i32
          %sign3A_131 = arith.cmpi slt, %min3A_69, %sign3A_130 : i32
          %sign3A_132 = arith.extui %sign3A_131 : i1 to i32
          %sign3A_133 = arith.subi %sign3A_129, %sign3A_132 : i32
          %sign3A_134 = arith.constant 0 : i32
          %sign3A_135 = arith.cmpi sgt, %jit3A_127, %sign3A_134 : i32
          %sign3A_136 = arith.extui %sign3A_135 : i1 to i32
          %sign3A_137 = arith.constant 0 : i32
          %sign3A_138 = arith.cmpi slt, %jit3A_127, %sign3A_137 : i32
          %sign3A_139 = arith.extui %sign3A_138 : i1 to i32
          %sign3A_140 = arith.subi %sign3A_136, %sign3A_139 : i32
          %ne3A = arith.cmpi ne, %sign3A_133, %sign3A_140 : i32
          %rem3A = arith.remsi %min3A_69, %jit3A_127 : i32
          %ne3A_141 = arith.constant 0 : i32
          %ne3A_142 = arith.cmpi ne, %rem3A, %ne3A_141 : i32
          %and3A = arith.andi %ne3A, %ne3A_142 : i1
          %sub3A_143 = arith.constant 1 : i32
          %sub3A_144 = arith.subi %div3A, %sub3A_143 : i32
          %select_n3A = arith.select %and3A, %sub3A_144, %div3A : i32
          %add3A_145 = arith.constant 16 : i32
          %add3A_146 = arith.addi %min3A_76, %add3A_145 : i32
          %sub3A_147 = arith.constant 1 : i32
          %sub3A_148 = arith.subi %add3A_146, %sub3A_147 : i32
          %jit3A_149 = arith.constant 16 : i32
          %div3A_150 = arith.divsi %sub3A_148, %jit3A_149 : i32
          %sign3A_151 = arith.constant 0 : i32
          %sign3A_152 = arith.cmpi sgt, %sub3A_148, %sign3A_151 : i32
          %sign3A_153 = arith.extui %sign3A_152 : i1 to i32
          %sign3A_154 = arith.constant 0 : i32
          %sign3A_155 = arith.cmpi slt, %sub3A_148, %sign3A_154 : i32
          %sign3A_156 = arith.extui %sign3A_155 : i1 to i32
          %sign3A_157 = arith.subi %sign3A_153, %sign3A_156 : i32
          %sign3A_158 = arith.constant 0 : i32
          %sign3A_159 = arith.cmpi sgt, %jit3A_149, %sign3A_158 : i32
          %sign3A_160 = arith.extui %sign3A_159 : i1 to i32
          %sign3A_161 = arith.constant 0 : i32
          %sign3A_162 = arith.cmpi slt, %jit3A_149, %sign3A_161 : i32
          %sign3A_163 = arith.extui %sign3A_162 : i1 to i32
          %sign3A_164 = arith.subi %sign3A_160, %sign3A_163 : i32
          %ne3A_165 = arith.cmpi ne, %sign3A_157, %sign3A_164 : i32
          %rem3A_166 = arith.remsi %sub3A_148, %jit3A_149 : i32
          %ne3A_167 = arith.constant 0 : i32
          %ne3A_168 = arith.cmpi ne, %rem3A_166, %ne3A_167 : i32
          %and3A_169 = arith.andi %ne3A_165, %ne3A_168 : i1
          %sub3A_170 = arith.constant 1 : i32
          %sub3A_171 = arith.subi %div3A_150, %sub3A_170 : i32
          %select_n3A_172 = arith.select %and3A_169, %sub3A_171, %div3A_150 : i32
          %while3A = arith.constant 0.000000e+00 : f32
          %while3A_173 = arith.subi %select_n3A_172, %select_n3A : i32
          %while3A_174 = arith.addi %select_n3A, %while3A_173 : i32
          %while3A_175 = arith.constant 1 : i32
          %while3A_176 = arith.divsi %while3A_173, %while3A_175 : i32
          %while3A_177 = arith.muli %while3A_176, %while3A_175 : i32
          %while3A_178 = arith.addi %select_n3A, %while3A_177 : i32
          %while3A_179 = arith.constant 1 : i32
          %while3A_180:9 = scf.for %while3A_249 = %select_n3A to %while3A_178 step %while3A_179 iter_args(%while3A_250 = %get3A_84, %while3A_251 = %get3A_90, %while3A_252 = %get3A_96, %while3A_253 = %get3A_102, %while3A_254 = %get3A_108, %while3A_255 = %get3A_114, %while3A_256 = %get3A_120, %while3A_257 = %get3A_126, %while3A_258 = %while3A) -> (vector<16xf32>, vector<16xf32>, vector<16xf32>, vector<16xf32>, vector<16xf32>, vector<16xf32>, vector<16xf32>, vector<16xf32>, f32)  : i32 {
            %mul3A_259 = arith.constant 16 : i32
            %mul3A_260 = arith.muli %while3A_249, %mul3A_259 : i32
            %get3A_261 = arith.index_cast %mul3A_260 : i32 to index
            %get3A_262 = tpu.vector_load %arg8[%get3A_261] {strides = array<i32>} : memref<128xf32, #tpu.memory_space<vmem>>, vector<16xf32>,
            %mul3A_263 = arith.constant 16 : i32
            %mul3A_264 = arith.muli %while3A_249, %mul3A_263 : i32
            %add3A_265 = vector.broadcast %mul3A_264 : i32 to vector<16xi32>
            %add3A_266 = arith.addi %add3A_265, %iota3A : vector<16xi32>
            %ge3A = vector.broadcast %min3A_69 : i32 to vector<16xi32>
            %ge3A_267 = arith.cmpi sge, %add3A_266, %ge3A : vector<16xi32>
            %lt3A_268 = vector.broadcast %min3A_76 : i32 to vector<16xi32>
            %lt3A_269 = arith.cmpi slt, %add3A_266, %lt3A_268 : vector<16xi32>
            %and3A_270 = arith.andi %ge3A_267, %lt3A_269 : vector<16xi1>
            %jit3A_271 = arith.constant 0.000000e+00 : f32
            %broadcast_in_dim3A_272 = vector.broadcast %jit3A_271 : f32 to vector<16xf32>
            %select_n3A_273 = arith.select %and3A_270, %get3A_262, %broadcast_in_dim3A_272 : vector<16xi1>, vector<16xf32>
            %mul3A_274 = arith.constant 16 : i32
            %mul3A_275 = arith.muli %while3A_249, %mul3A_274 : i32
            %add3A_276 = arith.constant 0 : i32
            %add3A_277 = arith.addi %mul3A_275, %add3A_276 : i32
            %min3A_278 = arith.constant 124 : i32
            %min3A_279 = arith.minsi %add3A_277, %min3A_278 : i32
            %slice3A_280 = vector.extract_strided_slice %select_n3A_273 {offsets = [0], sizes = [1], strides = [1]} : vector<16xf32> to vector<1xf32>
            %squeeze3A_281 = vector.extract %slice3A_280[0] : f32 from vector<1xf32>
            %mul3A_282 = arith.constant 128 : i32
            %mul3A_283 = arith.muli %min3A_279, %mul3A_282 : i32
            %add3A_284 = arith.constant 0 : i32
            %add3A_285 = arith.addi %mul3A_283, %add3A_284 : i32
            %get3A_286 = arith.index_cast %add3A_285 : i32 to index
            %get3A_287 = tpu.vector_load %arg7[%get3A_286] {strides = array<i32>} : memref<16000xf32, #tpu.memory_space<vmem>>, vector<16xf32>,
            %mul3A_288 = vector.broadcast %squeeze3A_281 : f32 to vector<16xf32>
            %mul3A_289 = arith.mulf %get3A_287, %mul3A_288 : vector<16xf32>
            %add3A_290 = arith.addf %while3A_250, %mul3A_289 : vector<16xf32>
            %mul3A_291 = arith.constant 128 : i32
            %mul3A_292 = arith.muli %min3A_279, %mul3A_291 : i32
            %add3A_293 = arith.constant 16 : i32
            %add3A_294 = arith.addi %mul3A_292, %add3A_293 : i32
            %get3A_295 = arith.index_cast %add3A_294 : i32 to index
            %get3A_296 = tpu.vector_load %arg7[%get3A_295] {strides = array<i32>} : memref<16000xf32, #tpu.memory_space<vmem>>, vector<16xf32>,
            %mul3A_297 = vector.broadcast %squeeze3A_281 : f32 to vector<16xf32>
            %mul3A_298 = arith.mulf %get3A_296, %mul3A_297 : vector<16xf32>
            %add3A_299 = arith.addf %while3A_251, %mul3A_298 : vector<16xf32>
            %mul3A_300 = arith.constant 128 : i32
            %mul3A_301 = arith.muli %min3A_279, %mul3A_300 : i32
            %add3A_302 = arith.constant 32 : i32
            %add3A_303 = arith.addi %mul3A_301, %add3A_302 : i32
            %get3A_304 = arith.index_cast %add3A_303 : i32 to index
            %get3A_305 = tpu.vector_load %arg7[%get3A_304] {strides = array<i32>} : memref<16000xf32, #tpu.memory_space<vmem>>, vector<16xf32>,
            %mul3A_306 = vector.broadcast %squeeze3A_281 : f32 to vector<16xf32>
            %mul3A_307 = arith.mulf %get3A_305, %mul3A_306 : vector<16xf32>
            %add3A_308 = arith.addf %while3A_252, %mul3A_307 : vector<16xf32>
            %mul3A_309 = arith.constant 128 : i32
            %mul3A_310 = arith.muli %min3A_279, %mul3A_309 : i32
            %add3A_311 = arith.constant 48 : i32
            %add3A_312 = arith.addi %mul3A_310, %add3A_311 : i32
            %get3A_313 = arith.index_cast %add3A_312 : i32 to index
            %get3A_314 = tpu.vector_load %arg7[%get3A_313] {strides = array<i32>} : memref<16000xf32, #tpu.memory_space<vmem>>, vector<16xf32>,
            %mul3A_315 = vector.broadcast %squeeze3A_281 : f32 to vector<16xf32>
            %mul3A_316 = arith.mulf %get3A_314, %mul3A_315 : vector<16xf32>
            %add3A_317 = arith.addf %while3A_253, %mul3A_316 : vector<16xf32>
            %mul3A_318 = arith.constant 128 : i32
            %mul3A_319 = arith.muli %min3A_279, %mul3A_318 : i32
            %add3A_320 = arith.constant 64 : i32
            %add3A_321 = arith.addi %mul3A_319, %add3A_320 : i32
            %get3A_322 = arith.index_cast %add3A_321 : i32 to index
            %get3A_323 = tpu.vector_load %arg7[%get3A_322] {strides = array<i32>} : memref<16000xf32, #tpu.memory_space<vmem>>, vector<16xf32>,
            %mul3A_324 = vector.broadcast %squeeze3A_281 : f32 to vector<16xf32>
            %mul3A_325 = arith.mulf %get3A_323, %mul3A_324 : vector<16xf32>
            %add3A_326 = arith.addf %while3A_254, %mul3A_325 : vector<16xf32>
            %mul3A_327 = arith.constant 128 : i32
            %mul3A_328 = arith.muli %min3A_279, %mul3A_327 : i32
            %add3A_329 = arith.constant 80 : i32
            %add3A_330 = arith.addi %mul3A_328, %add3A_329 : i32
            %get3A_331 = arith.index_cast %add3A_330 : i32 to index
            %get3A_332 = tpu.vector_load %arg7[%get3A_331] {strides = array<i32>} : memref<16000xf32, #tpu.memory_space<vmem>>, vector<16xf32>,
            %mul3A_333 = vector.broadcast %squeeze3A_281 : f32 to vector<16xf32>
            %mul3A_334 = arith.mulf %get3A_332, %mul3A_333 : vector<16xf32>
            %add3A_335 = arith.addf %while3A_255, %mul3A_334 : vector<16xf32>
            %mul3A_336 = arith.constant 128 : i32
            %mul3A_337 = arith.muli %min3A_279, %mul3A_336 : i32
            %add3A_338 = arith.constant 96 : i32
            %add3A_339 = arith.addi %mul3A_337, %add3A_338 : i32
            %get3A_340 = arith.index_cast %add3A_339 : i32 to index
            %get3A_341 = tpu.vector_load %arg7[%get3A_340] {strides = array<i32>} : memref<16000xf32, #tpu.memory_space<vmem>>, vector<16xf32>,
            %mul3A_342 = vector.broadcast %squeeze3A_281 : f32 to vector<16xf32>
            %mul3A_343 = arith.mulf %get3A_341, %mul3A_342 : vector<16xf32>
            %add3A_344 = arith.addf %while3A_256, %mul3A_343 : vector<16xf32>
            %mul3A_345 = arith.constant 128 : i32
            %mul3A_346 = arith.muli %min3A_279, %mul3A_345 : i32
            %add3A_347 = arith.constant 112 : i32
            %add3A_348 = arith.addi %mul3A_346, %add3A_347 : i32
            %get3A_349 = arith.index_cast %add3A_348 : i32 to index
            %get3A_350 = tpu.vector_load %arg7[%get3A_349] {strides = array<i32>} : memref<16000xf32, #tpu.memory_space<vmem>>, vector<16xf32>,
            %mul3A_351 = vector.broadcast %squeeze3A_281 : f32 to vector<16xf32>
            %mul3A_352 = arith.mulf %get3A_350, %mul3A_351 : vector<16xf32>
            %add3A_353 = arith.addf %while3A_257, %mul3A_352 : vector<16xf32>
            %mul3A_354 = arith.constant 16 : i32
            %mul3A_355 = arith.muli %while3A_249, %mul3A_354 : i32
            %add3A_356 = arith.constant 1 : i32
            %add3A_357 = arith.addi %mul3A_355, %add3A_356 : i32
            %min3A_358 = arith.constant 124 : i32
            %min3A_359 = arith.minsi %add3A_357, %min3A_358 : i32
            %slice3A_360 = vector.extract_strided_slice %select_n3A_273 {offsets = [1], sizes = [1], strides = [1]} : vector<16xf32> to vector<1xf32>
            %squeeze3A_361 = vector.extract %slice3A_360[0] : f32 from vector<1xf32>
            %mul3A_362 = arith.constant 128 : i32
            %mul3A_363 = arith.muli %min3A_359, %mul3A_362 : i32
            %add3A_364 = arith.constant 0 : i32
            %add3A_365 = arith.addi %mul3A_363, %add3A_364 : i32
            %get3A_366 = arith.index_cast %add3A_365 : i32 to index
            %get3A_367 = tpu.vector_load %arg7[%get3A_366] {strides = array<i32>} : memref<16000xf32, #tpu.memory_space<vmem>>, vector<16xf32>,
            %mul3A_368 = vector.broadcast %squeeze3A_361 : f32 to vector<16xf32>
            %mul3A_369 = arith.mulf %get3A_367, %mul3A_368 : vector<16xf32>
            %add3A_370 = arith.addf %add3A_290, %mul3A_369 : vector<16xf32>
            %mul3A_371 = arith.constant 128 : i32
            %mul3A_372 = arith.muli %min3A_359, %mul3A_371 : i32
            %add3A_373 = arith.constant 16 : i32
            %add3A_374 = arith.addi %mul3A_372, %add3A_373 : i32
            %get3A_375 = arith.index_cast %add3A_374 : i32 to index
            %get3A_376 = tpu.vector_load %arg7[%get3A_375] {strides = array<i32>} : memref<16000xf32, #tpu.memory_space<vmem>>, vector<16xf32>,
            %mul3A_377 = vector.broadcast %squeeze3A_361 : f32 to vector<16xf32>
            %mul3A_378 = arith.mulf %get3A_376, %mul3A_377 : vector<16xf32>
            %add3A_379 = arith.addf %add3A_299, %mul3A_378 : vector<16xf32>
            %mul3A_380 = arith.constant 128 : i32
            %mul3A_381 = arith.muli %min3A_359, %mul3A_380 : i32
            %add3A_382 = arith.constant 32 : i32
            %add3A_383 = arith.addi %mul3A_381, %add3A_382 : i32
            %get3A_384 = arith.index_cast %add3A_383 : i32 to index
            %get3A_385 = tpu.vector_load %arg7[%get3A_384] {strides = array<i32>} : memref<16000xf32, #tpu.memory_space<vmem>>, vector<16xf32>,
            %mul3A_386 = vector.broadcast %squeeze3A_361 : f32 to vector<16xf32>
            %mul3A_387 = arith.mulf %get3A_385, %mul3A_386 : vector<16xf32>
            %add3A_388 = arith.addf %add3A_308, %mul3A_387 : vector<16xf32>
            %mul3A_389 = arith.constant 128 : i32
            %mul3A_390 = arith.muli %min3A_359, %mul3A_389 : i32
            %add3A_391 = arith.constant 48 : i32
            %add3A_392 = arith.addi %mul3A_390, %add3A_391 : i32
            %get3A_393 = arith.index_cast %add3A_392 : i32 to index
            %get3A_394 = tpu.vector_load %arg7[%get3A_393] {strides = array<i32>} : memref<16000xf32, #tpu.memory_space<vmem>>, vector<16xf32>,
            %mul3A_395 = vector.broadcast %squeeze3A_361 : f32 to vector<16xf32>
            %mul3A_396 = arith.mulf %get3A_394, %mul3A_395 : vector<16xf32>
            %add3A_397 = arith.addf %add3A_317, %mul3A_396 : vector<16xf32>
            %mul3A_398 = arith.constant 128 : i32
            %mul3A_399 = arith.muli %min3A_359, %mul3A_398 : i32
            %add3A_400 = arith.constant 64 : i32
            %add3A_401 = arith.addi %mul3A_399, %add3A_400 : i32
            %get3A_402 = arith.index_cast %add3A_401 : i32 to index
            %get3A_403 = tpu.vector_load %arg7[%get3A_402] {strides = array<i32>} : memref<16000xf32, #tpu.memory_space<vmem>>, vector<16xf32>,
            %mul3A_404 = vector.broadcast %squeeze3A_361 : f32 to vector<16xf32>
            %mul3A_405 = arith.mulf %get3A_403, %mul3A_404 : vector<16xf32>
            %add3A_406 = arith.addf %add3A_326, %mul3A_405 : vector<16xf32>
            %mul3A_407 = arith.constant 128 : i32
            %mul3A_408 = arith.muli %min3A_359, %mul3A_407 : i32
            %add3A_409 = arith.constant 80 : i32
            %add3A_410 = arith.addi %mul3A_408, %add3A_409 : i32
            %get3A_411 = arith.index_cast %add3A_410 : i32 to index
            %get3A_412 = tpu.vector_load %arg7[%get3A_411] {strides = array<i32>} : memref<16000xf32, #tpu.memory_space<vmem>>, vector<16xf32>,
            %mul3A_413 = vector.broadcast %squeeze3A_361 : f32 to vector<16xf32>
            %mul3A_414 = arith.mulf %get3A_412, %mul3A_413 : vector<16xf32>
            %add3A_415 = arith.addf %add3A_335, %mul3A_414 : vector<16xf32>
            %mul3A_416 = arith.constant 128 : i32
            %mul3A_417 = arith.muli %min3A_359, %mul3A_416 : i32
            %add3A_418 = arith.constant 96 : i32
            %add3A_419 = arith.addi %mul3A_417, %add3A_418 : i32
            %get3A_420 = arith.index_cast %add3A_419 : i32 to index
            %get3A_421 = tpu.vector_load %arg7[%get3A_420] {strides = array<i32>} : memref<16000xf32, #tpu.memory_space<vmem>>, vector<16xf32>,
            %mul3A_422 = vector.broadcast %squeeze3A_361 : f32 to vector<16xf32>
            %mul3A_423 = arith.mulf %get3A_421, %mul3A_422 : vector<16xf32>
            %add3A_424 = arith.addf %add3A_344, %mul3A_423 : vector<16xf32>
            %mul3A_425 = arith.constant 128 : i32
            %mul3A_426 = arith.muli %min3A_359, %mul3A_425 : i32
            %add3A_427 = arith.constant 112 : i32
            %add3A_428 = arith.addi %mul3A_426, %add3A_427 : i32
            %get3A_429 = arith.index_cast %add3A_428 : i32 to index
            %get3A_430 = tpu.vector_load %arg7[%get3A_429] {strides = array<i32>} : memref<16000xf32, #tpu.memory_space<vmem>>, vector<16xf32>,
            %mul3A_431 = vector.broadcast %squeeze3A_361 : f32 to vector<16xf32>
            %mul3A_432 = arith.mulf %get3A_430, %mul3A_431 : vector<16xf32>
            %add3A_433 = arith.addf %add3A_353, %mul3A_432 : vector<16xf32>
            %mul3A_434 = arith.constant 16 : i32
            %mul3A_435 = arith.muli %while3A_249, %mul3A_434 : i32
            %add3A_436 = arith.constant 2 : i32
            %add3A_437 = arith.addi %mul3A_435, %add3A_436 : i32
            %min3A_438 = arith.constant 124 : i32
            %min3A_439 = arith.minsi %add3A_437, %min3A_438 : i32
            %slice3A_440 = vector.extract_strided_slice %select_n3A_273 {offsets = [2], sizes = [1], strides = [1]} : vector<16xf32> to vector<1xf32>
            %squeeze3A_441 = vector.extract %slice3A_440[0] : f32 from vector<1xf32>
            %mul3A_442 = arith.constant 128 : i32
            %mul3A_443 = arith.muli %min3A_439, %mul3A_442 : i32
            %add3A_444 = arith.constant 0 : i32
            %add3A_445 = arith.addi %mul3A_443, %add3A_444 : i32
            %get3A_446 = arith.index_cast %add3A_445 : i32 to index
            %get3A_447 = tpu.vector_load %arg7[%get3A_446] {strides = array<i32>} : memref<16000xf32, #tpu.memory_space<vmem>>, vector<16xf32>,
            %mul3A_448 = vector.broadcast %squeeze3A_441 : f32 to vector<16xf32>
            %mul3A_449 = arith.mulf %get3A_447, %mul3A_448 : vector<16xf32>
            %add3A_450 = arith.addf %add3A_370, %mul3A_449 : vector<16xf32>
            %mul3A_451 = arith.constant 128 : i32
            %mul3A_452 = arith.muli %min3A_439, %mul3A_451 : i32
            %add3A_453 = arith.constant 16 : i32
            %add3A_454 = arith.addi %mul3A_452, %add3A_453 : i32
            %get3A_455 = arith.index_cast %add3A_454 : i32 to index
            %get3A_456 = tpu.vector_load %arg7[%get3A_455] {strides = array<i32>} : memref<16000xf32, #tpu.memory_space<vmem>>, vector<16xf32>,
            %mul3A_457 = vector.broadcast %squeeze3A_441 : f32 to vector<16xf32>
            %mul3A_458 = arith.mulf %get3A_456, %mul3A_457 : vector<16xf32>
            %add3A_459 = arith.addf %add3A_379, %mul3A_458 : vector<16xf32>
            %mul3A_460 = arith.constant 128 : i32
            %mul3A_461 = arith.muli %min3A_439, %mul3A_460 : i32
            %add3A_462 = arith.constant 32 : i32
            %add3A_463 = arith.addi %mul3A_461, %add3A_462 : i32
            %get3A_464 = arith.index_cast %add3A_463 : i32 to index
            %get3A_465 = tpu.vector_load %arg7[%get3A_464] {strides = array<i32>} : memref<16000xf32, #tpu.memory_space<vmem>>, vector<16xf32>,
            %mul3A_466 = vector.broadcast %squeeze3A_441 : f32 to vector<16xf32>
            %mul3A_467 = arith.mulf %get3A_465, %mul3A_466 : vector<16xf32>
            %add3A_468 = arith.addf %add3A_388, %mul3A_467 : vector<16xf32>
            %mul3A_469 = arith.constant 128 : i32
            %mul3A_470 = arith.muli %min3A_439, %mul3A_469 : i32
            %add3A_471 = arith.constant 48 : i32
            %add3A_472 = arith.addi %mul3A_470, %add3A_471 : i32
            %get3A_473 = arith.index_cast %add3A_472 : i32 to index
            %get3A_474 = tpu.vector_load %arg7[%get3A_473] {strides = array<i32>} : memref<16000xf32, #tpu.memory_space<vmem>>, vector<16xf32>,
            %mul3A_475 = vector.broadcast %squeeze3A_441 : f32 to vector<16xf32>
            %mul3A_476 = arith.mulf %get3A_474, %mul3A_475 : vector<16xf32>
            %add3A_477 = arith.addf %add3A_397, %mul3A_476 : vector<16xf32>
            %mul3A_478 = arith.constant 128 : i32
            %mul3A_479 = arith.muli %min3A_439, %mul3A_478 : i32
            %add3A_480 = arith.constant 64 : i32
            %add3A_481 = arith.addi %mul3A_479, %add3A_480 : i32
            %get3A_482 = arith.index_cast %add3A_481 : i32 to index
            %get3A_483 = tpu.vector_load %arg7[%get3A_482] {strides = array<i32>} : memref<16000xf32, #tpu.memory_space<vmem>>, vector<16xf32>,
            %mul3A_484 = vector.broadcast %squeeze3A_441 : f32 to vector<16xf32>
            %mul3A_485 = arith.mulf %get3A_483, %mul3A_484 : vector<16xf32>
            %add3A_486 = arith.addf %add3A_406, %mul3A_485 : vector<16xf32>
            %mul3A_487 = arith.constant 128 : i32
            %mul3A_488 = arith.muli %min3A_439, %mul3A_487 : i32
            %add3A_489 = arith.constant 80 : i32
            %add3A_490 = arith.addi %mul3A_488, %add3A_489 : i32
            %get3A_491 = arith.index_cast %add3A_490 : i32 to index
            %get3A_492 = tpu.vector_load %arg7[%get3A_491] {strides = array<i32>} : memref<16000xf32, #tpu.memory_space<vmem>>, vector<16xf32>,
            %mul3A_493 = vector.broadcast %squeeze3A_441 : f32 to vector<16xf32>
            %mul3A_494 = arith.mulf %get3A_492, %mul3A_493 : vector<16xf32>
            %add3A_495 = arith.addf %add3A_415, %mul3A_494 : vector<16xf32>
            %mul3A_496 = arith.constant 128 : i32
            %mul3A_497 = arith.muli %min3A_439, %mul3A_496 : i32
            %add3A_498 = arith.constant 96 : i32
            %add3A_499 = arith.addi %mul3A_497, %add3A_498 : i32
            %get3A_500 = arith.index_cast %add3A_499 : i32 to index
            %get3A_501 = tpu.vector_load %arg7[%get3A_500] {strides = array<i32>} : memref<16000xf32, #tpu.memory_space<vmem>>, vector<16xf32>,
            %mul3A_502 = vector.broadcast %squeeze3A_441 : f32 to vector<16xf32>
            %mul3A_503 = arith.mulf %get3A_501, %mul3A_502 : vector<16xf32>
            %add3A_504 = arith.addf %add3A_424, %mul3A_503 : vector<16xf32>
            %mul3A_505 = arith.constant 128 : i32
            %mul3A_506 = arith.muli %min3A_439, %mul3A_505 : i32
            %add3A_507 = arith.constant 112 : i32
            %add3A_508 = arith.addi %mul3A_506, %add3A_507 : i32
            %get3A_509 = arith.index_cast %add3A_508 : i32 to index
            %get3A_510 = tpu.vector_load %arg7[%get3A_509] {strides = array<i32>} : memref<16000xf32, #tpu.memory_space<vmem>>, vector<16xf32>,
            %mul3A_511 = vector.broadcast %squeeze3A_441 : f32 to vector<16xf32>
            %mul3A_512 = arith.mulf %get3A_510, %mul3A_511 : vector<16xf32>
            %add3A_513 = arith.addf %add3A_433, %mul3A_512 : vector<16xf32>
            %mul3A_514 = arith.constant 16 : i32
            %mul3A_515 = arith.muli %while3A_249, %mul3A_514 : i32
            %add3A_516 = arith.constant 3 : i32
            %add3A_517 = arith.addi %mul3A_515, %add3A_516 : i32
            %min3A_518 = arith.constant 124 : i32
            %min3A_519 = arith.minsi %add3A_517, %min3A_518 : i32
            %slice3A_520 = vector.extract_strided_slice %select_n3A_273 {offsets = [3], sizes = [1], strides = [1]} : vector<16xf32> to vector<1xf32>
            %squeeze3A_521 = vector.extract %slice3A_520[0] : f32 from vector<1xf32>
            %mul3A_522 = arith.constant 128 : i32
            %mul3A_523 = arith.muli %min3A_519, %mul3A_522 : i32
            %add3A_524 = arith.constant 0 : i32
            %add3A_525 = arith.addi %mul3A_523, %add3A_524 : i32
            %get3A_526 = arith.index_cast %add3A_525 : i32 to index
            %get3A_527 = tpu.vector_load %arg7[%get3A_526] {strides = array<i32>} : memref<16000xf32, #tpu.memory_space<vmem>>, vector<16xf32>,
            %mul3A_528 = vector.broadcast %squeeze3A_521 : f32 to vector<16xf32>
            %mul3A_529 = arith.mulf %get3A_527, %mul3A_528 : vector<16xf32>
            %add3A_530 = arith.addf %add3A_450, %mul3A_529 : vector<16xf32>
            %mul3A_531 = arith.constant 128 : i32
            %mul3A_532 = arith.muli %min3A_519, %mul3A_531 : i32
            %add3A_533 = arith.constant 16 : i32
            %add3A_534 = arith.addi %mul3A_532, %add3A_533 : i32
            %get3A_535 = arith.index_cast %add3A_534 : i32 to index
            %get3A_536 = tpu.vector_load %arg7[%get3A_535] {strides = array<i32>} : memref<16000xf32, #tpu.memory_space<vmem>>, vector<16xf32>,
            %mul3A_537 = vector.broadcast %squeeze3A_521 : f32 to vector<16xf32>
            %mul3A_538 = arith.mulf %get3A_536, %mul3A_537 : vector<16xf32>
            %add3A_539 = arith.addf %add3A_459, %mul3A_538 : vector<16xf32>
            %mul3A_540 = arith.constant 128 : i32
            %mul3A_541 = arith.muli %min3A_519, %mul3A_540 : i32
            %add3A_542 = arith.constant 32 : i32
            %add3A_543 = arith.addi %mul3A_541, %add3A_542 : i32
            %get3A_544 = arith.index_cast %add3A_543 : i32 to index
            %get3A_545 = tpu.vector_load %arg7[%get3A_544] {strides = array<i32>} : memref<16000xf32, #tpu.memory_space<vmem>>, vector<16xf32>,
            %mul3A_546 = vector.broadcast %squeeze3A_521 : f32 to vector<16xf32>
            %mul3A_547 = arith.mulf %get3A_545, %mul3A_546 : vector<16xf32>
            %add3A_548 = arith.addf %add3A_468, %mul3A_547 : vector<16xf32>
            %mul3A_549 = arith.constant 128 : i32
            %mul3A_550 = arith.muli %min3A_519, %mul3A_549 : i32
            %add3A_551 = arith.constant 48 : i32
            %add3A_552 = arith.addi %mul3A_550, %add3A_551 : i32
            %get3A_553 = arith.index_cast %add3A_552 : i32 to index
            %get3A_554 = tpu.vector_load %arg7[%get3A_553] {strides = array<i32>} : memref<16000xf32, #tpu.memory_space<vmem>>, vector<16xf32>,
            %mul3A_555 = vector.broadcast %squeeze3A_521 : f32 to vector<16xf32>
            %mul3A_556 = arith.mulf %get3A_554, %mul3A_555 : vector<16xf32>
            %add3A_557 = arith.addf %add3A_477, %mul3A_556 : vector<16xf32>
            %mul3A_558 = arith.constant 128 : i32
            %mul3A_559 = arith.muli %min3A_519, %mul3A_558 : i32
            %add3A_560 = arith.constant 64 : i32
            %add3A_561 = arith.addi %mul3A_559, %add3A_560 : i32
            %get3A_562 = arith.index_cast %add3A_561 : i32 to index
            %get3A_563 = tpu.vector_load %arg7[%get3A_562] {strides = array<i32>} : memref<16000xf32, #tpu.memory_space<vmem>>, vector<16xf32>,
            %mul3A_564 = vector.broadcast %squeeze3A_521 : f32 to vector<16xf32>
            %mul3A_565 = arith.mulf %get3A_563, %mul3A_564 : vector<16xf32>
            %add3A_566 = arith.addf %add3A_486, %mul3A_565 : vector<16xf32>
            %mul3A_567 = arith.constant 128 : i32
            %mul3A_568 = arith.muli %min3A_519, %mul3A_567 : i32
            %add3A_569 = arith.constant 80 : i32
            %add3A_570 = arith.addi %mul3A_568, %add3A_569 : i32
            %get3A_571 = arith.index_cast %add3A_570 : i32 to index
            %get3A_572 = tpu.vector_load %arg7[%get3A_571] {strides = array<i32>} : memref<16000xf32, #tpu.memory_space<vmem>>, vector<16xf32>,
            %mul3A_573 = vector.broadcast %squeeze3A_521 : f32 to vector<16xf32>
            %mul3A_574 = arith.mulf %get3A_572, %mul3A_573 : vector<16xf32>
            %add3A_575 = arith.addf %add3A_495, %mul3A_574 : vector<16xf32>
            %mul3A_576 = arith.constant 128 : i32
            %mul3A_577 = arith.muli %min3A_519, %mul3A_576 : i32
            %add3A_578 = arith.constant 96 : i32
            %add3A_579 = arith.addi %mul3A_577, %add3A_578 : i32
            %get3A_580 = arith.index_cast %add3A_579 : i32 to index
            %get3A_581 = tpu.vector_load %arg7[%get3A_580] {strides = array<i32>} : memref<16000xf32, #tpu.memory_space<vmem>>, vector<16xf32>,
            %mul3A_582 = vector.broadcast %squeeze3A_521 : f32 to vector<16xf32>
            %mul3A_583 = arith.mulf %get3A_581, %mul3A_582 : vector<16xf32>
            %add3A_584 = arith.addf %add3A_504, %mul3A_583 : vector<16xf32>
            %mul3A_585 = arith.constant 128 : i32
            %mul3A_586 = arith.muli %min3A_519, %mul3A_585 : i32
            %add3A_587 = arith.constant 112 : i32
            %add3A_588 = arith.addi %mul3A_586, %add3A_587 : i32
            %get3A_589 = arith.index_cast %add3A_588 : i32 to index
            %get3A_590 = tpu.vector_load %arg7[%get3A_589] {strides = array<i32>} : memref<16000xf32, #tpu.memory_space<vmem>>, vector<16xf32>,
            %mul3A_591 = vector.broadcast %squeeze3A_521 : f32 to vector<16xf32>
            %mul3A_592 = arith.mulf %get3A_590, %mul3A_591 : vector<16xf32>
            %add3A_593 = arith.addf %add3A_513, %mul3A_592 : vector<16xf32>
            %mul3A_594 = arith.constant 16 : i32
            %mul3A_595 = arith.muli %while3A_249, %mul3A_594 : i32
            %add3A_596 = arith.constant 4 : i32
            %add3A_597 = arith.addi %mul3A_595, %add3A_596 : i32
            %min3A_598 = arith.constant 124 : i32
            %min3A_599 = arith.minsi %add3A_597, %min3A_598 : i32
            %slice3A_600 = vector.extract_strided_slice %select_n3A_273 {offsets = [4], sizes = [1], strides = [1]} : vector<16xf32> to vector<1xf32>
            %squeeze3A_601 = vector.extract %slice3A_600[0] : f32 from vector<1xf32>
            %mul3A_602 = arith.constant 128 : i32
            %mul3A_603 = arith.muli %min3A_599, %mul3A_602 : i32
            %add3A_604 = arith.constant 0 : i32
            %add3A_605 = arith.addi %mul3A_603, %add3A_604 : i32
            %get3A_606 = arith.index_cast %add3A_605 : i32 to index
            %get3A_607 = tpu.vector_load %arg7[%get3A_606] {strides = array<i32>} : memref<16000xf32, #tpu.memory_space<vmem>>, vector<16xf32>,
            %mul3A_608 = vector.broadcast %squeeze3A_601 : f32 to vector<16xf32>
            %mul3A_609 = arith.mulf %get3A_607, %mul3A_608 : vector<16xf32>
            %add3A_610 = arith.addf %add3A_530, %mul3A_609 : vector<16xf32>
            %mul3A_611 = arith.constant 128 : i32
            %mul3A_612 = arith.muli %min3A_599, %mul3A_611 : i32
            %add3A_613 = arith.constant 16 : i32
            %add3A_614 = arith.addi %mul3A_612, %add3A_613 : i32
            %get3A_615 = arith.index_cast %add3A_614 : i32 to index
            %get3A_616 = tpu.vector_load %arg7[%get3A_615] {strides = array<i32>} : memref<16000xf32, #tpu.memory_space<vmem>>, vector<16xf32>,
            %mul3A_617 = vector.broadcast %squeeze3A_601 : f32 to vector<16xf32>
            %mul3A_618 = arith.mulf %get3A_616, %mul3A_617 : vector<16xf32>
            %add3A_619 = arith.addf %add3A_539, %mul3A_618 : vector<16xf32>
            %mul3A_620 = arith.constant 128 : i32
            %mul3A_621 = arith.muli %min3A_599, %mul3A_620 : i32
            %add3A_622 = arith.constant 32 : i32
            %add3A_623 = arith.addi %mul3A_621, %add3A_622 : i32
            %get3A_624 = arith.index_cast %add3A_623 : i32 to index
            %get3A_625 = tpu.vector_load %arg7[%get3A_624] {strides = array<i32>} : memref<16000xf32, #tpu.memory_space<vmem>>, vector<16xf32>,
            %mul3A_626 = vector.broadcast %squeeze3A_601 : f32 to vector<16xf32>
            %mul3A_627 = arith.mulf %get3A_625, %mul3A_626 : vector<16xf32>
            %add3A_628 = arith.addf %add3A_548, %mul3A_627 : vector<16xf32>
            %mul3A_629 = arith.constant 128 : i32
            %mul3A_630 = arith.muli %min3A_599, %mul3A_629 : i32
            %add3A_631 = arith.constant 48 : i32
            %add3A_632 = arith.addi %mul3A_630, %add3A_631 : i32
            %get3A_633 = arith.index_cast %add3A_632 : i32 to index
            %get3A_634 = tpu.vector_load %arg7[%get3A_633] {strides = array<i32>} : memref<16000xf32, #tpu.memory_space<vmem>>, vector<16xf32>,
            %mul3A_635 = vector.broadcast %squeeze3A_601 : f32 to vector<16xf32>
            %mul3A_636 = arith.mulf %get3A_634, %mul3A_635 : vector<16xf32>
            %add3A_637 = arith.addf %add3A_557, %mul3A_636 : vector<16xf32>
            %mul3A_638 = arith.constant 128 : i32
            %mul3A_639 = arith.muli %min3A_599, %mul3A_638 : i32
            %add3A_640 = arith.constant 64 : i32
            %add3A_641 = arith.addi %mul3A_639, %add3A_640 : i32
            %get3A_642 = arith.index_cast %add3A_641 : i32 to index
            %get3A_643 = tpu.vector_load %arg7[%get3A_642] {strides = array<i32>} : memref<16000xf32, #tpu.memory_space<vmem>>, vector<16xf32>,
            %mul3A_644 = vector.broadcast %squeeze3A_601 : f32 to vector<16xf32>
            %mul3A_645 = arith.mulf %get3A_643, %mul3A_644 : vector<16xf32>
            %add3A_646 = arith.addf %add3A_566, %mul3A_645 : vector<16xf32>
            %mul3A_647 = arith.constant 128 : i32
            %mul3A_648 = arith.muli %min3A_599, %mul3A_647 : i32
            %add3A_649 = arith.constant 80 : i32
            %add3A_650 = arith.addi %mul3A_648, %add3A_649 : i32
            %get3A_651 = arith.index_cast %add3A_650 : i32 to index
            %get3A_652 = tpu.vector_load %arg7[%get3A_651] {strides = array<i32>} : memref<16000xf32, #tpu.memory_space<vmem>>, vector<16xf32>,
            %mul3A_653 = vector.broadcast %squeeze3A_601 : f32 to vector<16xf32>
            %mul3A_654 = arith.mulf %get3A_652, %mul3A_653 : vector<16xf32>
            %add3A_655 = arith.addf %add3A_575, %mul3A_654 : vector<16xf32>
            %mul3A_656 = arith.constant 128 : i32
            %mul3A_657 = arith.muli %min3A_599, %mul3A_656 : i32
            %add3A_658 = arith.constant 96 : i32
            %add3A_659 = arith.addi %mul3A_657, %add3A_658 : i32
            %get3A_660 = arith.index_cast %add3A_659 : i32 to index
            %get3A_661 = tpu.vector_load %arg7[%get3A_660] {strides = array<i32>} : memref<16000xf32, #tpu.memory_space<vmem>>, vector<16xf32>,
            %mul3A_662 = vector.broadcast %squeeze3A_601 : f32 to vector<16xf32>
            %mul3A_663 = arith.mulf %get3A_661, %mul3A_662 : vector<16xf32>
            %add3A_664 = arith.addf %add3A_584, %mul3A_663 : vector<16xf32>
            %mul3A_665 = arith.constant 128 : i32
            %mul3A_666 = arith.muli %min3A_599, %mul3A_665 : i32
            %add3A_667 = arith.constant 112 : i32
            %add3A_668 = arith.addi %mul3A_666, %add3A_667 : i32
            %get3A_669 = arith.index_cast %add3A_668 : i32 to index
            %get3A_670 = tpu.vector_load %arg7[%get3A_669] {strides = array<i32>} : memref<16000xf32, #tpu.memory_space<vmem>>, vector<16xf32>,
            %mul3A_671 = vector.broadcast %squeeze3A_601 : f32 to vector<16xf32>
            %mul3A_672 = arith.mulf %get3A_670, %mul3A_671 : vector<16xf32>
            %add3A_673 = arith.addf %add3A_593, %mul3A_672 : vector<16xf32>
            %mul3A_674 = arith.constant 16 : i32
            %mul3A_675 = arith.muli %while3A_249, %mul3A_674 : i32
            %add3A_676 = arith.constant 5 : i32
            %add3A_677 = arith.addi %mul3A_675, %add3A_676 : i32
            %min3A_678 = arith.constant 124 : i32
            %min3A_679 = arith.minsi %add3A_677, %min3A_678 : i32
            %slice3A_680 = vector.extract_strided_slice %select_n3A_273 {offsets = [5], sizes = [1], strides = [1]} : vector<16xf32> to vector<1xf32>
            %squeeze3A_681 = vector.extract %slice3A_680[0] : f32 from vector<1xf32>
            %mul3A_682 = arith.constant 128 : i32
            %mul3A_683 = arith.muli %min3A_679, %mul3A_682 : i32
            %add3A_684 = arith.constant 0 : i32
            %add3A_685 = arith.addi %mul3A_683, %add3A_684 : i32
            %get3A_686 = arith.index_cast %add3A_685 : i32 to index
            %get3A_687 = tpu.vector_load %arg7[%get3A_686] {strides = array<i32>} : memref<16000xf32, #tpu.memory_space<vmem>>, vector<16xf32>,
            %mul3A_688 = vector.broadcast %squeeze3A_681 : f32 to vector<16xf32>
            %mul3A_689 = arith.mulf %get3A_687, %mul3A_688 : vector<16xf32>
            %add3A_690 = arith.addf %add3A_610, %mul3A_689 : vector<16xf32>
            %mul3A_691 = arith.constant 128 : i32
            %mul3A_692 = arith.muli %min3A_679, %mul3A_691 : i32
            %add3A_693 = arith.constant 16 : i32
            %add3A_694 = arith.addi %mul3A_692, %add3A_693 : i32
            %get3A_695 = arith.index_cast %add3A_694 : i32 to index
            %get3A_696 = tpu.vector_load %arg7[%get3A_695] {strides = array<i32>} : memref<16000xf32, #tpu.memory_space<vmem>>, vector<16xf32>,
            %mul3A_697 = vector.broadcast %squeeze3A_681 : f32 to vector<16xf32>
            %mul3A_698 = arith.mulf %get3A_696, %mul3A_697 : vector<16xf32>
            %add3A_699 = arith.addf %add3A_619, %mul3A_698 : vector<16xf32>
            %mul3A_700 = arith.constant 128 : i32
            %mul3A_701 = arith.muli %min3A_679, %mul3A_700 : i32
            %add3A_702 = arith.constant 32 : i32
            %add3A_703 = arith.addi %mul3A_701, %add3A_702 : i32
            %get3A_704 = arith.index_cast %add3A_703 : i32 to index
            %get3A_705 = tpu.vector_load %arg7[%get3A_704] {strides = array<i32>} : memref<16000xf32, #tpu.memory_space<vmem>>, vector<16xf32>,
            %mul3A_706 = vector.broadcast %squeeze3A_681 : f32 to vector<16xf32>
            %mul3A_707 = arith.mulf %get3A_705, %mul3A_706 : vector<16xf32>
            %add3A_708 = arith.addf %add3A_628, %mul3A_707 : vector<16xf32>
            %mul3A_709 = arith.constant 128 : i32
            %mul3A_710 = arith.muli %min3A_679, %mul3A_709 : i32
            %add3A_711 = arith.constant 48 : i32
            %add3A_712 = arith.addi %mul3A_710, %add3A_711 : i32
            %get3A_713 = arith.index_cast %add3A_712 : i32 to index
            %get3A_714 = tpu.vector_load %arg7[%get3A_713] {strides = array<i32>} : memref<16000xf32, #tpu.memory_space<vmem>>, vector<16xf32>,
            %mul3A_715 = vector.broadcast %squeeze3A_681 : f32 to vector<16xf32>
            %mul3A_716 = arith.mulf %get3A_714, %mul3A_715 : vector<16xf32>
            %add3A_717 = arith.addf %add3A_637, %mul3A_716 : vector<16xf32>
            %mul3A_718 = arith.constant 128 : i32
            %mul3A_719 = arith.muli %min3A_679, %mul3A_718 : i32
            %add3A_720 = arith.constant 64 : i32
            %add3A_721 = arith.addi %mul3A_719, %add3A_720 : i32
            %get3A_722 = arith.index_cast %add3A_721 : i32 to index
            %get3A_723 = tpu.vector_load %arg7[%get3A_722] {strides = array<i32>} : memref<16000xf32, #tpu.memory_space<vmem>>, vector<16xf32>,
            %mul3A_724 = vector.broadcast %squeeze3A_681 : f32 to vector<16xf32>
            %mul3A_725 = arith.mulf %get3A_723, %mul3A_724 : vector<16xf32>
            %add3A_726 = arith.addf %add3A_646, %mul3A_725 : vector<16xf32>
            %mul3A_727 = arith.constant 128 : i32
            %mul3A_728 = arith.muli %min3A_679, %mul3A_727 : i32
            %add3A_729 = arith.constant 80 : i32
            %add3A_730 = arith.addi %mul3A_728, %add3A_729 : i32
            %get3A_731 = arith.index_cast %add3A_730 : i32 to index
            %get3A_732 = tpu.vector_load %arg7[%get3A_731] {strides = array<i32>} : memref<16000xf32, #tpu.memory_space<vmem>>, vector<16xf32>,
            %mul3A_733 = vector.broadcast %squeeze3A_681 : f32 to vector<16xf32>
            %mul3A_734 = arith.mulf %get3A_732, %mul3A_733 : vector<16xf32>
            %add3A_735 = arith.addf %add3A_655, %mul3A_734 : vector<16xf32>
            %mul3A_736 = arith.constant 128 : i32
            %mul3A_737 = arith.muli %min3A_679, %mul3A_736 : i32
            %add3A_738 = arith.constant 96 : i32
            %add3A_739 = arith.addi %mul3A_737, %add3A_738 : i32
            %get3A_740 = arith.index_cast %add3A_739 : i32 to index
            %get3A_741 = tpu.vector_load %arg7[%get3A_740] {strides = array<i32>} : memref<16000xf32, #tpu.memory_space<vmem>>, vector<16xf32>,
            %mul3A_742 = vector.broadcast %squeeze3A_681 : f32 to vector<16xf32>
            %mul3A_743 = arith.mulf %get3A_741, %mul3A_742 : vector<16xf32>
            %add3A_744 = arith.addf %add3A_664, %mul3A_743 : vector<16xf32>
            %mul3A_745 = arith.constant 128 : i32
            %mul3A_746 = arith.muli %min3A_679, %mul3A_745 : i32
            %add3A_747 = arith.constant 112 : i32
            %add3A_748 = arith.addi %mul3A_746, %add3A_747 : i32
            %get3A_749 = arith.index_cast %add3A_748 : i32 to index
            %get3A_750 = tpu.vector_load %arg7[%get3A_749] {strides = array<i32>} : memref<16000xf32, #tpu.memory_space<vmem>>, vector<16xf32>,
            %mul3A_751 = vector.broadcast %squeeze3A_681 : f32 to vector<16xf32>
            %mul3A_752 = arith.mulf %get3A_750, %mul3A_751 : vector<16xf32>
            %add3A_753 = arith.addf %add3A_673, %mul3A_752 : vector<16xf32>
            %mul3A_754 = arith.constant 16 : i32
            %mul3A_755 = arith.muli %while3A_249, %mul3A_754 : i32
            %add3A_756 = arith.constant 6 : i32
            %add3A_757 = arith.addi %mul3A_755, %add3A_756 : i32
            %min3A_758 = arith.constant 124 : i32
            %min3A_759 = arith.minsi %add3A_757, %min3A_758 : i32
            %slice3A_760 = vector.extract_strided_slice %select_n3A_273 {offsets = [6], sizes = [1], strides = [1]} : vector<16xf32> to vector<1xf32>
            %squeeze3A_761 = vector.extract %slice3A_760[0] : f32 from vector<1xf32>
            %mul3A_762 = arith.constant 128 : i32
            %mul3A_763 = arith.muli %min3A_759, %mul3A_762 : i32
            %add3A_764 = arith.constant 0 : i32
            %add3A_765 = arith.addi %mul3A_763, %add3A_764 : i32
            %get3A_766 = arith.index_cast %add3A_765 : i32 to index
            %get3A_767 = tpu.vector_load %arg7[%get3A_766] {strides = array<i32>} : memref<16000xf32, #tpu.memory_space<vmem>>, vector<16xf32>,
            %mul3A_768 = vector.broadcast %squeeze3A_761 : f32 to vector<16xf32>
            %mul3A_769 = arith.mulf %get3A_767, %mul3A_768 : vector<16xf32>
            %add3A_770 = arith.addf %add3A_690, %mul3A_769 : vector<16xf32>
            %mul3A_771 = arith.constant 128 : i32
            %mul3A_772 = arith.muli %min3A_759, %mul3A_771 : i32
            %add3A_773 = arith.constant 16 : i32
            %add3A_774 = arith.addi %mul3A_772, %add3A_773 : i32
            %get3A_775 = arith.index_cast %add3A_774 : i32 to index
            %get3A_776 = tpu.vector_load %arg7[%get3A_775] {strides = array<i32>} : memref<16000xf32, #tpu.memory_space<vmem>>, vector<16xf32>,
            %mul3A_777 = vector.broadcast %squeeze3A_761 : f32 to vector<16xf32>
            %mul3A_778 = arith.mulf %get3A_776, %mul3A_777 : vector<16xf32>
            %add3A_779 = arith.addf %add3A_699, %mul3A_778 : vector<16xf32>
            %mul3A_780 = arith.constant 128 : i32
            %mul3A_781 = arith.muli %min3A_759, %mul3A_780 : i32
            %add3A_782 = arith.constant 32 : i32
            %add3A_783 = arith.addi %mul3A_781, %add3A_782 : i32
            %get3A_784 = arith.index_cast %add3A_783 : i32 to index
            %get3A_785 = tpu.vector_load %arg7[%get3A_784] {strides = array<i32>} : memref<16000xf32, #tpu.memory_space<vmem>>, vector<16xf32>,
            %mul3A_786 = vector.broadcast %squeeze3A_761 : f32 to vector<16xf32>
            %mul3A_787 = arith.mulf %get3A_785, %mul3A_786 : vector<16xf32>
            %add3A_788 = arith.addf %add3A_708, %mul3A_787 : vector<16xf32>
            %mul3A_789 = arith.constant 128 : i32
            %mul3A_790 = arith.muli %min3A_759, %mul3A_789 : i32
            %add3A_791 = arith.constant 48 : i32
            %add3A_792 = arith.addi %mul3A_790, %add3A_791 : i32
            %get3A_793 = arith.index_cast %add3A_792 : i32 to index
            %get3A_794 = tpu.vector_load %arg7[%get3A_793] {strides = array<i32>} : memref<16000xf32, #tpu.memory_space<vmem>>, vector<16xf32>,
            %mul3A_795 = vector.broadcast %squeeze3A_761 : f32 to vector<16xf32>
            %mul3A_796 = arith.mulf %get3A_794, %mul3A_795 : vector<16xf32>
            %add3A_797 = arith.addf %add3A_717, %mul3A_796 : vector<16xf32>
            %mul3A_798 = arith.constant 128 : i32
            %mul3A_799 = arith.muli %min3A_759, %mul3A_798 : i32
            %add3A_800 = arith.constant 64 : i32
            %add3A_801 = arith.addi %mul3A_799, %add3A_800 : i32
            %get3A_802 = arith.index_cast %add3A_801 : i32 to index
            %get3A_803 = tpu.vector_load %arg7[%get3A_802] {strides = array<i32>} : memref<16000xf32, #tpu.memory_space<vmem>>, vector<16xf32>,
            %mul3A_804 = vector.broadcast %squeeze3A_761 : f32 to vector<16xf32>
            %mul3A_805 = arith.mulf %get3A_803, %mul3A_804 : vector<16xf32>
            %add3A_806 = arith.addf %add3A_726, %mul3A_805 : vector<16xf32>
            %mul3A_807 = arith.constant 128 : i32
            %mul3A_808 = arith.muli %min3A_759, %mul3A_807 : i32
            %add3A_809 = arith.constant 80 : i32
            %add3A_810 = arith.addi %mul3A_808, %add3A_809 : i32
            %get3A_811 = arith.index_cast %add3A_810 : i32 to index
            %get3A_812 = tpu.vector_load %arg7[%get3A_811] {strides = array<i32>} : memref<16000xf32, #tpu.memory_space<vmem>>, vector<16xf32>,
            %mul3A_813 = vector.broadcast %squeeze3A_761 : f32 to vector<16xf32>
            %mul3A_814 = arith.mulf %get3A_812, %mul3A_813 : vector<16xf32>
            %add3A_815 = arith.addf %add3A_735, %mul3A_814 : vector<16xf32>
            %mul3A_816 = arith.constant 128 : i32
            %mul3A_817 = arith.muli %min3A_759, %mul3A_816 : i32
            %add3A_818 = arith.constant 96 : i32
            %add3A_819 = arith.addi %mul3A_817, %add3A_818 : i32
            %get3A_820 = arith.index_cast %add3A_819 : i32 to index
            %get3A_821 = tpu.vector_load %arg7[%get3A_820] {strides = array<i32>} : memref<16000xf32, #tpu.memory_space<vmem>>, vector<16xf32>,
            %mul3A_822 = vector.broadcast %squeeze3A_761 : f32 to vector<16xf32>
            %mul3A_823 = arith.mulf %get3A_821, %mul3A_822 : vector<16xf32>
            %add3A_824 = arith.addf %add3A_744, %mul3A_823 : vector<16xf32>
            %mul3A_825 = arith.constant 128 : i32
            %mul3A_826 = arith.muli %min3A_759, %mul3A_825 : i32
            %add3A_827 = arith.constant 112 : i32
            %add3A_828 = arith.addi %mul3A_826, %add3A_827 : i32
            %get3A_829 = arith.index_cast %add3A_828 : i32 to index
            %get3A_830 = tpu.vector_load %arg7[%get3A_829] {strides = array<i32>} : memref<16000xf32, #tpu.memory_space<vmem>>, vector<16xf32>,
            %mul3A_831 = vector.broadcast %squeeze3A_761 : f32 to vector<16xf32>
            %mul3A_832 = arith.mulf %get3A_830, %mul3A_831 : vector<16xf32>
            %add3A_833 = arith.addf %add3A_753, %mul3A_832 : vector<16xf32>
            %mul3A_834 = arith.constant 16 : i32
            %mul3A_835 = arith.muli %while3A_249, %mul3A_834 : i32
            %add3A_836 = arith.constant 7 : i32
            %add3A_837 = arith.addi %mul3A_835, %add3A_836 : i32
            %min3A_838 = arith.constant 124 : i32
            %min3A_839 = arith.minsi %add3A_837, %min3A_838 : i32
            %slice3A_840 = vector.extract_strided_slice %select_n3A_273 {offsets = [7], sizes = [1], strides = [1]} : vector<16xf32> to vector<1xf32>
            %squeeze3A_841 = vector.extract %slice3A_840[0] : f32 from vector<1xf32>
            %mul3A_842 = arith.constant 128 : i32
            %mul3A_843 = arith.muli %min3A_839, %mul3A_842 : i32
            %add3A_844 = arith.constant 0 : i32
            %add3A_845 = arith.addi %mul3A_843, %add3A_844 : i32
            %get3A_846 = arith.index_cast %add3A_845 : i32 to index
            %get3A_847 = tpu.vector_load %arg7[%get3A_846] {strides = array<i32>} : memref<16000xf32, #tpu.memory_space<vmem>>, vector<16xf32>,
            %mul3A_848 = vector.broadcast %squeeze3A_841 : f32 to vector<16xf32>
            %mul3A_849 = arith.mulf %get3A_847, %mul3A_848 : vector<16xf32>
            %add3A_850 = arith.addf %add3A_770, %mul3A_849 : vector<16xf32>
            %mul3A_851 = arith.constant 128 : i32
            %mul3A_852 = arith.muli %min3A_839, %mul3A_851 : i32
            %add3A_853 = arith.constant 16 : i32
            %add3A_854 = arith.addi %mul3A_852, %add3A_853 : i32
            %get3A_855 = arith.index_cast %add3A_854 : i32 to index
            %get3A_856 = tpu.vector_load %arg7[%get3A_855] {strides = array<i32>} : memref<16000xf32, #tpu.memory_space<vmem>>, vector<16xf32>,
            %mul3A_857 = vector.broadcast %squeeze3A_841 : f32 to vector<16xf32>
            %mul3A_858 = arith.mulf %get3A_856, %mul3A_857 : vector<16xf32>
            %add3A_859 = arith.addf %add3A_779, %mul3A_858 : vector<16xf32>
            %mul3A_860 = arith.constant 128 : i32
            %mul3A_861 = arith.muli %min3A_839, %mul3A_860 : i32
            %add3A_862 = arith.constant 32 : i32
            %add3A_863 = arith.addi %mul3A_861, %add3A_862 : i32
            %get3A_864 = arith.index_cast %add3A_863 : i32 to index
            %get3A_865 = tpu.vector_load %arg7[%get3A_864] {strides = array<i32>} : memref<16000xf32, #tpu.memory_space<vmem>>, vector<16xf32>,
            %mul3A_866 = vector.broadcast %squeeze3A_841 : f32 to vector<16xf32>
            %mul3A_867 = arith.mulf %get3A_865, %mul3A_866 : vector<16xf32>
            %add3A_868 = arith.addf %add3A_788, %mul3A_867 : vector<16xf32>
            %mul3A_869 = arith.constant 128 : i32
            %mul3A_870 = arith.muli %min3A_839, %mul3A_869 : i32
            %add3A_871 = arith.constant 48 : i32
            %add3A_872 = arith.addi %mul3A_870, %add3A_871 : i32
            %get3A_873 = arith.index_cast %add3A_872 : i32 to index
            %get3A_874 = tpu.vector_load %arg7[%get3A_873] {strides = array<i32>} : memref<16000xf32, #tpu.memory_space<vmem>>, vector<16xf32>,
            %mul3A_875 = vector.broadcast %squeeze3A_841 : f32 to vector<16xf32>
            %mul3A_876 = arith.mulf %get3A_874, %mul3A_875 : vector<16xf32>
            %add3A_877 = arith.addf %add3A_797, %mul3A_876 : vector<16xf32>
            %mul3A_878 = arith.constant 128 : i32
            %mul3A_879 = arith.muli %min3A_839, %mul3A_878 : i32
            %add3A_880 = arith.constant 64 : i32
            %add3A_881 = arith.addi %mul3A_879, %add3A_880 : i32
            %get3A_882 = arith.index_cast %add3A_881 : i32 to index
            %get3A_883 = tpu.vector_load %arg7[%get3A_882] {strides = array<i32>} : memref<16000xf32, #tpu.memory_space<vmem>>, vector<16xf32>,
            %mul3A_884 = vector.broadcast %squeeze3A_841 : f32 to vector<16xf32>
            %mul3A_885 = arith.mulf %get3A_883, %mul3A_884 : vector<16xf32>
            %add3A_886 = arith.addf %add3A_806, %mul3A_885 : vector<16xf32>
            %mul3A_887 = arith.constant 128 : i32
            %mul3A_888 = arith.muli %min3A_839, %mul3A_887 : i32
            %add3A_889 = arith.constant 80 : i32
            %add3A_890 = arith.addi %mul3A_888, %add3A_889 : i32
            %get3A_891 = arith.index_cast %add3A_890 : i32 to index
            %get3A_892 = tpu.vector_load %arg7[%get3A_891] {strides = array<i32>} : memref<16000xf32, #tpu.memory_space<vmem>>, vector<16xf32>,
            %mul3A_893 = vector.broadcast %squeeze3A_841 : f32 to vector<16xf32>
            %mul3A_894 = arith.mulf %get3A_892, %mul3A_893 : vector<16xf32>
            %add3A_895 = arith.addf %add3A_815, %mul3A_894 : vector<16xf32>
            %mul3A_896 = arith.constant 128 : i32
            %mul3A_897 = arith.muli %min3A_839, %mul3A_896 : i32
            %add3A_898 = arith.constant 96 : i32
            %add3A_899 = arith.addi %mul3A_897, %add3A_898 : i32
            %get3A_900 = arith.index_cast %add3A_899 : i32 to index
            %get3A_901 = tpu.vector_load %arg7[%get3A_900] {strides = array<i32>} : memref<16000xf32, #tpu.memory_space<vmem>>, vector<16xf32>,
            %mul3A_902 = vector.broadcast %squeeze3A_841 : f32 to vector<16xf32>
            %mul3A_903 = arith.mulf %get3A_901, %mul3A_902 : vector<16xf32>
            %add3A_904 = arith.addf %add3A_824, %mul3A_903 : vector<16xf32>
            %mul3A_905 = arith.constant 128 : i32
            %mul3A_906 = arith.muli %min3A_839, %mul3A_905 : i32
            %add3A_907 = arith.constant 112 : i32
            %add3A_908 = arith.addi %mul3A_906, %add3A_907 : i32
            %get3A_909 = arith.index_cast %add3A_908 : i32 to index
            %get3A_910 = tpu.vector_load %arg7[%get3A_909] {strides = array<i32>} : memref<16000xf32, #tpu.memory_space<vmem>>, vector<16xf32>,
            %mul3A_911 = vector.broadcast %squeeze3A_841 : f32 to vector<16xf32>
            %mul3A_912 = arith.mulf %get3A_910, %mul3A_911 : vector<16xf32>
            %add3A_913 = arith.addf %add3A_833, %mul3A_912 : vector<16xf32>
            %mul3A_914 = arith.constant 16 : i32
            %mul3A_915 = arith.muli %while3A_249, %mul3A_914 : i32
            %add3A_916 = arith.constant 8 : i32
            %add3A_917 = arith.addi %mul3A_915, %add3A_916 : i32
            %min3A_918 = arith.constant 124 : i32
            %min3A_919 = arith.minsi %add3A_917, %min3A_918 : i32
            %slice3A_920 = vector.extract_strided_slice %select_n3A_273 {offsets = [8], sizes = [1], strides = [1]} : vector<16xf32> to vector<1xf32>
            %squeeze3A_921 = vector.extract %slice3A_920[0] : f32 from vector<1xf32>
            %mul3A_922 = arith.constant 128 : i32
            %mul3A_923 = arith.muli %min3A_919, %mul3A_922 : i32
            %add3A_924 = arith.constant 0 : i32
            %add3A_925 = arith.addi %mul3A_923, %add3A_924 : i32
            %get3A_926 = arith.index_cast %add3A_925 : i32 to index
            %get3A_927 = tpu.vector_load %arg7[%get3A_926] {strides = array<i32>} : memref<16000xf32, #tpu.memory_space<vmem>>, vector<16xf32>,
            %mul3A_928 = vector.broadcast %squeeze3A_921 : f32 to vector<16xf32>
            %mul3A_929 = arith.mulf %get3A_927, %mul3A_928 : vector<16xf32>
            %add3A_930 = arith.addf %add3A_850, %mul3A_929 : vector<16xf32>
            %mul3A_931 = arith.constant 128 : i32
            %mul3A_932 = arith.muli %min3A_919, %mul3A_931 : i32
            %add3A_933 = arith.constant 16 : i32
            %add3A_934 = arith.addi %mul3A_932, %add3A_933 : i32
            %get3A_935 = arith.index_cast %add3A_934 : i32 to index
            %get3A_936 = tpu.vector_load %arg7[%get3A_935] {strides = array<i32>} : memref<16000xf32, #tpu.memory_space<vmem>>, vector<16xf32>,
            %mul3A_937 = vector.broadcast %squeeze3A_921 : f32 to vector<16xf32>
            %mul3A_938 = arith.mulf %get3A_936, %mul3A_937 : vector<16xf32>
            %add3A_939 = arith.addf %add3A_859, %mul3A_938 : vector<16xf32>
            %mul3A_940 = arith.constant 128 : i32
            %mul3A_941 = arith.muli %min3A_919, %mul3A_940 : i32
            %add3A_942 = arith.constant 32 : i32
            %add3A_943 = arith.addi %mul3A_941, %add3A_942 : i32
            %get3A_944 = arith.index_cast %add3A_943 : i32 to index
            %get3A_945 = tpu.vector_load %arg7[%get3A_944] {strides = array<i32>} : memref<16000xf32, #tpu.memory_space<vmem>>, vector<16xf32>,
            %mul3A_946 = vector.broadcast %squeeze3A_921 : f32 to vector<16xf32>
            %mul3A_947 = arith.mulf %get3A_945, %mul3A_946 : vector<16xf32>
            %add3A_948 = arith.addf %add3A_868, %mul3A_947 : vector<16xf32>
            %mul3A_949 = arith.constant 128 : i32
            %mul3A_950 = arith.muli %min3A_919, %mul3A_949 : i32
            %add3A_951 = arith.constant 48 : i32
            %add3A_952 = arith.addi %mul3A_950, %add3A_951 : i32
            %get3A_953 = arith.index_cast %add3A_952 : i32 to index
            %get3A_954 = tpu.vector_load %arg7[%get3A_953] {strides = array<i32>} : memref<16000xf32, #tpu.memory_space<vmem>>, vector<16xf32>,
            %mul3A_955 = vector.broadcast %squeeze3A_921 : f32 to vector<16xf32>
            %mul3A_956 = arith.mulf %get3A_954, %mul3A_955 : vector<16xf32>
            %add3A_957 = arith.addf %add3A_877, %mul3A_956 : vector<16xf32>
            %mul3A_958 = arith.constant 128 : i32
            %mul3A_959 = arith.muli %min3A_919, %mul3A_958 : i32
            %add3A_960 = arith.constant 64 : i32
            %add3A_961 = arith.addi %mul3A_959, %add3A_960 : i32
            %get3A_962 = arith.index_cast %add3A_961 : i32 to index
            %get3A_963 = tpu.vector_load %arg7[%get3A_962] {strides = array<i32>} : memref<16000xf32, #tpu.memory_space<vmem>>, vector<16xf32>,
            %mul3A_964 = vector.broadcast %squeeze3A_921 : f32 to vector<16xf32>
            %mul3A_965 = arith.mulf %get3A_963, %mul3A_964 : vector<16xf32>
            %add3A_966 = arith.addf %add3A_886, %mul3A_965 : vector<16xf32>
            %mul3A_967 = arith.constant 128 : i32
            %mul3A_968 = arith.muli %min3A_919, %mul3A_967 : i32
            %add3A_969 = arith.constant 80 : i32
            %add3A_970 = arith.addi %mul3A_968, %add3A_969 : i32
            %get3A_971 = arith.index_cast %add3A_970 : i32 to index
            %get3A_972 = tpu.vector_load %arg7[%get3A_971] {strides = array<i32>} : memref<16000xf32, #tpu.memory_space<vmem>>, vector<16xf32>,
            %mul3A_973 = vector.broadcast %squeeze3A_921 : f32 to vector<16xf32>
            %mul3A_974 = arith.mulf %get3A_972, %mul3A_973 : vector<16xf32>
            %add3A_975 = arith.addf %add3A_895, %mul3A_974 : vector<16xf32>
            %mul3A_976 = arith.constant 128 : i32
            %mul3A_977 = arith.muli %min3A_919, %mul3A_976 : i32
            %add3A_978 = arith.constant 96 : i32
            %add3A_979 = arith.addi %mul3A_977, %add3A_978 : i32
            %get3A_980 = arith.index_cast %add3A_979 : i32 to index
            %get3A_981 = tpu.vector_load %arg7[%get3A_980] {strides = array<i32>} : memref<16000xf32, #tpu.memory_space<vmem>>, vector<16xf32>,
            %mul3A_982 = vector.broadcast %squeeze3A_921 : f32 to vector<16xf32>
            %mul3A_983 = arith.mulf %get3A_981, %mul3A_982 : vector<16xf32>
            %add3A_984 = arith.addf %add3A_904, %mul3A_983 : vector<16xf32>
            %mul3A_985 = arith.constant 128 : i32
            %mul3A_986 = arith.muli %min3A_919, %mul3A_985 : i32
            %add3A_987 = arith.constant 112 : i32
            %add3A_988 = arith.addi %mul3A_986, %add3A_987 : i32
            %get3A_989 = arith.index_cast %add3A_988 : i32 to index
            %get3A_990 = tpu.vector_load %arg7[%get3A_989] {strides = array<i32>} : memref<16000xf32, #tpu.memory_space<vmem>>, vector<16xf32>,
            %mul3A_991 = vector.broadcast %squeeze3A_921 : f32 to vector<16xf32>
            %mul3A_992 = arith.mulf %get3A_990, %mul3A_991 : vector<16xf32>
            %add3A_993 = arith.addf %add3A_913, %mul3A_992 : vector<16xf32>
            %mul3A_994 = arith.constant 16 : i32
            %mul3A_995 = arith.muli %while3A_249, %mul3A_994 : i32
            %add3A_996 = arith.constant 9 : i32
            %add3A_997 = arith.addi %mul3A_995, %add3A_996 : i32
            %min3A_998 = arith.constant 124 : i32
            %min3A_999 = arith.minsi %add3A_997, %min3A_998 : i32
            %slice3A_1000 = vector.extract_strided_slice %select_n3A_273 {offsets = [9], sizes = [1], strides = [1]} : vector<16xf32> to vector<1xf32>
            %squeeze3A_1001 = vector.extract %slice3A_1000[0] : f32 from vector<1xf32>
            %mul3A_1002 = arith.constant 128 : i32
            %mul3A_1003 = arith.muli %min3A_999, %mul3A_1002 : i32
            %add3A_1004 = arith.constant 0 : i32
            %add3A_1005 = arith.addi %mul3A_1003, %add3A_1004 : i32
            %get3A_1006 = arith.index_cast %add3A_1005 : i32 to index
            %get3A_1007 = tpu.vector_load %arg7[%get3A_1006] {strides = array<i32>} : memref<16000xf32, #tpu.memory_space<vmem>>, vector<16xf32>,
            %mul3A_1008 = vector.broadcast %squeeze3A_1001 : f32 to vector<16xf32>
            %mul3A_1009 = arith.mulf %get3A_1007, %mul3A_1008 : vector<16xf32>
            %add3A_1010 = arith.addf %add3A_930, %mul3A_1009 : vector<16xf32>
            %mul3A_1011 = arith.constant 128 : i32
            %mul3A_1012 = arith.muli %min3A_999, %mul3A_1011 : i32
            %add3A_1013 = arith.constant 16 : i32
            %add3A_1014 = arith.addi %mul3A_1012, %add3A_1013 : i32
            %get3A_1015 = arith.index_cast %add3A_1014 : i32 to index
            %get3A_1016 = tpu.vector_load %arg7[%get3A_1015] {strides = array<i32>} : memref<16000xf32, #tpu.memory_space<vmem>>, vector<16xf32>,
            %mul3A_1017 = vector.broadcast %squeeze3A_1001 : f32 to vector<16xf32>
            %mul3A_1018 = arith.mulf %get3A_1016, %mul3A_1017 : vector<16xf32>
            %add3A_1019 = arith.addf %add3A_939, %mul3A_1018 : vector<16xf32>
            %mul3A_1020 = arith.constant 128 : i32
            %mul3A_1021 = arith.muli %min3A_999, %mul3A_1020 : i32
            %add3A_1022 = arith.constant 32 : i32
            %add3A_1023 = arith.addi %mul3A_1021, %add3A_1022 : i32
            %get3A_1024 = arith.index_cast %add3A_1023 : i32 to index
            %get3A_1025 = tpu.vector_load %arg7[%get3A_1024] {strides = array<i32>} : memref<16000xf32, #tpu.memory_space<vmem>>, vector<16xf32>,
            %mul3A_1026 = vector.broadcast %squeeze3A_1001 : f32 to vector<16xf32>
            %mul3A_1027 = arith.mulf %get3A_1025, %mul3A_1026 : vector<16xf32>
            %add3A_1028 = arith.addf %add3A_948, %mul3A_1027 : vector<16xf32>
            %mul3A_1029 = arith.constant 128 : i32
            %mul3A_1030 = arith.muli %min3A_999, %mul3A_1029 : i32
            %add3A_1031 = arith.constant 48 : i32
            %add3A_1032 = arith.addi %mul3A_1030, %add3A_1031 : i32
            %get3A_1033 = arith.index_cast %add3A_1032 : i32 to index
            %get3A_1034 = tpu.vector_load %arg7[%get3A_1033] {strides = array<i32>} : memref<16000xf32, #tpu.memory_space<vmem>>, vector<16xf32>,
            %mul3A_1035 = vector.broadcast %squeeze3A_1001 : f32 to vector<16xf32>
            %mul3A_1036 = arith.mulf %get3A_1034, %mul3A_1035 : vector<16xf32>
            %add3A_1037 = arith.addf %add3A_957, %mul3A_1036 : vector<16xf32>
            %mul3A_1038 = arith.constant 128 : i32
            %mul3A_1039 = arith.muli %min3A_999, %mul3A_1038 : i32
            %add3A_1040 = arith.constant 64 : i32
            %add3A_1041 = arith.addi %mul3A_1039, %add3A_1040 : i32
            %get3A_1042 = arith.index_cast %add3A_1041 : i32 to index
            %get3A_1043 = tpu.vector_load %arg7[%get3A_1042] {strides = array<i32>} : memref<16000xf32, #tpu.memory_space<vmem>>, vector<16xf32>,
            %mul3A_1044 = vector.broadcast %squeeze3A_1001 : f32 to vector<16xf32>
            %mul3A_1045 = arith.mulf %get3A_1043, %mul3A_1044 : vector<16xf32>
            %add3A_1046 = arith.addf %add3A_966, %mul3A_1045 : vector<16xf32>
            %mul3A_1047 = arith.constant 128 : i32
            %mul3A_1048 = arith.muli %min3A_999, %mul3A_1047 : i32
            %add3A_1049 = arith.constant 80 : i32
            %add3A_1050 = arith.addi %mul3A_1048, %add3A_1049 : i32
            %get3A_1051 = arith.index_cast %add3A_1050 : i32 to index
            %get3A_1052 = tpu.vector_load %arg7[%get3A_1051] {strides = array<i32>} : memref<16000xf32, #tpu.memory_space<vmem>>, vector<16xf32>,
            %mul3A_1053 = vector.broadcast %squeeze3A_1001 : f32 to vector<16xf32>
            %mul3A_1054 = arith.mulf %get3A_1052, %mul3A_1053 : vector<16xf32>
            %add3A_1055 = arith.addf %add3A_975, %mul3A_1054 : vector<16xf32>
            %mul3A_1056 = arith.constant 128 : i32
            %mul3A_1057 = arith.muli %min3A_999, %mul3A_1056 : i32
            %add3A_1058 = arith.constant 96 : i32
            %add3A_1059 = arith.addi %mul3A_1057, %add3A_1058 : i32
            %get3A_1060 = arith.index_cast %add3A_1059 : i32 to index
            %get3A_1061 = tpu.vector_load %arg7[%get3A_1060] {strides = array<i32>} : memref<16000xf32, #tpu.memory_space<vmem>>, vector<16xf32>,
            %mul3A_1062 = vector.broadcast %squeeze3A_1001 : f32 to vector<16xf32>
            %mul3A_1063 = arith.mulf %get3A_1061, %mul3A_1062 : vector<16xf32>
            %add3A_1064 = arith.addf %add3A_984, %mul3A_1063 : vector<16xf32>
            %mul3A_1065 = arith.constant 128 : i32
            %mul3A_1066 = arith.muli %min3A_999, %mul3A_1065 : i32
            %add3A_1067 = arith.constant 112 : i32
            %add3A_1068 = arith.addi %mul3A_1066, %add3A_1067 : i32
            %get3A_1069 = arith.index_cast %add3A_1068 : i32 to index
            %get3A_1070 = tpu.vector_load %arg7[%get3A_1069] {strides = array<i32>} : memref<16000xf32, #tpu.memory_space<vmem>>, vector<16xf32>,
            %mul3A_1071 = vector.broadcast %squeeze3A_1001 : f32 to vector<16xf32>
            %mul3A_1072 = arith.mulf %get3A_1070, %mul3A_1071 : vector<16xf32>
            %add3A_1073 = arith.addf %add3A_993, %mul3A_1072 : vector<16xf32>
            %mul3A_1074 = arith.constant 16 : i32
            %mul3A_1075 = arith.muli %while3A_249, %mul3A_1074 : i32
            %add3A_1076 = arith.constant 10 : i32
            %add3A_1077 = arith.addi %mul3A_1075, %add3A_1076 : i32
            %min3A_1078 = arith.constant 124 : i32
            %min3A_1079 = arith.minsi %add3A_1077, %min3A_1078 : i32
            %slice3A_1080 = vector.extract_strided_slice %select_n3A_273 {offsets = [10], sizes = [1], strides = [1]} : vector<16xf32> to vector<1xf32>
            %squeeze3A_1081 = vector.extract %slice3A_1080[0] : f32 from vector<1xf32>
            %mul3A_1082 = arith.constant 128 : i32
            %mul3A_1083 = arith.muli %min3A_1079, %mul3A_1082 : i32
            %add3A_1084 = arith.constant 0 : i32
            %add3A_1085 = arith.addi %mul3A_1083, %add3A_1084 : i32
            %get3A_1086 = arith.index_cast %add3A_1085 : i32 to index
            %get3A_1087 = tpu.vector_load %arg7[%get3A_1086] {strides = array<i32>} : memref<16000xf32, #tpu.memory_space<vmem>>, vector<16xf32>,
            %mul3A_1088 = vector.broadcast %squeeze3A_1081 : f32 to vector<16xf32>
            %mul3A_1089 = arith.mulf %get3A_1087, %mul3A_1088 : vector<16xf32>
            %add3A_1090 = arith.addf %add3A_1010, %mul3A_1089 : vector<16xf32>
            %mul3A_1091 = arith.constant 128 : i32
            %mul3A_1092 = arith.muli %min3A_1079, %mul3A_1091 : i32
            %add3A_1093 = arith.constant 16 : i32
            %add3A_1094 = arith.addi %mul3A_1092, %add3A_1093 : i32
            %get3A_1095 = arith.index_cast %add3A_1094 : i32 to index
            %get3A_1096 = tpu.vector_load %arg7[%get3A_1095] {strides = array<i32>} : memref<16000xf32, #tpu.memory_space<vmem>>, vector<16xf32>,
            %mul3A_1097 = vector.broadcast %squeeze3A_1081 : f32 to vector<16xf32>
            %mul3A_1098 = arith.mulf %get3A_1096, %mul3A_1097 : vector<16xf32>
            %add3A_1099 = arith.addf %add3A_1019, %mul3A_1098 : vector<16xf32>
            %mul3A_1100 = arith.constant 128 : i32
            %mul3A_1101 = arith.muli %min3A_1079, %mul3A_1100 : i32
            %add3A_1102 = arith.constant 32 : i32
            %add3A_1103 = arith.addi %mul3A_1101, %add3A_1102 : i32
            %get3A_1104 = arith.index_cast %add3A_1103 : i32 to index
            %get3A_1105 = tpu.vector_load %arg7[%get3A_1104] {strides = array<i32>} : memref<16000xf32, #tpu.memory_space<vmem>>, vector<16xf32>,
            %mul3A_1106 = vector.broadcast %squeeze3A_1081 : f32 to vector<16xf32>
            %mul3A_1107 = arith.mulf %get3A_1105, %mul3A_1106 : vector<16xf32>
            %add3A_1108 = arith.addf %add3A_1028, %mul3A_1107 : vector<16xf32>
            %mul3A_1109 = arith.constant 128 : i32
            %mul3A_1110 = arith.muli %min3A_1079, %mul3A_1109 : i32
            %add3A_1111 = arith.constant 48 : i32
            %add3A_1112 = arith.addi %mul3A_1110, %add3A_1111 : i32
            %get3A_1113 = arith.index_cast %add3A_1112 : i32 to index
            %get3A_1114 = tpu.vector_load %arg7[%get3A_1113] {strides = array<i32>} : memref<16000xf32, #tpu.memory_space<vmem>>, vector<16xf32>,
            %mul3A_1115 = vector.broadcast %squeeze3A_1081 : f32 to vector<16xf32>
            %mul3A_1116 = arith.mulf %get3A_1114, %mul3A_1115 : vector<16xf32>
            %add3A_1117 = arith.addf %add3A_1037, %mul3A_1116 : vector<16xf32>
            %mul3A_1118 = arith.constant 128 : i32
            %mul3A_1119 = arith.muli %min3A_1079, %mul3A_1118 : i32
            %add3A_1120 = arith.constant 64 : i32
            %add3A_1121 = arith.addi %mul3A_1119, %add3A_1120 : i32
            %get3A_1122 = arith.index_cast %add3A_1121 : i32 to index
            %get3A_1123 = tpu.vector_load %arg7[%get3A_1122] {strides = array<i32>} : memref<16000xf32, #tpu.memory_space<vmem>>, vector<16xf32>,
            %mul3A_1124 = vector.broadcast %squeeze3A_1081 : f32 to vector<16xf32>
            %mul3A_1125 = arith.mulf %get3A_1123, %mul3A_1124 : vector<16xf32>
            %add3A_1126 = arith.addf %add3A_1046, %mul3A_1125 : vector<16xf32>
            %mul3A_1127 = arith.constant 128 : i32
            %mul3A_1128 = arith.muli %min3A_1079, %mul3A_1127 : i32
            %add3A_1129 = arith.constant 80 : i32
            %add3A_1130 = arith.addi %mul3A_1128, %add3A_1129 : i32
            %get3A_1131 = arith.index_cast %add3A_1130 : i32 to index
            %get3A_1132 = tpu.vector_load %arg7[%get3A_1131] {strides = array<i32>} : memref<16000xf32, #tpu.memory_space<vmem>>, vector<16xf32>,
            %mul3A_1133 = vector.broadcast %squeeze3A_1081 : f32 to vector<16xf32>
            %mul3A_1134 = arith.mulf %get3A_1132, %mul3A_1133 : vector<16xf32>
            %add3A_1135 = arith.addf %add3A_1055, %mul3A_1134 : vector<16xf32>
            %mul3A_1136 = arith.constant 128 : i32
            %mul3A_1137 = arith.muli %min3A_1079, %mul3A_1136 : i32
            %add3A_1138 = arith.constant 96 : i32
            %add3A_1139 = arith.addi %mul3A_1137, %add3A_1138 : i32
            %get3A_1140 = arith.index_cast %add3A_1139 : i32 to index
            %get3A_1141 = tpu.vector_load %arg7[%get3A_1140] {strides = array<i32>} : memref<16000xf32, #tpu.memory_space<vmem>>, vector<16xf32>,
            %mul3A_1142 = vector.broadcast %squeeze3A_1081 : f32 to vector<16xf32>
            %mul3A_1143 = arith.mulf %get3A_1141, %mul3A_1142 : vector<16xf32>
            %add3A_1144 = arith.addf %add3A_1064, %mul3A_1143 : vector<16xf32>
            %mul3A_1145 = arith.constant 128 : i32
            %mul3A_1146 = arith.muli %min3A_1079, %mul3A_1145 : i32
            %add3A_1147 = arith.constant 112 : i32
            %add3A_1148 = arith.addi %mul3A_1146, %add3A_1147 : i32
            %get3A_1149 = arith.index_cast %add3A_1148 : i32 to index
            %get3A_1150 = tpu.vector_load %arg7[%get3A_1149] {strides = array<i32>} : memref<16000xf32, #tpu.memory_space<vmem>>, vector<16xf32>,
            %mul3A_1151 = vector.broadcast %squeeze3A_1081 : f32 to vector<16xf32>
            %mul3A_1152 = arith.mulf %get3A_1150, %mul3A_1151 : vector<16xf32>
            %add3A_1153 = arith.addf %add3A_1073, %mul3A_1152 : vector<16xf32>
            %mul3A_1154 = arith.constant 16 : i32
            %mul3A_1155 = arith.muli %while3A_249, %mul3A_1154 : i32
            %add3A_1156 = arith.constant 11 : i32
            %add3A_1157 = arith.addi %mul3A_1155, %add3A_1156 : i32
            %min3A_1158 = arith.constant 124 : i32
            %min3A_1159 = arith.minsi %add3A_1157, %min3A_1158 : i32
            %slice3A_1160 = vector.extract_strided_slice %select_n3A_273 {offsets = [11], sizes = [1], strides = [1]} : vector<16xf32> to vector<1xf32>
            %squeeze3A_1161 = vector.extract %slice3A_1160[0] : f32 from vector<1xf32>
            %mul3A_1162 = arith.constant 128 : i32
            %mul3A_1163 = arith.muli %min3A_1159, %mul3A_1162 : i32
            %add3A_1164 = arith.constant 0 : i32
            %add3A_1165 = arith.addi %mul3A_1163, %add3A_1164 : i32
            %get3A_1166 = arith.index_cast %add3A_1165 : i32 to index
            %get3A_1167 = tpu.vector_load %arg7[%get3A_1166] {strides = array<i32>} : memref<16000xf32, #tpu.memory_space<vmem>>, vector<16xf32>,
            %mul3A_1168 = vector.broadcast %squeeze3A_1161 : f32 to vector<16xf32>
            %mul3A_1169 = arith.mulf %get3A_1167, %mul3A_1168 : vector<16xf32>
            %add3A_1170 = arith.addf %add3A_1090, %mul3A_1169 : vector<16xf32>
            %mul3A_1171 = arith.constant 128 : i32
            %mul3A_1172 = arith.muli %min3A_1159, %mul3A_1171 : i32
            %add3A_1173 = arith.constant 16 : i32
            %add3A_1174 = arith.addi %mul3A_1172, %add3A_1173 : i32
            %get3A_1175 = arith.index_cast %add3A_1174 : i32 to index
            %get3A_1176 = tpu.vector_load %arg7[%get3A_1175] {strides = array<i32>} : memref<16000xf32, #tpu.memory_space<vmem>>, vector<16xf32>,
            %mul3A_1177 = vector.broadcast %squeeze3A_1161 : f32 to vector<16xf32>
            %mul3A_1178 = arith.mulf %get3A_1176, %mul3A_1177 : vector<16xf32>
            %add3A_1179 = arith.addf %add3A_1099, %mul3A_1178 : vector<16xf32>
            %mul3A_1180 = arith.constant 128 : i32
            %mul3A_1181 = arith.muli %min3A_1159, %mul3A_1180 : i32
            %add3A_1182 = arith.constant 32 : i32
            %add3A_1183 = arith.addi %mul3A_1181, %add3A_1182 : i32
            %get3A_1184 = arith.index_cast %add3A_1183 : i32 to index
            %get3A_1185 = tpu.vector_load %arg7[%get3A_1184] {strides = array<i32>} : memref<16000xf32, #tpu.memory_space<vmem>>, vector<16xf32>,
            %mul3A_1186 = vector.broadcast %squeeze3A_1161 : f32 to vector<16xf32>
            %mul3A_1187 = arith.mulf %get3A_1185, %mul3A_1186 : vector<16xf32>
            %add3A_1188 = arith.addf %add3A_1108, %mul3A_1187 : vector<16xf32>
            %mul3A_1189 = arith.constant 128 : i32
            %mul3A_1190 = arith.muli %min3A_1159, %mul3A_1189 : i32
            %add3A_1191 = arith.constant 48 : i32
            %add3A_1192 = arith.addi %mul3A_1190, %add3A_1191 : i32
            %get3A_1193 = arith.index_cast %add3A_1192 : i32 to index
            %get3A_1194 = tpu.vector_load %arg7[%get3A_1193] {strides = array<i32>} : memref<16000xf32, #tpu.memory_space<vmem>>, vector<16xf32>,
            %mul3A_1195 = vector.broadcast %squeeze3A_1161 : f32 to vector<16xf32>
            %mul3A_1196 = arith.mulf %get3A_1194, %mul3A_1195 : vector<16xf32>
            %add3A_1197 = arith.addf %add3A_1117, %mul3A_1196 : vector<16xf32>
            %mul3A_1198 = arith.constant 128 : i32
            %mul3A_1199 = arith.muli %min3A_1159, %mul3A_1198 : i32
            %add3A_1200 = arith.constant 64 : i32
            %add3A_1201 = arith.addi %mul3A_1199, %add3A_1200 : i32
            %get3A_1202 = arith.index_cast %add3A_1201 : i32 to index
            %get3A_1203 = tpu.vector_load %arg7[%get3A_1202] {strides = array<i32>} : memref<16000xf32, #tpu.memory_space<vmem>>, vector<16xf32>,
            %mul3A_1204 = vector.broadcast %squeeze3A_1161 : f32 to vector<16xf32>
            %mul3A_1205 = arith.mulf %get3A_1203, %mul3A_1204 : vector<16xf32>
            %add3A_1206 = arith.addf %add3A_1126, %mul3A_1205 : vector<16xf32>
            %mul3A_1207 = arith.constant 128 : i32
            %mul3A_1208 = arith.muli %min3A_1159, %mul3A_1207 : i32
            %add3A_1209 = arith.constant 80 : i32
            %add3A_1210 = arith.addi %mul3A_1208, %add3A_1209 : i32
            %get3A_1211 = arith.index_cast %add3A_1210 : i32 to index
            %get3A_1212 = tpu.vector_load %arg7[%get3A_1211] {strides = array<i32>} : memref<16000xf32, #tpu.memory_space<vmem>>, vector<16xf32>,
            %mul3A_1213 = vector.broadcast %squeeze3A_1161 : f32 to vector<16xf32>
            %mul3A_1214 = arith.mulf %get3A_1212, %mul3A_1213 : vector<16xf32>
            %add3A_1215 = arith.addf %add3A_1135, %mul3A_1214 : vector<16xf32>
            %mul3A_1216 = arith.constant 128 : i32
            %mul3A_1217 = arith.muli %min3A_1159, %mul3A_1216 : i32
            %add3A_1218 = arith.constant 96 : i32
            %add3A_1219 = arith.addi %mul3A_1217, %add3A_1218 : i32
            %get3A_1220 = arith.index_cast %add3A_1219 : i32 to index
            %get3A_1221 = tpu.vector_load %arg7[%get3A_1220] {strides = array<i32>} : memref<16000xf32, #tpu.memory_space<vmem>>, vector<16xf32>,
            %mul3A_1222 = vector.broadcast %squeeze3A_1161 : f32 to vector<16xf32>
            %mul3A_1223 = arith.mulf %get3A_1221, %mul3A_1222 : vector<16xf32>
            %add3A_1224 = arith.addf %add3A_1144, %mul3A_1223 : vector<16xf32>
            %mul3A_1225 = arith.constant 128 : i32
            %mul3A_1226 = arith.muli %min3A_1159, %mul3A_1225 : i32
            %add3A_1227 = arith.constant 112 : i32
            %add3A_1228 = arith.addi %mul3A_1226, %add3A_1227 : i32
            %get3A_1229 = arith.index_cast %add3A_1228 : i32 to index
            %get3A_1230 = tpu.vector_load %arg7[%get3A_1229] {strides = array<i32>} : memref<16000xf32, #tpu.memory_space<vmem>>, vector<16xf32>,
            %mul3A_1231 = vector.broadcast %squeeze3A_1161 : f32 to vector<16xf32>
            %mul3A_1232 = arith.mulf %get3A_1230, %mul3A_1231 : vector<16xf32>
            %add3A_1233 = arith.addf %add3A_1153, %mul3A_1232 : vector<16xf32>
            %mul3A_1234 = arith.constant 16 : i32
            %mul3A_1235 = arith.muli %while3A_249, %mul3A_1234 : i32
            %add3A_1236 = arith.constant 12 : i32
            %add3A_1237 = arith.addi %mul3A_1235, %add3A_1236 : i32
            %min3A_1238 = arith.constant 124 : i32
            %min3A_1239 = arith.minsi %add3A_1237, %min3A_1238 : i32
            %slice3A_1240 = vector.extract_strided_slice %select_n3A_273 {offsets = [12], sizes = [1], strides = [1]} : vector<16xf32> to vector<1xf32>
            %squeeze3A_1241 = vector.extract %slice3A_1240[0] : f32 from vector<1xf32>
            %mul3A_1242 = arith.constant 128 : i32
            %mul3A_1243 = arith.muli %min3A_1239, %mul3A_1242 : i32
            %add3A_1244 = arith.constant 0 : i32
            %add3A_1245 = arith.addi %mul3A_1243, %add3A_1244 : i32
            %get3A_1246 = arith.index_cast %add3A_1245 : i32 to index
            %get3A_1247 = tpu.vector_load %arg7[%get3A_1246] {strides = array<i32>} : memref<16000xf32, #tpu.memory_space<vmem>>, vector<16xf32>,
            %mul3A_1248 = vector.broadcast %squeeze3A_1241 : f32 to vector<16xf32>
            %mul3A_1249 = arith.mulf %get3A_1247, %mul3A_1248 : vector<16xf32>
            %add3A_1250 = arith.addf %add3A_1170, %mul3A_1249 : vector<16xf32>
            %mul3A_1251 = arith.constant 128 : i32
            %mul3A_1252 = arith.muli %min3A_1239, %mul3A_1251 : i32
            %add3A_1253 = arith.constant 16 : i32
            %add3A_1254 = arith.addi %mul3A_1252, %add3A_1253 : i32
            %get3A_1255 = arith.index_cast %add3A_1254 : i32 to index
            %get3A_1256 = tpu.vector_load %arg7[%get3A_1255] {strides = array<i32>} : memref<16000xf32, #tpu.memory_space<vmem>>, vector<16xf32>,
            %mul3A_1257 = vector.broadcast %squeeze3A_1241 : f32 to vector<16xf32>
            %mul3A_1258 = arith.mulf %get3A_1256, %mul3A_1257 : vector<16xf32>
            %add3A_1259 = arith.addf %add3A_1179, %mul3A_1258 : vector<16xf32>
            %mul3A_1260 = arith.constant 128 : i32
            %mul3A_1261 = arith.muli %min3A_1239, %mul3A_1260 : i32
            %add3A_1262 = arith.constant 32 : i32
            %add3A_1263 = arith.addi %mul3A_1261, %add3A_1262 : i32
            %get3A_1264 = arith.index_cast %add3A_1263 : i32 to index
            %get3A_1265 = tpu.vector_load %arg7[%get3A_1264] {strides = array<i32>} : memref<16000xf32, #tpu.memory_space<vmem>>, vector<16xf32>,
            %mul3A_1266 = vector.broadcast %squeeze3A_1241 : f32 to vector<16xf32>
            %mul3A_1267 = arith.mulf %get3A_1265, %mul3A_1266 : vector<16xf32>
            %add3A_1268 = arith.addf %add3A_1188, %mul3A_1267 : vector<16xf32>
            %mul3A_1269 = arith.constant 128 : i32
            %mul3A_1270 = arith.muli %min3A_1239, %mul3A_1269 : i32
            %add3A_1271 = arith.constant 48 : i32
            %add3A_1272 = arith.addi %mul3A_1270, %add3A_1271 : i32
            %get3A_1273 = arith.index_cast %add3A_1272 : i32 to index
            %get3A_1274 = tpu.vector_load %arg7[%get3A_1273] {strides = array<i32>} : memref<16000xf32, #tpu.memory_space<vmem>>, vector<16xf32>,
            %mul3A_1275 = vector.broadcast %squeeze3A_1241 : f32 to vector<16xf32>
            %mul3A_1276 = arith.mulf %get3A_1274, %mul3A_1275 : vector<16xf32>
            %add3A_1277 = arith.addf %add3A_1197, %mul3A_1276 : vector<16xf32>
            %mul3A_1278 = arith.constant 128 : i32
            %mul3A_1279 = arith.muli %min3A_1239, %mul3A_1278 : i32
            %add3A_1280 = arith.constant 64 : i32
            %add3A_1281 = arith.addi %mul3A_1279, %add3A_1280 : i32
            %get3A_1282 = arith.index_cast %add3A_1281 : i32 to index
            %get3A_1283 = tpu.vector_load %arg7[%get3A_1282] {strides = array<i32>} : memref<16000xf32, #tpu.memory_space<vmem>>, vector<16xf32>,
            %mul3A_1284 = vector.broadcast %squeeze3A_1241 : f32 to vector<16xf32>
            %mul3A_1285 = arith.mulf %get3A_1283, %mul3A_1284 : vector<16xf32>
            %add3A_1286 = arith.addf %add3A_1206, %mul3A_1285 : vector<16xf32>
            %mul3A_1287 = arith.constant 128 : i32
            %mul3A_1288 = arith.muli %min3A_1239, %mul3A_1287 : i32
            %add3A_1289 = arith.constant 80 : i32
            %add3A_1290 = arith.addi %mul3A_1288, %add3A_1289 : i32
            %get3A_1291 = arith.index_cast %add3A_1290 : i32 to index
            %get3A_1292 = tpu.vector_load %arg7[%get3A_1291] {strides = array<i32>} : memref<16000xf32, #tpu.memory_space<vmem>>, vector<16xf32>,
            %mul3A_1293 = vector.broadcast %squeeze3A_1241 : f32 to vector<16xf32>
            %mul3A_1294 = arith.mulf %get3A_1292, %mul3A_1293 : vector<16xf32>
            %add3A_1295 = arith.addf %add3A_1215, %mul3A_1294 : vector<16xf32>
            %mul3A_1296 = arith.constant 128 : i32
            %mul3A_1297 = arith.muli %min3A_1239, %mul3A_1296 : i32
            %add3A_1298 = arith.constant 96 : i32
            %add3A_1299 = arith.addi %mul3A_1297, %add3A_1298 : i32
            %get3A_1300 = arith.index_cast %add3A_1299 : i32 to index
            %get3A_1301 = tpu.vector_load %arg7[%get3A_1300] {strides = array<i32>} : memref<16000xf32, #tpu.memory_space<vmem>>, vector<16xf32>,
            %mul3A_1302 = vector.broadcast %squeeze3A_1241 : f32 to vector<16xf32>
            %mul3A_1303 = arith.mulf %get3A_1301, %mul3A_1302 : vector<16xf32>
            %add3A_1304 = arith.addf %add3A_1224, %mul3A_1303 : vector<16xf32>
            %mul3A_1305 = arith.constant 128 : i32
            %mul3A_1306 = arith.muli %min3A_1239, %mul3A_1305 : i32
            %add3A_1307 = arith.constant 112 : i32
            %add3A_1308 = arith.addi %mul3A_1306, %add3A_1307 : i32
            %get3A_1309 = arith.index_cast %add3A_1308 : i32 to index
            %get3A_1310 = tpu.vector_load %arg7[%get3A_1309] {strides = array<i32>} : memref<16000xf32, #tpu.memory_space<vmem>>, vector<16xf32>,
            %mul3A_1311 = vector.broadcast %squeeze3A_1241 : f32 to vector<16xf32>
            %mul3A_1312 = arith.mulf %get3A_1310, %mul3A_1311 : vector<16xf32>
            %add3A_1313 = arith.addf %add3A_1233, %mul3A_1312 : vector<16xf32>
            %mul3A_1314 = arith.constant 16 : i32
            %mul3A_1315 = arith.muli %while3A_249, %mul3A_1314 : i32
            %add3A_1316 = arith.constant 13 : i32
            %add3A_1317 = arith.addi %mul3A_1315, %add3A_1316 : i32
            %min3A_1318 = arith.constant 124 : i32
            %min3A_1319 = arith.minsi %add3A_1317, %min3A_1318 : i32
            %slice3A_1320 = vector.extract_strided_slice %select_n3A_273 {offsets = [13], sizes = [1], strides = [1]} : vector<16xf32> to vector<1xf32>
            %squeeze3A_1321 = vector.extract %slice3A_1320[0] : f32 from vector<1xf32>
            %mul3A_1322 = arith.constant 128 : i32
            %mul3A_1323 = arith.muli %min3A_1319, %mul3A_1322 : i32
            %add3A_1324 = arith.constant 0 : i32
            %add3A_1325 = arith.addi %mul3A_1323, %add3A_1324 : i32
            %get3A_1326 = arith.index_cast %add3A_1325 : i32 to index
            %get3A_1327 = tpu.vector_load %arg7[%get3A_1326] {strides = array<i32>} : memref<16000xf32, #tpu.memory_space<vmem>>, vector<16xf32>,
            %mul3A_1328 = vector.broadcast %squeeze3A_1321 : f32 to vector<16xf32>
            %mul3A_1329 = arith.mulf %get3A_1327, %mul3A_1328 : vector<16xf32>
            %add3A_1330 = arith.addf %add3A_1250, %mul3A_1329 : vector<16xf32>
            %mul3A_1331 = arith.constant 128 : i32
            %mul3A_1332 = arith.muli %min3A_1319, %mul3A_1331 : i32
            %add3A_1333 = arith.constant 16 : i32
            %add3A_1334 = arith.addi %mul3A_1332, %add3A_1333 : i32
            %get3A_1335 = arith.index_cast %add3A_1334 : i32 to index
            %get3A_1336 = tpu.vector_load %arg7[%get3A_1335] {strides = array<i32>} : memref<16000xf32, #tpu.memory_space<vmem>>, vector<16xf32>,
            %mul3A_1337 = vector.broadcast %squeeze3A_1321 : f32 to vector<16xf32>
            %mul3A_1338 = arith.mulf %get3A_1336, %mul3A_1337 : vector<16xf32>
            %add3A_1339 = arith.addf %add3A_1259, %mul3A_1338 : vector<16xf32>
            %mul3A_1340 = arith.constant 128 : i32
            %mul3A_1341 = arith.muli %min3A_1319, %mul3A_1340 : i32
            %add3A_1342 = arith.constant 32 : i32
            %add3A_1343 = arith.addi %mul3A_1341, %add3A_1342 : i32
            %get3A_1344 = arith.index_cast %add3A_1343 : i32 to index
            %get3A_1345 = tpu.vector_load %arg7[%get3A_1344] {strides = array<i32>} : memref<16000xf32, #tpu.memory_space<vmem>>, vector<16xf32>,
            %mul3A_1346 = vector.broadcast %squeeze3A_1321 : f32 to vector<16xf32>
            %mul3A_1347 = arith.mulf %get3A_1345, %mul3A_1346 : vector<16xf32>
            %add3A_1348 = arith.addf %add3A_1268, %mul3A_1347 : vector<16xf32>
            %mul3A_1349 = arith.constant 128 : i32
            %mul3A_1350 = arith.muli %min3A_1319, %mul3A_1349 : i32
            %add3A_1351 = arith.constant 48 : i32
            %add3A_1352 = arith.addi %mul3A_1350, %add3A_1351 : i32
            %get3A_1353 = arith.index_cast %add3A_1352 : i32 to index
            %get3A_1354 = tpu.vector_load %arg7[%get3A_1353] {strides = array<i32>} : memref<16000xf32, #tpu.memory_space<vmem>>, vector<16xf32>,
            %mul3A_1355 = vector.broadcast %squeeze3A_1321 : f32 to vector<16xf32>
            %mul3A_1356 = arith.mulf %get3A_1354, %mul3A_1355 : vector<16xf32>
            %add3A_1357 = arith.addf %add3A_1277, %mul3A_1356 : vector<16xf32>
            %mul3A_1358 = arith.constant 128 : i32
            %mul3A_1359 = arith.muli %min3A_1319, %mul3A_1358 : i32
            %add3A_1360 = arith.constant 64 : i32
            %add3A_1361 = arith.addi %mul3A_1359, %add3A_1360 : i32
            %get3A_1362 = arith.index_cast %add3A_1361 : i32 to index
            %get3A_1363 = tpu.vector_load %arg7[%get3A_1362] {strides = array<i32>} : memref<16000xf32, #tpu.memory_space<vmem>>, vector<16xf32>,
            %mul3A_1364 = vector.broadcast %squeeze3A_1321 : f32 to vector<16xf32>
            %mul3A_1365 = arith.mulf %get3A_1363, %mul3A_1364 : vector<16xf32>
            %add3A_1366 = arith.addf %add3A_1286, %mul3A_1365 : vector<16xf32>
            %mul3A_1367 = arith.constant 128 : i32
            %mul3A_1368 = arith.muli %min3A_1319, %mul3A_1367 : i32
            %add3A_1369 = arith.constant 80 : i32
            %add3A_1370 = arith.addi %mul3A_1368, %add3A_1369 : i32
            %get3A_1371 = arith.index_cast %add3A_1370 : i32 to index
            %get3A_1372 = tpu.vector_load %arg7[%get3A_1371] {strides = array<i32>} : memref<16000xf32, #tpu.memory_space<vmem>>, vector<16xf32>,
            %mul3A_1373 = vector.broadcast %squeeze3A_1321 : f32 to vector<16xf32>
            %mul3A_1374 = arith.mulf %get3A_1372, %mul3A_1373 : vector<16xf32>
            %add3A_1375 = arith.addf %add3A_1295, %mul3A_1374 : vector<16xf32>
            %mul3A_1376 = arith.constant 128 : i32
            %mul3A_1377 = arith.muli %min3A_1319, %mul3A_1376 : i32
            %add3A_1378 = arith.constant 96 : i32
            %add3A_1379 = arith.addi %mul3A_1377, %add3A_1378 : i32
            %get3A_1380 = arith.index_cast %add3A_1379 : i32 to index
            %get3A_1381 = tpu.vector_load %arg7[%get3A_1380] {strides = array<i32>} : memref<16000xf32, #tpu.memory_space<vmem>>, vector<16xf32>,
            %mul3A_1382 = vector.broadcast %squeeze3A_1321 : f32 to vector<16xf32>
            %mul3A_1383 = arith.mulf %get3A_1381, %mul3A_1382 : vector<16xf32>
            %add3A_1384 = arith.addf %add3A_1304, %mul3A_1383 : vector<16xf32>
            %mul3A_1385 = arith.constant 128 : i32
            %mul3A_1386 = arith.muli %min3A_1319, %mul3A_1385 : i32
            %add3A_1387 = arith.constant 112 : i32
            %add3A_1388 = arith.addi %mul3A_1386, %add3A_1387 : i32
            %get3A_1389 = arith.index_cast %add3A_1388 : i32 to index
            %get3A_1390 = tpu.vector_load %arg7[%get3A_1389] {strides = array<i32>} : memref<16000xf32, #tpu.memory_space<vmem>>, vector<16xf32>,
            %mul3A_1391 = vector.broadcast %squeeze3A_1321 : f32 to vector<16xf32>
            %mul3A_1392 = arith.mulf %get3A_1390, %mul3A_1391 : vector<16xf32>
            %add3A_1393 = arith.addf %add3A_1313, %mul3A_1392 : vector<16xf32>
            %mul3A_1394 = arith.constant 16 : i32
            %mul3A_1395 = arith.muli %while3A_249, %mul3A_1394 : i32
            %add3A_1396 = arith.constant 14 : i32
            %add3A_1397 = arith.addi %mul3A_1395, %add3A_1396 : i32
            %min3A_1398 = arith.constant 124 : i32
            %min3A_1399 = arith.minsi %add3A_1397, %min3A_1398 : i32
            %slice3A_1400 = vector.extract_strided_slice %select_n3A_273 {offsets = [14], sizes = [1], strides = [1]} : vector<16xf32> to vector<1xf32>
            %squeeze3A_1401 = vector.extract %slice3A_1400[0] : f32 from vector<1xf32>
            %mul3A_1402 = arith.constant 128 : i32
            %mul3A_1403 = arith.muli %min3A_1399, %mul3A_1402 : i32
            %add3A_1404 = arith.constant 0 : i32
            %add3A_1405 = arith.addi %mul3A_1403, %add3A_1404 : i32
            %get3A_1406 = arith.index_cast %add3A_1405 : i32 to index
            %get3A_1407 = tpu.vector_load %arg7[%get3A_1406] {strides = array<i32>} : memref<16000xf32, #tpu.memory_space<vmem>>, vector<16xf32>,
            %mul3A_1408 = vector.broadcast %squeeze3A_1401 : f32 to vector<16xf32>
            %mul3A_1409 = arith.mulf %get3A_1407, %mul3A_1408 : vector<16xf32>
            %add3A_1410 = arith.addf %add3A_1330, %mul3A_1409 : vector<16xf32>
            %mul3A_1411 = arith.constant 128 : i32
            %mul3A_1412 = arith.muli %min3A_1399, %mul3A_1411 : i32
            %add3A_1413 = arith.constant 16 : i32
            %add3A_1414 = arith.addi %mul3A_1412, %add3A_1413 : i32
            %get3A_1415 = arith.index_cast %add3A_1414 : i32 to index
            %get3A_1416 = tpu.vector_load %arg7[%get3A_1415] {strides = array<i32>} : memref<16000xf32, #tpu.memory_space<vmem>>, vector<16xf32>,
            %mul3A_1417 = vector.broadcast %squeeze3A_1401 : f32 to vector<16xf32>
            %mul3A_1418 = arith.mulf %get3A_1416, %mul3A_1417 : vector<16xf32>
            %add3A_1419 = arith.addf %add3A_1339, %mul3A_1418 : vector<16xf32>
            %mul3A_1420 = arith.constant 128 : i32
            %mul3A_1421 = arith.muli %min3A_1399, %mul3A_1420 : i32
            %add3A_1422 = arith.constant 32 : i32
            %add3A_1423 = arith.addi %mul3A_1421, %add3A_1422 : i32
            %get3A_1424 = arith.index_cast %add3A_1423 : i32 to index
            %get3A_1425 = tpu.vector_load %arg7[%get3A_1424] {strides = array<i32>} : memref<16000xf32, #tpu.memory_space<vmem>>, vector<16xf32>,
            %mul3A_1426 = vector.broadcast %squeeze3A_1401 : f32 to vector<16xf32>
            %mul3A_1427 = arith.mulf %get3A_1425, %mul3A_1426 : vector<16xf32>
            %add3A_1428 = arith.addf %add3A_1348, %mul3A_1427 : vector<16xf32>
            %mul3A_1429 = arith.constant 128 : i32
            %mul3A_1430 = arith.muli %min3A_1399, %mul3A_1429 : i32
            %add3A_1431 = arith.constant 48 : i32
            %add3A_1432 = arith.addi %mul3A_1430, %add3A_1431 : i32
            %get3A_1433 = arith.index_cast %add3A_1432 : i32 to index
            %get3A_1434 = tpu.vector_load %arg7[%get3A_1433] {strides = array<i32>} : memref<16000xf32, #tpu.memory_space<vmem>>, vector<16xf32>,
            %mul3A_1435 = vector.broadcast %squeeze3A_1401 : f32 to vector<16xf32>
            %mul3A_1436 = arith.mulf %get3A_1434, %mul3A_1435 : vector<16xf32>
            %add3A_1437 = arith.addf %add3A_1357, %mul3A_1436 : vector<16xf32>
            %mul3A_1438 = arith.constant 128 : i32
            %mul3A_1439 = arith.muli %min3A_1399, %mul3A_1438 : i32
            %add3A_1440 = arith.constant 64 : i32
            %add3A_1441 = arith.addi %mul3A_1439, %add3A_1440 : i32
            %get3A_1442 = arith.index_cast %add3A_1441 : i32 to index
            %get3A_1443 = tpu.vector_load %arg7[%get3A_1442] {strides = array<i32>} : memref<16000xf32, #tpu.memory_space<vmem>>, vector<16xf32>,
            %mul3A_1444 = vector.broadcast %squeeze3A_1401 : f32 to vector<16xf32>
            %mul3A_1445 = arith.mulf %get3A_1443, %mul3A_1444 : vector<16xf32>
            %add3A_1446 = arith.addf %add3A_1366, %mul3A_1445 : vector<16xf32>
            %mul3A_1447 = arith.constant 128 : i32
            %mul3A_1448 = arith.muli %min3A_1399, %mul3A_1447 : i32
            %add3A_1449 = arith.constant 80 : i32
            %add3A_1450 = arith.addi %mul3A_1448, %add3A_1449 : i32
            %get3A_1451 = arith.index_cast %add3A_1450 : i32 to index
            %get3A_1452 = tpu.vector_load %arg7[%get3A_1451] {strides = array<i32>} : memref<16000xf32, #tpu.memory_space<vmem>>, vector<16xf32>,
            %mul3A_1453 = vector.broadcast %squeeze3A_1401 : f32 to vector<16xf32>
            %mul3A_1454 = arith.mulf %get3A_1452, %mul3A_1453 : vector<16xf32>
            %add3A_1455 = arith.addf %add3A_1375, %mul3A_1454 : vector<16xf32>
            %mul3A_1456 = arith.constant 128 : i32
            %mul3A_1457 = arith.muli %min3A_1399, %mul3A_1456 : i32
            %add3A_1458 = arith.constant 96 : i32
            %add3A_1459 = arith.addi %mul3A_1457, %add3A_1458 : i32
            %get3A_1460 = arith.index_cast %add3A_1459 : i32 to index
            %get3A_1461 = tpu.vector_load %arg7[%get3A_1460] {strides = array<i32>} : memref<16000xf32, #tpu.memory_space<vmem>>, vector<16xf32>,
            %mul3A_1462 = vector.broadcast %squeeze3A_1401 : f32 to vector<16xf32>
            %mul3A_1463 = arith.mulf %get3A_1461, %mul3A_1462 : vector<16xf32>
            %add3A_1464 = arith.addf %add3A_1384, %mul3A_1463 : vector<16xf32>
            %mul3A_1465 = arith.constant 128 : i32
            %mul3A_1466 = arith.muli %min3A_1399, %mul3A_1465 : i32
            %add3A_1467 = arith.constant 112 : i32
            %add3A_1468 = arith.addi %mul3A_1466, %add3A_1467 : i32
            %get3A_1469 = arith.index_cast %add3A_1468 : i32 to index
            %get3A_1470 = tpu.vector_load %arg7[%get3A_1469] {strides = array<i32>} : memref<16000xf32, #tpu.memory_space<vmem>>, vector<16xf32>,
            %mul3A_1471 = vector.broadcast %squeeze3A_1401 : f32 to vector<16xf32>
            %mul3A_1472 = arith.mulf %get3A_1470, %mul3A_1471 : vector<16xf32>
            %add3A_1473 = arith.addf %add3A_1393, %mul3A_1472 : vector<16xf32>
            %mul3A_1474 = arith.constant 16 : i32
            %mul3A_1475 = arith.muli %while3A_249, %mul3A_1474 : i32
            %add3A_1476 = arith.constant 15 : i32
            %add3A_1477 = arith.addi %mul3A_1475, %add3A_1476 : i32
            %min3A_1478 = arith.constant 124 : i32
            %min3A_1479 = arith.minsi %add3A_1477, %min3A_1478 : i32
            %slice3A_1480 = vector.extract_strided_slice %select_n3A_273 {offsets = [15], sizes = [1], strides = [1]} : vector<16xf32> to vector<1xf32>
            %squeeze3A_1481 = vector.extract %slice3A_1480[0] : f32 from vector<1xf32>
            %mul3A_1482 = arith.constant 128 : i32
            %mul3A_1483 = arith.muli %min3A_1479, %mul3A_1482 : i32
            %add3A_1484 = arith.constant 0 : i32
            %add3A_1485 = arith.addi %mul3A_1483, %add3A_1484 : i32
            %get3A_1486 = arith.index_cast %add3A_1485 : i32 to index
            %get3A_1487 = tpu.vector_load %arg7[%get3A_1486] {strides = array<i32>} : memref<16000xf32, #tpu.memory_space<vmem>>, vector<16xf32>,
            %mul3A_1488 = vector.broadcast %squeeze3A_1481 : f32 to vector<16xf32>
            %mul3A_1489 = arith.mulf %get3A_1487, %mul3A_1488 : vector<16xf32>
            %add3A_1490 = arith.addf %add3A_1410, %mul3A_1489 : vector<16xf32>
            %mul3A_1491 = arith.constant 128 : i32
            %mul3A_1492 = arith.muli %min3A_1479, %mul3A_1491 : i32
            %add3A_1493 = arith.constant 16 : i32
            %add3A_1494 = arith.addi %mul3A_1492, %add3A_1493 : i32
            %get3A_1495 = arith.index_cast %add3A_1494 : i32 to index
            %get3A_1496 = tpu.vector_load %arg7[%get3A_1495] {strides = array<i32>} : memref<16000xf32, #tpu.memory_space<vmem>>, vector<16xf32>,
            %mul3A_1497 = vector.broadcast %squeeze3A_1481 : f32 to vector<16xf32>
            %mul3A_1498 = arith.mulf %get3A_1496, %mul3A_1497 : vector<16xf32>
            %add3A_1499 = arith.addf %add3A_1419, %mul3A_1498 : vector<16xf32>
            %mul3A_1500 = arith.constant 128 : i32
            %mul3A_1501 = arith.muli %min3A_1479, %mul3A_1500 : i32
            %add3A_1502 = arith.constant 32 : i32
            %add3A_1503 = arith.addi %mul3A_1501, %add3A_1502 : i32
            %get3A_1504 = arith.index_cast %add3A_1503 : i32 to index
            %get3A_1505 = tpu.vector_load %arg7[%get3A_1504] {strides = array<i32>} : memref<16000xf32, #tpu.memory_space<vmem>>, vector<16xf32>,
            %mul3A_1506 = vector.broadcast %squeeze3A_1481 : f32 to vector<16xf32>
            %mul3A_1507 = arith.mulf %get3A_1505, %mul3A_1506 : vector<16xf32>
            %add3A_1508 = arith.addf %add3A_1428, %mul3A_1507 : vector<16xf32>
            %mul3A_1509 = arith.constant 128 : i32
            %mul3A_1510 = arith.muli %min3A_1479, %mul3A_1509 : i32
            %add3A_1511 = arith.constant 48 : i32
            %add3A_1512 = arith.addi %mul3A_1510, %add3A_1511 : i32
            %get3A_1513 = arith.index_cast %add3A_1512 : i32 to index
            %get3A_1514 = tpu.vector_load %arg7[%get3A_1513] {strides = array<i32>} : memref<16000xf32, #tpu.memory_space<vmem>>, vector<16xf32>,
            %mul3A_1515 = vector.broadcast %squeeze3A_1481 : f32 to vector<16xf32>
            %mul3A_1516 = arith.mulf %get3A_1514, %mul3A_1515 : vector<16xf32>
            %add3A_1517 = arith.addf %add3A_1437, %mul3A_1516 : vector<16xf32>
            %mul3A_1518 = arith.constant 128 : i32
            %mul3A_1519 = arith.muli %min3A_1479, %mul3A_1518 : i32
            %add3A_1520 = arith.constant 64 : i32
            %add3A_1521 = arith.addi %mul3A_1519, %add3A_1520 : i32
            %get3A_1522 = arith.index_cast %add3A_1521 : i32 to index
            %get3A_1523 = tpu.vector_load %arg7[%get3A_1522] {strides = array<i32>} : memref<16000xf32, #tpu.memory_space<vmem>>, vector<16xf32>,
            %mul3A_1524 = vector.broadcast %squeeze3A_1481 : f32 to vector<16xf32>
            %mul3A_1525 = arith.mulf %get3A_1523, %mul3A_1524 : vector<16xf32>
            %add3A_1526 = arith.addf %add3A_1446, %mul3A_1525 : vector<16xf32>
            %mul3A_1527 = arith.constant 128 : i32
            %mul3A_1528 = arith.muli %min3A_1479, %mul3A_1527 : i32
            %add3A_1529 = arith.constant 80 : i32
            %add3A_1530 = arith.addi %mul3A_1528, %add3A_1529 : i32
            %get3A_1531 = arith.index_cast %add3A_1530 : i32 to index
            %get3A_1532 = tpu.vector_load %arg7[%get3A_1531] {strides = array<i32>} : memref<16000xf32, #tpu.memory_space<vmem>>, vector<16xf32>,
            %mul3A_1533 = vector.broadcast %squeeze3A_1481 : f32 to vector<16xf32>
            %mul3A_1534 = arith.mulf %get3A_1532, %mul3A_1533 : vector<16xf32>
            %add3A_1535 = arith.addf %add3A_1455, %mul3A_1534 : vector<16xf32>
            %mul3A_1536 = arith.constant 128 : i32
            %mul3A_1537 = arith.muli %min3A_1479, %mul3A_1536 : i32
            %add3A_1538 = arith.constant 96 : i32
            %add3A_1539 = arith.addi %mul3A_1537, %add3A_1538 : i32
            %get3A_1540 = arith.index_cast %add3A_1539 : i32 to index
            %get3A_1541 = tpu.vector_load %arg7[%get3A_1540] {strides = array<i32>} : memref<16000xf32, #tpu.memory_space<vmem>>, vector<16xf32>,
            %mul3A_1542 = vector.broadcast %squeeze3A_1481 : f32 to vector<16xf32>
            %mul3A_1543 = arith.mulf %get3A_1541, %mul3A_1542 : vector<16xf32>
            %add3A_1544 = arith.addf %add3A_1464, %mul3A_1543 : vector<16xf32>
            %mul3A_1545 = arith.constant 128 : i32
            %mul3A_1546 = arith.muli %min3A_1479, %mul3A_1545 : i32
            %add3A_1547 = arith.constant 112 : i32
            %add3A_1548 = arith.addi %mul3A_1546, %add3A_1547 : i32
            %get3A_1549 = arith.index_cast %add3A_1548 : i32 to index
            %get3A_1550 = tpu.vector_load %arg7[%get3A_1549] {strides = array<i32>} : memref<16000xf32, #tpu.memory_space<vmem>>, vector<16xf32>,
            %mul3A_1551 = vector.broadcast %squeeze3A_1481 : f32 to vector<16xf32>
            %mul3A_1552 = arith.mulf %get3A_1550, %mul3A_1551 : vector<16xf32>
            %add3A_1553 = arith.addf %add3A_1473, %mul3A_1552 : vector<16xf32>
            %reduce_sum3A = arith.constant true
            %reduce_sum3A_1554 = vector.broadcast %reduce_sum3A : i1 to vector<16xi1>
            %reduce_sum3A_1555 = tpu.scan <sum>, %select_n3A_273 masked %reduce_sum3A_1554 : vector<16xf32>, vector<16xi1> -> vector<16xf32>
            %reduce_sum3A_1556 = vector.extract %reduce_sum3A_1555[15] : f32 from vector<16xf32>
            %add3A_1557 = arith.addf %while3A_258, %reduce_sum3A_1556 : f32
            scf.yield %add3A_1490, %add3A_1499, %add3A_1508, %add3A_1517, %add3A_1526, %add3A_1535, %add3A_1544, %add3A_1553, %add3A_1557 : vector<16xf32>, vector<16xf32>, vector<16xf32>, vector<16xf32>, vector<16xf32>, vector<16xf32>, vector<16xf32>, vector<16xf32>, f32
          }
          %while3A_181 = arith.constant 1 : i32
          %while3A_182:9 = scf.for %while3A_249 = %while3A_178 to %while3A_174 step %while3A_181 iter_args(%while3A_250 = %while3A_180#0, %while3A_251 = %while3A_180#1, %while3A_252 = %while3A_180#2, %while3A_253 = %while3A_180#3, %while3A_254 = %while3A_180#4, %while3A_255 = %while3A_180#5, %while3A_256 = %while3A_180#6, %while3A_257 = %while3A_180#7, %while3A_258 = %while3A_180#8) -> (vector<16xf32>, vector<16xf32>, vector<16xf32>, vector<16xf32>, vector<16xf32>, vector<16xf32>, vector<16xf32>, vector<16xf32>, f32)  : i32 {
            %mul3A_259 = arith.constant 16 : i32
            %mul3A_260 = arith.muli %while3A_249, %mul3A_259 : i32
            %get3A_261 = arith.index_cast %mul3A_260 : i32 to index
            %get3A_262 = tpu.vector_load %arg8[%get3A_261] {strides = array<i32>} : memref<128xf32, #tpu.memory_space<vmem>>, vector<16xf32>,
            %mul3A_263 = arith.constant 16 : i32
            %mul3A_264 = arith.muli %while3A_249, %mul3A_263 : i32
            %add3A_265 = vector.broadcast %mul3A_264 : i32 to vector<16xi32>
            %add3A_266 = arith.addi %add3A_265, %iota3A : vector<16xi32>
            %ge3A = vector.broadcast %min3A_69 : i32 to vector<16xi32>
            %ge3A_267 = arith.cmpi sge, %add3A_266, %ge3A : vector<16xi32>
            %lt3A_268 = vector.broadcast %min3A_76 : i32 to vector<16xi32>
            %lt3A_269 = arith.cmpi slt, %add3A_266, %lt3A_268 : vector<16xi32>
            %and3A_270 = arith.andi %ge3A_267, %lt3A_269 : vector<16xi1>
            %jit3A_271 = arith.constant 0.000000e+00 : f32
            %broadcast_in_dim3A_272 = vector.broadcast %jit3A_271 : f32 to vector<16xf32>
            %select_n3A_273 = arith.select %and3A_270, %get3A_262, %broadcast_in_dim3A_272 : vector<16xi1>, vector<16xf32>
            %mul3A_274 = arith.constant 16 : i32
            %mul3A_275 = arith.muli %while3A_249, %mul3A_274 : i32
            %add3A_276 = arith.constant 0 : i32
            %add3A_277 = arith.addi %mul3A_275, %add3A_276 : i32
            %min3A_278 = arith.constant 124 : i32
            %min3A_279 = arith.minsi %add3A_277, %min3A_278 : i32
            %slice3A_280 = vector.extract_strided_slice %select_n3A_273 {offsets = [0], sizes = [1], strides = [1]} : vector<16xf32> to vector<1xf32>
            %squeeze3A_281 = vector.extract %slice3A_280[0] : f32 from vector<1xf32>
            %mul3A_282 = arith.constant 128 : i32
            %mul3A_283 = arith.muli %min3A_279, %mul3A_282 : i32
            %add3A_284 = arith.constant 0 : i32
            %add3A_285 = arith.addi %mul3A_283, %add3A_284 : i32
            %get3A_286 = arith.index_cast %add3A_285 : i32 to index
            %get3A_287 = tpu.vector_load %arg7[%get3A_286] {strides = array<i32>} : memref<16000xf32, #tpu.memory_space<vmem>>, vector<16xf32>,
            %mul3A_288 = vector.broadcast %squeeze3A_281 : f32 to vector<16xf32>
            %mul3A_289 = arith.mulf %get3A_287, %mul3A_288 : vector<16xf32>
            %add3A_290 = arith.addf %while3A_250, %mul3A_289 : vector<16xf32>
            %mul3A_291 = arith.constant 128 : i32
            %mul3A_292 = arith.muli %min3A_279, %mul3A_291 : i32
            %add3A_293 = arith.constant 16 : i32
            %add3A_294 = arith.addi %mul3A_292, %add3A_293 : i32
            %get3A_295 = arith.index_cast %add3A_294 : i32 to index
            %get3A_296 = tpu.vector_load %arg7[%get3A_295] {strides = array<i32>} : memref<16000xf32, #tpu.memory_space<vmem>>, vector<16xf32>,
            %mul3A_297 = vector.broadcast %squeeze3A_281 : f32 to vector<16xf32>
            %mul3A_298 = arith.mulf %get3A_296, %mul3A_297 : vector<16xf32>
            %add3A_299 = arith.addf %while3A_251, %mul3A_298 : vector<16xf32>
            %mul3A_300 = arith.constant 128 : i32
            %mul3A_301 = arith.muli %min3A_279, %mul3A_300 : i32
            %add3A_302 = arith.constant 32 : i32
            %add3A_303 = arith.addi %mul3A_301, %add3A_302 : i32
            %get3A_304 = arith.index_cast %add3A_303 : i32 to index
            %get3A_305 = tpu.vector_load %arg7[%get3A_304] {strides = array<i32>} : memref<16000xf32, #tpu.memory_space<vmem>>, vector<16xf32>,
            %mul3A_306 = vector.broadcast %squeeze3A_281 : f32 to vector<16xf32>
            %mul3A_307 = arith.mulf %get3A_305, %mul3A_306 : vector<16xf32>
            %add3A_308 = arith.addf %while3A_252, %mul3A_307 : vector<16xf32>
            %mul3A_309 = arith.constant 128 : i32
            %mul3A_310 = arith.muli %min3A_279, %mul3A_309 : i32
            %add3A_311 = arith.constant 48 : i32
            %add3A_312 = arith.addi %mul3A_310, %add3A_311 : i32
            %get3A_313 = arith.index_cast %add3A_312 : i32 to index
            %get3A_314 = tpu.vector_load %arg7[%get3A_313] {strides = array<i32>} : memref<16000xf32, #tpu.memory_space<vmem>>, vector<16xf32>,
            %mul3A_315 = vector.broadcast %squeeze3A_281 : f32 to vector<16xf32>
            %mul3A_316 = arith.mulf %get3A_314, %mul3A_315 : vector<16xf32>
            %add3A_317 = arith.addf %while3A_253, %mul3A_316 : vector<16xf32>
            %mul3A_318 = arith.constant 128 : i32
            %mul3A_319 = arith.muli %min3A_279, %mul3A_318 : i32
            %add3A_320 = arith.constant 64 : i32
            %add3A_321 = arith.addi %mul3A_319, %add3A_320 : i32
            %get3A_322 = arith.index_cast %add3A_321 : i32 to index
            %get3A_323 = tpu.vector_load %arg7[%get3A_322] {strides = array<i32>} : memref<16000xf32, #tpu.memory_space<vmem>>, vector<16xf32>,
            %mul3A_324 = vector.broadcast %squeeze3A_281 : f32 to vector<16xf32>
            %mul3A_325 = arith.mulf %get3A_323, %mul3A_324 : vector<16xf32>
            %add3A_326 = arith.addf %while3A_254, %mul3A_325 : vector<16xf32>
            %mul3A_327 = arith.constant 128 : i32
            %mul3A_328 = arith.muli %min3A_279, %mul3A_327 : i32
            %add3A_329 = arith.constant 80 : i32
            %add3A_330 = arith.addi %mul3A_328, %add3A_329 : i32
            %get3A_331 = arith.index_cast %add3A_330 : i32 to index
            %get3A_332 = tpu.vector_load %arg7[%get3A_331] {strides = array<i32>} : memref<16000xf32, #tpu.memory_space<vmem>>, vector<16xf32>,
            %mul3A_333 = vector.broadcast %squeeze3A_281 : f32 to vector<16xf32>
            %mul3A_334 = arith.mulf %get3A_332, %mul3A_333 : vector<16xf32>
            %add3A_335 = arith.addf %while3A_255, %mul3A_334 : vector<16xf32>
            %mul3A_336 = arith.constant 128 : i32
            %mul3A_337 = arith.muli %min3A_279, %mul3A_336 : i32
            %add3A_338 = arith.constant 96 : i32
            %add3A_339 = arith.addi %mul3A_337, %add3A_338 : i32
            %get3A_340 = arith.index_cast %add3A_339 : i32 to index
            %get3A_341 = tpu.vector_load %arg7[%get3A_340] {strides = array<i32>} : memref<16000xf32, #tpu.memory_space<vmem>>, vector<16xf32>,
            %mul3A_342 = vector.broadcast %squeeze3A_281 : f32 to vector<16xf32>
            %mul3A_343 = arith.mulf %get3A_341, %mul3A_342 : vector<16xf32>
            %add3A_344 = arith.addf %while3A_256, %mul3A_343 : vector<16xf32>
            %mul3A_345 = arith.constant 128 : i32
            %mul3A_346 = arith.muli %min3A_279, %mul3A_345 : i32
            %add3A_347 = arith.constant 112 : i32
            %add3A_348 = arith.addi %mul3A_346, %add3A_347 : i32
            %get3A_349 = arith.index_cast %add3A_348 : i32 to index
            %get3A_350 = tpu.vector_load %arg7[%get3A_349] {strides = array<i32>} : memref<16000xf32, #tpu.memory_space<vmem>>, vector<16xf32>,
            %mul3A_351 = vector.broadcast %squeeze3A_281 : f32 to vector<16xf32>
            %mul3A_352 = arith.mulf %get3A_350, %mul3A_351 : vector<16xf32>
            %add3A_353 = arith.addf %while3A_257, %mul3A_352 : vector<16xf32>
            %mul3A_354 = arith.constant 16 : i32
            %mul3A_355 = arith.muli %while3A_249, %mul3A_354 : i32
            %add3A_356 = arith.constant 1 : i32
            %add3A_357 = arith.addi %mul3A_355, %add3A_356 : i32
            %min3A_358 = arith.constant 124 : i32
            %min3A_359 = arith.minsi %add3A_357, %min3A_358 : i32
            %slice3A_360 = vector.extract_strided_slice %select_n3A_273 {offsets = [1], sizes = [1], strides = [1]} : vector<16xf32> to vector<1xf32>
            %squeeze3A_361 = vector.extract %slice3A_360[0] : f32 from vector<1xf32>
            %mul3A_362 = arith.constant 128 : i32
            %mul3A_363 = arith.muli %min3A_359, %mul3A_362 : i32
            %add3A_364 = arith.constant 0 : i32
            %add3A_365 = arith.addi %mul3A_363, %add3A_364 : i32
            %get3A_366 = arith.index_cast %add3A_365 : i32 to index
            %get3A_367 = tpu.vector_load %arg7[%get3A_366] {strides = array<i32>} : memref<16000xf32, #tpu.memory_space<vmem>>, vector<16xf32>,
            %mul3A_368 = vector.broadcast %squeeze3A_361 : f32 to vector<16xf32>
            %mul3A_369 = arith.mulf %get3A_367, %mul3A_368 : vector<16xf32>
            %add3A_370 = arith.addf %add3A_290, %mul3A_369 : vector<16xf32>
            %mul3A_371 = arith.constant 128 : i32
            %mul3A_372 = arith.muli %min3A_359, %mul3A_371 : i32
            %add3A_373 = arith.constant 16 : i32
            %add3A_374 = arith.addi %mul3A_372, %add3A_373 : i32
            %get3A_375 = arith.index_cast %add3A_374 : i32 to index
            %get3A_376 = tpu.vector_load %arg7[%get3A_375] {strides = array<i32>} : memref<16000xf32, #tpu.memory_space<vmem>>, vector<16xf32>,
            %mul3A_377 = vector.broadcast %squeeze3A_361 : f32 to vector<16xf32>
            %mul3A_378 = arith.mulf %get3A_376, %mul3A_377 : vector<16xf32>
            %add3A_379 = arith.addf %add3A_299, %mul3A_378 : vector<16xf32>
            %mul3A_380 = arith.constant 128 : i32
            %mul3A_381 = arith.muli %min3A_359, %mul3A_380 : i32
            %add3A_382 = arith.constant 32 : i32
            %add3A_383 = arith.addi %mul3A_381, %add3A_382 : i32
            %get3A_384 = arith.index_cast %add3A_383 : i32 to index
            %get3A_385 = tpu.vector_load %arg7[%get3A_384] {strides = array<i32>} : memref<16000xf32, #tpu.memory_space<vmem>>, vector<16xf32>,
            %mul3A_386 = vector.broadcast %squeeze3A_361 : f32 to vector<16xf32>
            %mul3A_387 = arith.mulf %get3A_385, %mul3A_386 : vector<16xf32>
            %add3A_388 = arith.addf %add3A_308, %mul3A_387 : vector<16xf32>
            %mul3A_389 = arith.constant 128 : i32
            %mul3A_390 = arith.muli %min3A_359, %mul3A_389 : i32
            %add3A_391 = arith.constant 48 : i32
            %add3A_392 = arith.addi %mul3A_390, %add3A_391 : i32
            %get3A_393 = arith.index_cast %add3A_392 : i32 to index
            %get3A_394 = tpu.vector_load %arg7[%get3A_393] {strides = array<i32>} : memref<16000xf32, #tpu.memory_space<vmem>>, vector<16xf32>,
            %mul3A_395 = vector.broadcast %squeeze3A_361 : f32 to vector<16xf32>
            %mul3A_396 = arith.mulf %get3A_394, %mul3A_395 : vector<16xf32>
            %add3A_397 = arith.addf %add3A_317, %mul3A_396 : vector<16xf32>
            %mul3A_398 = arith.constant 128 : i32
            %mul3A_399 = arith.muli %min3A_359, %mul3A_398 : i32
            %add3A_400 = arith.constant 64 : i32
            %add3A_401 = arith.addi %mul3A_399, %add3A_400 : i32
            %get3A_402 = arith.index_cast %add3A_401 : i32 to index
            %get3A_403 = tpu.vector_load %arg7[%get3A_402] {strides = array<i32>} : memref<16000xf32, #tpu.memory_space<vmem>>, vector<16xf32>,
            %mul3A_404 = vector.broadcast %squeeze3A_361 : f32 to vector<16xf32>
            %mul3A_405 = arith.mulf %get3A_403, %mul3A_404 : vector<16xf32>
            %add3A_406 = arith.addf %add3A_326, %mul3A_405 : vector<16xf32>
            %mul3A_407 = arith.constant 128 : i32
            %mul3A_408 = arith.muli %min3A_359, %mul3A_407 : i32
            %add3A_409 = arith.constant 80 : i32
            %add3A_410 = arith.addi %mul3A_408, %add3A_409 : i32
            %get3A_411 = arith.index_cast %add3A_410 : i32 to index
            %get3A_412 = tpu.vector_load %arg7[%get3A_411] {strides = array<i32>} : memref<16000xf32, #tpu.memory_space<vmem>>, vector<16xf32>,
            %mul3A_413 = vector.broadcast %squeeze3A_361 : f32 to vector<16xf32>
            %mul3A_414 = arith.mulf %get3A_412, %mul3A_413 : vector<16xf32>
            %add3A_415 = arith.addf %add3A_335, %mul3A_414 : vector<16xf32>
            %mul3A_416 = arith.constant 128 : i32
            %mul3A_417 = arith.muli %min3A_359, %mul3A_416 : i32
            %add3A_418 = arith.constant 96 : i32
            %add3A_419 = arith.addi %mul3A_417, %add3A_418 : i32
            %get3A_420 = arith.index_cast %add3A_419 : i32 to index
            %get3A_421 = tpu.vector_load %arg7[%get3A_420] {strides = array<i32>} : memref<16000xf32, #tpu.memory_space<vmem>>, vector<16xf32>,
            %mul3A_422 = vector.broadcast %squeeze3A_361 : f32 to vector<16xf32>
            %mul3A_423 = arith.mulf %get3A_421, %mul3A_422 : vector<16xf32>
            %add3A_424 = arith.addf %add3A_344, %mul3A_423 : vector<16xf32>
            %mul3A_425 = arith.constant 128 : i32
            %mul3A_426 = arith.muli %min3A_359, %mul3A_425 : i32
            %add3A_427 = arith.constant 112 : i32
            %add3A_428 = arith.addi %mul3A_426, %add3A_427 : i32
            %get3A_429 = arith.index_cast %add3A_428 : i32 to index
            %get3A_430 = tpu.vector_load %arg7[%get3A_429] {strides = array<i32>} : memref<16000xf32, #tpu.memory_space<vmem>>, vector<16xf32>,
            %mul3A_431 = vector.broadcast %squeeze3A_361 : f32 to vector<16xf32>
            %mul3A_432 = arith.mulf %get3A_430, %mul3A_431 : vector<16xf32>
            %add3A_433 = arith.addf %add3A_353, %mul3A_432 : vector<16xf32>
            %mul3A_434 = arith.constant 16 : i32
            %mul3A_435 = arith.muli %while3A_249, %mul3A_434 : i32
            %add3A_436 = arith.constant 2 : i32
            %add3A_437 = arith.addi %mul3A_435, %add3A_436 : i32
            %min3A_438 = arith.constant 124 : i32
            %min3A_439 = arith.minsi %add3A_437, %min3A_438 : i32
            %slice3A_440 = vector.extract_strided_slice %select_n3A_273 {offsets = [2], sizes = [1], strides = [1]} : vector<16xf32> to vector<1xf32>
            %squeeze3A_441 = vector.extract %slice3A_440[0] : f32 from vector<1xf32>
            %mul3A_442 = arith.constant 128 : i32
            %mul3A_443 = arith.muli %min3A_439, %mul3A_442 : i32
            %add3A_444 = arith.constant 0 : i32
            %add3A_445 = arith.addi %mul3A_443, %add3A_444 : i32
            %get3A_446 = arith.index_cast %add3A_445 : i32 to index
            %get3A_447 = tpu.vector_load %arg7[%get3A_446] {strides = array<i32>} : memref<16000xf32, #tpu.memory_space<vmem>>, vector<16xf32>,
            %mul3A_448 = vector.broadcast %squeeze3A_441 : f32 to vector<16xf32>
            %mul3A_449 = arith.mulf %get3A_447, %mul3A_448 : vector<16xf32>
            %add3A_450 = arith.addf %add3A_370, %mul3A_449 : vector<16xf32>
            %mul3A_451 = arith.constant 128 : i32
            %mul3A_452 = arith.muli %min3A_439, %mul3A_451 : i32
            %add3A_453 = arith.constant 16 : i32
            %add3A_454 = arith.addi %mul3A_452, %add3A_453 : i32
            %get3A_455 = arith.index_cast %add3A_454 : i32 to index
            %get3A_456 = tpu.vector_load %arg7[%get3A_455] {strides = array<i32>} : memref<16000xf32, #tpu.memory_space<vmem>>, vector<16xf32>,
            %mul3A_457 = vector.broadcast %squeeze3A_441 : f32 to vector<16xf32>
            %mul3A_458 = arith.mulf %get3A_456, %mul3A_457 : vector<16xf32>
            %add3A_459 = arith.addf %add3A_379, %mul3A_458 : vector<16xf32>
            %mul3A_460 = arith.constant 128 : i32
            %mul3A_461 = arith.muli %min3A_439, %mul3A_460 : i32
            %add3A_462 = arith.constant 32 : i32
            %add3A_463 = arith.addi %mul3A_461, %add3A_462 : i32
            %get3A_464 = arith.index_cast %add3A_463 : i32 to index
            %get3A_465 = tpu.vector_load %arg7[%get3A_464] {strides = array<i32>} : memref<16000xf32, #tpu.memory_space<vmem>>, vector<16xf32>,
            %mul3A_466 = vector.broadcast %squeeze3A_441 : f32 to vector<16xf32>
            %mul3A_467 = arith.mulf %get3A_465, %mul3A_466 : vector<16xf32>
            %add3A_468 = arith.addf %add3A_388, %mul3A_467 : vector<16xf32>
            %mul3A_469 = arith.constant 128 : i32
            %mul3A_470 = arith.muli %min3A_439, %mul3A_469 : i32
            %add3A_471 = arith.constant 48 : i32
            %add3A_472 = arith.addi %mul3A_470, %add3A_471 : i32
            %get3A_473 = arith.index_cast %add3A_472 : i32 to index
            %get3A_474 = tpu.vector_load %arg7[%get3A_473] {strides = array<i32>} : memref<16000xf32, #tpu.memory_space<vmem>>, vector<16xf32>,
            %mul3A_475 = vector.broadcast %squeeze3A_441 : f32 to vector<16xf32>
            %mul3A_476 = arith.mulf %get3A_474, %mul3A_475 : vector<16xf32>
            %add3A_477 = arith.addf %add3A_397, %mul3A_476 : vector<16xf32>
            %mul3A_478 = arith.constant 128 : i32
            %mul3A_479 = arith.muli %min3A_439, %mul3A_478 : i32
            %add3A_480 = arith.constant 64 : i32
            %add3A_481 = arith.addi %mul3A_479, %add3A_480 : i32
            %get3A_482 = arith.index_cast %add3A_481 : i32 to index
            %get3A_483 = tpu.vector_load %arg7[%get3A_482] {strides = array<i32>} : memref<16000xf32, #tpu.memory_space<vmem>>, vector<16xf32>,
            %mul3A_484 = vector.broadcast %squeeze3A_441 : f32 to vector<16xf32>
            %mul3A_485 = arith.mulf %get3A_483, %mul3A_484 : vector<16xf32>
            %add3A_486 = arith.addf %add3A_406, %mul3A_485 : vector<16xf32>
            %mul3A_487 = arith.constant 128 : i32
            %mul3A_488 = arith.muli %min3A_439, %mul3A_487 : i32
            %add3A_489 = arith.constant 80 : i32
            %add3A_490 = arith.addi %mul3A_488, %add3A_489 : i32
            %get3A_491 = arith.index_cast %add3A_490 : i32 to index
            %get3A_492 = tpu.vector_load %arg7[%get3A_491] {strides = array<i32>} : memref<16000xf32, #tpu.memory_space<vmem>>, vector<16xf32>,
            %mul3A_493 = vector.broadcast %squeeze3A_441 : f32 to vector<16xf32>
            %mul3A_494 = arith.mulf %get3A_492, %mul3A_493 : vector<16xf32>
            %add3A_495 = arith.addf %add3A_415, %mul3A_494 : vector<16xf32>
            %mul3A_496 = arith.constant 128 : i32
            %mul3A_497 = arith.muli %min3A_439, %mul3A_496 : i32
            %add3A_498 = arith.constant 96 : i32
            %add3A_499 = arith.addi %mul3A_497, %add3A_498 : i32
            %get3A_500 = arith.index_cast %add3A_499 : i32 to index
            %get3A_501 = tpu.vector_load %arg7[%get3A_500] {strides = array<i32>} : memref<16000xf32, #tpu.memory_space<vmem>>, vector<16xf32>,
            %mul3A_502 = vector.broadcast %squeeze3A_441 : f32 to vector<16xf32>
            %mul3A_503 = arith.mulf %get3A_501, %mul3A_502 : vector<16xf32>
            %add3A_504 = arith.addf %add3A_424, %mul3A_503 : vector<16xf32>
            %mul3A_505 = arith.constant 128 : i32
            %mul3A_506 = arith.muli %min3A_439, %mul3A_505 : i32
            %add3A_507 = arith.constant 112 : i32
            %add3A_508 = arith.addi %mul3A_506, %add3A_507 : i32
            %get3A_509 = arith.index_cast %add3A_508 : i32 to index
            %get3A_510 = tpu.vector_load %arg7[%get3A_509] {strides = array<i32>} : memref<16000xf32, #tpu.memory_space<vmem>>, vector<16xf32>,
            %mul3A_511 = vector.broadcast %squeeze3A_441 : f32 to vector<16xf32>
            %mul3A_512 = arith.mulf %get3A_510, %mul3A_511 : vector<16xf32>
            %add3A_513 = arith.addf %add3A_433, %mul3A_512 : vector<16xf32>
            %mul3A_514 = arith.constant 16 : i32
            %mul3A_515 = arith.muli %while3A_249, %mul3A_514 : i32
            %add3A_516 = arith.constant 3 : i32
            %add3A_517 = arith.addi %mul3A_515, %add3A_516 : i32
            %min3A_518 = arith.constant 124 : i32
            %min3A_519 = arith.minsi %add3A_517, %min3A_518 : i32
            %slice3A_520 = vector.extract_strided_slice %select_n3A_273 {offsets = [3], sizes = [1], strides = [1]} : vector<16xf32> to vector<1xf32>
            %squeeze3A_521 = vector.extract %slice3A_520[0] : f32 from vector<1xf32>
            %mul3A_522 = arith.constant 128 : i32
            %mul3A_523 = arith.muli %min3A_519, %mul3A_522 : i32
            %add3A_524 = arith.constant 0 : i32
            %add3A_525 = arith.addi %mul3A_523, %add3A_524 : i32
            %get3A_526 = arith.index_cast %add3A_525 : i32 to index
            %get3A_527 = tpu.vector_load %arg7[%get3A_526] {strides = array<i32>} : memref<16000xf32, #tpu.memory_space<vmem>>, vector<16xf32>,
            %mul3A_528 = vector.broadcast %squeeze3A_521 : f32 to vector<16xf32>
            %mul3A_529 = arith.mulf %get3A_527, %mul3A_528 : vector<16xf32>
            %add3A_530 = arith.addf %add3A_450, %mul3A_529 : vector<16xf32>
            %mul3A_531 = arith.constant 128 : i32
            %mul3A_532 = arith.muli %min3A_519, %mul3A_531 : i32
            %add3A_533 = arith.constant 16 : i32
            %add3A_534 = arith.addi %mul3A_532, %add3A_533 : i32
            %get3A_535 = arith.index_cast %add3A_534 : i32 to index
            %get3A_536 = tpu.vector_load %arg7[%get3A_535] {strides = array<i32>} : memref<16000xf32, #tpu.memory_space<vmem>>, vector<16xf32>,
            %mul3A_537 = vector.broadcast %squeeze3A_521 : f32 to vector<16xf32>
            %mul3A_538 = arith.mulf %get3A_536, %mul3A_537 : vector<16xf32>
            %add3A_539 = arith.addf %add3A_459, %mul3A_538 : vector<16xf32>
            %mul3A_540 = arith.constant 128 : i32
            %mul3A_541 = arith.muli %min3A_519, %mul3A_540 : i32
            %add3A_542 = arith.constant 32 : i32
            %add3A_543 = arith.addi %mul3A_541, %add3A_542 : i32
            %get3A_544 = arith.index_cast %add3A_543 : i32 to index
            %get3A_545 = tpu.vector_load %arg7[%get3A_544] {strides = array<i32>} : memref<16000xf32, #tpu.memory_space<vmem>>, vector<16xf32>,
            %mul3A_546 = vector.broadcast %squeeze3A_521 : f32 to vector<16xf32>
            %mul3A_547 = arith.mulf %get3A_545, %mul3A_546 : vector<16xf32>
            %add3A_548 = arith.addf %add3A_468, %mul3A_547 : vector<16xf32>
            %mul3A_549 = arith.constant 128 : i32
            %mul3A_550 = arith.muli %min3A_519, %mul3A_549 : i32
            %add3A_551 = arith.constant 48 : i32
            %add3A_552 = arith.addi %mul3A_550, %add3A_551 : i32
            %get3A_553 = arith.index_cast %add3A_552 : i32 to index
            %get3A_554 = tpu.vector_load %arg7[%get3A_553] {strides = array<i32>} : memref<16000xf32, #tpu.memory_space<vmem>>, vector<16xf32>,
            %mul3A_555 = vector.broadcast %squeeze3A_521 : f32 to vector<16xf32>
            %mul3A_556 = arith.mulf %get3A_554, %mul3A_555 : vector<16xf32>
            %add3A_557 = arith.addf %add3A_477, %mul3A_556 : vector<16xf32>
            %mul3A_558 = arith.constant 128 : i32
            %mul3A_559 = arith.muli %min3A_519, %mul3A_558 : i32
            %add3A_560 = arith.constant 64 : i32
            %add3A_561 = arith.addi %mul3A_559, %add3A_560 : i32
            %get3A_562 = arith.index_cast %add3A_561 : i32 to index
            %get3A_563 = tpu.vector_load %arg7[%get3A_562] {strides = array<i32>} : memref<16000xf32, #tpu.memory_space<vmem>>, vector<16xf32>,
            %mul3A_564 = vector.broadcast %squeeze3A_521 : f32 to vector<16xf32>
            %mul3A_565 = arith.mulf %get3A_563, %mul3A_564 : vector<16xf32>
            %add3A_566 = arith.addf %add3A_486, %mul3A_565 : vector<16xf32>
            %mul3A_567 = arith.constant 128 : i32
            %mul3A_568 = arith.muli %min3A_519, %mul3A_567 : i32
            %add3A_569 = arith.constant 80 : i32
            %add3A_570 = arith.addi %mul3A_568, %add3A_569 : i32
            %get3A_571 = arith.index_cast %add3A_570 : i32 to index
            %get3A_572 = tpu.vector_load %arg7[%get3A_571] {strides = array<i32>} : memref<16000xf32, #tpu.memory_space<vmem>>, vector<16xf32>,
            %mul3A_573 = vector.broadcast %squeeze3A_521 : f32 to vector<16xf32>
            %mul3A_574 = arith.mulf %get3A_572, %mul3A_573 : vector<16xf32>
            %add3A_575 = arith.addf %add3A_495, %mul3A_574 : vector<16xf32>
            %mul3A_576 = arith.constant 128 : i32
            %mul3A_577 = arith.muli %min3A_519, %mul3A_576 : i32
            %add3A_578 = arith.constant 96 : i32
            %add3A_579 = arith.addi %mul3A_577, %add3A_578 : i32
            %get3A_580 = arith.index_cast %add3A_579 : i32 to index
            %get3A_581 = tpu.vector_load %arg7[%get3A_580] {strides = array<i32>} : memref<16000xf32, #tpu.memory_space<vmem>>, vector<16xf32>,
            %mul3A_582 = vector.broadcast %squeeze3A_521 : f32 to vector<16xf32>
            %mul3A_583 = arith.mulf %get3A_581, %mul3A_582 : vector<16xf32>
            %add3A_584 = arith.addf %add3A_504, %mul3A_583 : vector<16xf32>
            %mul3A_585 = arith.constant 128 : i32
            %mul3A_586 = arith.muli %min3A_519, %mul3A_585 : i32
            %add3A_587 = arith.constant 112 : i32
            %add3A_588 = arith.addi %mul3A_586, %add3A_587 : i32
            %get3A_589 = arith.index_cast %add3A_588 : i32 to index
            %get3A_590 = tpu.vector_load %arg7[%get3A_589] {strides = array<i32>} : memref<16000xf32, #tpu.memory_space<vmem>>, vector<16xf32>,
            %mul3A_591 = vector.broadcast %squeeze3A_521 : f32 to vector<16xf32>
            %mul3A_592 = arith.mulf %get3A_590, %mul3A_591 : vector<16xf32>
            %add3A_593 = arith.addf %add3A_513, %mul3A_592 : vector<16xf32>
            %mul3A_594 = arith.constant 16 : i32
            %mul3A_595 = arith.muli %while3A_249, %mul3A_594 : i32
            %add3A_596 = arith.constant 4 : i32
            %add3A_597 = arith.addi %mul3A_595, %add3A_596 : i32
            %min3A_598 = arith.constant 124 : i32
            %min3A_599 = arith.minsi %add3A_597, %min3A_598 : i32
            %slice3A_600 = vector.extract_strided_slice %select_n3A_273 {offsets = [4], sizes = [1], strides = [1]} : vector<16xf32> to vector<1xf32>
            %squeeze3A_601 = vector.extract %slice3A_600[0] : f32 from vector<1xf32>
            %mul3A_602 = arith.constant 128 : i32
            %mul3A_603 = arith.muli %min3A_599, %mul3A_602 : i32
            %add3A_604 = arith.constant 0 : i32
            %add3A_605 = arith.addi %mul3A_603, %add3A_604 : i32
            %get3A_606 = arith.index_cast %add3A_605 : i32 to index
            %get3A_607 = tpu.vector_load %arg7[%get3A_606] {strides = array<i32>} : memref<16000xf32, #tpu.memory_space<vmem>>, vector<16xf32>,
            %mul3A_608 = vector.broadcast %squeeze3A_601 : f32 to vector<16xf32>
            %mul3A_609 = arith.mulf %get3A_607, %mul3A_608 : vector<16xf32>
            %add3A_610 = arith.addf %add3A_530, %mul3A_609 : vector<16xf32>
            %mul3A_611 = arith.constant 128 : i32
            %mul3A_612 = arith.muli %min3A_599, %mul3A_611 : i32
            %add3A_613 = arith.constant 16 : i32
            %add3A_614 = arith.addi %mul3A_612, %add3A_613 : i32
            %get3A_615 = arith.index_cast %add3A_614 : i32 to index
            %get3A_616 = tpu.vector_load %arg7[%get3A_615] {strides = array<i32>} : memref<16000xf32, #tpu.memory_space<vmem>>, vector<16xf32>,
            %mul3A_617 = vector.broadcast %squeeze3A_601 : f32 to vector<16xf32>
            %mul3A_618 = arith.mulf %get3A_616, %mul3A_617 : vector<16xf32>
            %add3A_619 = arith.addf %add3A_539, %mul3A_618 : vector<16xf32>
            %mul3A_620 = arith.constant 128 : i32
            %mul3A_621 = arith.muli %min3A_599, %mul3A_620 : i32
            %add3A_622 = arith.constant 32 : i32
            %add3A_623 = arith.addi %mul3A_621, %add3A_622 : i32
            %get3A_624 = arith.index_cast %add3A_623 : i32 to index
            %get3A_625 = tpu.vector_load %arg7[%get3A_624] {strides = array<i32>} : memref<16000xf32, #tpu.memory_space<vmem>>, vector<16xf32>,
            %mul3A_626 = vector.broadcast %squeeze3A_601 : f32 to vector<16xf32>
            %mul3A_627 = arith.mulf %get3A_625, %mul3A_626 : vector<16xf32>
            %add3A_628 = arith.addf %add3A_548, %mul3A_627 : vector<16xf32>
            %mul3A_629 = arith.constant 128 : i32
            %mul3A_630 = arith.muli %min3A_599, %mul3A_629 : i32
            %add3A_631 = arith.constant 48 : i32
            %add3A_632 = arith.addi %mul3A_630, %add3A_631 : i32
            %get3A_633 = arith.index_cast %add3A_632 : i32 to index
            %get3A_634 = tpu.vector_load %arg7[%get3A_633] {strides = array<i32>} : memref<16000xf32, #tpu.memory_space<vmem>>, vector<16xf32>,
            %mul3A_635 = vector.broadcast %squeeze3A_601 : f32 to vector<16xf32>
            %mul3A_636 = arith.mulf %get3A_634, %mul3A_635 : vector<16xf32>
            %add3A_637 = arith.addf %add3A_557, %mul3A_636 : vector<16xf32>
            %mul3A_638 = arith.constant 128 : i32
            %mul3A_639 = arith.muli %min3A_599, %mul3A_638 : i32
            %add3A_640 = arith.constant 64 : i32
            %add3A_641 = arith.addi %mul3A_639, %add3A_640 : i32
            %get3A_642 = arith.index_cast %add3A_641 : i32 to index
            %get3A_643 = tpu.vector_load %arg7[%get3A_642] {strides = array<i32>} : memref<16000xf32, #tpu.memory_space<vmem>>, vector<16xf32>,
            %mul3A_644 = vector.broadcast %squeeze3A_601 : f32 to vector<16xf32>
            %mul3A_645 = arith.mulf %get3A_643, %mul3A_644 : vector<16xf32>
            %add3A_646 = arith.addf %add3A_566, %mul3A_645 : vector<16xf32>
            %mul3A_647 = arith.constant 128 : i32
            %mul3A_648 = arith.muli %min3A_599, %mul3A_647 : i32
            %add3A_649 = arith.constant 80 : i32
            %add3A_650 = arith.addi %mul3A_648, %add3A_649 : i32
            %get3A_651 = arith.index_cast %add3A_650 : i32 to index
            %get3A_652 = tpu.vector_load %arg7[%get3A_651] {strides = array<i32>} : memref<16000xf32, #tpu.memory_space<vmem>>, vector<16xf32>,
            %mul3A_653 = vector.broadcast %squeeze3A_601 : f32 to vector<16xf32>
            %mul3A_654 = arith.mulf %get3A_652, %mul3A_653 : vector<16xf32>
            %add3A_655 = arith.addf %add3A_575, %mul3A_654 : vector<16xf32>
            %mul3A_656 = arith.constant 128 : i32
            %mul3A_657 = arith.muli %min3A_599, %mul3A_656 : i32
            %add3A_658 = arith.constant 96 : i32
            %add3A_659 = arith.addi %mul3A_657, %add3A_658 : i32
            %get3A_660 = arith.index_cast %add3A_659 : i32 to index
            %get3A_661 = tpu.vector_load %arg7[%get3A_660] {strides = array<i32>} : memref<16000xf32, #tpu.memory_space<vmem>>, vector<16xf32>,
            %mul3A_662 = vector.broadcast %squeeze3A_601 : f32 to vector<16xf32>
            %mul3A_663 = arith.mulf %get3A_661, %mul3A_662 : vector<16xf32>
            %add3A_664 = arith.addf %add3A_584, %mul3A_663 : vector<16xf32>
            %mul3A_665 = arith.constant 128 : i32
            %mul3A_666 = arith.muli %min3A_599, %mul3A_665 : i32
            %add3A_667 = arith.constant 112 : i32
            %add3A_668 = arith.addi %mul3A_666, %add3A_667 : i32
            %get3A_669 = arith.index_cast %add3A_668 : i32 to index
            %get3A_670 = tpu.vector_load %arg7[%get3A_669] {strides = array<i32>} : memref<16000xf32, #tpu.memory_space<vmem>>, vector<16xf32>,
            %mul3A_671 = vector.broadcast %squeeze3A_601 : f32 to vector<16xf32>
            %mul3A_672 = arith.mulf %get3A_670, %mul3A_671 : vector<16xf32>
            %add3A_673 = arith.addf %add3A_593, %mul3A_672 : vector<16xf32>
            %mul3A_674 = arith.constant 16 : i32
            %mul3A_675 = arith.muli %while3A_249, %mul3A_674 : i32
            %add3A_676 = arith.constant 5 : i32
            %add3A_677 = arith.addi %mul3A_675, %add3A_676 : i32
            %min3A_678 = arith.constant 124 : i32
            %min3A_679 = arith.minsi %add3A_677, %min3A_678 : i32
            %slice3A_680 = vector.extract_strided_slice %select_n3A_273 {offsets = [5], sizes = [1], strides = [1]} : vector<16xf32> to vector<1xf32>
            %squeeze3A_681 = vector.extract %slice3A_680[0] : f32 from vector<1xf32>
            %mul3A_682 = arith.constant 128 : i32
            %mul3A_683 = arith.muli %min3A_679, %mul3A_682 : i32
            %add3A_684 = arith.constant 0 : i32
            %add3A_685 = arith.addi %mul3A_683, %add3A_684 : i32
            %get3A_686 = arith.index_cast %add3A_685 : i32 to index
            %get3A_687 = tpu.vector_load %arg7[%get3A_686] {strides = array<i32>} : memref<16000xf32, #tpu.memory_space<vmem>>, vector<16xf32>,
            %mul3A_688 = vector.broadcast %squeeze3A_681 : f32 to vector<16xf32>
            %mul3A_689 = arith.mulf %get3A_687, %mul3A_688 : vector<16xf32>
            %add3A_690 = arith.addf %add3A_610, %mul3A_689 : vector<16xf32>
            %mul3A_691 = arith.constant 128 : i32
            %mul3A_692 = arith.muli %min3A_679, %mul3A_691 : i32
            %add3A_693 = arith.constant 16 : i32
            %add3A_694 = arith.addi %mul3A_692, %add3A_693 : i32
            %get3A_695 = arith.index_cast %add3A_694 : i32 to index
            %get3A_696 = tpu.vector_load %arg7[%get3A_695] {strides = array<i32>} : memref<16000xf32, #tpu.memory_space<vmem>>, vector<16xf32>,
            %mul3A_697 = vector.broadcast %squeeze3A_681 : f32 to vector<16xf32>
            %mul3A_698 = arith.mulf %get3A_696, %mul3A_697 : vector<16xf32>
            %add3A_699 = arith.addf %add3A_619, %mul3A_698 : vector<16xf32>
            %mul3A_700 = arith.constant 128 : i32
            %mul3A_701 = arith.muli %min3A_679, %mul3A_700 : i32
            %add3A_702 = arith.constant 32 : i32
            %add3A_703 = arith.addi %mul3A_701, %add3A_702 : i32
            %get3A_704 = arith.index_cast %add3A_703 : i32 to index
            %get3A_705 = tpu.vector_load %arg7[%get3A_704] {strides = array<i32>} : memref<16000xf32, #tpu.memory_space<vmem>>, vector<16xf32>,
            %mul3A_706 = vector.broadcast %squeeze3A_681 : f32 to vector<16xf32>
            %mul3A_707 = arith.mulf %get3A_705, %mul3A_706 : vector<16xf32>
            %add3A_708 = arith.addf %add3A_628, %mul3A_707 : vector<16xf32>
            %mul3A_709 = arith.constant 128 : i32
            %mul3A_710 = arith.muli %min3A_679, %mul3A_709 : i32
            %add3A_711 = arith.constant 48 : i32
            %add3A_712 = arith.addi %mul3A_710, %add3A_711 : i32
            %get3A_713 = arith.index_cast %add3A_712 : i32 to index
            %get3A_714 = tpu.vector_load %arg7[%get3A_713] {strides = array<i32>} : memref<16000xf32, #tpu.memory_space<vmem>>, vector<16xf32>,
            %mul3A_715 = vector.broadcast %squeeze3A_681 : f32 to vector<16xf32>
            %mul3A_716 = arith.mulf %get3A_714, %mul3A_715 : vector<16xf32>
            %add3A_717 = arith.addf %add3A_637, %mul3A_716 : vector<16xf32>
            %mul3A_718 = arith.constant 128 : i32
            %mul3A_719 = arith.muli %min3A_679, %mul3A_718 : i32
            %add3A_720 = arith.constant 64 : i32
            %add3A_721 = arith.addi %mul3A_719, %add3A_720 : i32
            %get3A_722 = arith.index_cast %add3A_721 : i32 to index
            %get3A_723 = tpu.vector_load %arg7[%get3A_722] {strides = array<i32>} : memref<16000xf32, #tpu.memory_space<vmem>>, vector<16xf32>,
            %mul3A_724 = vector.broadcast %squeeze3A_681 : f32 to vector<16xf32>
            %mul3A_725 = arith.mulf %get3A_723, %mul3A_724 : vector<16xf32>
            %add3A_726 = arith.addf %add3A_646, %mul3A_725 : vector<16xf32>
            %mul3A_727 = arith.constant 128 : i32
            %mul3A_728 = arith.muli %min3A_679, %mul3A_727 : i32
            %add3A_729 = arith.constant 80 : i32
            %add3A_730 = arith.addi %mul3A_728, %add3A_729 : i32
            %get3A_731 = arith.index_cast %add3A_730 : i32 to index
            %get3A_732 = tpu.vector_load %arg7[%get3A_731] {strides = array<i32>} : memref<16000xf32, #tpu.memory_space<vmem>>, vector<16xf32>,
            %mul3A_733 = vector.broadcast %squeeze3A_681 : f32 to vector<16xf32>
            %mul3A_734 = arith.mulf %get3A_732, %mul3A_733 : vector<16xf32>
            %add3A_735 = arith.addf %add3A_655, %mul3A_734 : vector<16xf32>
            %mul3A_736 = arith.constant 128 : i32
            %mul3A_737 = arith.muli %min3A_679, %mul3A_736 : i32
            %add3A_738 = arith.constant 96 : i32
            %add3A_739 = arith.addi %mul3A_737, %add3A_738 : i32
            %get3A_740 = arith.index_cast %add3A_739 : i32 to index
            %get3A_741 = tpu.vector_load %arg7[%get3A_740] {strides = array<i32>} : memref<16000xf32, #tpu.memory_space<vmem>>, vector<16xf32>,
            %mul3A_742 = vector.broadcast %squeeze3A_681 : f32 to vector<16xf32>
            %mul3A_743 = arith.mulf %get3A_741, %mul3A_742 : vector<16xf32>
            %add3A_744 = arith.addf %add3A_664, %mul3A_743 : vector<16xf32>
            %mul3A_745 = arith.constant 128 : i32
            %mul3A_746 = arith.muli %min3A_679, %mul3A_745 : i32
            %add3A_747 = arith.constant 112 : i32
            %add3A_748 = arith.addi %mul3A_746, %add3A_747 : i32
            %get3A_749 = arith.index_cast %add3A_748 : i32 to index
            %get3A_750 = tpu.vector_load %arg7[%get3A_749] {strides = array<i32>} : memref<16000xf32, #tpu.memory_space<vmem>>, vector<16xf32>,
            %mul3A_751 = vector.broadcast %squeeze3A_681 : f32 to vector<16xf32>
            %mul3A_752 = arith.mulf %get3A_750, %mul3A_751 : vector<16xf32>
            %add3A_753 = arith.addf %add3A_673, %mul3A_752 : vector<16xf32>
            %mul3A_754 = arith.constant 16 : i32
            %mul3A_755 = arith.muli %while3A_249, %mul3A_754 : i32
            %add3A_756 = arith.constant 6 : i32
            %add3A_757 = arith.addi %mul3A_755, %add3A_756 : i32
            %min3A_758 = arith.constant 124 : i32
            %min3A_759 = arith.minsi %add3A_757, %min3A_758 : i32
            %slice3A_760 = vector.extract_strided_slice %select_n3A_273 {offsets = [6], sizes = [1], strides = [1]} : vector<16xf32> to vector<1xf32>
            %squeeze3A_761 = vector.extract %slice3A_760[0] : f32 from vector<1xf32>
            %mul3A_762 = arith.constant 128 : i32
            %mul3A_763 = arith.muli %min3A_759, %mul3A_762 : i32
            %add3A_764 = arith.constant 0 : i32
            %add3A_765 = arith.addi %mul3A_763, %add3A_764 : i32
            %get3A_766 = arith.index_cast %add3A_765 : i32 to index
            %get3A_767 = tpu.vector_load %arg7[%get3A_766] {strides = array<i32>} : memref<16000xf32, #tpu.memory_space<vmem>>, vector<16xf32>,
            %mul3A_768 = vector.broadcast %squeeze3A_761 : f32 to vector<16xf32>
            %mul3A_769 = arith.mulf %get3A_767, %mul3A_768 : vector<16xf32>
            %add3A_770 = arith.addf %add3A_690, %mul3A_769 : vector<16xf32>
            %mul3A_771 = arith.constant 128 : i32
            %mul3A_772 = arith.muli %min3A_759, %mul3A_771 : i32
            %add3A_773 = arith.constant 16 : i32
            %add3A_774 = arith.addi %mul3A_772, %add3A_773 : i32
            %get3A_775 = arith.index_cast %add3A_774 : i32 to index
            %get3A_776 = tpu.vector_load %arg7[%get3A_775] {strides = array<i32>} : memref<16000xf32, #tpu.memory_space<vmem>>, vector<16xf32>,
            %mul3A_777 = vector.broadcast %squeeze3A_761 : f32 to vector<16xf32>
            %mul3A_778 = arith.mulf %get3A_776, %mul3A_777 : vector<16xf32>
            %add3A_779 = arith.addf %add3A_699, %mul3A_778 : vector<16xf32>
            %mul3A_780 = arith.constant 128 : i32
            %mul3A_781 = arith.muli %min3A_759, %mul3A_780 : i32
            %add3A_782 = arith.constant 32 : i32
            %add3A_783 = arith.addi %mul3A_781, %add3A_782 : i32
            %get3A_784 = arith.index_cast %add3A_783 : i32 to index
            %get3A_785 = tpu.vector_load %arg7[%get3A_784] {strides = array<i32>} : memref<16000xf32, #tpu.memory_space<vmem>>, vector<16xf32>,
            %mul3A_786 = vector.broadcast %squeeze3A_761 : f32 to vector<16xf32>
            %mul3A_787 = arith.mulf %get3A_785, %mul3A_786 : vector<16xf32>
            %add3A_788 = arith.addf %add3A_708, %mul3A_787 : vector<16xf32>
            %mul3A_789 = arith.constant 128 : i32
            %mul3A_790 = arith.muli %min3A_759, %mul3A_789 : i32
            %add3A_791 = arith.constant 48 : i32
            %add3A_792 = arith.addi %mul3A_790, %add3A_791 : i32
            %get3A_793 = arith.index_cast %add3A_792 : i32 to index
            %get3A_794 = tpu.vector_load %arg7[%get3A_793] {strides = array<i32>} : memref<16000xf32, #tpu.memory_space<vmem>>, vector<16xf32>,
            %mul3A_795 = vector.broadcast %squeeze3A_761 : f32 to vector<16xf32>
            %mul3A_796 = arith.mulf %get3A_794, %mul3A_795 : vector<16xf32>
            %add3A_797 = arith.addf %add3A_717, %mul3A_796 : vector<16xf32>
            %mul3A_798 = arith.constant 128 : i32
            %mul3A_799 = arith.muli %min3A_759, %mul3A_798 : i32
            %add3A_800 = arith.constant 64 : i32
            %add3A_801 = arith.addi %mul3A_799, %add3A_800 : i32
            %get3A_802 = arith.index_cast %add3A_801 : i32 to index
            %get3A_803 = tpu.vector_load %arg7[%get3A_802] {strides = array<i32>} : memref<16000xf32, #tpu.memory_space<vmem>>, vector<16xf32>,
            %mul3A_804 = vector.broadcast %squeeze3A_761 : f32 to vector<16xf32>
            %mul3A_805 = arith.mulf %get3A_803, %mul3A_804 : vector<16xf32>
            %add3A_806 = arith.addf %add3A_726, %mul3A_805 : vector<16xf32>
            %mul3A_807 = arith.constant 128 : i32
            %mul3A_808 = arith.muli %min3A_759, %mul3A_807 : i32
            %add3A_809 = arith.constant 80 : i32
            %add3A_810 = arith.addi %mul3A_808, %add3A_809 : i32
            %get3A_811 = arith.index_cast %add3A_810 : i32 to index
            %get3A_812 = tpu.vector_load %arg7[%get3A_811] {strides = array<i32>} : memref<16000xf32, #tpu.memory_space<vmem>>, vector<16xf32>,
            %mul3A_813 = vector.broadcast %squeeze3A_761 : f32 to vector<16xf32>
            %mul3A_814 = arith.mulf %get3A_812, %mul3A_813 : vector<16xf32>
            %add3A_815 = arith.addf %add3A_735, %mul3A_814 : vector<16xf32>
            %mul3A_816 = arith.constant 128 : i32
            %mul3A_817 = arith.muli %min3A_759, %mul3A_816 : i32
            %add3A_818 = arith.constant 96 : i32
            %add3A_819 = arith.addi %mul3A_817, %add3A_818 : i32
            %get3A_820 = arith.index_cast %add3A_819 : i32 to index
            %get3A_821 = tpu.vector_load %arg7[%get3A_820] {strides = array<i32>} : memref<16000xf32, #tpu.memory_space<vmem>>, vector<16xf32>,
            %mul3A_822 = vector.broadcast %squeeze3A_761 : f32 to vector<16xf32>
            %mul3A_823 = arith.mulf %get3A_821, %mul3A_822 : vector<16xf32>
            %add3A_824 = arith.addf %add3A_744, %mul3A_823 : vector<16xf32>
            %mul3A_825 = arith.constant 128 : i32
            %mul3A_826 = arith.muli %min3A_759, %mul3A_825 : i32
            %add3A_827 = arith.constant 112 : i32
            %add3A_828 = arith.addi %mul3A_826, %add3A_827 : i32
            %get3A_829 = arith.index_cast %add3A_828 : i32 to index
            %get3A_830 = tpu.vector_load %arg7[%get3A_829] {strides = array<i32>} : memref<16000xf32, #tpu.memory_space<vmem>>, vector<16xf32>,
            %mul3A_831 = vector.broadcast %squeeze3A_761 : f32 to vector<16xf32>
            %mul3A_832 = arith.mulf %get3A_830, %mul3A_831 : vector<16xf32>
            %add3A_833 = arith.addf %add3A_753, %mul3A_832 : vector<16xf32>
            %mul3A_834 = arith.constant 16 : i32
            %mul3A_835 = arith.muli %while3A_249, %mul3A_834 : i32
            %add3A_836 = arith.constant 7 : i32
            %add3A_837 = arith.addi %mul3A_835, %add3A_836 : i32
            %min3A_838 = arith.constant 124 : i32
            %min3A_839 = arith.minsi %add3A_837, %min3A_838 : i32
            %slice3A_840 = vector.extract_strided_slice %select_n3A_273 {offsets = [7], sizes = [1], strides = [1]} : vector<16xf32> to vector<1xf32>
            %squeeze3A_841 = vector.extract %slice3A_840[0] : f32 from vector<1xf32>
            %mul3A_842 = arith.constant 128 : i32
            %mul3A_843 = arith.muli %min3A_839, %mul3A_842 : i32
            %add3A_844 = arith.constant 0 : i32
            %add3A_845 = arith.addi %mul3A_843, %add3A_844 : i32
            %get3A_846 = arith.index_cast %add3A_845 : i32 to index
            %get3A_847 = tpu.vector_load %arg7[%get3A_846] {strides = array<i32>} : memref<16000xf32, #tpu.memory_space<vmem>>, vector<16xf32>,
            %mul3A_848 = vector.broadcast %squeeze3A_841 : f32 to vector<16xf32>
            %mul3A_849 = arith.mulf %get3A_847, %mul3A_848 : vector<16xf32>
            %add3A_850 = arith.addf %add3A_770, %mul3A_849 : vector<16xf32>
            %mul3A_851 = arith.constant 128 : i32
            %mul3A_852 = arith.muli %min3A_839, %mul3A_851 : i32
            %add3A_853 = arith.constant 16 : i32
            %add3A_854 = arith.addi %mul3A_852, %add3A_853 : i32
            %get3A_855 = arith.index_cast %add3A_854 : i32 to index
            %get3A_856 = tpu.vector_load %arg7[%get3A_855] {strides = array<i32>} : memref<16000xf32, #tpu.memory_space<vmem>>, vector<16xf32>,
            %mul3A_857 = vector.broadcast %squeeze3A_841 : f32 to vector<16xf32>
            %mul3A_858 = arith.mulf %get3A_856, %mul3A_857 : vector<16xf32>
            %add3A_859 = arith.addf %add3A_779, %mul3A_858 : vector<16xf32>
            %mul3A_860 = arith.constant 128 : i32
            %mul3A_861 = arith.muli %min3A_839, %mul3A_860 : i32
            %add3A_862 = arith.constant 32 : i32
            %add3A_863 = arith.addi %mul3A_861, %add3A_862 : i32
            %get3A_864 = arith.index_cast %add3A_863 : i32 to index
            %get3A_865 = tpu.vector_load %arg7[%get3A_864] {strides = array<i32>} : memref<16000xf32, #tpu.memory_space<vmem>>, vector<16xf32>,
            %mul3A_866 = vector.broadcast %squeeze3A_841 : f32 to vector<16xf32>
            %mul3A_867 = arith.mulf %get3A_865, %mul3A_866 : vector<16xf32>
            %add3A_868 = arith.addf %add3A_788, %mul3A_867 : vector<16xf32>
            %mul3A_869 = arith.constant 128 : i32
            %mul3A_870 = arith.muli %min3A_839, %mul3A_869 : i32
            %add3A_871 = arith.constant 48 : i32
            %add3A_872 = arith.addi %mul3A_870, %add3A_871 : i32
            %get3A_873 = arith.index_cast %add3A_872 : i32 to index
            %get3A_874 = tpu.vector_load %arg7[%get3A_873] {strides = array<i32>} : memref<16000xf32, #tpu.memory_space<vmem>>, vector<16xf32>,
            %mul3A_875 = vector.broadcast %squeeze3A_841 : f32 to vector<16xf32>
            %mul3A_876 = arith.mulf %get3A_874, %mul3A_875 : vector<16xf32>
            %add3A_877 = arith.addf %add3A_797, %mul3A_876 : vector<16xf32>
            %mul3A_878 = arith.constant 128 : i32
            %mul3A_879 = arith.muli %min3A_839, %mul3A_878 : i32
            %add3A_880 = arith.constant 64 : i32
            %add3A_881 = arith.addi %mul3A_879, %add3A_880 : i32
            %get3A_882 = arith.index_cast %add3A_881 : i32 to index
            %get3A_883 = tpu.vector_load %arg7[%get3A_882] {strides = array<i32>} : memref<16000xf32, #tpu.memory_space<vmem>>, vector<16xf32>,
            %mul3A_884 = vector.broadcast %squeeze3A_841 : f32 to vector<16xf32>
            %mul3A_885 = arith.mulf %get3A_883, %mul3A_884 : vector<16xf32>
            %add3A_886 = arith.addf %add3A_806, %mul3A_885 : vector<16xf32>
            %mul3A_887 = arith.constant 128 : i32
            %mul3A_888 = arith.muli %min3A_839, %mul3A_887 : i32
            %add3A_889 = arith.constant 80 : i32
            %add3A_890 = arith.addi %mul3A_888, %add3A_889 : i32
            %get3A_891 = arith.index_cast %add3A_890 : i32 to index
            %get3A_892 = tpu.vector_load %arg7[%get3A_891] {strides = array<i32>} : memref<16000xf32, #tpu.memory_space<vmem>>, vector<16xf32>,
            %mul3A_893 = vector.broadcast %squeeze3A_841 : f32 to vector<16xf32>
            %mul3A_894 = arith.mulf %get3A_892, %mul3A_893 : vector<16xf32>
            %add3A_895 = arith.addf %add3A_815, %mul3A_894 : vector<16xf32>
            %mul3A_896 = arith.constant 128 : i32
            %mul3A_897 = arith.muli %min3A_839, %mul3A_896 : i32
            %add3A_898 = arith.constant 96 : i32
            %add3A_899 = arith.addi %mul3A_897, %add3A_898 : i32
            %get3A_900 = arith.index_cast %add3A_899 : i32 to index
            %get3A_901 = tpu.vector_load %arg7[%get3A_900] {strides = array<i32>} : memref<16000xf32, #tpu.memory_space<vmem>>, vector<16xf32>,
            %mul3A_902 = vector.broadcast %squeeze3A_841 : f32 to vector<16xf32>
            %mul3A_903 = arith.mulf %get3A_901, %mul3A_902 : vector<16xf32>
            %add3A_904 = arith.addf %add3A_824, %mul3A_903 : vector<16xf32>
            %mul3A_905 = arith.constant 128 : i32
            %mul3A_906 = arith.muli %min3A_839, %mul3A_905 : i32
            %add3A_907 = arith.constant 112 : i32
            %add3A_908 = arith.addi %mul3A_906, %add3A_907 : i32
            %get3A_909 = arith.index_cast %add3A_908 : i32 to index
            %get3A_910 = tpu.vector_load %arg7[%get3A_909] {strides = array<i32>} : memref<16000xf32, #tpu.memory_space<vmem>>, vector<16xf32>,
            %mul3A_911 = vector.broadcast %squeeze3A_841 : f32 to vector<16xf32>
            %mul3A_912 = arith.mulf %get3A_910, %mul3A_911 : vector<16xf32>
            %add3A_913 = arith.addf %add3A_833, %mul3A_912 : vector<16xf32>
            %mul3A_914 = arith.constant 16 : i32
            %mul3A_915 = arith.muli %while3A_249, %mul3A_914 : i32
            %add3A_916 = arith.constant 8 : i32
            %add3A_917 = arith.addi %mul3A_915, %add3A_916 : i32
            %min3A_918 = arith.constant 124 : i32
            %min3A_919 = arith.minsi %add3A_917, %min3A_918 : i32
            %slice3A_920 = vector.extract_strided_slice %select_n3A_273 {offsets = [8], sizes = [1], strides = [1]} : vector<16xf32> to vector<1xf32>
            %squeeze3A_921 = vector.extract %slice3A_920[0] : f32 from vector<1xf32>
            %mul3A_922 = arith.constant 128 : i32
            %mul3A_923 = arith.muli %min3A_919, %mul3A_922 : i32
            %add3A_924 = arith.constant 0 : i32
            %add3A_925 = arith.addi %mul3A_923, %add3A_924 : i32
            %get3A_926 = arith.index_cast %add3A_925 : i32 to index
            %get3A_927 = tpu.vector_load %arg7[%get3A_926] {strides = array<i32>} : memref<16000xf32, #tpu.memory_space<vmem>>, vector<16xf32>,
            %mul3A_928 = vector.broadcast %squeeze3A_921 : f32 to vector<16xf32>
            %mul3A_929 = arith.mulf %get3A_927, %mul3A_928 : vector<16xf32>
            %add3A_930 = arith.addf %add3A_850, %mul3A_929 : vector<16xf32>
            %mul3A_931 = arith.constant 128 : i32
            %mul3A_932 = arith.muli %min3A_919, %mul3A_931 : i32
            %add3A_933 = arith.constant 16 : i32
            %add3A_934 = arith.addi %mul3A_932, %add3A_933 : i32
            %get3A_935 = arith.index_cast %add3A_934 : i32 to index
            %get3A_936 = tpu.vector_load %arg7[%get3A_935] {strides = array<i32>} : memref<16000xf32, #tpu.memory_space<vmem>>, vector<16xf32>,
            %mul3A_937 = vector.broadcast %squeeze3A_921 : f32 to vector<16xf32>
            %mul3A_938 = arith.mulf %get3A_936, %mul3A_937 : vector<16xf32>
            %add3A_939 = arith.addf %add3A_859, %mul3A_938 : vector<16xf32>
            %mul3A_940 = arith.constant 128 : i32
            %mul3A_941 = arith.muli %min3A_919, %mul3A_940 : i32
            %add3A_942 = arith.constant 32 : i32
            %add3A_943 = arith.addi %mul3A_941, %add3A_942 : i32
            %get3A_944 = arith.index_cast %add3A_943 : i32 to index
            %get3A_945 = tpu.vector_load %arg7[%get3A_944] {strides = array<i32>} : memref<16000xf32, #tpu.memory_space<vmem>>, vector<16xf32>,
            %mul3A_946 = vector.broadcast %squeeze3A_921 : f32 to vector<16xf32>
            %mul3A_947 = arith.mulf %get3A_945, %mul3A_946 : vector<16xf32>
            %add3A_948 = arith.addf %add3A_868, %mul3A_947 : vector<16xf32>
            %mul3A_949 = arith.constant 128 : i32
            %mul3A_950 = arith.muli %min3A_919, %mul3A_949 : i32
            %add3A_951 = arith.constant 48 : i32
            %add3A_952 = arith.addi %mul3A_950, %add3A_951 : i32
            %get3A_953 = arith.index_cast %add3A_952 : i32 to index
            %get3A_954 = tpu.vector_load %arg7[%get3A_953] {strides = array<i32>} : memref<16000xf32, #tpu.memory_space<vmem>>, vector<16xf32>,
            %mul3A_955 = vector.broadcast %squeeze3A_921 : f32 to vector<16xf32>
            %mul3A_956 = arith.mulf %get3A_954, %mul3A_955 : vector<16xf32>
            %add3A_957 = arith.addf %add3A_877, %mul3A_956 : vector<16xf32>
            %mul3A_958 = arith.constant 128 : i32
            %mul3A_959 = arith.muli %min3A_919, %mul3A_958 : i32
            %add3A_960 = arith.constant 64 : i32
            %add3A_961 = arith.addi %mul3A_959, %add3A_960 : i32
            %get3A_962 = arith.index_cast %add3A_961 : i32 to index
            %get3A_963 = tpu.vector_load %arg7[%get3A_962] {strides = array<i32>} : memref<16000xf32, #tpu.memory_space<vmem>>, vector<16xf32>,
            %mul3A_964 = vector.broadcast %squeeze3A_921 : f32 to vector<16xf32>
            %mul3A_965 = arith.mulf %get3A_963, %mul3A_964 : vector<16xf32>
            %add3A_966 = arith.addf %add3A_886, %mul3A_965 : vector<16xf32>
            %mul3A_967 = arith.constant 128 : i32
            %mul3A_968 = arith.muli %min3A_919, %mul3A_967 : i32
            %add3A_969 = arith.constant 80 : i32
            %add3A_970 = arith.addi %mul3A_968, %add3A_969 : i32
            %get3A_971 = arith.index_cast %add3A_970 : i32 to index
            %get3A_972 = tpu.vector_load %arg7[%get3A_971] {strides = array<i32>} : memref<16000xf32, #tpu.memory_space<vmem>>, vector<16xf32>,
            %mul3A_973 = vector.broadcast %squeeze3A_921 : f32 to vector<16xf32>
            %mul3A_974 = arith.mulf %get3A_972, %mul3A_973 : vector<16xf32>
            %add3A_975 = arith.addf %add3A_895, %mul3A_974 : vector<16xf32>
            %mul3A_976 = arith.constant 128 : i32
            %mul3A_977 = arith.muli %min3A_919, %mul3A_976 : i32
            %add3A_978 = arith.constant 96 : i32
            %add3A_979 = arith.addi %mul3A_977, %add3A_978 : i32
            %get3A_980 = arith.index_cast %add3A_979 : i32 to index
            %get3A_981 = tpu.vector_load %arg7[%get3A_980] {strides = array<i32>} : memref<16000xf32, #tpu.memory_space<vmem>>, vector<16xf32>,
            %mul3A_982 = vector.broadcast %squeeze3A_921 : f32 to vector<16xf32>
            %mul3A_983 = arith.mulf %get3A_981, %mul3A_982 : vector<16xf32>
            %add3A_984 = arith.addf %add3A_904, %mul3A_983 : vector<16xf32>
            %mul3A_985 = arith.constant 128 : i32
            %mul3A_986 = arith.muli %min3A_919, %mul3A_985 : i32
            %add3A_987 = arith.constant 112 : i32
            %add3A_988 = arith.addi %mul3A_986, %add3A_987 : i32
            %get3A_989 = arith.index_cast %add3A_988 : i32 to index
            %get3A_990 = tpu.vector_load %arg7[%get3A_989] {strides = array<i32>} : memref<16000xf32, #tpu.memory_space<vmem>>, vector<16xf32>,
            %mul3A_991 = vector.broadcast %squeeze3A_921 : f32 to vector<16xf32>
            %mul3A_992 = arith.mulf %get3A_990, %mul3A_991 : vector<16xf32>
            %add3A_993 = arith.addf %add3A_913, %mul3A_992 : vector<16xf32>
            %mul3A_994 = arith.constant 16 : i32
            %mul3A_995 = arith.muli %while3A_249, %mul3A_994 : i32
            %add3A_996 = arith.constant 9 : i32
            %add3A_997 = arith.addi %mul3A_995, %add3A_996 : i32
            %min3A_998 = arith.constant 124 : i32
            %min3A_999 = arith.minsi %add3A_997, %min3A_998 : i32
            %slice3A_1000 = vector.extract_strided_slice %select_n3A_273 {offsets = [9], sizes = [1], strides = [1]} : vector<16xf32> to vector<1xf32>
            %squeeze3A_1001 = vector.extract %slice3A_1000[0] : f32 from vector<1xf32>
            %mul3A_1002 = arith.constant 128 : i32
            %mul3A_1003 = arith.muli %min3A_999, %mul3A_1002 : i32
            %add3A_1004 = arith.constant 0 : i32
            %add3A_1005 = arith.addi %mul3A_1003, %add3A_1004 : i32
            %get3A_1006 = arith.index_cast %add3A_1005 : i32 to index
            %get3A_1007 = tpu.vector_load %arg7[%get3A_1006] {strides = array<i32>} : memref<16000xf32, #tpu.memory_space<vmem>>, vector<16xf32>,
            %mul3A_1008 = vector.broadcast %squeeze3A_1001 : f32 to vector<16xf32>
            %mul3A_1009 = arith.mulf %get3A_1007, %mul3A_1008 : vector<16xf32>
            %add3A_1010 = arith.addf %add3A_930, %mul3A_1009 : vector<16xf32>
            %mul3A_1011 = arith.constant 128 : i32
            %mul3A_1012 = arith.muli %min3A_999, %mul3A_1011 : i32
            %add3A_1013 = arith.constant 16 : i32
            %add3A_1014 = arith.addi %mul3A_1012, %add3A_1013 : i32
            %get3A_1015 = arith.index_cast %add3A_1014 : i32 to index
            %get3A_1016 = tpu.vector_load %arg7[%get3A_1015] {strides = array<i32>} : memref<16000xf32, #tpu.memory_space<vmem>>, vector<16xf32>,
            %mul3A_1017 = vector.broadcast %squeeze3A_1001 : f32 to vector<16xf32>
            %mul3A_1018 = arith.mulf %get3A_1016, %mul3A_1017 : vector<16xf32>
            %add3A_1019 = arith.addf %add3A_939, %mul3A_1018 : vector<16xf32>
            %mul3A_1020 = arith.constant 128 : i32
            %mul3A_1021 = arith.muli %min3A_999, %mul3A_1020 : i32
            %add3A_1022 = arith.constant 32 : i32
            %add3A_1023 = arith.addi %mul3A_1021, %add3A_1022 : i32
            %get3A_1024 = arith.index_cast %add3A_1023 : i32 to index
            %get3A_1025 = tpu.vector_load %arg7[%get3A_1024] {strides = array<i32>} : memref<16000xf32, #tpu.memory_space<vmem>>, vector<16xf32>,
            %mul3A_1026 = vector.broadcast %squeeze3A_1001 : f32 to vector<16xf32>
            %mul3A_1027 = arith.mulf %get3A_1025, %mul3A_1026 : vector<16xf32>
            %add3A_1028 = arith.addf %add3A_948, %mul3A_1027 : vector<16xf32>
            %mul3A_1029 = arith.constant 128 : i32
            %mul3A_1030 = arith.muli %min3A_999, %mul3A_1029 : i32
            %add3A_1031 = arith.constant 48 : i32
            %add3A_1032 = arith.addi %mul3A_1030, %add3A_1031 : i32
            %get3A_1033 = arith.index_cast %add3A_1032 : i32 to index
            %get3A_1034 = tpu.vector_load %arg7[%get3A_1033] {strides = array<i32>} : memref<16000xf32, #tpu.memory_space<vmem>>, vector<16xf32>,
            %mul3A_1035 = vector.broadcast %squeeze3A_1001 : f32 to vector<16xf32>
            %mul3A_1036 = arith.mulf %get3A_1034, %mul3A_1035 : vector<16xf32>
            %add3A_1037 = arith.addf %add3A_957, %mul3A_1036 : vector<16xf32>
            %mul3A_1038 = arith.constant 128 : i32
            %mul3A_1039 = arith.muli %min3A_999, %mul3A_1038 : i32
            %add3A_1040 = arith.constant 64 : i32
            %add3A_1041 = arith.addi %mul3A_1039, %add3A_1040 : i32
            %get3A_1042 = arith.index_cast %add3A_1041 : i32 to index
            %get3A_1043 = tpu.vector_load %arg7[%get3A_1042] {strides = array<i32>} : memref<16000xf32, #tpu.memory_space<vmem>>, vector<16xf32>,
            %mul3A_1044 = vector.broadcast %squeeze3A_1001 : f32 to vector<16xf32>
            %mul3A_1045 = arith.mulf %get3A_1043, %mul3A_1044 : vector<16xf32>
            %add3A_1046 = arith.addf %add3A_966, %mul3A_1045 : vector<16xf32>
            %mul3A_1047 = arith.constant 128 : i32
            %mul3A_1048 = arith.muli %min3A_999, %mul3A_1047 : i32
            %add3A_1049 = arith.constant 80 : i32
            %add3A_1050 = arith.addi %mul3A_1048, %add3A_1049 : i32
            %get3A_1051 = arith.index_cast %add3A_1050 : i32 to index
            %get3A_1052 = tpu.vector_load %arg7[%get3A_1051] {strides = array<i32>} : memref<16000xf32, #tpu.memory_space<vmem>>, vector<16xf32>,
            %mul3A_1053 = vector.broadcast %squeeze3A_1001 : f32 to vector<16xf32>
            %mul3A_1054 = arith.mulf %get3A_1052, %mul3A_1053 : vector<16xf32>
            %add3A_1055 = arith.addf %add3A_975, %mul3A_1054 : vector<16xf32>
            %mul3A_1056 = arith.constant 128 : i32
            %mul3A_1057 = arith.muli %min3A_999, %mul3A_1056 : i32
            %add3A_1058 = arith.constant 96 : i32
            %add3A_1059 = arith.addi %mul3A_1057, %add3A_1058 : i32
            %get3A_1060 = arith.index_cast %add3A_1059 : i32 to index
            %get3A_1061 = tpu.vector_load %arg7[%get3A_1060] {strides = array<i32>} : memref<16000xf32, #tpu.memory_space<vmem>>, vector<16xf32>,
            %mul3A_1062 = vector.broadcast %squeeze3A_1001 : f32 to vector<16xf32>
            %mul3A_1063 = arith.mulf %get3A_1061, %mul3A_1062 : vector<16xf32>
            %add3A_1064 = arith.addf %add3A_984, %mul3A_1063 : vector<16xf32>
            %mul3A_1065 = arith.constant 128 : i32
            %mul3A_1066 = arith.muli %min3A_999, %mul3A_1065 : i32
            %add3A_1067 = arith.constant 112 : i32
            %add3A_1068 = arith.addi %mul3A_1066, %add3A_1067 : i32
            %get3A_1069 = arith.index_cast %add3A_1068 : i32 to index
            %get3A_1070 = tpu.vector_load %arg7[%get3A_1069] {strides = array<i32>} : memref<16000xf32, #tpu.memory_space<vmem>>, vector<16xf32>,
            %mul3A_1071 = vector.broadcast %squeeze3A_1001 : f32 to vector<16xf32>
            %mul3A_1072 = arith.mulf %get3A_1070, %mul3A_1071 : vector<16xf32>
            %add3A_1073 = arith.addf %add3A_993, %mul3A_1072 : vector<16xf32>
            %mul3A_1074 = arith.constant 16 : i32
            %mul3A_1075 = arith.muli %while3A_249, %mul3A_1074 : i32
            %add3A_1076 = arith.constant 10 : i32
            %add3A_1077 = arith.addi %mul3A_1075, %add3A_1076 : i32
            %min3A_1078 = arith.constant 124 : i32
            %min3A_1079 = arith.minsi %add3A_1077, %min3A_1078 : i32
            %slice3A_1080 = vector.extract_strided_slice %select_n3A_273 {offsets = [10], sizes = [1], strides = [1]} : vector<16xf32> to vector<1xf32>
            %squeeze3A_1081 = vector.extract %slice3A_1080[0] : f32 from vector<1xf32>
            %mul3A_1082 = arith.constant 128 : i32
            %mul3A_1083 = arith.muli %min3A_1079, %mul3A_1082 : i32
            %add3A_1084 = arith.constant 0 : i32
            %add3A_1085 = arith.addi %mul3A_1083, %add3A_1084 : i32
            %get3A_1086 = arith.index_cast %add3A_1085 : i32 to index
            %get3A_1087 = tpu.vector_load %arg7[%get3A_1086] {strides = array<i32>} : memref<16000xf32, #tpu.memory_space<vmem>>, vector<16xf32>,
            %mul3A_1088 = vector.broadcast %squeeze3A_1081 : f32 to vector<16xf32>
            %mul3A_1089 = arith.mulf %get3A_1087, %mul3A_1088 : vector<16xf32>
            %add3A_1090 = arith.addf %add3A_1010, %mul3A_1089 : vector<16xf32>
            %mul3A_1091 = arith.constant 128 : i32
            %mul3A_1092 = arith.muli %min3A_1079, %mul3A_1091 : i32
            %add3A_1093 = arith.constant 16 : i32
            %add3A_1094 = arith.addi %mul3A_1092, %add3A_1093 : i32
            %get3A_1095 = arith.index_cast %add3A_1094 : i32 to index
            %get3A_1096 = tpu.vector_load %arg7[%get3A_1095] {strides = array<i32>} : memref<16000xf32, #tpu.memory_space<vmem>>, vector<16xf32>,
            %mul3A_1097 = vector.broadcast %squeeze3A_1081 : f32 to vector<16xf32>
            %mul3A_1098 = arith.mulf %get3A_1096, %mul3A_1097 : vector<16xf32>
            %add3A_1099 = arith.addf %add3A_1019, %mul3A_1098 : vector<16xf32>
            %mul3A_1100 = arith.constant 128 : i32
            %mul3A_1101 = arith.muli %min3A_1079, %mul3A_1100 : i32
            %add3A_1102 = arith.constant 32 : i32
            %add3A_1103 = arith.addi %mul3A_1101, %add3A_1102 : i32
            %get3A_1104 = arith.index_cast %add3A_1103 : i32 to index
            %get3A_1105 = tpu.vector_load %arg7[%get3A_1104] {strides = array<i32>} : memref<16000xf32, #tpu.memory_space<vmem>>, vector<16xf32>,
            %mul3A_1106 = vector.broadcast %squeeze3A_1081 : f32 to vector<16xf32>
            %mul3A_1107 = arith.mulf %get3A_1105, %mul3A_1106 : vector<16xf32>
            %add3A_1108 = arith.addf %add3A_1028, %mul3A_1107 : vector<16xf32>
            %mul3A_1109 = arith.constant 128 : i32
            %mul3A_1110 = arith.muli %min3A_1079, %mul3A_1109 : i32
            %add3A_1111 = arith.constant 48 : i32
            %add3A_1112 = arith.addi %mul3A_1110, %add3A_1111 : i32
            %get3A_1113 = arith.index_cast %add3A_1112 : i32 to index
            %get3A_1114 = tpu.vector_load %arg7[%get3A_1113] {strides = array<i32>} : memref<16000xf32, #tpu.memory_space<vmem>>, vector<16xf32>,
            %mul3A_1115 = vector.broadcast %squeeze3A_1081 : f32 to vector<16xf32>
            %mul3A_1116 = arith.mulf %get3A_1114, %mul3A_1115 : vector<16xf32>
            %add3A_1117 = arith.addf %add3A_1037, %mul3A_1116 : vector<16xf32>
            %mul3A_1118 = arith.constant 128 : i32
            %mul3A_1119 = arith.muli %min3A_1079, %mul3A_1118 : i32
            %add3A_1120 = arith.constant 64 : i32
            %add3A_1121 = arith.addi %mul3A_1119, %add3A_1120 : i32
            %get3A_1122 = arith.index_cast %add3A_1121 : i32 to index
            %get3A_1123 = tpu.vector_load %arg7[%get3A_1122] {strides = array<i32>} : memref<16000xf32, #tpu.memory_space<vmem>>, vector<16xf32>,
            %mul3A_1124 = vector.broadcast %squeeze3A_1081 : f32 to vector<16xf32>
            %mul3A_1125 = arith.mulf %get3A_1123, %mul3A_1124 : vector<16xf32>
            %add3A_1126 = arith.addf %add3A_1046, %mul3A_1125 : vector<16xf32>
            %mul3A_1127 = arith.constant 128 : i32
            %mul3A_1128 = arith.muli %min3A_1079, %mul3A_1127 : i32
            %add3A_1129 = arith.constant 80 : i32
            %add3A_1130 = arith.addi %mul3A_1128, %add3A_1129 : i32
            %get3A_1131 = arith.index_cast %add3A_1130 : i32 to index
            %get3A_1132 = tpu.vector_load %arg7[%get3A_1131] {strides = array<i32>} : memref<16000xf32, #tpu.memory_space<vmem>>, vector<16xf32>,
            %mul3A_1133 = vector.broadcast %squeeze3A_1081 : f32 to vector<16xf32>
            %mul3A_1134 = arith.mulf %get3A_1132, %mul3A_1133 : vector<16xf32>
            %add3A_1135 = arith.addf %add3A_1055, %mul3A_1134 : vector<16xf32>
            %mul3A_1136 = arith.constant 128 : i32
            %mul3A_1137 = arith.muli %min3A_1079, %mul3A_1136 : i32
            %add3A_1138 = arith.constant 96 : i32
            %add3A_1139 = arith.addi %mul3A_1137, %add3A_1138 : i32
            %get3A_1140 = arith.index_cast %add3A_1139 : i32 to index
            %get3A_1141 = tpu.vector_load %arg7[%get3A_1140] {strides = array<i32>} : memref<16000xf32, #tpu.memory_space<vmem>>, vector<16xf32>,
            %mul3A_1142 = vector.broadcast %squeeze3A_1081 : f32 to vector<16xf32>
            %mul3A_1143 = arith.mulf %get3A_1141, %mul3A_1142 : vector<16xf32>
            %add3A_1144 = arith.addf %add3A_1064, %mul3A_1143 : vector<16xf32>
            %mul3A_1145 = arith.constant 128 : i32
            %mul3A_1146 = arith.muli %min3A_1079, %mul3A_1145 : i32
            %add3A_1147 = arith.constant 112 : i32
            %add3A_1148 = arith.addi %mul3A_1146, %add3A_1147 : i32
            %get3A_1149 = arith.index_cast %add3A_1148 : i32 to index
            %get3A_1150 = tpu.vector_load %arg7[%get3A_1149] {strides = array<i32>} : memref<16000xf32, #tpu.memory_space<vmem>>, vector<16xf32>,
            %mul3A_1151 = vector.broadcast %squeeze3A_1081 : f32 to vector<16xf32>
            %mul3A_1152 = arith.mulf %get3A_1150, %mul3A_1151 : vector<16xf32>
            %add3A_1153 = arith.addf %add3A_1073, %mul3A_1152 : vector<16xf32>
            %mul3A_1154 = arith.constant 16 : i32
            %mul3A_1155 = arith.muli %while3A_249, %mul3A_1154 : i32
            %add3A_1156 = arith.constant 11 : i32
            %add3A_1157 = arith.addi %mul3A_1155, %add3A_1156 : i32
            %min3A_1158 = arith.constant 124 : i32
            %min3A_1159 = arith.minsi %add3A_1157, %min3A_1158 : i32
            %slice3A_1160 = vector.extract_strided_slice %select_n3A_273 {offsets = [11], sizes = [1], strides = [1]} : vector<16xf32> to vector<1xf32>
            %squeeze3A_1161 = vector.extract %slice3A_1160[0] : f32 from vector<1xf32>
            %mul3A_1162 = arith.constant 128 : i32
            %mul3A_1163 = arith.muli %min3A_1159, %mul3A_1162 : i32
            %add3A_1164 = arith.constant 0 : i32
            %add3A_1165 = arith.addi %mul3A_1163, %add3A_1164 : i32
            %get3A_1166 = arith.index_cast %add3A_1165 : i32 to index
            %get3A_1167 = tpu.vector_load %arg7[%get3A_1166] {strides = array<i32>} : memref<16000xf32, #tpu.memory_space<vmem>>, vector<16xf32>,
            %mul3A_1168 = vector.broadcast %squeeze3A_1161 : f32 to vector<16xf32>
            %mul3A_1169 = arith.mulf %get3A_1167, %mul3A_1168 : vector<16xf32>
            %add3A_1170 = arith.addf %add3A_1090, %mul3A_1169 : vector<16xf32>
            %mul3A_1171 = arith.constant 128 : i32
            %mul3A_1172 = arith.muli %min3A_1159, %mul3A_1171 : i32
            %add3A_1173 = arith.constant 16 : i32
            %add3A_1174 = arith.addi %mul3A_1172, %add3A_1173 : i32
            %get3A_1175 = arith.index_cast %add3A_1174 : i32 to index
            %get3A_1176 = tpu.vector_load %arg7[%get3A_1175] {strides = array<i32>} : memref<16000xf32, #tpu.memory_space<vmem>>, vector<16xf32>,
            %mul3A_1177 = vector.broadcast %squeeze3A_1161 : f32 to vector<16xf32>
            %mul3A_1178 = arith.mulf %get3A_1176, %mul3A_1177 : vector<16xf32>
            %add3A_1179 = arith.addf %add3A_1099, %mul3A_1178 : vector<16xf32>
            %mul3A_1180 = arith.constant 128 : i32
            %mul3A_1181 = arith.muli %min3A_1159, %mul3A_1180 : i32
            %add3A_1182 = arith.constant 32 : i32
            %add3A_1183 = arith.addi %mul3A_1181, %add3A_1182 : i32
            %get3A_1184 = arith.index_cast %add3A_1183 : i32 to index
            %get3A_1185 = tpu.vector_load %arg7[%get3A_1184] {strides = array<i32>} : memref<16000xf32, #tpu.memory_space<vmem>>, vector<16xf32>,
            %mul3A_1186 = vector.broadcast %squeeze3A_1161 : f32 to vector<16xf32>
            %mul3A_1187 = arith.mulf %get3A_1185, %mul3A_1186 : vector<16xf32>
            %add3A_1188 = arith.addf %add3A_1108, %mul3A_1187 : vector<16xf32>
            %mul3A_1189 = arith.constant 128 : i32
            %mul3A_1190 = arith.muli %min3A_1159, %mul3A_1189 : i32
            %add3A_1191 = arith.constant 48 : i32
            %add3A_1192 = arith.addi %mul3A_1190, %add3A_1191 : i32
            %get3A_1193 = arith.index_cast %add3A_1192 : i32 to index
            %get3A_1194 = tpu.vector_load %arg7[%get3A_1193] {strides = array<i32>} : memref<16000xf32, #tpu.memory_space<vmem>>, vector<16xf32>,
            %mul3A_1195 = vector.broadcast %squeeze3A_1161 : f32 to vector<16xf32>
            %mul3A_1196 = arith.mulf %get3A_1194, %mul3A_1195 : vector<16xf32>
            %add3A_1197 = arith.addf %add3A_1117, %mul3A_1196 : vector<16xf32>
            %mul3A_1198 = arith.constant 128 : i32
            %mul3A_1199 = arith.muli %min3A_1159, %mul3A_1198 : i32
            %add3A_1200 = arith.constant 64 : i32
            %add3A_1201 = arith.addi %mul3A_1199, %add3A_1200 : i32
            %get3A_1202 = arith.index_cast %add3A_1201 : i32 to index
            %get3A_1203 = tpu.vector_load %arg7[%get3A_1202] {strides = array<i32>} : memref<16000xf32, #tpu.memory_space<vmem>>, vector<16xf32>,
            %mul3A_1204 = vector.broadcast %squeeze3A_1161 : f32 to vector<16xf32>
            %mul3A_1205 = arith.mulf %get3A_1203, %mul3A_1204 : vector<16xf32>
            %add3A_1206 = arith.addf %add3A_1126, %mul3A_1205 : vector<16xf32>
            %mul3A_1207 = arith.constant 128 : i32
            %mul3A_1208 = arith.muli %min3A_1159, %mul3A_1207 : i32
            %add3A_1209 = arith.constant 80 : i32
            %add3A_1210 = arith.addi %mul3A_1208, %add3A_1209 : i32
            %get3A_1211 = arith.index_cast %add3A_1210 : i32 to index
            %get3A_1212 = tpu.vector_load %arg7[%get3A_1211] {strides = array<i32>} : memref<16000xf32, #tpu.memory_space<vmem>>, vector<16xf32>,
            %mul3A_1213 = vector.broadcast %squeeze3A_1161 : f32 to vector<16xf32>
            %mul3A_1214 = arith.mulf %get3A_1212, %mul3A_1213 : vector<16xf32>
            %add3A_1215 = arith.addf %add3A_1135, %mul3A_1214 : vector<16xf32>
            %mul3A_1216 = arith.constant 128 : i32
            %mul3A_1217 = arith.muli %min3A_1159, %mul3A_1216 : i32
            %add3A_1218 = arith.constant 96 : i32
            %add3A_1219 = arith.addi %mul3A_1217, %add3A_1218 : i32
            %get3A_1220 = arith.index_cast %add3A_1219 : i32 to index
            %get3A_1221 = tpu.vector_load %arg7[%get3A_1220] {strides = array<i32>} : memref<16000xf32, #tpu.memory_space<vmem>>, vector<16xf32>,
            %mul3A_1222 = vector.broadcast %squeeze3A_1161 : f32 to vector<16xf32>
            %mul3A_1223 = arith.mulf %get3A_1221, %mul3A_1222 : vector<16xf32>
            %add3A_1224 = arith.addf %add3A_1144, %mul3A_1223 : vector<16xf32>
            %mul3A_1225 = arith.constant 128 : i32
            %mul3A_1226 = arith.muli %min3A_1159, %mul3A_1225 : i32
            %add3A_1227 = arith.constant 112 : i32
            %add3A_1228 = arith.addi %mul3A_1226, %add3A_1227 : i32
            %get3A_1229 = arith.index_cast %add3A_1228 : i32 to index
            %get3A_1230 = tpu.vector_load %arg7[%get3A_1229] {strides = array<i32>} : memref<16000xf32, #tpu.memory_space<vmem>>, vector<16xf32>,
            %mul3A_1231 = vector.broadcast %squeeze3A_1161 : f32 to vector<16xf32>
            %mul3A_1232 = arith.mulf %get3A_1230, %mul3A_1231 : vector<16xf32>
            %add3A_1233 = arith.addf %add3A_1153, %mul3A_1232 : vector<16xf32>
            %mul3A_1234 = arith.constant 16 : i32
            %mul3A_1235 = arith.muli %while3A_249, %mul3A_1234 : i32
            %add3A_1236 = arith.constant 12 : i32
            %add3A_1237 = arith.addi %mul3A_1235, %add3A_1236 : i32
            %min3A_1238 = arith.constant 124 : i32
            %min3A_1239 = arith.minsi %add3A_1237, %min3A_1238 : i32
            %slice3A_1240 = vector.extract_strided_slice %select_n3A_273 {offsets = [12], sizes = [1], strides = [1]} : vector<16xf32> to vector<1xf32>
            %squeeze3A_1241 = vector.extract %slice3A_1240[0] : f32 from vector<1xf32>
            %mul3A_1242 = arith.constant 128 : i32
            %mul3A_1243 = arith.muli %min3A_1239, %mul3A_1242 : i32
            %add3A_1244 = arith.constant 0 : i32
            %add3A_1245 = arith.addi %mul3A_1243, %add3A_1244 : i32
            %get3A_1246 = arith.index_cast %add3A_1245 : i32 to index
            %get3A_1247 = tpu.vector_load %arg7[%get3A_1246] {strides = array<i32>} : memref<16000xf32, #tpu.memory_space<vmem>>, vector<16xf32>,
            %mul3A_1248 = vector.broadcast %squeeze3A_1241 : f32 to vector<16xf32>
            %mul3A_1249 = arith.mulf %get3A_1247, %mul3A_1248 : vector<16xf32>
            %add3A_1250 = arith.addf %add3A_1170, %mul3A_1249 : vector<16xf32>
            %mul3A_1251 = arith.constant 128 : i32
            %mul3A_1252 = arith.muli %min3A_1239, %mul3A_1251 : i32
            %add3A_1253 = arith.constant 16 : i32
            %add3A_1254 = arith.addi %mul3A_1252, %add3A_1253 : i32
            %get3A_1255 = arith.index_cast %add3A_1254 : i32 to index
            %get3A_1256 = tpu.vector_load %arg7[%get3A_1255] {strides = array<i32>} : memref<16000xf32, #tpu.memory_space<vmem>>, vector<16xf32>,
            %mul3A_1257 = vector.broadcast %squeeze3A_1241 : f32 to vector<16xf32>
            %mul3A_1258 = arith.mulf %get3A_1256, %mul3A_1257 : vector<16xf32>
            %add3A_1259 = arith.addf %add3A_1179, %mul3A_1258 : vector<16xf32>
            %mul3A_1260 = arith.constant 128 : i32
            %mul3A_1261 = arith.muli %min3A_1239, %mul3A_1260 : i32
            %add3A_1262 = arith.constant 32 : i32
            %add3A_1263 = arith.addi %mul3A_1261, %add3A_1262 : i32
            %get3A_1264 = arith.index_cast %add3A_1263 : i32 to index
            %get3A_1265 = tpu.vector_load %arg7[%get3A_1264] {strides = array<i32>} : memref<16000xf32, #tpu.memory_space<vmem>>, vector<16xf32>,
            %mul3A_1266 = vector.broadcast %squeeze3A_1241 : f32 to vector<16xf32>
            %mul3A_1267 = arith.mulf %get3A_1265, %mul3A_1266 : vector<16xf32>
            %add3A_1268 = arith.addf %add3A_1188, %mul3A_1267 : vector<16xf32>
            %mul3A_1269 = arith.constant 128 : i32
            %mul3A_1270 = arith.muli %min3A_1239, %mul3A_1269 : i32
            %add3A_1271 = arith.constant 48 : i32
            %add3A_1272 = arith.addi %mul3A_1270, %add3A_1271 : i32
            %get3A_1273 = arith.index_cast %add3A_1272 : i32 to index
            %get3A_1274 = tpu.vector_load %arg7[%get3A_1273] {strides = array<i32>} : memref<16000xf32, #tpu.memory_space<vmem>>, vector<16xf32>,
            %mul3A_1275 = vector.broadcast %squeeze3A_1241 : f32 to vector<16xf32>
            %mul3A_1276 = arith.mulf %get3A_1274, %mul3A_1275 : vector<16xf32>
            %add3A_1277 = arith.addf %add3A_1197, %mul3A_1276 : vector<16xf32>
            %mul3A_1278 = arith.constant 128 : i32
            %mul3A_1279 = arith.muli %min3A_1239, %mul3A_1278 : i32
            %add3A_1280 = arith.constant 64 : i32
            %add3A_1281 = arith.addi %mul3A_1279, %add3A_1280 : i32
            %get3A_1282 = arith.index_cast %add3A_1281 : i32 to index
            %get3A_1283 = tpu.vector_load %arg7[%get3A_1282] {strides = array<i32>} : memref<16000xf32, #tpu.memory_space<vmem>>, vector<16xf32>,
            %mul3A_1284 = vector.broadcast %squeeze3A_1241 : f32 to vector<16xf32>
            %mul3A_1285 = arith.mulf %get3A_1283, %mul3A_1284 : vector<16xf32>
            %add3A_1286 = arith.addf %add3A_1206, %mul3A_1285 : vector<16xf32>
            %mul3A_1287 = arith.constant 128 : i32
            %mul3A_1288 = arith.muli %min3A_1239, %mul3A_1287 : i32
            %add3A_1289 = arith.constant 80 : i32
            %add3A_1290 = arith.addi %mul3A_1288, %add3A_1289 : i32
            %get3A_1291 = arith.index_cast %add3A_1290 : i32 to index
            %get3A_1292 = tpu.vector_load %arg7[%get3A_1291] {strides = array<i32>} : memref<16000xf32, #tpu.memory_space<vmem>>, vector<16xf32>,
            %mul3A_1293 = vector.broadcast %squeeze3A_1241 : f32 to vector<16xf32>
            %mul3A_1294 = arith.mulf %get3A_1292, %mul3A_1293 : vector<16xf32>
            %add3A_1295 = arith.addf %add3A_1215, %mul3A_1294 : vector<16xf32>
            %mul3A_1296 = arith.constant 128 : i32
            %mul3A_1297 = arith.muli %min3A_1239, %mul3A_1296 : i32
            %add3A_1298 = arith.constant 96 : i32
            %add3A_1299 = arith.addi %mul3A_1297, %add3A_1298 : i32
            %get3A_1300 = arith.index_cast %add3A_1299 : i32 to index
            %get3A_1301 = tpu.vector_load %arg7[%get3A_1300] {strides = array<i32>} : memref<16000xf32, #tpu.memory_space<vmem>>, vector<16xf32>,
            %mul3A_1302 = vector.broadcast %squeeze3A_1241 : f32 to vector<16xf32>
            %mul3A_1303 = arith.mulf %get3A_1301, %mul3A_1302 : vector<16xf32>
            %add3A_1304 = arith.addf %add3A_1224, %mul3A_1303 : vector<16xf32>
            %mul3A_1305 = arith.constant 128 : i32
            %mul3A_1306 = arith.muli %min3A_1239, %mul3A_1305 : i32
            %add3A_1307 = arith.constant 112 : i32
            %add3A_1308 = arith.addi %mul3A_1306, %add3A_1307 : i32
            %get3A_1309 = arith.index_cast %add3A_1308 : i32 to index
            %get3A_1310 = tpu.vector_load %arg7[%get3A_1309] {strides = array<i32>} : memref<16000xf32, #tpu.memory_space<vmem>>, vector<16xf32>,
            %mul3A_1311 = vector.broadcast %squeeze3A_1241 : f32 to vector<16xf32>
            %mul3A_1312 = arith.mulf %get3A_1310, %mul3A_1311 : vector<16xf32>
            %add3A_1313 = arith.addf %add3A_1233, %mul3A_1312 : vector<16xf32>
            %mul3A_1314 = arith.constant 16 : i32
            %mul3A_1315 = arith.muli %while3A_249, %mul3A_1314 : i32
            %add3A_1316 = arith.constant 13 : i32
            %add3A_1317 = arith.addi %mul3A_1315, %add3A_1316 : i32
            %min3A_1318 = arith.constant 124 : i32
            %min3A_1319 = arith.minsi %add3A_1317, %min3A_1318 : i32
            %slice3A_1320 = vector.extract_strided_slice %select_n3A_273 {offsets = [13], sizes = [1], strides = [1]} : vector<16xf32> to vector<1xf32>
            %squeeze3A_1321 = vector.extract %slice3A_1320[0] : f32 from vector<1xf32>
            %mul3A_1322 = arith.constant 128 : i32
            %mul3A_1323 = arith.muli %min3A_1319, %mul3A_1322 : i32
            %add3A_1324 = arith.constant 0 : i32
            %add3A_1325 = arith.addi %mul3A_1323, %add3A_1324 : i32
            %get3A_1326 = arith.index_cast %add3A_1325 : i32 to index
            %get3A_1327 = tpu.vector_load %arg7[%get3A_1326] {strides = array<i32>} : memref<16000xf32, #tpu.memory_space<vmem>>, vector<16xf32>,
            %mul3A_1328 = vector.broadcast %squeeze3A_1321 : f32 to vector<16xf32>
            %mul3A_1329 = arith.mulf %get3A_1327, %mul3A_1328 : vector<16xf32>
            %add3A_1330 = arith.addf %add3A_1250, %mul3A_1329 : vector<16xf32>
            %mul3A_1331 = arith.constant 128 : i32
            %mul3A_1332 = arith.muli %min3A_1319, %mul3A_1331 : i32
            %add3A_1333 = arith.constant 16 : i32
            %add3A_1334 = arith.addi %mul3A_1332, %add3A_1333 : i32
            %get3A_1335 = arith.index_cast %add3A_1334 : i32 to index
            %get3A_1336 = tpu.vector_load %arg7[%get3A_1335] {strides = array<i32>} : memref<16000xf32, #tpu.memory_space<vmem>>, vector<16xf32>,
            %mul3A_1337 = vector.broadcast %squeeze3A_1321 : f32 to vector<16xf32>
            %mul3A_1338 = arith.mulf %get3A_1336, %mul3A_1337 : vector<16xf32>
            %add3A_1339 = arith.addf %add3A_1259, %mul3A_1338 : vector<16xf32>
            %mul3A_1340 = arith.constant 128 : i32
            %mul3A_1341 = arith.muli %min3A_1319, %mul3A_1340 : i32
            %add3A_1342 = arith.constant 32 : i32
            %add3A_1343 = arith.addi %mul3A_1341, %add3A_1342 : i32
            %get3A_1344 = arith.index_cast %add3A_1343 : i32 to index
            %get3A_1345 = tpu.vector_load %arg7[%get3A_1344] {strides = array<i32>} : memref<16000xf32, #tpu.memory_space<vmem>>, vector<16xf32>,
            %mul3A_1346 = vector.broadcast %squeeze3A_1321 : f32 to vector<16xf32>
            %mul3A_1347 = arith.mulf %get3A_1345, %mul3A_1346 : vector<16xf32>
            %add3A_1348 = arith.addf %add3A_1268, %mul3A_1347 : vector<16xf32>
            %mul3A_1349 = arith.constant 128 : i32
            %mul3A_1350 = arith.muli %min3A_1319, %mul3A_1349 : i32
            %add3A_1351 = arith.constant 48 : i32
            %add3A_1352 = arith.addi %mul3A_1350, %add3A_1351 : i32
            %get3A_1353 = arith.index_cast %add3A_1352 : i32 to index
            %get3A_1354 = tpu.vector_load %arg7[%get3A_1353] {strides = array<i32>} : memref<16000xf32, #tpu.memory_space<vmem>>, vector<16xf32>,
            %mul3A_1355 = vector.broadcast %squeeze3A_1321 : f32 to vector<16xf32>
            %mul3A_1356 = arith.mulf %get3A_1354, %mul3A_1355 : vector<16xf32>
            %add3A_1357 = arith.addf %add3A_1277, %mul3A_1356 : vector<16xf32>
            %mul3A_1358 = arith.constant 128 : i32
            %mul3A_1359 = arith.muli %min3A_1319, %mul3A_1358 : i32
            %add3A_1360 = arith.constant 64 : i32
            %add3A_1361 = arith.addi %mul3A_1359, %add3A_1360 : i32
            %get3A_1362 = arith.index_cast %add3A_1361 : i32 to index
            %get3A_1363 = tpu.vector_load %arg7[%get3A_1362] {strides = array<i32>} : memref<16000xf32, #tpu.memory_space<vmem>>, vector<16xf32>,
            %mul3A_1364 = vector.broadcast %squeeze3A_1321 : f32 to vector<16xf32>
            %mul3A_1365 = arith.mulf %get3A_1363, %mul3A_1364 : vector<16xf32>
            %add3A_1366 = arith.addf %add3A_1286, %mul3A_1365 : vector<16xf32>
            %mul3A_1367 = arith.constant 128 : i32
            %mul3A_1368 = arith.muli %min3A_1319, %mul3A_1367 : i32
            %add3A_1369 = arith.constant 80 : i32
            %add3A_1370 = arith.addi %mul3A_1368, %add3A_1369 : i32
            %get3A_1371 = arith.index_cast %add3A_1370 : i32 to index
            %get3A_1372 = tpu.vector_load %arg7[%get3A_1371] {strides = array<i32>} : memref<16000xf32, #tpu.memory_space<vmem>>, vector<16xf32>,
            %mul3A_1373 = vector.broadcast %squeeze3A_1321 : f32 to vector<16xf32>
            %mul3A_1374 = arith.mulf %get3A_1372, %mul3A_1373 : vector<16xf32>
            %add3A_1375 = arith.addf %add3A_1295, %mul3A_1374 : vector<16xf32>
            %mul3A_1376 = arith.constant 128 : i32
            %mul3A_1377 = arith.muli %min3A_1319, %mul3A_1376 : i32
            %add3A_1378 = arith.constant 96 : i32
            %add3A_1379 = arith.addi %mul3A_1377, %add3A_1378 : i32
            %get3A_1380 = arith.index_cast %add3A_1379 : i32 to index
            %get3A_1381 = tpu.vector_load %arg7[%get3A_1380] {strides = array<i32>} : memref<16000xf32, #tpu.memory_space<vmem>>, vector<16xf32>,
            %mul3A_1382 = vector.broadcast %squeeze3A_1321 : f32 to vector<16xf32>
            %mul3A_1383 = arith.mulf %get3A_1381, %mul3A_1382 : vector<16xf32>
            %add3A_1384 = arith.addf %add3A_1304, %mul3A_1383 : vector<16xf32>
            %mul3A_1385 = arith.constant 128 : i32
            %mul3A_1386 = arith.muli %min3A_1319, %mul3A_1385 : i32
            %add3A_1387 = arith.constant 112 : i32
            %add3A_1388 = arith.addi %mul3A_1386, %add3A_1387 : i32
            %get3A_1389 = arith.index_cast %add3A_1388 : i32 to index
            %get3A_1390 = tpu.vector_load %arg7[%get3A_1389] {strides = array<i32>} : memref<16000xf32, #tpu.memory_space<vmem>>, vector<16xf32>,
            %mul3A_1391 = vector.broadcast %squeeze3A_1321 : f32 to vector<16xf32>
            %mul3A_1392 = arith.mulf %get3A_1390, %mul3A_1391 : vector<16xf32>
            %add3A_1393 = arith.addf %add3A_1313, %mul3A_1392 : vector<16xf32>
            %mul3A_1394 = arith.constant 16 : i32
            %mul3A_1395 = arith.muli %while3A_249, %mul3A_1394 : i32
            %add3A_1396 = arith.constant 14 : i32
            %add3A_1397 = arith.addi %mul3A_1395, %add3A_1396 : i32
            %min3A_1398 = arith.constant 124 : i32
            %min3A_1399 = arith.minsi %add3A_1397, %min3A_1398 : i32
            %slice3A_1400 = vector.extract_strided_slice %select_n3A_273 {offsets = [14], sizes = [1], strides = [1]} : vector<16xf32> to vector<1xf32>
            %squeeze3A_1401 = vector.extract %slice3A_1400[0] : f32 from vector<1xf32>
            %mul3A_1402 = arith.constant 128 : i32
            %mul3A_1403 = arith.muli %min3A_1399, %mul3A_1402 : i32
            %add3A_1404 = arith.constant 0 : i32
            %add3A_1405 = arith.addi %mul3A_1403, %add3A_1404 : i32
            %get3A_1406 = arith.index_cast %add3A_1405 : i32 to index
            %get3A_1407 = tpu.vector_load %arg7[%get3A_1406] {strides = array<i32>} : memref<16000xf32, #tpu.memory_space<vmem>>, vector<16xf32>,
            %mul3A_1408 = vector.broadcast %squeeze3A_1401 : f32 to vector<16xf32>
            %mul3A_1409 = arith.mulf %get3A_1407, %mul3A_1408 : vector<16xf32>
            %add3A_1410 = arith.addf %add3A_1330, %mul3A_1409 : vector<16xf32>
            %mul3A_1411 = arith.constant 128 : i32
            %mul3A_1412 = arith.muli %min3A_1399, %mul3A_1411 : i32
            %add3A_1413 = arith.constant 16 : i32
            %add3A_1414 = arith.addi %mul3A_1412, %add3A_1413 : i32
            %get3A_1415 = arith.index_cast %add3A_1414 : i32 to index
            %get3A_1416 = tpu.vector_load %arg7[%get3A_1415] {strides = array<i32>} : memref<16000xf32, #tpu.memory_space<vmem>>, vector<16xf32>,
            %mul3A_1417 = vector.broadcast %squeeze3A_1401 : f32 to vector<16xf32>
            %mul3A_1418 = arith.mulf %get3A_1416, %mul3A_1417 : vector<16xf32>
            %add3A_1419 = arith.addf %add3A_1339, %mul3A_1418 : vector<16xf32>
            %mul3A_1420 = arith.constant 128 : i32
            %mul3A_1421 = arith.muli %min3A_1399, %mul3A_1420 : i32
            %add3A_1422 = arith.constant 32 : i32
            %add3A_1423 = arith.addi %mul3A_1421, %add3A_1422 : i32
            %get3A_1424 = arith.index_cast %add3A_1423 : i32 to index
            %get3A_1425 = tpu.vector_load %arg7[%get3A_1424] {strides = array<i32>} : memref<16000xf32, #tpu.memory_space<vmem>>, vector<16xf32>,
            %mul3A_1426 = vector.broadcast %squeeze3A_1401 : f32 to vector<16xf32>
            %mul3A_1427 = arith.mulf %get3A_1425, %mul3A_1426 : vector<16xf32>
            %add3A_1428 = arith.addf %add3A_1348, %mul3A_1427 : vector<16xf32>
            %mul3A_1429 = arith.constant 128 : i32
            %mul3A_1430 = arith.muli %min3A_1399, %mul3A_1429 : i32
            %add3A_1431 = arith.constant 48 : i32
            %add3A_1432 = arith.addi %mul3A_1430, %add3A_1431 : i32
            %get3A_1433 = arith.index_cast %add3A_1432 : i32 to index
            %get3A_1434 = tpu.vector_load %arg7[%get3A_1433] {strides = array<i32>} : memref<16000xf32, #tpu.memory_space<vmem>>, vector<16xf32>,
            %mul3A_1435 = vector.broadcast %squeeze3A_1401 : f32 to vector<16xf32>
            %mul3A_1436 = arith.mulf %get3A_1434, %mul3A_1435 : vector<16xf32>
            %add3A_1437 = arith.addf %add3A_1357, %mul3A_1436 : vector<16xf32>
            %mul3A_1438 = arith.constant 128 : i32
            %mul3A_1439 = arith.muli %min3A_1399, %mul3A_1438 : i32
            %add3A_1440 = arith.constant 64 : i32
            %add3A_1441 = arith.addi %mul3A_1439, %add3A_1440 : i32
            %get3A_1442 = arith.index_cast %add3A_1441 : i32 to index
            %get3A_1443 = tpu.vector_load %arg7[%get3A_1442] {strides = array<i32>} : memref<16000xf32, #tpu.memory_space<vmem>>, vector<16xf32>,
            %mul3A_1444 = vector.broadcast %squeeze3A_1401 : f32 to vector<16xf32>
            %mul3A_1445 = arith.mulf %get3A_1443, %mul3A_1444 : vector<16xf32>
            %add3A_1446 = arith.addf %add3A_1366, %mul3A_1445 : vector<16xf32>
            %mul3A_1447 = arith.constant 128 : i32
            %mul3A_1448 = arith.muli %min3A_1399, %mul3A_1447 : i32
            %add3A_1449 = arith.constant 80 : i32
            %add3A_1450 = arith.addi %mul3A_1448, %add3A_1449 : i32
            %get3A_1451 = arith.index_cast %add3A_1450 : i32 to index
            %get3A_1452 = tpu.vector_load %arg7[%get3A_1451] {strides = array<i32>} : memref<16000xf32, #tpu.memory_space<vmem>>, vector<16xf32>,
            %mul3A_1453 = vector.broadcast %squeeze3A_1401 : f32 to vector<16xf32>
            %mul3A_1454 = arith.mulf %get3A_1452, %mul3A_1453 : vector<16xf32>
            %add3A_1455 = arith.addf %add3A_1375, %mul3A_1454 : vector<16xf32>
            %mul3A_1456 = arith.constant 128 : i32
            %mul3A_1457 = arith.muli %min3A_1399, %mul3A_1456 : i32
            %add3A_1458 = arith.constant 96 : i32
            %add3A_1459 = arith.addi %mul3A_1457, %add3A_1458 : i32
            %get3A_1460 = arith.index_cast %add3A_1459 : i32 to index
            %get3A_1461 = tpu.vector_load %arg7[%get3A_1460] {strides = array<i32>} : memref<16000xf32, #tpu.memory_space<vmem>>, vector<16xf32>,
            %mul3A_1462 = vector.broadcast %squeeze3A_1401 : f32 to vector<16xf32>
            %mul3A_1463 = arith.mulf %get3A_1461, %mul3A_1462 : vector<16xf32>
            %add3A_1464 = arith.addf %add3A_1384, %mul3A_1463 : vector<16xf32>
            %mul3A_1465 = arith.constant 128 : i32
            %mul3A_1466 = arith.muli %min3A_1399, %mul3A_1465 : i32
            %add3A_1467 = arith.constant 112 : i32
            %add3A_1468 = arith.addi %mul3A_1466, %add3A_1467 : i32
            %get3A_1469 = arith.index_cast %add3A_1468 : i32 to index
            %get3A_1470 = tpu.vector_load %arg7[%get3A_1469] {strides = array<i32>} : memref<16000xf32, #tpu.memory_space<vmem>>, vector<16xf32>,
            %mul3A_1471 = vector.broadcast %squeeze3A_1401 : f32 to vector<16xf32>
            %mul3A_1472 = arith.mulf %get3A_1470, %mul3A_1471 : vector<16xf32>
            %add3A_1473 = arith.addf %add3A_1393, %mul3A_1472 : vector<16xf32>
            %mul3A_1474 = arith.constant 16 : i32
            %mul3A_1475 = arith.muli %while3A_249, %mul3A_1474 : i32
            %add3A_1476 = arith.constant 15 : i32
            %add3A_1477 = arith.addi %mul3A_1475, %add3A_1476 : i32
            %min3A_1478 = arith.constant 124 : i32
            %min3A_1479 = arith.minsi %add3A_1477, %min3A_1478 : i32
            %slice3A_1480 = vector.extract_strided_slice %select_n3A_273 {offsets = [15], sizes = [1], strides = [1]} : vector<16xf32> to vector<1xf32>
            %squeeze3A_1481 = vector.extract %slice3A_1480[0] : f32 from vector<1xf32>
            %mul3A_1482 = arith.constant 128 : i32
            %mul3A_1483 = arith.muli %min3A_1479, %mul3A_1482 : i32
            %add3A_1484 = arith.constant 0 : i32
            %add3A_1485 = arith.addi %mul3A_1483, %add3A_1484 : i32
            %get3A_1486 = arith.index_cast %add3A_1485 : i32 to index
            %get3A_1487 = tpu.vector_load %arg7[%get3A_1486] {strides = array<i32>} : memref<16000xf32, #tpu.memory_space<vmem>>, vector<16xf32>,
            %mul3A_1488 = vector.broadcast %squeeze3A_1481 : f32 to vector<16xf32>
            %mul3A_1489 = arith.mulf %get3A_1487, %mul3A_1488 : vector<16xf32>
            %add3A_1490 = arith.addf %add3A_1410, %mul3A_1489 : vector<16xf32>
            %mul3A_1491 = arith.constant 128 : i32
            %mul3A_1492 = arith.muli %min3A_1479, %mul3A_1491 : i32
            %add3A_1493 = arith.constant 16 : i32
            %add3A_1494 = arith.addi %mul3A_1492, %add3A_1493 : i32
            %get3A_1495 = arith.index_cast %add3A_1494 : i32 to index
            %get3A_1496 = tpu.vector_load %arg7[%get3A_1495] {strides = array<i32>} : memref<16000xf32, #tpu.memory_space<vmem>>, vector<16xf32>,
            %mul3A_1497 = vector.broadcast %squeeze3A_1481 : f32 to vector<16xf32>
            %mul3A_1498 = arith.mulf %get3A_1496, %mul3A_1497 : vector<16xf32>
            %add3A_1499 = arith.addf %add3A_1419, %mul3A_1498 : vector<16xf32>
            %mul3A_1500 = arith.constant 128 : i32
            %mul3A_1501 = arith.muli %min3A_1479, %mul3A_1500 : i32
            %add3A_1502 = arith.constant 32 : i32
            %add3A_1503 = arith.addi %mul3A_1501, %add3A_1502 : i32
            %get3A_1504 = arith.index_cast %add3A_1503 : i32 to index
            %get3A_1505 = tpu.vector_load %arg7[%get3A_1504] {strides = array<i32>} : memref<16000xf32, #tpu.memory_space<vmem>>, vector<16xf32>,
            %mul3A_1506 = vector.broadcast %squeeze3A_1481 : f32 to vector<16xf32>
            %mul3A_1507 = arith.mulf %get3A_1505, %mul3A_1506 : vector<16xf32>
            %add3A_1508 = arith.addf %add3A_1428, %mul3A_1507 : vector<16xf32>
            %mul3A_1509 = arith.constant 128 : i32
            %mul3A_1510 = arith.muli %min3A_1479, %mul3A_1509 : i32
            %add3A_1511 = arith.constant 48 : i32
            %add3A_1512 = arith.addi %mul3A_1510, %add3A_1511 : i32
            %get3A_1513 = arith.index_cast %add3A_1512 : i32 to index
            %get3A_1514 = tpu.vector_load %arg7[%get3A_1513] {strides = array<i32>} : memref<16000xf32, #tpu.memory_space<vmem>>, vector<16xf32>,
            %mul3A_1515 = vector.broadcast %squeeze3A_1481 : f32 to vector<16xf32>
            %mul3A_1516 = arith.mulf %get3A_1514, %mul3A_1515 : vector<16xf32>
            %add3A_1517 = arith.addf %add3A_1437, %mul3A_1516 : vector<16xf32>
            %mul3A_1518 = arith.constant 128 : i32
            %mul3A_1519 = arith.muli %min3A_1479, %mul3A_1518 : i32
            %add3A_1520 = arith.constant 64 : i32
            %add3A_1521 = arith.addi %mul3A_1519, %add3A_1520 : i32
            %get3A_1522 = arith.index_cast %add3A_1521 : i32 to index
            %get3A_1523 = tpu.vector_load %arg7[%get3A_1522] {strides = array<i32>} : memref<16000xf32, #tpu.memory_space<vmem>>, vector<16xf32>,
            %mul3A_1524 = vector.broadcast %squeeze3A_1481 : f32 to vector<16xf32>
            %mul3A_1525 = arith.mulf %get3A_1523, %mul3A_1524 : vector<16xf32>
            %add3A_1526 = arith.addf %add3A_1446, %mul3A_1525 : vector<16xf32>
            %mul3A_1527 = arith.constant 128 : i32
            %mul3A_1528 = arith.muli %min3A_1479, %mul3A_1527 : i32
            %add3A_1529 = arith.constant 80 : i32
            %add3A_1530 = arith.addi %mul3A_1528, %add3A_1529 : i32
            %get3A_1531 = arith.index_cast %add3A_1530 : i32 to index
            %get3A_1532 = tpu.vector_load %arg7[%get3A_1531] {strides = array<i32>} : memref<16000xf32, #tpu.memory_space<vmem>>, vector<16xf32>,
            %mul3A_1533 = vector.broadcast %squeeze3A_1481 : f32 to vector<16xf32>
            %mul3A_1534 = arith.mulf %get3A_1532, %mul3A_1533 : vector<16xf32>
            %add3A_1535 = arith.addf %add3A_1455, %mul3A_1534 : vector<16xf32>
            %mul3A_1536 = arith.constant 128 : i32
            %mul3A_1537 = arith.muli %min3A_1479, %mul3A_1536 : i32
            %add3A_1538 = arith.constant 96 : i32
            %add3A_1539 = arith.addi %mul3A_1537, %add3A_1538 : i32
            %get3A_1540 = arith.index_cast %add3A_1539 : i32 to index
            %get3A_1541 = tpu.vector_load %arg7[%get3A_1540] {strides = array<i32>} : memref<16000xf32, #tpu.memory_space<vmem>>, vector<16xf32>,
            %mul3A_1542 = vector.broadcast %squeeze3A_1481 : f32 to vector<16xf32>
            %mul3A_1543 = arith.mulf %get3A_1541, %mul3A_1542 : vector<16xf32>
            %add3A_1544 = arith.addf %add3A_1464, %mul3A_1543 : vector<16xf32>
            %mul3A_1545 = arith.constant 128 : i32
            %mul3A_1546 = arith.muli %min3A_1479, %mul3A_1545 : i32
            %add3A_1547 = arith.constant 112 : i32
            %add3A_1548 = arith.addi %mul3A_1546, %add3A_1547 : i32
            %get3A_1549 = arith.index_cast %add3A_1548 : i32 to index
            %get3A_1550 = tpu.vector_load %arg7[%get3A_1549] {strides = array<i32>} : memref<16000xf32, #tpu.memory_space<vmem>>, vector<16xf32>,
            %mul3A_1551 = vector.broadcast %squeeze3A_1481 : f32 to vector<16xf32>
            %mul3A_1552 = arith.mulf %get3A_1550, %mul3A_1551 : vector<16xf32>
            %add3A_1553 = arith.addf %add3A_1473, %mul3A_1552 : vector<16xf32>
            %reduce_sum3A = arith.constant true
            %reduce_sum3A_1554 = vector.broadcast %reduce_sum3A : i1 to vector<16xi1>
            %reduce_sum3A_1555 = tpu.scan <sum>, %select_n3A_273 masked %reduce_sum3A_1554 : vector<16xf32>, vector<16xi1> -> vector<16xf32>
            %reduce_sum3A_1556 = vector.extract %reduce_sum3A_1555[15] : f32 from vector<16xf32>
            %add3A_1557 = arith.addf %while3A_258, %reduce_sum3A_1556 : f32
            scf.yield %add3A_1490, %add3A_1499, %add3A_1508, %add3A_1517, %add3A_1526, %add3A_1535, %add3A_1544, %add3A_1553, %add3A_1557 : vector<16xf32>, vector<16xf32>, vector<16xf32>, vector<16xf32>, vector<16xf32>, vector<16xf32>, vector<16xf32>, vector<16xf32>, f32
          }
          %mul3A_183 = arith.constant 144 : i32
          %mul3A_184 = arith.muli %scan3A_60, %mul3A_183 : i32
          %add3A_185 = arith.constant 0 : i32
          %add3A_186 = arith.addi %mul3A_184, %add3A_185 : i32
          %swap3A = arith.index_cast %add3A_186 : i32 to index
          %swap3A_187 = tpu.vector_load %arg12[%swap3A] {strides = array<i32>} : memref<9216xf32, #tpu.memory_space<vmem>>, vector<16xf32>,
          tpu.vector_store %arg12[%swap3A], %while3A_182#0 {strides = array<i32>} : memref<9216xf32, #tpu.memory_space<vmem>>, vector<16xf32>,
          %mul3A_188 = arith.constant 144 : i32
          %mul3A_189 = arith.muli %scan3A_60, %mul3A_188 : i32
          %add3A_190 = arith.constant 16 : i32
          %add3A_191 = arith.addi %mul3A_189, %add3A_190 : i32
          %swap3A_192 = arith.index_cast %add3A_191 : i32 to index
          %swap3A_193 = tpu.vector_load %arg12[%swap3A_192] {strides = array<i32>} : memref<9216xf32, #tpu.memory_space<vmem>>, vector<16xf32>,
          tpu.vector_store %arg12[%swap3A_192], %while3A_182#1 {strides = array<i32>} : memref<9216xf32, #tpu.memory_space<vmem>>, vector<16xf32>,
          %mul3A_194 = arith.constant 144 : i32
          %mul3A_195 = arith.muli %scan3A_60, %mul3A_194 : i32
          %add3A_196 = arith.constant 32 : i32
          %add3A_197 = arith.addi %mul3A_195, %add3A_196 : i32
          %swap3A_198 = arith.index_cast %add3A_197 : i32 to index
          %swap3A_199 = tpu.vector_load %arg12[%swap3A_198] {strides = array<i32>} : memref<9216xf32, #tpu.memory_space<vmem>>, vector<16xf32>,
          tpu.vector_store %arg12[%swap3A_198], %while3A_182#2 {strides = array<i32>} : memref<9216xf32, #tpu.memory_space<vmem>>, vector<16xf32>,
          %mul3A_200 = arith.constant 144 : i32
          %mul3A_201 = arith.muli %scan3A_60, %mul3A_200 : i32
          %add3A_202 = arith.constant 48 : i32
          %add3A_203 = arith.addi %mul3A_201, %add3A_202 : i32
          %swap3A_204 = arith.index_cast %add3A_203 : i32 to index
          %swap3A_205 = tpu.vector_load %arg12[%swap3A_204] {strides = array<i32>} : memref<9216xf32, #tpu.memory_space<vmem>>, vector<16xf32>,
          tpu.vector_store %arg12[%swap3A_204], %while3A_182#3 {strides = array<i32>} : memref<9216xf32, #tpu.memory_space<vmem>>, vector<16xf32>,
          %mul3A_206 = arith.constant 144 : i32
          %mul3A_207 = arith.muli %scan3A_60, %mul3A_206 : i32
          %add3A_208 = arith.constant 64 : i32
          %add3A_209 = arith.addi %mul3A_207, %add3A_208 : i32
          %swap3A_210 = arith.index_cast %add3A_209 : i32 to index
          %swap3A_211 = tpu.vector_load %arg12[%swap3A_210] {strides = array<i32>} : memref<9216xf32, #tpu.memory_space<vmem>>, vector<16xf32>,
          tpu.vector_store %arg12[%swap3A_210], %while3A_182#4 {strides = array<i32>} : memref<9216xf32, #tpu.memory_space<vmem>>, vector<16xf32>,
          %mul3A_212 = arith.constant 144 : i32
          %mul3A_213 = arith.muli %scan3A_60, %mul3A_212 : i32
          %add3A_214 = arith.constant 80 : i32
          %add3A_215 = arith.addi %mul3A_213, %add3A_214 : i32
          %swap3A_216 = arith.index_cast %add3A_215 : i32 to index
          %swap3A_217 = tpu.vector_load %arg12[%swap3A_216] {strides = array<i32>} : memref<9216xf32, #tpu.memory_space<vmem>>, vector<16xf32>,
          tpu.vector_store %arg12[%swap3A_216], %while3A_182#5 {strides = array<i32>} : memref<9216xf32, #tpu.memory_space<vmem>>, vector<16xf32>,
          %mul3A_218 = arith.constant 144 : i32
          %mul3A_219 = arith.muli %scan3A_60, %mul3A_218 : i32
          %add3A_220 = arith.constant 96 : i32
          %add3A_221 = arith.addi %mul3A_219, %add3A_220 : i32
          %swap3A_222 = arith.index_cast %add3A_221 : i32 to index
          %swap3A_223 = tpu.vector_load %arg12[%swap3A_222] {strides = array<i32>} : memref<9216xf32, #tpu.memory_space<vmem>>, vector<16xf32>,
          tpu.vector_store %arg12[%swap3A_222], %while3A_182#6 {strides = array<i32>} : memref<9216xf32, #tpu.memory_space<vmem>>, vector<16xf32>,
          %mul3A_224 = arith.constant 144 : i32
          %mul3A_225 = arith.muli %scan3A_60, %mul3A_224 : i32
          %add3A_226 = arith.constant 112 : i32
          %add3A_227 = arith.addi %mul3A_225, %add3A_226 : i32
          %swap3A_228 = arith.index_cast %add3A_227 : i32 to index
          %swap3A_229 = tpu.vector_load %arg12[%swap3A_228] {strides = array<i32>} : memref<9216xf32, #tpu.memory_space<vmem>>, vector<16xf32>,
          tpu.vector_store %arg12[%swap3A_228], %while3A_182#7 {strides = array<i32>} : memref<9216xf32, #tpu.memory_space<vmem>>, vector<16xf32>,
          %mul3A_230 = arith.constant 144 : i32
          %mul3A_231 = arith.muli %scan3A_60, %mul3A_230 : i32
          %add3A_232 = arith.constant 128 : i32
          %add3A_233 = arith.addi %mul3A_231, %add3A_232 : i32
          %get3A_234 = arith.index_cast %add3A_233 : i32 to index
          %get3A_235 = tpu.vector_load %arg12[%get3A_234] {strides = array<i32>} : memref<9216xf32, #tpu.memory_space<vmem>>, vector<16xf32>,
          %eq3A = arith.constant 0 : i32
          %eq3A_236 = vector.broadcast %eq3A : i32 to vector<16xi32>
          %eq3A_237 = arith.cmpi eq, %iota3A, %eq3A_236 : vector<16xi32>
          %jit3A_238 = arith.constant 0.000000e+00 : f32
          %broadcast_in_dim3A_239 = vector.broadcast %while3A_182#8 : f32 to vector<16xf32>
          %broadcast_in_dim3A_240 = vector.broadcast %jit3A_238 : f32 to vector<16xf32>
          %select_n3A_241 = arith.select %eq3A_237, %broadcast_in_dim3A_239, %broadcast_in_dim3A_240 : vector<16xi1>, vector<16xf32>
          %add3A_242 = arith.addf %get3A_235, %select_n3A_241 : vector<16xf32>
          %mul3A_243 = arith.constant 144 : i32
          %mul3A_244 = arith.muli %scan3A_60, %mul3A_243 : i32
          %add3A_245 = arith.constant 128 : i32
          %add3A_246 = arith.addi %mul3A_244, %add3A_245 : i32
          %swap3A_247 = arith.index_cast %add3A_246 : i32 to index
          %swap3A_248 = tpu.vector_load %arg12[%swap3A_247] {strides = array<i32>} : memref<9216xf32, #tpu.memory_space<vmem>>, vector<16xf32>,
          tpu.vector_store %arg12[%swap3A_247], %add3A_242 {strides = array<i32>} : memref<9216xf32, #tpu.memory_space<vmem>>, vector<16xf32>,
        } else {
        }
        %scan3A_78 = arith.constant 0 : i32
        scf.yield %scan3A_78 : i32
      }
      %scan3A_58 = arith.constant 64 : i32
      %scan3A_59 = arith.constant 0 : i32
      scf.yield %scan3A_59 : i32
    }
    %scan3A_33 = arith.constant 25 : i32
    %mul3A_34 = arith.constant 64 : i32
    %mul3A_35 = arith.muli %add3A, %mul3A_34 : i32
    %mul3A_36 = arith.constant 144 : i32
    %mul3A_37 = arith.muli %mul3A_35, %mul3A_36 : i32
    "tpu.region"() ({
      %run_scoped3A = tpu.sem_alloc : memref<!tpu.dma_semaphore, #tpu.memory_space<semaphore_mem>>
      %dma_start3A = tpu.memref_slice %arg6[%mul3A_37] : memref<294912xf32, #tpu.memory_space<hbm>> -> memref<9216xf32, #tpu.memory_space<hbm>>
      %dma_start3A_38 = tpu.memref_slice %arg6[%mul3A_37] : memref<294912xf32, #tpu.memory_space<hbm>> -> memref<9216xf32, #tpu.memory_space<hbm>>
      tpu.enqueue_dma source(%arg12 : memref<9216xf32, #tpu.memory_space<vmem>>) target(%dma_start3A_38 : memref<9216xf32, #tpu.memory_space<hbm>>) target_semaphore(%run_scoped3A : memref<!tpu.dma_semaphore, #tpu.memory_space<semaphore_mem>>)
      %dma_wait3A = tpu.memref_slice %arg6[%mul3A_37] : memref<294912xf32, #tpu.memory_space<hbm>> -> memref<9216xf32, #tpu.memory_space<hbm>>
      %dma_wait3A_39 = tpu.memref_slice %arg6[%mul3A_37] : memref<294912xf32, #tpu.memory_space<hbm>> -> memref<9216xf32, #tpu.memory_space<hbm>>
      tpu.wait_dma2 semaphore(%run_scoped3A : memref<!tpu.dma_semaphore, #tpu.memory_space<semaphore_mem>>) src(%arg12 : memref<9216xf32, #tpu.memory_space<vmem>>) dst(%dma_wait3A_39 : memref<9216xf32, #tpu.memory_space<hbm>>)
      tpu.yield
    }) : () -> ()
    return
  }
}

module attributes {stable_mosaic.version = 14 : i64} {
  func.func @_merge_body(%arg0: memref<32x64x144xf32, #tpu.memory_space<vmem>>, %arg1: memref<64x128xf32, #tpu.memory_space<vmem>>) attributes {dimension_semantics = [], scalar_prefetch = 0 : i64, scratch_operands = 0 : i64, tpu.core_type = #tpu.core_type<tc>} {
    %get3A = arith.constant 0 : index
    %get3A_0 = arith.constant 0 : index
    %get3A_1 = arith.constant 0 : index
    %get3A_2 = vector.load %arg0[%get3A, %get3A_0, %get3A_1] : memref<32x64x144xf32, #tpu.memory_space<vmem>>, vector<32x64x144xf32>
    %reduce_sum3A = arith.constant dense<0.000000e+00> : vector<64x144xf32>
    %reduce_sum3A_3 = vector.multi_reduction <add>, %get3A_2, %reduce_sum3A [0] : vector<32x64x144xf32> to vector<64x144xf32>
    %slice3A = vector.extract_strided_slice %reduce_sum3A_3 {offsets = [0, 0], sizes = [64, 128], strides = [1, 1]} : vector<64x144xf32> to vector<64x128xf32>
    %slice3A_4 = vector.extract_strided_slice %reduce_sum3A_3 {offsets = [0, 128], sizes = [64, 1], strides = [1, 1]} : vector<64x144xf32> to vector<64x1xf32>
    %ne3A = arith.constant 0.000000e+00 : f32
    %ne3A_5 = vector.broadcast %ne3A : f32 to vector<64x1xf32>
    %ne3A_6 = arith.cmpf one, %slice3A_4, %ne3A_5 : vector<64x1xf32>
    %jit3A = arith.constant 1.000000e+00 : f32
    %broadcast_in_dim3A = vector.broadcast %jit3A : f32 to vector<64x1xf32>
    %select_n3A = arith.select %ne3A_6, %slice3A_4, %broadcast_in_dim3A : vector<64x1xi1>, vector<64x1xf32>
    %ne3A_7 = arith.constant 0.000000e+00 : f32
    %ne3A_8 = vector.broadcast %ne3A_7 : f32 to vector<64x1xf32>
    %ne3A_9 = arith.cmpf one, %slice3A_4, %ne3A_8 : vector<64x1xf32>
    %div3A = vector.broadcast %select_n3A : vector<64x1xf32> to vector<64x128xf32>
    %div3A_10 = arith.divf %slice3A, %div3A : vector<64x128xf32>
    %jit3A_11 = arith.constant 0.000000e+00 : f32
    %broadcast_in_dim3A_12 = vector.shape_cast %ne3A_9 : vector<64x1xi1> to vector<64x1xi1>
    %broadcast_in_dim3A_13 = vector.broadcast %broadcast_in_dim3A_12 : vector<64x1xi1> to vector<64x128xi1>
    %broadcast_in_dim3A_14 = vector.broadcast %jit3A_11 : f32 to vector<64x128xf32>
    %select_n3A_15 = arith.select %broadcast_in_dim3A_13, %div3A_10, %broadcast_in_dim3A_14 : vector<64x128xi1>, vector<64x128xf32>
    %swap3A = arith.constant 0 : index
    %swap3A_16 = arith.constant 0 : index
    %swap3A_17 = vector.load %arg1[%swap3A, %swap3A_16] : memref<64x128xf32, #tpu.memory_space<vmem>>, vector<64x128xf32>
    tpu.vector_store %arg1[%swap3A, %swap3A_16], %select_n3A_15 {strides = array<i32>} : memref<64x128xf32, #tpu.memory_space<vmem>>, vector<64x128xf32>,
    return
  }
}

</mosaic_0001>

<sc_bundles>
// kernel: kernel.4.cloned.1.call-start
scs
__scs_entry_jumppad:
0x0: {  	(pc) =	sbr.rel $0x88, $3  }
0x1: {  	(tag) =	ssettag $0x0;
	lr =	simm.s32 $0x1  }
0x2: {  	[smem:$0x3F9D] =	sst lr;
	_ =	strace $0xD0000000  }
0x3: {  	_ = 	snop  }
0x4: {  	_ = 	snop  }
0x5: {  	_ = 	snop  }
0x6: {  	_ = 	snop  }
0x7: {  	_ = 	snop  }
__scs_overlays_trampoline_lowered:
0x8: {  	[smem:$0x3FAC] =	sst s0  }
0x9: {  	[smem:$0x3FAD] =	sst s1  }
0xa: {  	[smem:$0x3FAE] =	sst s2  }
0xb: {  	[smem:$0x3FAF] =	sst s3  }
0xc: {  	[smem:$0x3FB0] =	sst s4  }
0xd: {  	[smem:$0x3FB1] =	sst s5  }
0xe: {  	[smem:$0x3FB2] =	sst s6  }
0xf: {  	[smem:$0x3FB3] =	sst s7  }
0x10: {  	[smem:$0x3FB4] =	sst s8  }
0x11: {  	[smem:$0x3FB5] =	sst s9;
	s0 =	simm.s32 @!p0 $0x0  }
0x12: {  	s1 =	sld [smem:$0x3F9B];
	s0 =	simm.s32 @p0 $0x1  }
0x13: {  	[smem:$0x3FB6] =	sst s0;
	s0 =	simm.s32 @!p1 $0x0  }
0x14: {  	s2 =	sld [smem:$0x3F9A];
	s0 =	simm.s32 @p1 $0x1  }
0x15: {  	[smem:$0x3FB7] =	sst s0;
	s0 =	simm.s32 @!p2 $0x0  }
0x16: {  	s3 =	sld [smem:$0x3FDB];
	s0 =	simm.s32 @p2 $0x1  }
0x17: {  	s4 =	simm.s32 $0x1BF5;
	[smem:$0x3FB9] =	sst s0  }
0x18: {  	s0 =	sld [smem:$0x3F9C];
	_ =	swait.ge [sflag:s4], $0x0  }
0x19: {  	s7 =	sld [smem:$0x3F9D]  }
0x1a: {  	s8 =	sadd.s32 $0xFFFFE003, lr  }
0x1b: {  	s9 =	sadd.s32 $0xFFFFFEF7, lr;
	s5 =	simm.s32 $0xFFFFFFFF;
	p2 =	slt.u32 s8, $0xFFFFF086  }
0x1c: {  	p1 =	slt.u32 s9, $0xF7A;
	s5 =	simm.s32 @!p2 $0x0  }
0x1d: {  	s5 =	simm.s32 @p1 $0x1;
	p0 =	seq.s32 s7, s2  }
0x1e: {  	s7 =	smul.u32 @!p0 $0xF7A, s2;
	p2 =	seq.s32 @!p0 s5, $0x0  }
0x1f: {  	s9 =	smul.u32 $0xF7A, s1;
	s8 =	simm.s32 @!p0 $0x1BF5;
	p2 =	por !p2, p0  }
0x20: {  	[sflag:s8] =	ssyncset.s32 @!p0 $0xFFFFF086;
	s6 =	sadd.s32 @!p0 s3, s7;
	s7 =	simm.s32 @!p0 $0x108  }
0x21: {  	s3 =	sadd.s32 s3, s9;
	s6 =	sadd.s32 @!p0 $0x88, s6;
	s7 =	simm.s32 @p2 $0x1082  }
0x22: {  	[simem:s7], [sflag:s8] =	dma.local @!p0 [hbm:s6], $0xF7A  }
0x23: {  	s9 =	sor.u32 $0xD0000000, s2;
	s6 =	simm.s32 $0x108;
	_ =	swait.ge @!p0 [sflag:s8], $0x0  }
0x24: {  	s3 =	sadd.s32 $0x88, s3;
	s6 =	simm.s32 @!p1 $0x1082;
	[sflag:s4] =	ssyncset.s32 $0xFFFFF086  }
0x25: {  	[simem:s6], [sflag:s4] =	dma.local [hbm:s3], $0xF7A  }
0x26: {  	[smem:$0x3F9D] =	sst s1;
	(tag) =	ssettag s2;
	_ =	strace s9  }
0x27: {  	s1 =	sld [smem:$0x3FAD]  }
0x28: {  	s2 =	sld [smem:$0x3FAE]  }
0x29: {  	s4 =	sld [smem:$0x3FB0]  }
0x2a: {  	p0 =	seq.s32 s5, $0x0;
	s5 =	sld [smem:$0x3FB1]  }
0x2b: {  	s6 =	sld [smem:$0x3FB2]  }
0x2c: {  	s7 =	sld [smem:$0x3FB3]  }
0x2d: {  	s3 =	simm.s32 $0x108;
	s8 =	sld [smem:$0x3FB4]  }
0x2e: {  	s3 =	simm.s32 @!p0 $0x1082;
	s9 =	sld [smem:$0x3FB5]  }
0x2f: {  	lr =	sadd.s32 s0, s3;
	s0 =	sld [smem:$0x3FAC]  }
0x30: {  	s3 =	sld [smem:$0x3FAF]  }
0x31: {  	[smem:$0x3FB8] =	sst s10  }
0x32: {  	s10 =	sld [smem:$0x3FB6];
	_ =	sdelay $0x3  }
0x33: {  	p0 =	seq.s32 s10, $0x1;
	s10 =	sld [smem:$0x3FB8];
	_ =	sdelay $0x3  }
0x34: {  	[smem:$0x3FB8] =	sst s10  }
0x35: {  	s10 =	sld [smem:$0x3FB7];
	_ =	sdelay $0x3  }
0x36: {  	p1 =	seq.s32 s10, $0x1;
	s10 =	sld [smem:$0x3FB8];
	_ =	sdelay $0x3  }
0x37: {  	[smem:$0x3FB8] =	sst s10  }
0x38: {  	s10 =	sld [smem:$0x3FB9]  }
0x39: {  	_ = 	snop;
	(pc) =	sbr.ind lr, $3  }
0x3a: {  	_ = 	snop  }
0x3b: {  	_ = 	snop  }
0x3c: {  	p2 =	seq.s32 s10, $0x1;
	s10 =	sld [smem:$0x3FB8]  }
0x3d: {  	_ =	shalt  }
0x3e: {  	_ =	shalt  }
0x3f: {  	_ =	shalt  }
0x40: {  	_ =	shalt  }
0x41: {  	_ =	shalt  }
0x42: {  	_ =	shalt  }
0x43: {  	_ =	shalt  }
0x44: {  	_ =	shalt  }
0x45: {  	_ =	shalt  }
0x46: {  	_ =	shalt  }
0x47: {  	_ =	shalt  }
0x48: {  	_ =	shalt  }
0x49: {  	_ =	shalt  }
0x4a: {  	_ =	shalt  }
0x4b: {  	_ =	shalt  }
0x4c: {  	_ =	shalt  }
0x4d: {  	_ =	shalt  }
0x4e: {  	_ =	shalt  }
0x4f: {  	_ =	shalt  }
0x50: {  	_ =	shalt  }
0x51: {  	_ =	shalt  }
0x52: {  	_ =	shalt  }
0x53: {  	_ =	shalt  }
0x54: {  	_ =	shalt  }
0x55: {  	_ =	shalt  }
0x56: {  	_ =	shalt  }
0x57: {  	_ =	shalt  }
0x58: {  	_ =	shalt  }
0x59: {  	_ =	shalt  }
0x5a: {  	_ =	shalt  }
0x5b: {  	_ =	shalt  }
0x5c: {  	_ =	shalt  }
0x5d: {  	_ =	shalt  }
0x5e: {  	_ =	shalt  }
0x5f: {  	_ =	shalt  }
0x60: {  	_ =	shalt  }
0x61: {  	_ =	shalt  }
0x62: {  	_ =	shalt  }
0x63: {  	_ =	shalt  }
0x64: {  	_ =	shalt  }
0x65: {  	_ =	shalt  }
0x66: {  	_ =	shalt  }
0x67: {  	_ =	shalt  }
0x68: {  	_ =	shalt  }
0x69: {  	_ =	shalt  }
0x6a: {  	_ =	shalt  }
0x6b: {  	_ =	shalt  }
0x6c: {  	_ =	shalt  }
0x6d: {  	_ =	shalt  }
0x6e: {  	_ =	shalt  }
0x6f: {  	_ =	shalt  }
0x70: {  	_ =	shalt  }
0x71: {  	_ =	shalt  }
0x72: {  	_ =	shalt  }
0x73: {  	_ =	shalt  }
0x74: {  	_ =	shalt  }
0x75: {  	_ =	shalt  }
0x76: {  	_ =	shalt  }
0x77: {  	_ =	shalt  }
0x78: {  	_ =	shalt  }
0x79: {  	_ =	shalt  }
0x7a: {  	_ =	shalt  }
0x7b: {  	_ =	shalt  }
0x7c: {  	_ =	shalt  }
0x7d: {  	_ =	shalt  }
0x7e: {  	_ =	shalt  }
0x7f: {  	_ =	shalt  }
0x80: {  	_ =	shalt  }
0x81: {  	_ =	shalt  }
0x82: {  	_ =	shalt  }
0x83: {  	_ =	shalt  }
0x84: {  	_ =	shalt  }
0x85: {  	_ =	shalt  }
0x86: {  	_ =	shalt  }
0x87: {  	_ =	shalt  }
.Lfunc_end0:
.L_simem_size_0:
called_computation_lowered:
.L_overlay_start_0:
0x88: {  	s2 =	sld [smem:$0x3FD9]  }
0x89: {  	s3 =	sld [smem:$0x3FFE];
	_ =	sdelay $0x1  }
0x8a: {  	s1 =	srdreg.scid  }
0x8b: {  	s0 =	sand.u32 $0x1, s1  }
0x8c: {  	s17 =	sshll.u32 s0, $0xA;
	s2 =	sadd.s32 s3, s2  }
0x8d: {  	s2 =	sadd.s32 s2, s17  }
0x8e: {  	[smem:$0x3FC4] =	sst s2  }
0x8f: {  	_ = 	snop  }
0x90: {  	s2 =	sld [smem:$0x3FC9]  }
0x91: {  	s18 =	sld [smem:$0x3FC7]  }
0x92: {  	s4 =	sld [smem:$0x3FD0];
	(tm) =	ssettm $0x1  }
0x93: {  	s5 =	sld [smem:$0x3FFB];
	_ =	sdelay $0x3  }
0x94: {  	_ =	strace s5  }
0x95: {  	s5 =	sld [smem:$0x3FFC];
	_ =	sdelay $0x3  }
0x96: {  	_ =	strace s5  }
0x97: {  	s5 =	sld [smem:$0x3FFD];
	_ =	sdelay $0x3  }
0x98: {  	_ =	strace s5  }
0x99: {  	_ =	strace $0x8FFFFFFF  }
0x9a: {  	s19 =	sld [smem:$0x3FDB];
	_ =	sdelay $0x1  }
0x9b: {  	s6 =	simm.s32 $_scs_section_size  }
0x9c: {  	s7 =	simm.s32 $_size__tile_overlayer_lowered;
	s8 =	simm.s32 $_tile_overlayer_lowered  }
0x9d: {  	s22 =	simm.s32 $0x1BFF;
	s21 =	sshll.u32 s8, $0x1;
	s5 =	sadd.s32 s6, s19  }
0x9e: {  	s9 =	simm.s32 $0x0;
	s20 =	sshll.u32 s7, $0x1;
	s7 =	sadd.s32 s21, s5  }
0x9f: {  	[timem:s9], [sflag:s22] =	dma.local [hbm:s7], s20  }
0xa0: {  	_ =	swait.ge [sflag:s22], s20  }
0xa1: {  	s6 =	ssub.s32 $0x0, s20;
	[sflag:s22] =	ssyncset.done $0x0  }
0xa2: {  	[sflag:s22] =	ssyncadd.s32 s6;
	_ =	sdelay $0x1  }
0xa3: {  	s23 =	simm.s32 $0x1B8B  }
0xa4: {  	_ =	swait.ge [sflag:s23], $0x1  }
0xa5: {  	[sflag:s23] =	ssyncset.done $0x0  }
0xa6: {  	s25 =	simm.s32 $0x1B8E;
	s24 =	sld [smem:$0x3FFE];
	[sflag:s23] =	ssyncadd.s32 $0xFFFFFFFF  }
0xa7: {  	s26 =	simm.s32 $execute0_lowered;
	[smem:$0x3FD2] =	sst s25  }
0xa8: {  	s7 =	sshll.u32 s26, $0x1;
	_ =	strace $0x80000046;
	[dreg:$0x1] =	wrdreg $0xFFFFFFFF  }
0xa9: {  	s28 =	simm.s32 $_size_execute0_lowered;
	s5 =	sadd.s32 s5, s7;
	[dreg:$0x0] =	wrdreg $0x0  }
0xaa: {  	s7 =	sshll.u32 s28, $0x1;
	[dreg:$0x2] =	wrdreg s5  }
0xab: {  	[dreg:$0x3] =	wrdreg s7  }
0xac: {  	[dreg:$0x4] =	wrdreg $0xC0  }
0xad: {  	_ =	task [dreg:s9], $0x5FFFF  }
0xae: {  	[dreg:$0x1] =	wrdreg $0xFFFFFFFF  }
0xaf: {  	[dreg:$0x0] =	wrdreg $0x60  }
0xb0: {  	[dreg:$0x2] =	wrdreg s2  }
0xb1: {  	[dreg:$0x3] =	wrdreg s18  }
0xb2: {  	[dreg:$0x4] =	wrdreg s4  }
0xb3: {  	[dreg:$0x5] =	wrdreg s24  }
0xb4: {  	[dreg:$0x6] =	wrdreg $0x9  }
0xb5: {  	_ =	task.clear_ibuf [dreg:s9], $0x7FFFF;
	_ =	strace $0x90000046  }
0xb6: {  	s29 =	simm.s32 $0x9;
	_ =	strace $0x80000048  }
0xb7: {  	_ =	swait.ge [sflag:s29], $0x1  }
0xb8: {  	[sflag:s29] =	ssyncadd.s32 $0xFFFFFFFF  }
0xb9: {  	_ =	strace $0x90000048  }
0xba: {  	_ =	sfence  }
0xbb: {  	s30 =	sld [smem:$0x0];
	_ =	sdelay $0x2  }
0xbc: {  	s31 =	sshll.u32 s1, $0xD;
	s1 =	sshrl.u32 s1, $0x2  }
0xbd: {  	s3 =	sand.u32 $0x4000, s31;
	s1 =	sadd.s32 s1, s30  }
0xbe: {  	s0 =	sor.u32 s3, s0;
	s1 =	sshll.u32 s1, $0x11  }
0xbf: {  	s0 =	sor.u32 s1, s0  }
0xc0: {  	s0 =	sadd.s32 $0x8F2B, s0  }
0xc1: {  	[sflag:s0] =	ssyncadd.remote.s32 $0x1  }
0xc2: {  	_ =	sfence.sel $0xFFFF  }
0xc3: {  	[dreg:$0x0] =	wrdreg $0xFFFFFFFF;
	(pc) =	sbr.abs _section_cstart, $3  }
0xc4: {  	[dreg:$0x1] =	wrdreg $0xFFFFFFFF  }
0xc5: {  	_ =	task.clear_ibuf [dreg:s9], $0x2FFFF;
	_ =	strace $0x9FFFFFFF  }
0xc6: {  	(tm) =	ssettm $0x7FFFFFFF  }
0xc7: {  	_ =	shalt  }
tec
execute0_lowered:
.L_overlay_start_1:
0x0: {  	(tag) =	ssettag $0x1  }
0x1: {  	s1 =	srdreg.scid;
	s2 =	rddreg [dreg:$0x3]  }
0x2: {  	s0 =	stileid.u32;
	s5 =	simm.s32 $0x0;
	s1 =	sand.u32 $0x1, s1  }
0x3: {  	s12 =	simm.s32 $0x1;
	s8 =	smul.u32 $0xFFFFF3CB, s0;
	s3 =	sshll.u32 s1, $0x4  }
0x4: {  	v0 =	vimm.f32 $0.0e+00;
	s6 =	ssub.s32 $0x2, s1;
	s1 =	smul.u32 $0xC350, s1;
	s3 =	sor.u32 s0, s3  }
0x5: {  	vm0 =	vmmov $0x1;
	vm1 =	vmmov $0x3;
	vm2 =	vmmov $0x7;
	[smem:$0x7FF] =	sst s5;
	s26 =	sadd.s32 $0x800, s2;
	s4 =	smul.u32 $0x480, s3  }
.Ltmp0:
0x6: {  	vm3 =	vmmov $0xf;
	vm4 =	vmmov $0x1f;
	vm5 =	vmmov $0x3f;
	_ =	strace $0x80000047;
	s7 =	sshrl.u32 s6, $0x1;
	(pc) =	sbr.rel .LBB2_1-.Ltmp0, $4  }
0x7: {  	vm6 =	vmmov $0x7f;
	vm7 =	vmmov $0xff;
	vm8 =	vmmov $0x1ff;
	[dreg:$0x5] =	wrdreg s26;
	s28 =	ssub.s32 s6, s7;
	s31 =	ssub.s32 s8, s1  }
0x8: {  	vm9 =	vmmov $0x3ff;
	vm10 =	vmmov $0x7ff;
	v1 =	vimm.s32 $0x0;
	s30 =	smax.u32 s28, $0x1;
	[dreg:$0x8] =	wrdreg s31;
	s2 =	sadd.s32 s4, s2  }
0x9: {  	vm11 =	vmmov $0xfff;
	vm12 =	vmmov $0x1fff;
	s14 =	simm.s32 $0x4000;
	v1 =	vsel vm0, $0xFFFFFFFF, v1;
	[dreg:$0x7] =	wrdreg s30;
	s29 =	sadd.s32 $0xA00, s2  }
0xa: {  	vm13 =	vmmov $0x3fff;
	vm14 =	vmmov $0x7fff;
	v60 =	vlaneseq.u32;
	[tilespmem:$0x1FFF0] =	vst v1;
	s7 =	smul.u32 $0xC35, s3;
	s1 =	simm.s32 $0x0;
	[dreg:$0x6] =	wrdreg s29  }
.LBB2_15:
0xb: {  	s0 =	rddreg [dreg:$0x6];
	s1 =	simm.s32 $0x4080  }
0xc: {  	[hbm4b:s0+s5] =	stream.linear.scatter [tilespmem:s1], [sflag:$0x1], $0x2400, $0x38;
	[tilespmem:$0x6480] =	vst v63  }
0xd: {  	_ =	swait.ge [sflag:s12], $0x2400  }
0xe: {  	s30 =	rddreg [dreg:$0x9]  }
0xf: {  	s31 =	rddreg [dreg:$0x7];
	s1 =	sadd.s32 $0x1, s30  }
0x10: {  	p0 =	sne.s32 s1, s31  }
.Ltmp1:
0x11: {  	_ = 	snop;
	(pc) =	sbr.rel @!p0 .LBB2_16-.Ltmp1, $3  }
0x12: {  	_ =	sdelay $0x1  }
0x13: {  	[sflag:s12] =	ssyncset.done $0x0  }
0x14: {  	v0 =	vimm.f32 $0.0e+00;
	[sflag:s12] =	ssyncadd.s32 $0xFFFFDC00  }
.LBB2_1:
0x15: {  	[dreg:$0x9] =	wrdreg s1  }
0x16: {  	s0 =	rddreg [dreg:$0x1];
	s28 =	simm.s32 $0x3F00  }
0x17: {  	[tilespmem:s28], [sflag:$0x1] =	stream.linear.gather [hbm4b:s0+s5], $0x80, $0x38;
	[tilespmem:$0x6480] =	vst v63  }
0x18: {  	_ =	swait.ge [sflag:s12], $0x80  }
0x19: {  	[sflag:s12] =	ssyncset.done $0x0  }
0x1a: {  	[sflag:s12] =	ssyncadd.s32 $0xFFFFFF80  }
0x1b: {  	s30 =	simm.s32 $0x3F80;
	s29 =	rddreg [dreg:$0x2]  }
0x1c: {  	[tilespmem:s30], [sflag:$0x1] =	stream.linear.gather [hbm4b:s29+s5], $0x80, $0x38;
	[tilespmem:$0x6480] =	vst v63  }
0x1d: {  	_ =	swait.ge [sflag:s12], $0x80  }
0x1e: {  	[sflag:s12] =	ssyncset.done $0x0  }
0x1f: {  	s31 =	rddreg [dreg:$0x5];
	[sflag:s12] =	ssyncadd.s32 $0xFFFFFF80  }
0x20: {  	[tilespmem:s14], [sflag:$0x1] =	stream.linear.gather [hbm4b:s31+s5], $0x80, $0x38;
	[tilespmem:$0x6480] =	vst v63  }
0x21: {  	_ =	swait.ge [sflag:s12], $0x80  }
0x22: {  	[sflag:s12] =	ssyncset.done $0x0  }
0x23: {  	s1 =	simm.s32 $0x40C0;
	[sflag:s12] =	ssyncadd.s32 $0xFFFFFF80  }
0x24: {  	[tilespmem:s1+$0xFFFFFFD0] =	vst v0  }
0x25: {  	[tilespmem:s1+$0xFFFFFFE0] =	vst v0  }
0x26: {  	[tilespmem:s1+$0xFFFFFFF0] =	vst v0  }
0x27: {  	[tilespmem:s1+$0x0] =	vst v0  }
0x28: {  	[tilespmem:s1+$0x10] =	vst v0  }
0x29: {  	[tilespmem:s1+$0x20] =	vst v0  }
0x2a: {  	[tilespmem:s1+$0x30] =	vst v0  }
0x2b: {  	s3 =	sand.u32 $0x3FF0, s5;
	s2 =	simm.s32 $0x90;
	[tilespmem:s1+$0xFFFFFFC0] =	vst v0  }
.LBB2_2:
0x2c: {  	p0 =	sne.s32 s2, $0x2370;
	[tilespmem:s3+$0x4100] =	vst v0;
	s1 =	sadd.s32 $0x90, s1  }
0x2d: {  	[tilespmem:s1+$0xFFFFFFD0] =	vst v0  }
0x2e: {  	[tilespmem:s1+$0xFFFFFFE0] =	vst v0  }
0x2f: {  	[tilespmem:s1+$0xFFFFFFF0] =	vst v0  }
.Ltmp2:
0x30: {  	[tilespmem:s1+$0x0] =	vst v0;
	(pc) =	sbr.rel @p0 .LBB2_2-.Ltmp2, $4  }
0x31: {  	[tilespmem:s1+$0x10] =	vst v0  }
0x32: {  	[tilespmem:s1+$0x20] =	vst v0  }
0x33: {  	[tilespmem:s1+$0x30] =	vst v0  }
0x34: {  	s3 =	sand.u32 $0x3FF0, s2;
	s2 =	sadd.s32 $0x90, s2;
	[tilespmem:s1+$0xFFFFFFC0] =	vst v0  }
0x35: {  	[tilespmem:s3+$0x4100] =	vst v0  }
0x36: {  	v54 =	vld [tilespmem:$0x3F00]  }
0x37: {  	v55 =	vld [tilespmem:$0x3F10]  }
0x38: {  	v56 =	vld [tilespmem:$0x3F20]  }
0x39: {  	v57 =	vld [tilespmem:$0x3F30]  }
0x3a: {  	v58 =	vld [tilespmem:$0x3F40]  }
0x3b: {  	v59 =	vld [tilespmem:$0x3F50];
	[tilespmem:$0x1FF60] =	vst v54  }
0x3c: {  	v61 =	vld [tilespmem:$0x3F60];
	[tilespmem:$0x1FF70] =	vst v55  }
0x3d: {  	v62 =	vld [tilespmem:$0x3F70];
	[tilespmem:$0x1FF80] =	vst v56  }
0x3e: {  	v63 =	vld.msk [tilespmem:$0x3F80 ss:$0x0], $0xffff;
	[tilespmem:$0x1FF90] =	vst v57  }
.Ltmp3:
0x3f: {  	[tilespmem:$0x1FFA0] =	vst v58;
	(pc) =	sbr.rel .LBB2_4-.Ltmp3, $4  }
0x40: {  	[tilespmem:$0x1FFB0] =	vst v59  }
0x41: {  	[tilespmem:$0x1FFC0] =	vst v61  }
0x42: {  	[tilespmem:$0x1FFD0] =	vst v62  }
0x43: {  	s17 =	simm.s32 $0x0;
	s18 =	rddreg [dreg:$0x8];
	[tilespmem:$0x1FFE0] =	vst v63  }
.LBB2_14:
0x44: {  	s17 =	sadd.s32 $0x1, s17  }
0x45: {  	v0 =	vld [tilespmem:$0x1FFF0];
	p0 =	sne.s32 s17, $0x19  }
.Ltmp4:
0x46: {  	_ = 	snop;
	(pc) =	sbr.rel @!p0 .LBB2_15-.Ltmp4, $2  }
0x47: {  	_ =	sdelay $0x2  }
0x48: {  	s18 =	sadd.s32 $0xFFFFFF83, s18;
	vm0 =	vnez.u8 v0  }
.LBB2_4:
0x49: {  	s1 =	smul.u32 $0x7D, s17;
	_ =	sdelay $0x1  }
0x4a: {  	s19 =	sadd.s32 s7, s1  }
0x4b: {  	s0 =	rddreg [dreg:$0x0];
	s1 =	sshll.u32 s19, $0x4  }
0x4c: {  	s1 =	sadd.s32 s0, s1  }
0x4d: {  	[tilespmem:s5], [sflag:$0x1] =	stream.linear.gather [hbm4b:s1+s5], $0x3E80, $0x38;
	[tilespmem:$0x6480] =	vst v63  }
0x4e: {  	_ =	swait.ge [sflag:s12], $0x3E80  }
0x4f: {  	s2 =	simm.s32 $0xF;
	[sflag:s12] =	ssyncset.done $0x0  }
0x50: {  	s3 =	simm.s32 $0x3E80;
	s20 =	simm.s32 $0x340;
	[sflag:s12] =	ssyncadd.s32 $0xFFFFC180  }
.LBB2_5:
0x51: {  	v0 =	vld [tilespmem:s20+$0xFFFFFCC0]  }
0x52: {  	v2 =	vld [tilespmem:s20+$0xFFFFFCD0]  }
0x53: {  	v3 =	vld [tilespmem:s20+$0xFFFFFCE0]  }
0x54: {  	v4 =	vld [tilespmem:s20+$0xFFFFFCF0]  }
0x55: {  	v7 =	vld [tilespmem:s20+$0xFFFFFD00]  }
0x56: {  	v9 =	vld [tilespmem:s20+$0xFFFFFD10]  }
0x57: {  	v10 =	vld [tilespmem:s20+$0xFFFFFD20]  }
0x58: {  	v11 =	vld [tilespmem:s20+$0xFFFFFD30]  }
0x59: {  	v6 =	vld [tilespmem:s20+$0xFFFFFD40]  }
0x5a: {  	v8 =	vld [tilespmem:s20+$0xFFFFFD50]  }
0x5b: {  	v12 =	vld [tilespmem:s20+$0xFFFFFD60]  }
0x5c: {  	v13 =	vld [tilespmem:s20+$0xFFFFFD70]  }
0x5d: {  	v14 =	vld [tilespmem:s20+$0xFFFFFD80]  }
0x5e: {  	v15 =	vld [tilespmem:s20+$0xFFFFFD90]  }
0x5f: {  	v16 =	vld [tilespmem:s20+$0xFFFFFDA0]  }
0x60: {  	v17 =	vld [tilespmem:s20+$0xFFFFFDB0]  }
0x61: {  	v18 =	vld [tilespmem:s20+$0xFFFFFDC0]  }
0x62: {  	v19 =	vld [tilespmem:s20+$0xFFFFFDD0]  }
0x63: {  	v20 =	vld [tilespmem:s20+$0xFFFFFDE0]  }
0x64: {  	v21 =	vld [tilespmem:s20+$0xFFFFFDF0]  }
0x65: {  	v22 =	vld [tilespmem:s20+$0xFFFFFE00]  }
0x66: {  	v23 =	vld [tilespmem:s20+$0xFFFFFE10]  }
0x67: {  	v24 =	vld [tilespmem:s20+$0xFFFFFE20]  }
0x68: {  	v25 =	vld [tilespmem:s20+$0xFFFFFE30]  }
0x69: {  	v26 =	vld [tilespmem:s20+$0xFFFFFE40]  }
0x6a: {  	v27 =	vld [tilespmem:s20+$0xFFFFFE50]  }
0x6b: {  	v28 =	vld [tilespmem:s20+$0xFFFFFE60]  }
0x6c: {  	v29 =	vld [tilespmem:s20+$0xFFFFFE70]  }
0x6d: {  	v30 =	vld [tilespmem:s20+$0xFFFFFE80]  }
0x6e: {  	v31 =	vld [tilespmem:s20+$0xFFFFFE90]  }
0x6f: {  	v32 =	vld [tilespmem:s20+$0xFFFFFEA0]  }
0x70: {  	v33 =	vld [tilespmem:s20+$0xFFFFFEB0]  }
0x71: {  	v34 =	vld [tilespmem:s20+$0xFFFFFEC0]  }
0x72: {  	v35 =	vld [tilespmem:s20+$0xFFFFFED0]  }
0x73: {  	v36 =	vld [tilespmem:s20+$0xFFFFFEE0]  }
0x74: {  	v37 =	vld [tilespmem:s20+$0xFFFFFEF0]  }
0x75: {  	v38 =	vld [tilespmem:s20+$0xFFFFFF00]  }
0x76: {  	v39 =	vld [tilespmem:s20+$0xFFFFFF10]  }
0x77: {  	v40 =	vld [tilespmem:s20+$0xFFFFFF20]  }
0x78: {  	v1 =	vld [tilespmem:s20+$0xFFFFFF30]  }
0x79: {  	v41 =	vld [tilespmem:s20+$0xFFFFFF40]  }
0x7a: {  	v42 =	vld [tilespmem:s20+$0xFFFFFF50]  }
0x7b: {  	v43 =	vld [tilespmem:s20+$0xFFFFFF60]  }
0x7c: {  	v44 =	vld [tilespmem:s20+$0xFFFFFF70]  }
0x7d: {  	v45 =	vld [tilespmem:s20+$0xFFFFFF80]  }
0x7e: {  	v46 =	vld [tilespmem:s20+$0xFFFFFF90]  }
0x7f: {  	v47 =	vld [tilespmem:s20+$0xFFFFFFA0]  }
0x80: {  	v5 =	vld [tilespmem:s20+$0xFFFFFFB0]  }
0x81: {  	v48 =	vld [tilespmem:s20+$0xFFFFFFC0]  }
0x82: {  	v49 =	vld [tilespmem:s20+$0xFFFFFFD0]  }
0x83: {  	v50 =	vld [tilespmem:s20+$0xFFFFFFE0];
	v0 =	vmul.f32 v0, v54;
	v2 =	vmul.f32 v2, v55  }
0x84: {  	v51 =	vld [tilespmem:s20+$0xFFFFFFF0]  }
0x85: {  	v52 =	vld [tilespmem:s20+$0x0];
	v0 =	vadd.f32 v2, v0;
	v2 =	vmul.f32 v3, v56  }
0x86: {  	v53 =	vld [tilespmem:s20+$0x10];
	v3 =	vmul.f32 v6, v54;
	v6 =	vmul.f32 v8, v55  }
0x87: {  	v10 =	vmul.f32 v10, v61;
	v8 =	vld [tilespmem:s20+$0x20];
	v0 =	vadd.f32 v2, v0;
	v2 =	vmul.f32 v4, v57  }
0x88: {  	v16 =	vmul.f32 v16, v61;
	v3 =	vadd.f32 v6, v3;
	v4 =	vmul.f32 v12, v56;
	v6 =	vld [tilespmem:s20+$0x30]  }
0x89: {  	v27 =	vmul.f32 v27, v55;
	v11 =	vmul.f32 v11, v62;
	v12 =	vld [tilespmem:s20+$0x40];
	v0 =	vadd.f32 v2, v0  }
0x8a: {  	v2 =	vmul.f32 v7, v58;
	v3 =	vadd.f32 v4, v3;
	v4 =	vmul.f32 v13, v57;
	v13 =	vld [tilespmem:s20+$0x50]  }
0x8b: {  	v7 =	vmul.f32 v9, v59;
	v9 =	vmul.f32 v19, v55;
	v19 =	vld [tilespmem:s20+$0x80]  }
0x8c: {  	v17 =	vmul.f32 v17, v62;
	v0 =	vadd.f32 v2, v0;
	v2 =	vmul.f32 v18, v54;
	v18 =	vld [tilespmem:s20+$0x60]  }
0x8d: {  	v30 =	vmul.f32 v30, v58;
	v3 =	vadd.f32 v4, v3;
	v4 =	vmul.f32 v14, v58;
	v14 =	vld [tilespmem:s20+$0x70]  }
0x8e: {  	v0 =	vadd.f32 v7, v0;
	v2 =	vadd.f32 v9, v2;
	v9 =	vmul.f32 v15, v59;
	v15 =	vld [tilespmem:s20+$0x90]  }
0x8f: {  	v7 =	vmul.f32 v20, v56;
	v3 =	vadd.f32 v4, v3;
	v20 =	vld [tilespmem:s20+$0xA0];
	v4 =	vmul.f32 v26, v54  }
0x90: {  	v26 =	vmul.f32 v22, v58;
	v22 =	vmul.f32 v23, v59;
	v23 =	vld [tilespmem:s20+$0xE0]  }
0x91: {  	v2 =	vadd.f32 v7, v2;
	v7 =	vmul.f32 v21, v57;
	v3 =	vadd.f32 v9, v3;
	v9 =	vld [tilespmem:s20+$0xB0]  }
0x92: {  	v25 =	vmul.f32 v25, v62;
	v36 =	vmul.f32 v36, v56;
	v0 =	vadd.f32 v10, v0;
	v10 =	vld [tilespmem:s20+$0xC0]  }
0x93: {  	v4 =	vadd.f32 v27, v4;
	v27 =	vmul.f32 v28, v56;
	v21 =	vld [tilespmem:s20+$0xD0];
	v2 =	vadd.f32 v7, v2  }
0x94: {  	v28 =	vmul.f32 v29, v57;
	v29 =	vmul.f32 v24, v61;
	v24 =	vld [tilespmem:s20+$0x160];
	v3 =	vadd.f32 v16, v3  }
0x95: {  	v41 =	vmul.f32 v41, v54;
	v4 =	vadd.f32 v27, v4;
	v16 =	vld [tilespmem:s20+$0x110];
	v7 =	vadd.f32 v26, v2  }
0x96: {  	v42 =	vmul.f32 v42, v55;
	v27 =	vld [tilespmem:s20+$0x120];
	v2 =	vadd.f32 v11, v0;
	v0 =	vadd.f32 v17, v3  }
0x97: {  	v26 =	vld [tilespmem:s20+$0xF0];
	v3 =	vadd.f32 v28, v4;
	v17 =	vmul.f32 v34, v54;
	v34 =	vmul.f32 v35, v55  }
0x98: {  	v35 =	vmul.f32 v31, v59;
	v28 =	vmul.f32 v32, v61;
	v32 =	vld [tilespmem:s20+$0x150];
	v7 =	vadd.f32 v22, v7  }
0x99: {  	v31 =	vmul.f32 v33, v62;
	v33 =	vld [tilespmem:s20+$0x180];
	v3 =	vadd.f32 v30, v3;
	v17 =	vadd.f32 v34, v17  }
0x9a: {  	v38 =	vmul.f32 v38, v58;
	v45 =	vmul.f32 v45, v58;
	v22 =	vld [tilespmem:s20+$0x100];
	v11 =	vadd.f32 v29, v7  }
0x9b: {  	v30 =	vld [tilespmem:s20+$0x170];
	v4 =	vadd.f32 v35, v3;
	v34 =	vadd.f32 v36, v17;
	v35 =	vmul.f32 v37, v57  }
0x9c: {  	v7 =	vld [tilespmem:s20+$0x130];
	v36 =	vadd.f32 v42, v41;
	v37 =	vmul.f32 v43, v56;
	v41 =	vmul.f32 v39, v59  }
0x9d: {  	v29 =	vld [tilespmem:s20+$0x140];
	v42 =	vmul.f32 v44, v57;
	v43 =	vmul.f32 v48, v54  }
0x9e: {  	v44 =	vmul.f32 v49, v55;
	v48 =	vmul.f32 v50, v56;
	v39 =	vld [tilespmem:s20+$0x1D0]  }
0x9f: {  	v49 =	vmul.f32 v40, v61;
	v50 =	vmul.f32 v46, v59;
	v40 =	vld [tilespmem:s20+$0x220]  }
0xa0: {  	v46 =	vmul.f32 v52, v58;
	v52 =	vmul.f32 v19, v58;
	v19 =	vld [tilespmem:s20+$0x250]  }
0xa1: {  	v1 =	vmul.f32 v1, v62;
	v3 =	vadd.f32 v25, v11;
	v11 =	vadd.f32 v35, v34;
	v35 =	vld [tilespmem:s20+$0x190]  }
0xa2: {  	v8 =	vmul.f32 v8, v61;
	v12 =	vmul.f32 v12, v54;
	v25 =	vadd.f32 v37, v36;
	v37 =	vld [tilespmem:s20+$0x1A0]  }
0xa3: {  	v6 =	vmul.f32 v6, v62;
	v13 =	vmul.f32 v13, v55;
	v36 =	vld [tilespmem:s20+$0x1C0]  }
0xa4: {  	v20 =	vmul.f32 v20, v61;
	v10 =	vmul.f32 v10, v54;
	v4 =	vadd.f32 v28, v4;
	v28 =	vld [tilespmem:s20+$0x1F0]  }
0xa5: {  	v17 =	vadd.f32 v44, v43;
	v44 =	vmul.f32 v47, v61;
	v47 =	vmul.f32 v18, v56;
	v18 =	vld [tilespmem:s20+$0x210]  }
0xa6: {  	v12 =	vadd.f32 v13, v12;
	v9 =	vmul.f32 v9, v62;
	v34 =	vmul.f32 v23, v56;
	v23 =	vld [tilespmem:s20+$0x280]  }
0xa7: {  	v16 =	vmul.f32 v16, v59;
	v43 =	vmul.f32 v32, v55;
	v32 =	vld [tilespmem:s20+$0x310];
	v11 =	vadd.f32 v38, v11  }
0xa8: {  	v27 =	vmul.f32 v27, v61;
	v4 =	vadd.f32 v31, v4;
	v25 =	vadd.f32 v42, v25;
	v31 =	vld [tilespmem:s20+$0x1B0]  }
0xa9: {  	v17 =	vadd.f32 v48, v17;
	v38 =	vld [tilespmem:s20+$0x200];
	v48 =	vmul.f32 v53, v59;
	v53 =	vmul.f32 v21, v55  }
0xaa: {  	v12 =	vadd.f32 v47, v12;
	v21 =	vld [tilespmem:s20+$0x260];
	v47 =	vmul.f32 v22, v58;
	v42 =	vmul.f32 v29, v54  }
0xab: {  	v22 =	vld [tilespmem:s20+$0x2C0];
	v7 =	vmul.f32 v7, v62;
	v11 =	vadd.f32 v41, v11;
	v25 =	vadd.f32 v45, v25  }
0xac: {  	v29 =	vld [tilespmem:s20+$0x290];
	v45 =	vmul.f32 v51, v57;
	v13 =	vadd.f32 v43, v42;
	v37 =	vmul.f32 v37, v61  }
0xad: {  	v41 =	vld [tilespmem:s20+$0x1E0];
	v42 =	vmul.f32 v19, v55;
	v25 =	vadd.f32 v50, v25;
	v11 =	vadd.f32 v49, v11  }
0xae: {  	s4 =	sadd.s32 $0xFFFFFFFF, s2;
	v19 =	vld [tilespmem:s20+$0x330];
	v17 =	vadd.f32 v45, v17;
	v49 =	vmul.f32 v5, v62;
	v50 =	vmul.f32 v14, v57  }
0xaf: {  	s4 =	smin.u32 s4, $0x7C;
	v10 =	vadd.f32 v53, v10;
	v14 =	vld [tilespmem:s20+$0x230];
	v45 =	vmul.f32 v26, v57;
	v43 =	vmul.f32 v38, v58  }
0xb0: {  	s1 =	sadd.s32 $0xFFFFFFFE, s2;
	s4 =	sshll.u32 s4, $0x7;
	v26 =	vld [tilespmem:s20+$0x300];
	v31 =	vmul.f32 v31, v62;
	v25 =	vadd.f32 v44, v25;
	v17 =	vadd.f32 v46, v17  }
0xb1: {  	s1 =	smin.u32 s1, $0x7C;
	v38 =	vld [tilespmem:s4+$0x10];
	v5 =	vadd.f32 v1, v11;
	v12 =	vadd.f32 v50, v12;
	v46 =	vmul.f32 v24, v56  }
0xb2: {  	s1 =	sshll.u32 s1, $0x7;
	v44 =	vadd.f32 v34, v10;
	v11 =	vld [tilespmem:s20+$0x2A0];
	v50 =	vmul.f32 v39, v55;
	v39 =	vmul.f32 v28, v57  }
0xb3: {  	v34 =	vmul.f32 v29, v59;
	v29 =	vld [tilespmem:s1+$0x70];
	v53 =	vmul.f32 v41, v56;
	v51 =	vadd.f32 v48, v17  }
0xb4: {  	v17 =	vld [tilespmem:s20+$0x240];
	v1 =	vadd.f32 v49, v25;
	v25 =	vmul.f32 v15, v59;
	v48 =	vmul.f32 v30, v57  }
0xb5: {  	v12 =	vadd.f32 v52, v12;
	v15 =	vld [tilespmem:s20+$0x270];
	v49 =	vmul.f32 v36, v54;
	v52 =	vmul.f32 v33, v58  }
0xb6: {  	v13 =	vadd.f32 v46, v13;
	v30 =	vld [tilespmem:s20+$0x2E0];
	v36 =	vmul.f32 v35, v59;
	v19 =	vmul.f32 v19, v62  }
0xb7: {  	v46 =	vld [tilespmem:s1+$0x10];
	v14 =	vmul.f32 v14, v62;
	v8 =	vadd.f32 v8, v51;
	v12 =	vadd.f32 v25, v12  }
0xb8: {  	v24 =	vld [tilespmem:s20+$0x2B0];
	v51 =	vadd.f32 v48, v13;
	v10 =	vadd.f32 v50, v49;
	v11 =	vmul.f32 v11, v61  }
0xb9: {  	v25 =	vld [tilespmem:s20+$0x2D0];
	v6 =	vadd.f32 v6, v8;
	v8 =	vadd.f32 v45, v44;
	v45 =	vmul.f32 v21, v56  }
0xba: {  	v48 =	vld [tilespmem:s1+$0x20];
	v10 =	vadd.f32 v53, v10;
	v53 =	vmul.f32 v22, v54;
	v22 =	vmul.f32 v29, v62  }
0xbb: {  	v49 =	vld [tilespmem:s1+$0x30];
	v12 =	vadd.f32 v20, v12;
	v41 =	vmul.f32 v17, v54;
	v15 =	vmul.f32 v15, v57  }
0xbc: {  	v20 =	vld [tilespmem:s20+$0x2F0];
	v35 =	vmul.f32 v30, v56;
	v21 =	vmul.f32 v46, v55;
	v8 =	vadd.f32 v47, v8  }
0xbd: {  	v44 =	vld [tilespmem:s1+$0x0];
	v9 =	vadd.f32 v9, v12;
	v12 =	vadd.f32 v52, v51;
	v47 =	vmul.f32 v18, v59  }
0xbe: {  	v10 =	vadd.f32 v39, v10;
	v51 =	vmul.f32 v40, v61;
	v52 =	vmul.f32 v23, v58;
	v23 =	vld [tilespmem:s1+$0x50]  }
0xbf: {  	v13 =	vadd.f32 v42, v41;
	v33 =	vmul.f32 v25, v55;
	v25 =	vld [tilespmem:s1+$0x60];
	v42 =	vmul.f32 v48, v56  }
0xc0: {  	s31 =	smin.u32 s2, $0x7C;
	v48 =	vmul.f32 v49, v57;
	v8 =	vadd.f32 v16, v8;
	v12 =	vadd.f32 v36, v12;
	v16 =	vld [tilespmem:s1+$0x40]  }
0xc1: {  	v10 =	vadd.f32 v43, v10;
	v36 =	vld [tilespmem:s4+$0x0];
	s1 =	sshll.u32 s31, $0x7;
	v13 =	vadd.f32 v45, v13;
	v39 =	vmul.f32 v20, v57  }
0xc2: {  	v43 =	vld [tilespmem:s1+$0x0];
	v45 =	vmul.f32 v26, v58;
	v8 =	vadd.f32 v27, v8;
	v12 =	vadd.f32 v37, v12  }
0xc3: {  	v46 =	vld [tilespmem:s1+$0x10];
	v50 =	vadd.f32 v47, v10;
	v10 =	vadd.f32 v33, v53;
	v37 =	vmul.f32 v44, v54  }
0xc4: {  	v40 =	vld [tilespmem:s4+$0x20];
	v44 =	vmul.f32 v24, v62;
	v13 =	vadd.f32 v15, v13;
	v7 =	vadd.f32 v7, v8  }
0xc5: {  	v49 =	vld [tilespmem:s4+$0x30];
	v47 =	vmul.f32 v32, v59;
	v12 =	vadd.f32 v31, v12;
	v8 =	vadd.f32 v51, v50  }
0xc6: {  	v10 =	vadd.f32 v35, v10;
	v41 =	vadd.f32 v21, v37;
	v51 =	vmul.f32 v38, v55  }
0xc7: {  	v28 =	vld [tilespmem:s20+$0x320];
	v13 =	vadd.f32 v52, v13;
	v50 =	vmul.f32 v36, v54;
	v8 =	vadd.f32 v14, v8  }
0xc8: {  	v52 =	vld [tilespmem:s1+$0x20];
	v10 =	vadd.f32 v39, v10;
	v37 =	vmul.f32 v43, v54;
	v38 =	vmul.f32 v46, v55  }
0xc9: {  	v30 =	vld [tilespmem:s4+$0x40];
	v33 =	vmul.f32 v40, v56;
	v13 =	vadd.f32 v34, v13;
	v32 =	vadd.f32 v51, v50  }
0xca: {  	(xrf2) =	vadd.scan.msk.f32 $0xffff, v2;
	v40 =	vmul.f32 v49, v57;
	v34 =	vld [tilespmem:s1+$0x30];
	v10 =	vadd.f32 v45, v10;
	v15 =	vadd.f32 v38, v37  }
0xcb: {  	(xrf2) =	vadd.scan.msk.f32 $0xffff, v0;
	v53 =	vmul.f32 v16, v58;
	v36 =	vld [tilespmem:s4+$0x50];
	v11 =	vadd.f32 v11, v13;
	v13 =	vadd.f32 v42, v41  }
0xcc: {  	(xrf2) =	vadd.scan.msk.f32 $0xffff, v3;
	v39 =	vmul.f32 v23, v59;
	v41 =	vld [tilespmem:s1+$0x40];
	v31 =	vadd.f32 v47, v10;
	v10 =	vadd.f32 v33, v32  }
0xcd: {  	(xrf2) =	vadd.scan.msk.f32 $0xffff, v4;
	v43 =	vld [tilespmem:s4+$0x60];
	v11 =	vadd.f32 v44, v11;
	v13 =	vadd.f32 v48, v13;
	v44 =	vmul.f32 v52, v56  }
0xce: {  	(xrf2) =	vadd.scan.msk.f32 $0xffff, v5;
	v46 =	vmul.f32 v30, v58;
	v50 =	vmul.f32 v25, v61;
	v47 =	vld [tilespmem:s1+$0x50];
	v45 =	vadd.f32 v40, v10  }
0xcf: {  	(xrf2) =	vadd.scan.msk.f32 $0xffff, v1;
	v48 =	vld [tilespmem:s4+$0x70];
	v51 =	vmul.f32 v34, v57;
	v35 =	vadd.f32 v53, v13;
	v49 =	vadd.f32 v44, v15  }
0xd0: {  	(xrf2) =	vadd.scan.msk.f32 $0xffff, v6;
	v42 =	vmul.f32 v28, v61;
	v52 =	vmul.f32 v36, v59;
	v53 =	vld [tilespmem:s1+$0x60];
	v3 =	vadd.f32 v46, v45  }
0xd1: {  	(xrf2) =	vadd.scan.msk.f32 $0xffff, v9;
	v17 =	vmul.f32 v41, v58;
	v0 =	vadd.f32 v39, v35;
	v1 =	vadd.f32 v51, v49  }
0xd2: {  	v21 =	vld [tilespmem:s1+$0x70];
	(xrf2) =	vadd.scan.msk.f32 $0xffff, v7;
	v20 =	vmul.f32 v43, v61;
	v2 =	vadd.f32 v42, v31;
	v3 =	vadd.f32 v52, v3  }
0xd3: {  	(xrf2) =	vadd.scan.msk.f32 $0xffff, v12;
	v23 =	vmul.f32 v47, v59;
	v0 =	vadd.f32 v50, v0;
	v1 =	vadd.f32 v17, v1  }
0xd4: {  	v24, _, _ =	vpop (xrf2);
	(xrf2) =	vadd.scan.msk.f32 $0xffff, v8;
	v2 =	vadd.f32 v19, v2;
	v25 =	vmul.f32 v48, v62;
	v3 =	vadd.f32 v20, v3  }
0xd5: {  	v26, _, _ =	vpop (xrf2);
	(xrf2) =	vadd.scan.msk.f32 $0xffff, v11;
	v5 =	vmul.f32 v53, v61;
	v0 =	vadd.f32 v22, v0;
	v1 =	vadd.f32 v23, v1  }
0xd6: {  	v27, _, _ =	vpop (xrf2);
	v7 =	vbroadcast v26, $0xF;
	v28 =	vbroadcast v24, $0xF;
	(xrf2) =	vadd.scan.msk.f32 $0xffff, v2;
	v3 =	vadd.f32 v25, v3  }
0xd7: {  	v29, _, _ =	vpop (xrf2);
	v32 =	vmul.f32 v21, v62;
	v31 =	vbroadcast v27, $0xF;
	(xrf2) =	vadd.scan.msk.f32 $0xffff, v0;
	v30 =	vadd.f32 v5, v1  }
0xd8: {  	v4 =	vbroadcast v29, $0xF;
	v33, _, _ =	vpop (xrf2);
	v2 =	vsel vm0, v28, v7;
	(xrf2) =	vadd.scan.msk.f32 $0xffff, v3  }
0xd9: {  	v34, _, _ =	vpop (xrf2);
	v35 =	vbroadcast v33, $0xF;
	v1 =	vsel vm1, v2, v31;
	v0 =	vadd.f32 v32, v30  }
0xda: {  	v36, _, _ =	vpop (xrf2);
	v1 =	vsel vm2, v1, v4;
	v3 =	vbroadcast v34, $0xF  }
0xdb: {  	v37 =	vbroadcast v36, $0xF;
	v38, _, _ =	vpop (xrf2);
	v1 =	vsel vm3, v1, v35;
	(xrf2) =	vadd.scan.msk.f32 $0xffff, v0  }
0xdc: {  	v40 =	vbroadcast v38, $0xF;
	v39, _, _ =	vpop (xrf2);
	v1 =	vsel vm4, v1, v3  }
0xdd: {  	v41, _, _ =	vpop (xrf2);
	v1 =	vsel vm5, v1, v37;
	v0 =	vbroadcast v39, $0xF  }
0xde: {  	v42, _, _ =	vpop (xrf2);
	v43 =	vbroadcast v41, $0xF;
	v1 =	vsel vm6, v1, v40  }
0xdf: {  	v45 =	vbroadcast v42, $0xF;
	v44, _, _ =	vpop (xrf2);
	v0 =	vsel vm7, v1, v0  }
0xe0: {  	v47 =	vbroadcast v44, $0xF;
	v46, _, _ =	vpop (xrf2);
	v0 =	vsel vm8, v0, v43  }
0xe1: {  	v49 =	vbroadcast v46, $0xF;
	v0 =	vsel vm9, v0, v45;
	v48, _, _ =	vpop (xrf2)  }
0xe2: {  	v0 =	vsel vm10, v0, v47;
	v50, _, _ =	vpop (xrf2);
	v51 =	vbroadcast v48, $0xF  }
0xe3: {  	v0 =	vsel vm11, v0, v49;
	v52 =	vbroadcast v50, $0xF  }
0xe4: {  	v0 =	vsel vm12, v0, v51  }
0xe5: {  	v0 =	vsel vm13, v0, v52;
	v53, _, _ =	vpop (xrf2)  }
0xe6: {  	v0 =	vsel vm14, v0, v53  }
0xe7: {  	v0 =	vadd.f32 v0, v63;
	_ =	sdelay $0x1  }
0xe8: {  	v0 =	vmul.f32 $1.442695020e+00, v0;
	_ =	sdelay $0x1  }
0xe9: {  	(erf) = vpow2.f32 v0;
	_ =	sdelay $0x4  }
0xea: {  	p0 =	sne.s32 s2, $0x7F  }
.Ltmp5:
0xeb: {  	_ = 	snop;
	(pc) =	sbr.rel @p0 .LBB2_5-.Ltmp5, $3  }
0xec: {  	_ =	sdelay $0x1  }
0xed: {  	v0 =	vpop (erf)  }
0xee: {  	s2 =	sadd.s32 $0x10, s2;
	s20 =	sadd.s32 $0x800, s20;
	[tilespmem:s3+$0x0] =	vst v0;
	s3 =	sadd.s32 $0x10, s3  }
.Ltmp6:
0xef: {  	(pc) =	sbr.rel .LBB2_7-.Ltmp6, $2  }
0xf0: {  	_ =	sdelay $0x2  }
0xf1: {  	s20 =	simm.s32 $0x0  }
.LBB2_11:
0xf2: {  	v54 =	vld [tilespmem:$0x1FF60]  }
0xf3: {  	v55 =	vld [tilespmem:$0x1FF70]  }
0xf4: {  	v56 =	vld [tilespmem:$0x1FF80]  }
0xf5: {  	v0 =	vadd.f32 v8, v1;
	v59 =	vadd.f32 v22, v11;
	v57 =	vld [tilespmem:$0x1FF90]  }
0xf6: {  	v1 =	vadd.f32 v7, v9;
	v2 =	vmul.f32 v2, v19;
	v61 =	vadd.f32 v15, v12;
	v58 =	vld [tilespmem:$0x1FFA0]  }
0xf7: {  	v3 =	vmul.f32 v3, v18;
	v0 =	vadd.f32 v10, v0;
	v62 =	vadd.f32 v21, v59;
	v59 =	vld [tilespmem:$0x1FFB0]  }
0xf8: {  	v1 =	vadd.f32 v2, v1;
	v2 =	vmul.f32 v4, v18;
	v63 =	vadd.f32 v14, v61;
	v61 =	vld [tilespmem:$0x1FFC0]  }
0xf9: {  	v5 =	vmul.f32 v5, v17;
	v0 =	vadd.f32 v3, v0;
	v24 =	vadd.f32 v16, v62;
	v62 =	vld [tilespmem:$0x1FFD0]  }
0xfa: {  	v1 =	vadd.f32 v2, v1;
	v2 =	vmul.f32 v6, v17;
	v12 =	vadd.f32 v20, v63;
	v63 =	vld [tilespmem:$0x1FFE0]  }
0xfb: {  	v13 =	vadd.f32 v5, v0;
	v0 =	vld [tilespmem:$0x1FF30]  }
0xfc: {  	v27 =	vadd.f32 v2, v1;
	v1 =	vld [tilespmem:$0x1FF50]  }
0xfd: {  	v2 =	vld [tilespmem:$0x1FF40]  }
.LBB2_12:
0xfe: {  	[tilespmem:s21+$0x4080] =	vst v40  }
0xff: {  	[tilespmem:s21+$0x40C0] =	vst v24  }
0x100: {  	[tilespmem:s21+$0x40D0] =	vst v12  }
0x101: {  	[tilespmem:s21+$0x40E0] =	vst v13  }
0x102: {  	[tilespmem:s21+$0x40F0] =	vst v27  }
0x103: {  	[tilespmem:s21+$0x4090] =	vst v0  }
0x104: {  	[tilespmem:s21+$0x40B0] =	vst v1  }
0x105: {  	s0 =	sand.u32 $0x3FF0, s21;
	[tilespmem:s21+$0x40A0] =	vst v2  }
0x106: {  	v0 =	vld [tilespmem:s0+$0x4100];
	_ =	sdelay $0x2  }
0x107: {  	v53 =	vmov s25;
	vm0 =	vcmask $0x300  }
0x108: {  	v1 =	vnsel vm0, $0x0, v53  }
0x109: {  	v0 =	vadd.f32 v0, v1;
	_ =	sdelay $0x1  }
0x10a: {  	[tilespmem:s0+$0x4100] =	vst v0  }
.LBB2_13:
0x10b: {  	s20 =	sadd.s32 $0x1, s20  }
0x10c: {  	p0 =	sne.s32 s20, $0x40  }
.Ltmp7:
0x10d: {  	_ = 	snop;
	(pc) =	sbr.rel @!p0 .LBB2_14-.Ltmp7, $1  }
0x10e: {  	_ =	sdelay $0x3  }
.LBB2_7:
0x10f: {  	v0 =	vadd.s32 s20, v60  }
0x110: {  	vm15 =	vlt.s32 v0, $0x4F  }
0x111: {  	v0 =	vnsel vm15, $0x4F, v0;
	_ =	sdelay $0x4  }
0x112: {  	v0 =	vld.idx.msk [tilespmem:v0+s14+$0x0], $0xffff;
	_ =	sdelay $0x4  }
0x113: {  	(v2sf) =	vpush v0, $0x0  }
0x114: {  	(v2sf) =	vpush v0, $0x1;
	_ =	sdelay $0xd  }
0x115: {  	s1 =	spop (v2sf)  }
0x116: {  	s2 =	spop (v2sf)  }
0x117: {  	s4 =	ssub.s32 s2, s19  }
0x118: {  	s2 =	ssub.s32 s1, s19;
	p0 =	sgt.s32 s4, $0x0  }
0x119: {  	s3 =	smov.u32 s2;
	s4 =	simm.s32 @!p0 $0x0;
	p0 =	sgt.s32 s2, $0x0  }
0x11a: {  	s3 =	simm.s32 @!p0 $0x0;
	s6 =	smin.u32 s4, $0x7D  }
0x11b: {  	p0 =	sge.u32 s3, s6  }
.Ltmp8:
0x11c: {  	_ = 	snop;
	(pc) =	sbr.rel @p0 .LBB2_13-.Ltmp8, $1  }
0x11d: {  	_ =	sdelay $0x3  }
0x11e: {  	s8 =	smin.u32 s3, $0x7D  }
0x11f: {  	s3 =	sand.u32 $0xF, s8  }
0x120: {  	p0 =	slt.s32 s2, $0x1;
	p1 =	sne.s32 s3, $0x0  }
0x121: {  	s21 =	smul.u32 $0x90, s20;
	p0 =	por !p0, !p1  }
0x122: {  	s2 =	simm.s32 $0x1;
	p0 =	por !p0, !p0  }
0x123: {  	s4 =	sadd.s32 $0xF, s6;
	s31 =	sshrl.u32 s8, $0x4;
	v40 =	vld [tilespmem:s21+$0x4080];
	s2 =	simm.s32 @!p0 $0x0  }
0x124: {  	s22 =	sshrl.u32 s4, $0x4;
	v0 =	vld [tilespmem:s21+$0x4090];
	s2 =	ssub.s32 s31, s2  }
0x125: {  	v2 =	vld [tilespmem:s21+$0x40A0];
	p1 =	sge.s32 s2, s22  }
.Ltmp9:
0x126: {  	v1 =	vld [tilespmem:s21+$0x40B0];
	(pc) =	sbr.rel @p1 .LBB2_12-.Ltmp9, $4  }
0x127: {  	v24 =	vld [tilespmem:s21+$0x40C0]  }
0x128: {  	v12 =	vld [tilespmem:s21+$0x40D0]  }
0x129: {  	v13 =	vld [tilespmem:s21+$0x40E0]  }
0x12a: {  	s25 =	simm.f32 $0.0e+00;
	v27 =	vld [tilespmem:s21+$0x40F0]  }
0x12b: {  	s1 =	sadd.s32 s1, s18  }
0x12c: {  	p1 =	sgt.s32 s1, $0x0  }
0x12d: {  	s1 =	simm.s32 @!p1 $0x0  }
0x12e: {  	s3 =	simm.s32 $0xFFFFFFFF;
	s1 =	smin.u32 s1, $0x7D  }
0x12f: {  	s3 =	simm.s32 @!p0 $0x0;
	s1 =	sshrl.u32 s1, $0x4  }
0x130: {  	s1 =	sadd.s32 s3, s1  }
0x131: {  	s3 =	sshll.u32 s1, $0xD  }
0x132: {  	s3 =	sshra.s32 s3, $0x2  }
0x133: {  	s28 =	sor.u32 $0x40, s3  }
0x134: {  	v15 =	vld [tilespmem:s28+$0xFFFFFFC0]  }
0x135: {  	v8 =	vld [tilespmem:s28+$0xFFFFFFD0]  }
0x136: {  	v14 =	vld [tilespmem:s28+$0xFFFFFFE0]  }
0x137: {  	v6 =	vld [tilespmem:s28+$0xFFFFFFF0]  }
0x138: {  	s23 =	sshllo.u32 s1, $0x4;
	v33 =	vld [tilespmem:s28+$0x0]  }
0x139: {  	s1 =	sshll.u32 s1, $0x6;
	p0 =	slt.s32 s23, $0x7C;
	s3 =	smov.u32 s23;
	v30 =	vld [tilespmem:s28+$0x10]  }
0x13a: {  	s1 =	sshra.s32 s1, $0x2;
	v31 =	vld [tilespmem:s28+$0x20];
	s3 =	simm.s32 @!p0 $0x7C  }
0x13b: {  	s24 =	sadd.s32 $0x3E80, s1;
	v32 =	vld [tilespmem:s28+$0x30];
	s13 =	sshll.u32 s3, $0x9  }
0x13c: {  	v9 =	vld [tilespmem:s24+$0x0];
	s3 =	sshra.s32 s13, $0x2  }
0x13d: {  	v37 =	vld [tilespmem:s3+$0x0]  }
0x13e: {  	s1 =	sadd.s32 $0xFFFFFFFF, s23;
	v35 =	vld [tilespmem:s3+$0x10]  }
0x13f: {  	p0 =	slt.s32 s1, $0x7C;
	v34 =	vld [tilespmem:s3+$0x20]  }
0x140: {  	s1 =	simm.s32 @!p0 $0x7C;
	v36 =	vld [tilespmem:s3+$0x30]  }
0x141: {  	s1 =	sshll.u32 s1, $0x9;
	v20 =	vld [tilespmem:s3+$0x40]  }
0x142: {  	s25 =	sshra.s32 s1, $0x2;
	v21 =	vld [tilespmem:s3+$0x50]  }
0x143: {  	v41 =	vld [tilespmem:s25+$0x0]  }
0x144: {  	s1 =	sadd.s32 $0xFFFFFFFE, s23;
	v39 =	vld [tilespmem:s25+$0x10]  }
0x145: {  	v54 =	vmov v40;
	s4 =	sadd.s32 $0xFFFFFFFD, s23;
	p0 =	slt.s32 s1, $0x7C;
	v40 =	vld [tilespmem:s25+$0x20]  }
0x146: {  	s9 =	sadd.s32 $0xFFFFFFFC, s23;
	s10 =	sadd.s32 $0xFFFFFFF1, s23;
	v38 =	vld [tilespmem:s25+$0x30];
	s1 =	simm.s32 @!p0 $0x7C  }
0x147: {  	v16 =	vmov s8;
	s11 =	sadd.s32 $0xFFFFFFFB, s23;
	s8 =	sadd.s32 $0xFFFFFFF5, s23;
	v23 =	vld [tilespmem:s25+$0x40];
	s1 =	sshll.u32 s1, $0x9  }
0x148: {  	v7 =	vor.u32 s10, v60;
	s10 =	sadd.s32 $0xFFFFFFF3, s23;
	v22 =	vld [tilespmem:s25+$0x50];
	p0 =	slt.s32 s4, $0x7C;
	s1 =	sshra.s32 s1, $0x2  }
0x149: {  	s13 =	sadd.s32 $0xFFFFFFF9, s23;
	s4 =	simm.s32 @!p0 $0x7C;
	p0 =	slt.s32 s9, $0x7C;
	v17 =	vld [tilespmem:s1+$0x0]  }
0x14a: {  	v55 =	vmov v0;
	s4 =	sshll.u32 s4, $0x9;
	s9 =	simm.s32 @!p0 $0x7C;
	p0 =	slt.s32 s11, $0x7C;
	v0 =	vld [tilespmem:s1+$0x10]  }
0x14b: {  	s26 =	sshra.s32 s4, $0x2;
	v10 =	vld [tilespmem:s1+$0x20];
	s15 =	sshll.u32 s9, $0x9;
	s9 =	sadd.s32 $0xFFFFFFFA, s23  }
0x14c: {  	v42 =	vld [tilespmem:s1+$0x30];
	s11 =	simm.s32 @!p0 $0x7C;
	s4 =	sshra.s32 s15, $0x2;
	p0 =	slt.s32 s9, $0x7C  }
0x14d: {  	v25 =	vld [tilespmem:s1+$0x40];
	s11 =	sshll.u32 s11, $0x9;
	s9 =	simm.s32 @!p0 $0x7C;
	p0 =	slt.s32 s13, $0x7C  }
0x14e: {  	v57 =	vmov v2;
	v2 =	vld [tilespmem:s26+$0x0];
	s15 =	sadd.s32 $0xFFFFFFF7, s23;
	s9 =	sshll.u32 s9, $0x9;
	s13 =	simm.s32 @!p0 $0x7C  }
0x14f: {  	v3 =	vld [tilespmem:s26+$0x10];
	s30 =	sshra.s32 s9, $0x2;
	s9 =	sadd.s32 $0xFFFFFFF8, s23;
	s16 =	sshll.u32 s13, $0x9  }
0x150: {  	v4 =	vld [tilespmem:s26+$0x20];
	s29 =	sshra.s32 s11, $0x2;
	p0 =	slt.s32 s9, $0x7C;
	s11 =	sshra.s32 s16, $0x2  }
0x151: {  	v18 =	vmov s6;
	v5 =	vld [tilespmem:s26+$0x30];
	s16 =	sadd.s32 $0xFFFFFFF6, s23;
	s9 =	simm.s32 @!p0 $0x7C;
	p0 =	slt.s32 s15, $0x7C  }
0x152: {  	vm15 =	vge.s32 v7, v16;
	vm0 =	vlt.s32 v7, v18;
	v11 =	vld [tilespmem:s4+$0x0];
	s9 =	sshll.u32 s9, $0x9;
	s15 =	simm.s32 @!p0 $0x7C;
	p0 =	slt.s32 s16, $0x7C  }
0x153: {  	vm0 =	vmand vm15, vm0;
	v7 =	vld [tilespmem:s29+$0x0];
	s13 =	sshra.s32 s9, $0x2;
	s31 =	sshll.u32 s15, $0x9;
	s16 =	simm.s32 @!p0 $0x7C  }
0x154: {  	[tilespmem:$0x1FF20] =	vst v18;
	v52 =	vnsel vm0, $0x0, v9;
	v18 =	vld [tilespmem:s30+$0x0];
	p0 =	slt.s32 s8, $0x7C;
	s9 =	sadd.s32 $0xFFFFFFF4, s23;
	s15 =	sshra.s32 s31, $0x2  }
0x155: {  	[tilespmem:$0x1FF10] =	vst v16;
	(xrf2) =	vadd.scan.msk.f32 $0xffff, v52;
	v16 =	vld [tilespmem:s11+$0x0];
	s0 =	sshll.u32 s16, $0x9;
	s8 =	simm.s32 @!p0 $0x7C;
	p0 =	slt.s32 s9, $0x7C  }
0x156: {  	v19 =	vld [tilespmem:s13+$0x0];
	s16 =	sadd.s32 $0xFFFFFFF2, s23;
	s9 =	simm.s32 @!p0 $0x7C;
	p0 =	slt.s32 s10, $0x7C  }
0x157: {  	s6 =	sshra.s32 s0, $0x2;
	s8 =	sshll.u32 s8, $0x9;
	v26 =	vld [tilespmem:s15+$0x0];
	s10 =	simm.s32 @!p0 $0x7C  }
0x158: {  	s8 =	sshra.s32 s8, $0x2;
	v28 =	vld [tilespmem:s6+$0x0];
	s9 =	sshll.u32 s9, $0x9;
	s10 =	sshll.u32 s10, $0x9  }
0x159: {  	p0 =	slt.s32 s16, $0x7C;
	v29 =	vld [tilespmem:s8+$0x0];
	s31 =	sshra.s32 s9, $0x2;
	s9 =	sshra.s32 s10, $0x2  }
0x15a: {  	s16 =	simm.s32 @!p0 $0x7C;
	v46 =	vld [tilespmem:s9+$0x0]  }
0x15b: {  	s16 =	sshll.u32 s16, $0x9;
	v51 =	vld [tilespmem:s9+$0x10]  }
0x15c: {  	s10 =	sshra.s32 s16, $0x2;
	v53 =	vld [tilespmem:s9+$0x20]  }
0x15d: {  	v9 =	vbroadcast v52, $0x0;
	v45 =	vld [tilespmem:s10+$0x0]  }
0x15e: {  	v48 =	vld [tilespmem:s10+$0x10]  }
0x15f: {  	v43 =	vbroadcast v52, $0x1;
	v15 =	vmul.f32 v9, v15;
	v44, _, _ =	vpop (xrf2);
	v49 =	vld [tilespmem:s10+$0x20]  }
0x160: {  	v8 =	vmul.f32 v9, v8;
	(v2sf) =	vpush v44, $0xF;
	v44 =	vbroadcast v52, $0x2;
	v50 =	vld [tilespmem:s10+$0x30]  }
0x161: {  	v14 =	vmul.f32 v14, v9;
	v6 =	vmul.f32 v6, v9;
	v47 =	vld [tilespmem:s31+$0x0]  }
0x162: {  	v15 =	vadd.f32 v15, v54;
	v8 =	vadd.f32 v8, v55;
	v61 =	vld [tilespmem:s9+$0x30];
	v46 =	vmul.f32 v46, v44  }
0x163: {  	v56 =	vmovc v1;
	v14 =	vadd.f32 v14, v57;
	v55 =	vld [tilespmem:s31+$0x10];
	v51 =	vmul.f32 v51, v44;
	v45 =	vmul.f32 v45, v43  }
0x164: {  	v6 =	vadd.f32 v6, v56;
	v56 =	vld [tilespmem:s31+$0x20];
	v48 =	vmul.f32 v48, v43;
	v49 =	vmul.f32 v49, v43  }
0x165: {  	v62 =	vld [tilespmem:s31+$0x30];
	v53 =	vmul.f32 v53, v44;
	v50 =	vmul.f32 v50, v43;
	v15 =	vadd.f32 v45, v15  }
0x166: {  	v63 =	vld [tilespmem:s8+$0x10];
	v45 =	vbroadcast v52, $0x3;
	v8 =	vadd.f32 v48, v8;
	v14 =	vadd.f32 v49, v14  }
0x167: {  	v54 =	vmul.f32 v61, v44;
	v61 =	vld [tilespmem:s8+$0x30];
	v6 =	vadd.f32 v50, v6;
	v15 =	vadd.f32 v46, v15  }
0x168: {  	v50 =	vld [tilespmem:s8+$0x20];
	v46 =	vbroadcast v52, $0x4;
	v47 =	vmul.f32 v47, v45;
	v8 =	vadd.f32 v51, v8  }
0x169: {  	v14 =	vadd.f32 v53, v14;
	v53 =	vld [tilespmem:s6+$0x10];
	v55 =	vmul.f32 v55, v45;
	v6 =	vadd.f32 v54, v6  }
0x16a: {  	v54 =	vld [tilespmem:s6+$0x20];
	v56 =	vmul.f32 v56, v45;
	v48 =	vmul.f32 v62, v45;
	v15 =	vadd.f32 v47, v15  }
0x16b: {  	v62 =	vld [tilespmem:s15+$0x10];
	v47 =	vbroadcast v52, $0x5;
	v29 =	vmul.f32 v29, v46;
	v8 =	vadd.f32 v55, v8  }
0x16c: {  	v55 =	vld [tilespmem:s6+$0x30];
	v14 =	vadd.f32 v56, v14;
	v49 =	vmul.f32 v63, v46;
	v51 =	vmul.f32 v61, v46  }
0x16d: {  	v6 =	vadd.f32 v48, v6;
	v63 =	vld [tilespmem:s15+$0x20];
	v48 =	vbroadcast v52, $0x6;
	v50 =	vmul.f32 v50, v46  }
0x16e: {  	v61 =	vld [tilespmem:s15+$0x30];
	v15 =	vadd.f32 v29, v15;
	v28 =	vmul.f32 v28, v47;
	v8 =	vadd.f32 v49, v8  }
0x16f: {  	v6 =	vadd.f32 v51, v6;
	v51 =	vld [tilespmem:s13+$0x20];
	v49 =	vbroadcast v52, $0x7;
	v26 =	vmul.f32 v26, v48  }
0x170: {  	v14 =	vadd.f32 v50, v14;
	v50 =	vld [tilespmem:s13+$0x10];
	v53 =	vmul.f32 v53, v47;
	v54 =	vmul.f32 v54, v47  }
0x171: {  	v62 =	vmul.f32 v62, v48;
	v15 =	vadd.f32 v28, v15;
	v28 =	vld [tilespmem:s13+$0x30];
	v19 =	vmul.f32 v19, v49  }
0x172: {  	v56 =	vld [tilespmem:s11+$0x20];
	v55 =	vmul.f32 v55, v47;
	v8 =	vadd.f32 v53, v8;
	v14 =	vadd.f32 v54, v14  }
0x173: {  	v53 =	vld [tilespmem:s11+$0x10];
	v57 =	vmul.f32 v63, v48;
	v29 =	vmul.f32 v61, v48;
	v15 =	vadd.f32 v26, v15  }
0x174: {  	v54 =	vld [tilespmem:s11+$0x30];
	v55 =	vadd.f32 v55, v6;
	v6 =	vbroadcast v52, $0x8;
	v63 =	vadd.f32 v62, v8  }
0x175: {  	v61 =	vld [tilespmem:s30+$0x10];
	v14 =	vadd.f32 v57, v14;
	v51 =	vmul.f32 v51, v49;
	v8 =	vbroadcast v52, $0x9  }
0x176: {  	v62 =	vld [tilespmem:s30+$0x30];
	v50 =	vmul.f32 v50, v49;
	v15 =	vadd.f32 v19, v15;
	v28 =	vmul.f32 v28, v49  }
0x177: {  	v58 =	vld [tilespmem:s29+$0x10];
	v29 =	vadd.f32 v29, v55;
	v16 =	vmul.f32 v16, v6;
	v59 =	vmul.f32 v56, v6  }
0x178: {  	v55 =	vld [tilespmem:s30+$0x20];
	v14 =	vadd.f32 v51, v14;
	v18 =	vmul.f32 v18, v8;
	v51 =	vbroadcast v52, $0xB  }
0x179: {  	v56 =	vld [tilespmem:s4+$0x10];
	v19 =	vadd.f32 v50, v63;
	v63 =	vmul.f32 v53, v6;
	v54 =	vmul.f32 v54, v6  }
0x17a: {  	v1 =	vld [tilespmem:s26+$0x40];
	v50 =	vbroadcast v52, $0xA;
	v61 =	vmul.f32 v61, v8;
	v28 =	vadd.f32 v28, v29  }
0x17b: {  	v29 =	vld [tilespmem:s29+$0x20];
	v15 =	vadd.f32 v16, v15;
	v14 =	vadd.f32 v59, v14;
	v26 =	vmul.f32 v62, v8  }
0x17c: {  	v16 =	vadd.f32 v63, v19;
	v19 =	vld [tilespmem:s29+$0x30];
	v7 =	vmul.f32 v7, v50;
	v62 =	vmul.f32 v58, v50  }
0x17d: {  	v53 =	vld [tilespmem:s4+$0x40];
	v28 =	vadd.f32 v54, v28;
	v15 =	vadd.f32 v18, v15;
	v55 =	vmul.f32 v55, v8  }
0x17e: {  	v54 =	vld [tilespmem:s4+$0x20];
	v16 =	vadd.f32 v61, v16;
	v61 =	vmul.f32 v11, v51;
	v56 =	vmul.f32 v56, v51  }
0x17f: {  	v18 =	vld [tilespmem:s4+$0x30];
	v63 =	vadd.f32 v26, v28;
	v15 =	vadd.f32 v7, v15;
	v7 =	vbroadcast v52, $0xC  }
0x180: {  	v59 =	vld [tilespmem:s31+$0x40];
	v14 =	vadd.f32 v55, v14;
	v29 =	vmul.f32 v29, v50;
	v16 =	vadd.f32 v62, v16  }
0x181: {  	v58 =	vld [tilespmem:s6+$0x60];
	v19 =	vmul.f32 v19, v50;
	v15 =	vadd.f32 v61, v15;
	v2 =	vmul.f32 v2, v7  }
0x182: {  	v11 =	vld [tilespmem:s30+$0x50];
	v3 =	vmul.f32 v3, v7;
	v4 =	vmul.f32 v4, v7;
	v29 =	vadd.f32 v29, v14  }
0x183: {  	v26 =	vld [tilespmem:s29+$0x40];
	v54 =	vmul.f32 v54, v51;
	v57 =	vadd.f32 v19, v63;
	v19 =	vbroadcast v52, $0xD  }
0x184: {  	v28 =	vld [tilespmem:s30+$0x40];
	v5 =	vmul.f32 v5, v7;
	v18 =	vmul.f32 v18, v51;
	v16 =	vadd.f32 v56, v16  }
0x185: {  	v55 =	vld [tilespmem:s13+$0x40];
	v2 =	vadd.f32 v2, v15;
	v29 =	vadd.f32 v54, v29;
	v63 =	vmul.f32 v17, v19  }
0x186: {  	v61 =	vld [tilespmem:s10+$0x40];
	v62 =	vadd.f32 v18, v57;
	v18 =	vbroadcast v52, $0xE;
	v0 =	vmul.f32 v0, v19  }
0x187: {  	v14 =	vld [tilespmem:s11+$0x40];
	v3 =	vadd.f32 v3, v16;
	v17 =	vbroadcast v52, $0xF;
	v10 =	vmul.f32 v10, v19  }
0x188: {  	v56 =	vld [tilespmem:s31+$0x70];
	v42 =	vmul.f32 v42, v19;
	v4 =	vadd.f32 v4, v29;
	v5 =	vadd.f32 v5, v62  }
0x189: {  	v15 =	vld [tilespmem:s15+$0x50];
	v2 =	vadd.f32 v63, v2;
	v0 =	vadd.f32 v0, v3;
	v39 =	vmul.f32 v39, v18  }
0x18a: {  	v16 =	vld [tilespmem:s6+$0x40];
	v41 =	vmul.f32 v41, v18;
	v40 =	vmul.f32 v40, v18;
	v4 =	vadd.f32 v10, v4  }
0x18b: {  	v3 =	vld [tilespmem:s31+$0x50];
	v38 =	vmul.f32 v38, v18;
	v35 =	vmul.f32 v35, v17;
	v0 =	vadd.f32 v39, v0  }
0x18c: {  	v62 =	vld [tilespmem:s10+$0x50];
	v34 =	vmul.f32 v34, v17;
	v5 =	vadd.f32 v42, v5;
	v4 =	vadd.f32 v40, v4  }
0x18d: {  	v37 =	vmul.f32 v37, v17;
	v63 =	vld [tilespmem:s10+$0x60];
	v2 =	vadd.f32 v41, v2;
	v0 =	vadd.f32 v35, v0  }
0x18e: {  	v36 =	vmul.f32 v36, v17;
	v10 =	vld [tilespmem:s9+$0x40];
	v5 =	vadd.f32 v38, v5;
	v4 =	vadd.f32 v34, v4  }
0x18f: {  	v30 =	vmul.f32 v30, v9;
	v31 =	vmul.f32 v31, v9;
	v40 =	vadd.f32 v37, v2;
	v2 =	vld [tilespmem:s10+$0x70];
	[tilespmem:$0x1FF30] =	vst v0  }
0x190: {  	v33 =	vmul.f32 v33, v9;
	v0 =	vld [tilespmem:s9+$0x50];
	[tilespmem:$0x1FF40] =	vst v4;
	v4 =	vadd.f32 v36, v5  }
0x191: {  	v9 =	vmul.f32 v32, v9;
	v12 =	vadd.f32 v30, v12;
	v13 =	vadd.f32 v31, v13;
	v37 =	vld [tilespmem:s9+$0x70]  }
0x192: {  	v15 =	vmul.f32 v15, v48;
	v5 =	vadd.f32 v33, v24;
	v36 =	vmul.f32 v61, v43;
	[tilespmem:$0x1FF50] =	vst v4;
	v4 =	vld [tilespmem:s9+$0x60]  }
0x193: {  	v9 =	vadd.f32 v9, v27;
	v57 =	vld [tilespmem:s8+$0x50];
	v39 =	vmul.f32 v62, v43;
	v42 =	vmul.f32 v63, v43  }
0x194: {  	v29 =	vld [tilespmem:s8+$0x40];
	v10 =	vmul.f32 v10, v44;
	v2 =	vmul.f32 v2, v43;
	v5 =	vadd.f32 v36, v5  }
0x195: {  	v41 =	vld [tilespmem:s31+$0x60];
	v3 =	vmul.f32 v3, v45;
	v12 =	vadd.f32 v39, v12;
	v0 =	vmul.f32 v0, v44  }
0x196: {  	v30 =	vmul.f32 v37, v44;
	v2 =	vadd.f32 v2, v9;
	v5 =	vadd.f32 v10, v5;
	v10 =	vld [tilespmem:s8+$0x70]  }
0x197: {  	v13 =	vadd.f32 v42, v13;
	v9 =	vld [tilespmem:s8+$0x60];
	v0 =	vadd.f32 v0, v12;
	v4 =	vmul.f32 v4, v44  }
0x198: {  	v16 =	vmul.f32 v16, v47;
	v24 =	vmul.f32 v56, v45;
	v12 =	vld [tilespmem:s6+$0x50];
	v2 =	vadd.f32 v30, v2  }
0x199: {  	v0 =	vadd.f32 v3, v0;
	v3 =	vld [tilespmem:s6+$0x70];
	v4 =	vadd.f32 v4, v13;
	v13 =	vmul.f32 v59, v45  }
0x19a: {  	v54 =	vld [tilespmem:s15+$0x40];
	v27 =	vmul.f32 v41, v45;
	v2 =	vadd.f32 v24, v2;
	v59 =	vmul.f32 v57, v46  }
0x19b: {  	v61 =	vld [tilespmem:s15+$0x60];
	v10 =	vmul.f32 v10, v46;
	v5 =	vadd.f32 v13, v5;
	v13 =	vmul.f32 v29, v46  }
0x19c: {  	v62 =	vld [tilespmem:s13+$0x50];
	v9 =	vmul.f32 v9, v46;
	v4 =	vadd.f32 v27, v4;
	v0 =	vadd.f32 v59, v0  }
0x19d: {  	v12 =	vmul.f32 v12, v47;
	v2 =	vadd.f32 v10, v2;
	v5 =	vadd.f32 v13, v5;
	v13 =	vld [tilespmem:s15+$0x70]  }
0x19e: {  	v10 =	vmul.f32 v58, v47;
	v4 =	vadd.f32 v9, v4;
	v9 =	vld [tilespmem:s13+$0x60];
	v3 =	vmul.f32 v3, v47  }
0x19f: {  	v0 =	vadd.f32 v12, v0;
	v12 =	vld [tilespmem:s13+$0x70];
	v5 =	vadd.f32 v16, v5;
	v16 =	vmul.f32 v54, v48  }
0x1a0: {  	v4 =	vadd.f32 v10, v4;
	v10 =	vld [tilespmem:s11+$0x50];
	v2 =	vadd.f32 v3, v2;
	v3 =	vmul.f32 v61, v48  }
0x1a1: {  	v63 =	vld [tilespmem:s11+$0x60];
	v0 =	vadd.f32 v15, v0;
	v5 =	vadd.f32 v16, v5;
	v16 =	vmul.f32 v55, v49  }
0x1a2: {  	v15 =	vld [tilespmem:s11+$0x70];
	v3 =	vadd.f32 v3, v4;
	v4 =	vmul.f32 v62, v49;
	v13 =	vmul.f32 v13, v48  }
0x1a3: {  	v11 =	vmul.f32 v11, v8;
	v9 =	vmul.f32 v9, v49;
	v5 =	vadd.f32 v16, v5;
	v16 =	vld [tilespmem:s30+$0x70]  }
0x1a4: {  	v12 =	vmul.f32 v12, v49;
	v0 =	vadd.f32 v4, v0;
	v4 =	vld [tilespmem:s29+$0x50];
	v2 =	vadd.f32 v13, v2  }
0x1a5: {  	v14 =	vmul.f32 v14, v6;
	v13 =	vld [tilespmem:s30+$0x60];
	v10 =	vmul.f32 v10, v6  }
0x1a6: {  	v3 =	vadd.f32 v9, v3;
	v9 =	vld [tilespmem:s29+$0x60];
	v2 =	vadd.f32 v12, v2;
	v12 =	vmul.f32 v63, v6  }
0x1a7: {  	v5 =	vadd.f32 v14, v5;
	v14 =	vmul.f32 v28, v8;
	v0 =	vadd.f32 v10, v0;
	v10 =	vld [tilespmem:s29+$0x70]  }
0x1a8: {  	v6 =	vmul.f32 v15, v6;
	v3 =	vadd.f32 v12, v3;
	v12 =	vld [tilespmem:s4+$0x50]  }
0x1a9: {  	v5 =	vadd.f32 v14, v5;
	v14 =	vmul.f32 v26, v50;
	v0 =	vadd.f32 v11, v0;
	v11 =	vld [tilespmem:s4+$0x70]  }
0x1aa: {  	v2 =	vadd.f32 v6, v2;
	v4 =	vmul.f32 v4, v50;
	v6 =	vmul.f32 v13, v8;
	v13 =	vld [tilespmem:s4+$0x60]  }
0x1ab: {  	v8 =	vmul.f32 v16, v8;
	v9 =	vmul.f32 v9, v50;
	v5 =	vadd.f32 v14, v5;
	v14 =	vld [tilespmem:s26+$0x70]  }
0x1ac: {  	v16 =	vmul.f32 v20, v17;
	v20 =	vmul.f32 v21, v17;
	v3 =	vadd.f32 v6, v3;
	v6 =	vld [tilespmem:s26+$0x50]  }
0x1ad: {  	v21 =	vmul.f32 v23, v18;
	v2 =	vadd.f32 v8, v2;
	v8 =	vmul.f32 v10, v50;
	v10 =	vld [tilespmem:s26+$0x60]  }
0x1ae: {  	v15 =	vld [tilespmem:s1+$0x50];
	v0 =	vadd.f32 v4, v0;
	v4 =	vmul.f32 v53, v51;
	s26 =	sadd.s32 $0x1, s2;
	v3 =	vadd.f32 v9, v3  }
0x1af: {  	p0 =	slt.u32 s26, s22;
	v8 =	vadd.f32 v8, v2;
	v2 =	vmul.f32 v12, v51;
	v9 =	vmul.f32 v13, v51;
	v13 =	vld [tilespmem:s1+$0x60]  }
.Ltmp10:
0x1b0: {  	v5 =	vadd.f32 v4, v5;
	v4 =	vld [tilespmem:s25+$0x70];
	v11 =	vmul.f32 v11, v51;
	v12 =	vmul.f32 v1, v7;
	(pc) =	sbr.rel @!p0 .LBB2_11-.Ltmp10, $4  }
0x1b1: {  	v0 =	vadd.f32 v2, v0;
	v2 =	vld [tilespmem:s1+$0x70];
	v6 =	vmul.f32 v6, v7;
	v1 =	vadd.f32 v9, v3  }
0x1b2: {  	v3 =	vld [tilespmem:s25+$0x60];
	v9 =	vadd.f32 v11, v8;
	v8 =	vmul.f32 v10, v7;
	v7 =	vmul.f32 v14, v7  }
0x1b3: {  	s31 =	spop (v2sf);
	s30 =	simm.f32 $0.0e+00;
	v14 =	vmul.f32 v22, v18;
	v22 =	vmul.f32 v25, v19;
	v11 =	vadd.f32 v12, v5;
	v5 =	vld [tilespmem:s3+$0x60]  }
0x1b4: {  	s28 =	sadd.s32 $0x800, s28;
	v15 =	vmul.f32 v15, v19;
	s25 =	sadd.f32 s31, s30;
	v12 =	vadd.f32 v6, v0;
	v6 =	vld [tilespmem:s3+$0x70];
	v10 =	vmul.f32 v13, v19  }
.LBB2_10:
0x1b5: {  	v8 =	vadd.f32 v8, v1;
	v11 =	vadd.f32 v22, v11  }
0x1b6: {  	v12 =	vadd.f32 v15, v12  }
0x1b7: {  	v8 =	vadd.f32 v10, v8;
	v10 =	vadd.f32 v21, v11  }
0x1b8: {  	v7 =	vadd.f32 v7, v9;
	v9 =	vmul.f32 v2, v19  }
0x1b9: {  	v13 =	vmul.f32 v3, v18;
	v11 =	vadd.f32 v14, v12;
	v0 =	vadd.f32 v16, v10  }
0x1ba: {  	v46 =	vld [tilespmem:s28+$0xFFFFFFC0];
	v7 =	vadd.f32 v9, v7;
	v9 =	vmul.f32 v4, v18  }
0x1bb: {  	v1 =	vld [tilespmem:s28+$0xFFFFFFD0];
	v12 =	vmul.f32 v5, v17;
	v8 =	vadd.f32 v13, v8;
	[tilespmem:$0x1FE00] =	vst v0;
	v0 =	vadd.f32 v20, v11  }
0x1bc: {  	v2 =	vld [tilespmem:s28+$0xFFFFFFE0]  }
0x1bd: {  	v3 =	vld [tilespmem:s28+$0xFFFFFFF0];
	v7 =	vadd.f32 v9, v7;
	v9 =	vmul.f32 v6, v17;
	[tilespmem:$0x1FE20] =	vst v0;
	v0 =	vadd.f32 v12, v8  }
0x1be: {  	s23 =	sadd.s32 $0x10, s23;
	v49 =	vld [tilespmem:s28+$0x30]  }
0x1bf: {  	p0 =	slt.s32 s23, $0x7C;
	s1 =	smov.u32 s23;
	v4 =	vld [tilespmem:s28+$0x0];
	[tilespmem:$0x1FE40] =	vst v0;
	v0 =	vadd.f32 v9, v7  }
0x1c0: {  	v5 =	vld [tilespmem:s28+$0x10];
	s1 =	simm.s32 @!p0 $0x7C  }
0x1c1: {  	s1 =	sshll.u32 s1, $0x9;
	[tilespmem:$0x1FE60] =	vst v0;
	v0 =	vld [tilespmem:$0x1FF10]  }
0x1c2: {  	v6 =	vld [tilespmem:s28+$0x20];
	s29 =	sshra.s32 s1, $0x2  }
0x1c3: {  	v52 =	vld [tilespmem:s29+$0x0]  }
0x1c4: {  	s3 =	sadd.s32 $0xFFFFFFF1, s23;
	v55 =	vld [tilespmem:s29+$0x10]  }
0x1c5: {  	v54 =	vld [tilespmem:s29+$0x20];
	v12 =	vor.u32 s3, v60  }
0x1c6: {  	s1 =	sadd.s32 $0xFFFFFFFF, s23;
	vm0 =	vge.s32 v12, v0;
	v0 =	vld [tilespmem:$0x1FF20]  }
0x1c7: {  	s24 =	sadd.s32 $0x10, s24;
	p0 =	slt.s32 s1, $0x7C;
	v59 =	vld [tilespmem:s29+$0x30]  }
0x1c8: {  	v11 =	vld [tilespmem:s24+$0x0];
	s1 =	simm.s32 @!p0 $0x7C  }
0x1c9: {  	v48 =	vld [tilespmem:s29+$0x40];
	s1 =	sshll.u32 s1, $0x9  }
0x1ca: {  	v24 =	vld [tilespmem:s29+$0x50];
	s30 =	sshra.s32 s1, $0x2  }
0x1cb: {  	s1 =	sadd.s32 $0xFFFFFFFE, s23;
	v58 =	vld [tilespmem:s30+$0x0];
	vm15 =	vlt.s32 v12, v0  }
0x1cc: {  	v27 =	vld [tilespmem:s30+$0x10];
	p0 =	slt.s32 s1, $0x7C;
	vm0 =	vmand vm0, vm15  }
0x1cd: {  	v28 =	vld [tilespmem:s30+$0x20];
	s1 =	simm.s32 @!p0 $0x7C;
	v11 =	vnsel vm0, $0x0, v11  }
0x1ce: {  	v29 =	vld [tilespmem:s30+$0x30];
	s1 =	sshll.u32 s1, $0x9;
	(xrf2) =	vadd.scan.msk.f32 $0xffff, v11  }
0x1cf: {  	v30 =	vld [tilespmem:s30+$0x40];
	s31 =	sshra.s32 s1, $0x2;
	s1 =	sadd.s32 $0xFFFFFFFD, s23  }
0x1d0: {  	v34 =	vld [tilespmem:s30+$0x50];
	p0 =	slt.s32 s1, $0x7C;
	v18 =	vbroadcast v11, $0xE  }
0x1d1: {  	v62 =	vld [tilespmem:s31+$0x0];
	s1 =	simm.s32 @!p0 $0x7C;
	v17 =	vbroadcast v11, $0xF;
	v22 =	vbroadcast v11, $0xC  }
0x1d2: {  	[tilespmem:$0x1FD40] =	vst v40;
	v40 =	vld [tilespmem:s31+$0x10];
	s1 =	sshll.u32 s1, $0x9;
	v19 =	vbroadcast v11, $0xD;
	v25 =	vbroadcast v11, $0xA  }
0x1d3: {  	v10 =	vld [tilespmem:s31+$0x20];
	s2 =	sshra.s32 s1, $0x2;
	s1 =	sadd.s32 $0xFFFFFFFC, s23;
	v23 =	vbroadcast v11, $0xB;
	v32 =	vbroadcast v11, $0x8  }
0x1d4: {  	v41 =	vld [tilespmem:s31+$0x30];
	p0 =	slt.s32 s1, $0x7C;
	v31 =	vbroadcast v11, $0x9;
	v36 =	vbroadcast v11, $0x6  }
0x1d5: {  	v15 =	vld [tilespmem:s31+$0x40];
	s1 =	simm.s32 @!p0 $0x7C;
	v33 =	vbroadcast v11, $0x7;
	v38 =	vbroadcast v11, $0x4  }
0x1d6: {  	v44 =	vld [tilespmem:s31+$0x50];
	s1 =	sshll.u32 s1, $0x9;
	v37 =	vbroadcast v11, $0x5;
	v53 =	vbroadcast v11, $0x0  }
0x1d7: {  	v14 =	vld [tilespmem:s2+$0x0];
	s3 =	sshra.s32 s1, $0x2;
	v39 =	vbroadcast v11, $0x3;
	v43 =	vbroadcast v11, $0x1  }
0x1d8: {  	v16 =	vld [tilespmem:s3+$0x40];
	v13 =	vmul.f32 v53, v1;
	v1 =	vmul.f32 v2, v53;
	v2, _, _ =	vpop (xrf2)  }
0x1d9: {  	v0 =	vld [tilespmem:s3+$0x0];
	v42 =	vbroadcast v11, $0x2;
	(v2sf) =	vpush v2, $0xF;
	v2 =	vmul.f32 v52, v17  }
0x1da: {  	v45 =	vld [tilespmem:s2+$0x10];
	v11 =	vmul.f32 v3, v53;
	v3 =	vmul.f32 v5, v53  }
0x1db: {  	v50 =	vld [tilespmem:s2+$0x20];
	s1 =	sadd.s32 $0xFFFFFFFB, s23;
	[tilespmem:$0x1FDC0] =	vst v2;
	v2 =	vmul.f32 v55, v17  }
0x1dc: {  	v51 =	vld [tilespmem:s2+$0x30];
	p0 =	slt.s32 s1, $0x7C;
	[tilespmem:$0x1FE30] =	vst v3  }
0x1dd: {  	v56 =	vld [tilespmem:s2+$0x40];
	s1 =	simm.s32 @!p0 $0x7C;
	v3 =	vmul.f32 v6, v53;
	[tilespmem:$0x1FDD0] =	vst v2;
	v2 =	vmul.f32 v54, v17  }
0x1de: {  	v57 =	vld [tilespmem:s2+$0x50];
	s1 =	sshll.u32 s1, $0x9;
	v6 =	vmul.f32 v0, v23;
	v0 =	vmul.f32 v16, v23  }
0x1df: {  	s4 =	sadd.s32 $0xFFFFFFFA, s23;
	s6 =	sadd.s32 $0xFFFFFFF9, s23;
	v20 =	vld [tilespmem:s3+$0x50];
	s1 =	sshra.s32 s1, $0x2;
	[tilespmem:$0x1FDE0] =	vst v2;
	v2 =	vmul.f32 v59, v17  }
0x1e0: {  	s8 =	sadd.s32 $0xFFFFFFF8, s23;
	s9 =	sadd.s32 $0xFFFFFFF7, s23;
	p0 =	slt.s32 s4, $0x7C;
	v21 =	vld [tilespmem:s1+$0x0];
	[tilespmem:$0x1FED0] =	vst v0  }
0x1e1: {  	s10 =	sadd.s32 $0xFFFFFFF4, s23;
	s4 =	simm.s32 @!p0 $0x7C;
	p0 =	slt.s32 s6, $0x7C;
	v0 =	vld [tilespmem:$0x1FD40];
	[tilespmem:$0x1FDF0] =	vst v2;
	v2 =	vmul.f32 v48, v17  }
0x1e2: {  	s4 =	sshll.u32 s4, $0x9;
	s6 =	simm.s32 @!p0 $0x7C;
	p0 =	slt.s32 s8, $0x7C;
	v26 =	vld [tilespmem:s1+$0x10]  }
0x1e3: {  	v35 =	vld [tilespmem:s1+$0x20];
	s4 =	sshra.s32 s4, $0x2;
	s6 =	sshll.u32 s6, $0x9;
	s8 =	simm.s32 @!p0 $0x7C;
	[tilespmem:$0x1FE90] =	vst v2;
	v2 =	vmul.f32 v24, v17  }
0x1e4: {  	v47 =	vld [tilespmem:s1+$0x30];
	p0 =	slt.s32 s9, $0x7C;
	s11 =	sshra.s32 s6, $0x2;
	s16 =	sshll.u32 s8, $0x9;
	v12 =	vmul.f32 v53, v46  }
0x1e5: {  	v60 =	vld [tilespmem:s4+$0x40];
	s8 =	sadd.s32 $0xFFFFFFF6, s23;
	s9 =	simm.s32 @!p0 $0x7C;
	s13 =	sshra.s32 s16, $0x2;
	[tilespmem:$0x1FEA0] =	vst v2;
	v2 =	vmul.f32 v58, v18  }
0x1e6: {  	p0 =	slt.s32 s8, $0x7C;
	s0 =	sshll.u32 s9, $0x9;
	s9 =	sadd.s32 $0xFFFFFFF5, s23;
	v12 =	vadd.f32 v12, v0;
	v0 =	vld [tilespmem:$0x1FF30]  }
0x1e7: {  	v61 =	vld [tilespmem:s4+$0x50];
	s16 =	sadd.s32 $0xFFFFFFF3, s23;
	s8 =	simm.s32 @!p0 $0x7C;
	p0 =	slt.s32 s9, $0x7C;
	[tilespmem:$0x1FD80] =	vst v2;
	v2 =	vmul.f32 v27, v18  }
0x1e8: {  	v63 =	vld [tilespmem:s11+$0x0];
	s15 =	sshra.s32 s0, $0x2;
	s9 =	simm.s32 @!p0 $0x7C;
	p0 =	slt.s32 s10, $0x7C;
	[tilespmem:$0x1FE50] =	vst v3;
	v3 =	vmul.f32 v49, v53  }
0x1e9: {  	v5 =	vmul.f32 v51, v22;
	s8 =	sshll.u32 s8, $0x9;
	v51 =	vld [tilespmem:s15+$0x0];
	s10 =	simm.s32 @!p0 $0x7C;
	p0 =	slt.s32 s16, $0x7C;
	[tilespmem:$0x1FD90] =	vst v2;
	v2 =	vmul.f32 v28, v18  }
0x1ea: {  	v4 =	vmul.f32 v4, v53;
	s6 =	sshra.s32 s8, $0x2;
	s9 =	sshll.u32 s9, $0x9;
	v53 =	vld [tilespmem:s4+$0x0];
	s16 =	simm.s32 @!p0 $0x7C;
	[tilespmem:$0x1FE70] =	vst v3  }
0x1eb: {  	s8 =	sshra.s32 s9, $0x2;
	s10 =	sshll.u32 s10, $0x9;
	s16 =	sshll.u32 s16, $0x9;
	v3 =	vmul.f32 v45, v22;
	v13 =	vadd.f32 v13, v0;
	v0 =	vld [tilespmem:$0x1FF40];
	[tilespmem:$0x1FDA0] =	vst v2;
	v2 =	vmul.f32 v29, v18  }
0x1ec: {  	s9 =	sshra.s32 s10, $0x2;
	v45 =	vmul.f32 v20, v23;
	v20 =	vmul.f32 v21, v25;
	v21 =	vld [tilespmem:s8+$0x0];
	s10 =	sshra.s32 s16, $0x2  }
0x1ed: {  	v46 =	vmul.f32 v41, v19;
	v41 =	vld [tilespmem:s10+$0x10];
	[tilespmem:$0x1FDB0] =	vst v2;
	v2 =	vmul.f32 v30, v18  }
0x1ee: {  	v55 =	vld [tilespmem:s4+$0x20]  }
0x1ef: {  	v54 =	vld [tilespmem:s4+$0x10];
	[tilespmem:$0x1FE80] =	vst v2;
	v2 =	vmul.f32 v34, v18  }
0x1f0: {  	v1 =	vadd.f32 v1, v0;
	v0 =	vld [tilespmem:$0x1FF50];
	s0 =	spop (v2sf)  }
0x1f1: {  	v59 =	vld [tilespmem:s4+$0x30];
	s25 =	sadd.f32 s0, s25;
	s0 =	sadd.s32 $0xFFFFFFF2, s23;
	[tilespmem:$0x1FEB0] =	vst v2;
	v2 =	vmul.f32 v62, v19  }
0x1f2: {  	v24 =	vld [tilespmem:s13+$0x0];
	p0 =	slt.s32 s0, $0x7C  }
0x1f3: {  	v58 =	vld [tilespmem:s6+$0x10];
	s0 =	simm.s32 @!p0 $0x7C;
	[tilespmem:$0x1FD50] =	vst v2;
	v2 =	vmul.f32 v40, v19  }
0x1f4: {  	[tilespmem:$0x1FE10] =	vst v4;
	v4 =	vmul.f32 v50, v22;
	v27 =	vmul.f32 v26, v25;
	v26 =	vld [tilespmem:s8+$0x10];
	s0 =	sshll.u32 s0, $0x9  }
0x1f5: {  	v51 =	vmul.f32 v51, v36;
	v11 =	vadd.f32 v11, v0;
	v0 =	vld [tilespmem:s8+$0x20];
	s0 =	sshra.s32 s0, $0x2;
	[tilespmem:$0x1FD60] =	vst v2;
	v2 =	vmul.f32 v10, v19  }
0x1f6: {  	v29 =	vmul.f32 v47, v25;
	v47 =	vmul.f32 v61, v31;
	v61 =	vld [tilespmem:s0+$0x0]  }
0x1f7: {  	v28 =	vmul.f32 v35, v25;
	v35 =	vld [tilespmem:s9+$0x0];
	[tilespmem:$0x1FD70] =	vst v2;
	v2 =	vmul.f32 v15, v19  }
0x1f8: {  	v21 =	vmul.f32 v21, v38;
	v62 =	vld [tilespmem:s10+$0x20];
	v10 =	vmul.f32 v14, v22  }
0x1f9: {  	v40 =	vld [tilespmem:s10+$0x0];
	v14 =	vmul.f32 v53, v31;
	[tilespmem:$0x1FEE0] =	vst v2;
	v2 =	vmul.f32 v44, v19  }
0x1fa: {  	v53 =	vmul.f32 v60, v31;
	v60 =	vmul.f32 v63, v32;
	v63 =	vld [tilespmem:s0+$0x10]  }
0x1fb: {  	v61 =	vmul.f32 v61, v43;
	v44 =	vld [tilespmem:s0+$0x20];
	[tilespmem:$0x1FEC0] =	vst v2;
	v2 =	vmul.f32 v56, v22  }
0x1fc: {  	v16 =	vmul.f32 v55, v31;
	v24 =	vmul.f32 v24, v33;
	v34 =	vld [tilespmem:s0+$0x30]  }
0x1fd: {  	v12 =	vadd.f32 v61, v12;
	v61 =	vmul.f32 v62, v42;
	v62 =	vld [tilespmem:s8+$0x30];
	[tilespmem:$0x1FEF0] =	vst v2;
	v2 =	vmul.f32 v57, v22  }
0x1fe: {  	v15 =	vmul.f32 v54, v31;
	v55 =	vmul.f32 v40, v42;
	v40 =	vld [tilespmem:s10+$0x30]  }
0x1ff: {  	[tilespmem:$0x1FF00] =	vst v2;
	v2 =	vmul.f32 v59, v31;
	v59 =	vmul.f32 v41, v42;
	v41 =	vld [tilespmem:s9+$0x20]  }
0x200: {  	v54 =	vld [tilespmem:s9+$0x10];
	v63 =	vmul.f32 v63, v43;
	v30 =	vmul.f32 v44, v43  }
0x201: {  	v58 =	vmul.f32 v58, v37;
	v34 =	vmul.f32 v34, v43;
	v44 =	vld [tilespmem:s9+$0x30]  }
0x202: {  	v35 =	vmul.f32 v35, v39;
	v13 =	vadd.f32 v63, v13;
	v57 =	vld [tilespmem:s6+$0x0];
	v1 =	vadd.f32 v30, v1  }
0x203: {  	v11 =	vadd.f32 v34, v11;
	v34 =	vld [tilespmem:s6+$0x20];
	v12 =	vadd.f32 v55, v12;
	v63 =	vmul.f32 v40, v42  }
0x204: {  	v56 =	vld [tilespmem:s15+$0x10];
	v13 =	vadd.f32 v59, v13;
	v1 =	vadd.f32 v61, v1;
	v59 =	vmul.f32 v41, v39  }
0x205: {  	v26 =	vmul.f32 v26, v38;
	v0 =	vmul.f32 v0, v38;
	v55 =	vld [tilespmem:s15+$0x20];
	v12 =	vadd.f32 v35, v12  }
0x206: {  	v11 =	vadd.f32 v63, v11;
	v61 =	vld [tilespmem:s13+$0x20];
	v63 =	vmul.f32 v44, v39;
	v1 =	vadd.f32 v59, v1  }
0x207: {  	v54 =	vmul.f32 v54, v39;
	v12 =	vadd.f32 v21, v12;
	v57 =	vmul.f32 v57, v37;
	v41 =	vld [tilespmem:s6+$0x30]  }
0x208: {  	v21 =	vmul.f32 v34, v37;
	v11 =	vadd.f32 v63, v11;
	v63 =	vld [tilespmem:s11+$0x20];
	v0 =	vadd.f32 v0, v1  }
0x209: {  	v35 =	vld [tilespmem:s15+$0x30];
	v56 =	vmul.f32 v56, v36;
	v13 =	vadd.f32 v54, v13;
	v12 =	vadd.f32 v57, v12  }
0x20a: {  	v54 =	vmul.f32 v55, v36;
	v59 =	vmul.f32 v62, v38;
	v0 =	vadd.f32 v21, v0  }
0x20b: {  	v13 =	vadd.f32 v26, v13;
	v62 =	vld [tilespmem:s13+$0x30];
	v12 =	vadd.f32 v51, v12;
	v57 =	vmul.f32 v61, v33  }
0x20c: {  	v1 =	vadd.f32 v59, v11;
	v11 =	vmul.f32 v41, v37;
	v0 =	vadd.f32 v54, v0  }
0x20d: {  	v55 =	vld [tilespmem:s11+$0x30];
	v13 =	vadd.f32 v58, v13;
	v12 =	vadd.f32 v24, v12;
	v30 =	vmul.f32 v63, v32  }
0x20e: {  	v50 =	vld [tilespmem:s13+$0x10];
	v1 =	vadd.f32 v11, v1;
	v11 =	vmul.f32 v35, v36;
	v0 =	vadd.f32 v57, v0  }
0x20f: {  	v7 =	vld [tilespmem:s3+$0x10];
	v13 =	vadd.f32 v56, v13;
	v56 =	vadd.f32 v60, v12  }
0x210: {  	v48 =	vld [tilespmem:s11+$0x10];
	v1 =	vadd.f32 v11, v1;
	v11 =	vmul.f32 v62, v33;
	v0 =	vadd.f32 v30, v0  }
0x211: {  	v8 =	vld [tilespmem:s3+$0x20];
	v14 =	vadd.f32 v14, v56  }
0x212: {  	v54 =	vmul.f32 v55, v32;
	v11 =	vadd.f32 v11, v1;
	v0 =	vadd.f32 v16, v0;
	v16 =	vld [tilespmem:s8+$0x50]  }
0x213: {  	v9 =	vld [tilespmem:s3+$0x30];
	v50 =	vmul.f32 v50, v33;
	v14 =	vadd.f32 v20, v14  }
0x214: {  	v49 =	vld [tilespmem:s1+$0x40];
	v57 =	vadd.f32 v54, v11  }
0x215: {  	v52 =	vld [tilespmem:s1+$0x50];
	v48 =	vmul.f32 v48, v32;
	v13 =	vadd.f32 v50, v13;
	v6 =	vadd.f32 v6, v14  }
0x216: {  	v55 =	vld [tilespmem:s15+$0x50];
	v2 =	vadd.f32 v2, v57  }
0x217: {  	v13 =	vadd.f32 v48, v13;
	v6 =	vadd.f32 v10, v6;
	v10 =	vmul.f32 v16, v38;
	v16 =	vld [tilespmem:$0x1FD50]  }
0x218: {  	v9 =	vmul.f32 v9, v23;
	v44 =	vld [tilespmem:$0x1FD80];
	v2 =	vadd.f32 v29, v2  }
0x219: {  	v51 =	vld [tilespmem:s15+$0x40];
	v15 =	vadd.f32 v15, v13  }
0x21a: {  	v58 =	vld [tilespmem:s11+$0x50];
	v2 =	vadd.f32 v9, v2  }
0x21b: {  	v7 =	vmul.f32 v7, v23;
	v15 =	vadd.f32 v27, v15;
	v27 =	vmul.f32 v55, v36;
	v55 =	vld [tilespmem:$0x1FDC0]  }
0x21c: {  	v2 =	vadd.f32 v5, v2;
	v6 =	vadd.f32 v16, v6;
	v16 =	vld [tilespmem:$0x1FD60]  }
0x21d: {  	v50 =	vld [tilespmem:s13+$0x50];
	v7 =	vadd.f32 v7, v15  }
0x21e: {  	v2 =	vadd.f32 v46, v2;
	v46 =	vld [tilespmem:$0x1FD90];
	v6 =	vadd.f32 v44, v6  }
0x21f: {  	v61 =	vld [tilespmem:s9+$0x50];
	v3 =	vadd.f32 v3, v7  }
0x220: {  	v8 =	vmul.f32 v8, v23;
	v0 =	vadd.f32 v28, v0;
	v40 =	vadd.f32 v55, v6;
	v6 =	vld [tilespmem:$0x1FDD0]  }
0x221: {  	v62 =	vld [tilespmem:$0x1FD70];
	v3 =	vadd.f32 v16, v3  }
0x222: {  	v59 =	vld [tilespmem:s13+$0x40];
	v0 =	vadd.f32 v8, v0  }
0x223: {  	v13 =	vmul.f32 v50, v33;
	v50 =	vld [tilespmem:$0x1FDA0];
	v3 =	vadd.f32 v46, v3  }
0x224: {  	v21 =	vld [tilespmem:s11+$0x40];
	v0 =	vadd.f32 v4, v0  }
0x225: {  	v3 =	vadd.f32 v6, v3;
	v6 =	vld [tilespmem:$0x1FDE0]  }
0x226: {  	v63 =	vld [tilespmem:s0+$0x70];
	v0 =	vadd.f32 v62, v0  }
0x227: {  	v24 =	vmul.f32 v51, v36;
	v51 =	vld [tilespmem:$0x1FDB0]  }
0x228: {  	v56 =	vld [tilespmem:$0x1FE40];
	v0 =	vadd.f32 v50, v0  }
0x229: {  	v12 =	vmul.f32 v59, v33;
	v59 =	vld [tilespmem:s8+$0x40]  }
0x22a: {  	v20 =	vld [tilespmem:s9+$0x40];
	v0 =	vadd.f32 v6, v0  }
0x22b: {  	v1 =	vmul.f32 v21, v32;
	v21 =	vld [tilespmem:s6+$0x40]  }
0x22c: {  	[tilespmem:$0x1FF40] =	vst v0;
	v0 =	vld [tilespmem:$0x1FDF0]  }
0x22d: {  	v14 =	vld [tilespmem:s10+$0x40]  }
0x22e: {  	v11 =	vmul.f32 v58, v32;
	v58 =	vld [tilespmem:s6+$0x50]  }
0x22f: {  	v54 =	vld [tilespmem:s10+$0x70];
	v2 =	vadd.f32 v51, v2  }
0x230: {  	v57 =	vld [tilespmem:$0x1FE50]  }
0x231: {  	v7 =	vld [tilespmem:s0+$0x40];
	v0 =	vadd.f32 v0, v2  }
0x232: {  	v2 =	vld [tilespmem:$0x1FE10]  }
0x233: {  	[tilespmem:$0x1FF50] =	vst v0;
	v0 =	vld [tilespmem:$0x1FE00]  }
0x234: {  	v15 =	vmul.f32 v58, v37;
	v58 =	vld [tilespmem:$0x1FE60]  }
0x235: {  	v4 =	vld [tilespmem:s0+$0x50]  }
0x236: {  	v16 =	vld [tilespmem:s0+$0x60]  }
0x237: {  	v6 =	vld [tilespmem:$0x1FE30]  }
0x238: {  	v0 =	vadd.f32 v2, v0;
	v2 =	vld [tilespmem:$0x1FE20]  }
0x239: {  	v9 =	vmul.f32 v59, v38;
	v59 =	vld [tilespmem:$0x1FE70];
	v7 =	vmul.f32 v7, v43  }
0x23a: {  	v26 =	vmul.f32 v63, v43;
	v8 =	vld [tilespmem:s10+$0x50]  }
0x23b: {  	v48 =	vld [tilespmem:s10+$0x60];
	v21 =	vmul.f32 v21, v37;
	v14 =	vmul.f32 v14, v42;
	v0 =	vadd.f32 v7, v0  }
0x23c: {  	v30 =	vadd.f32 v57, v56;
	v5 =	vmul.f32 v20, v39;
	[tilespmem:$0x1FF30] =	vst v3;
	v3 =	vmul.f32 v4, v43;
	v4 =	vld [tilespmem:s9+$0x60]  }
0x23d: {  	v0 =	vadd.f32 v14, v0;
	v2 =	vadd.f32 v6, v2;
	v6 =	vmul.f32 v16, v43;
	v16 =	vld [tilespmem:s9+$0x70]  }
0x23e: {  	v20 =	vmul.f32 v61, v39;
	v61 =	vld [tilespmem:s8+$0x60];
	v62 =	vmul.f32 v54, v42;
	v34 =	vadd.f32 v59, v58  }
0x23f: {  	v8 =	vmul.f32 v8, v42;
	v7 =	vld [tilespmem:s8+$0x70];
	v0 =	vadd.f32 v5, v0;
	v2 =	vadd.f32 v3, v2  }
0x240: {  	v63 =	vld [tilespmem:s6+$0x60];
	v26 =	vadd.f32 v26, v34;
	v3 =	vmul.f32 v48, v42;
	v6 =	vadd.f32 v6, v30  }
0x241: {  	v4 =	vmul.f32 v4, v39;
	v0 =	vadd.f32 v9, v0;
	v2 =	vadd.f32 v8, v2;
	v8 =	vld [tilespmem:s6+$0x70]  }
0x242: {  	v3 =	vadd.f32 v3, v6;
	v6 =	vadd.f32 v62, v26;
	v14 =	vmul.f32 v16, v39;
	v16 =	vld [tilespmem:s15+$0x60]  }
0x243: {  	v5 =	vmul.f32 v61, v38;
	v0 =	vadd.f32 v21, v0;
	v2 =	vadd.f32 v20, v2;
	v20 =	vld [tilespmem:s15+$0x70]  }
0x244: {  	v21 =	vld [tilespmem:$0x1FE80];
	v3 =	vadd.f32 v4, v3;
	v4 =	vadd.f32 v14, v6;
	v6 =	vmul.f32 v7, v38  }
0x245: {  	v2 =	vadd.f32 v10, v2;
	v10 =	vld [tilespmem:s13+$0x70]  }
0x246: {  	v7 =	vld [tilespmem:s13+$0x60];
	v3 =	vadd.f32 v5, v3;
	v4 =	vadd.f32 v6, v4;
	v5 =	vmul.f32 v8, v37  }
0x247: {  	v9 =	vmul.f32 v63, v37;
	v14 =	vld [tilespmem:s11+$0x70]  }
0x248: {  	v6 =	vld [tilespmem:s11+$0x60];
	v4 =	vadd.f32 v5, v4;
	v5 =	vmul.f32 v20, v36  }
0x249: {  	v2 =	vadd.f32 v15, v2;
	v8 =	vmul.f32 v16, v36;
	v3 =	vadd.f32 v9, v3;
	v15 =	vld [tilespmem:s4+$0x70]  }
0x24a: {  	v0 =	vadd.f32 v24, v0;
	v9 =	vld [tilespmem:s4+$0x60];
	v4 =	vadd.f32 v5, v4;
	v5 =	vmul.f32 v10, v33  }
0x24b: {  	v2 =	vadd.f32 v27, v2;
	v7 =	vmul.f32 v7, v33;
	v3 =	vadd.f32 v8, v3;
	v10 =	vld [tilespmem:s1+$0x70]  }
0x24c: {  	v0 =	vadd.f32 v12, v0;
	v16 =	vld [tilespmem:$0x1FE90];
	v4 =	vadd.f32 v5, v4;
	v5 =	vmul.f32 v14, v32  }
0x24d: {  	v8 =	vld [tilespmem:s1+$0x60];
	v2 =	vadd.f32 v13, v2;
	v6 =	vmul.f32 v6, v32;
	v3 =	vadd.f32 v7, v3  }
0x24e: {  	v20 =	vld [tilespmem:$0x1FEA0];
	v0 =	vadd.f32 v1, v0;
	v4 =	vadd.f32 v5, v4;
	v5 =	vmul.f32 v15, v31  }
0x24f: {  	v1 =	vadd.f32 v11, v2;
	v3 =	vadd.f32 v6, v3;
	v6 =	vld [tilespmem:s2+$0x60]  }
0x250: {  	v7 =	vld [tilespmem:s3+$0x60];
	v2 =	vmul.f32 v9, v31;
	v4 =	vadd.f32 v5, v4;
	v5 =	vmul.f32 v10, v25  }
0x251: {  	v14 =	vld [tilespmem:$0x1FEB0]  }
0x252: {  	v8 =	vmul.f32 v8, v25;
	v3 =	vadd.f32 v2, v3;
	v5 =	vadd.f32 v5, v4;
	v4 =	vld [tilespmem:$0x1FED0]  }
0x253: {  	v49 =	vmul.f32 v49, v25;
	v52 =	vmul.f32 v52, v25;
	v0 =	vadd.f32 v53, v0;
	v11 =	vld [tilespmem:s2+$0x70]  }
0x254: {  	v1 =	vadd.f32 v47, v1;
	v12 =	vadd.f32 v8, v3;
	v8 =	vmul.f32 v6, v22;
	v6 =	vld [tilespmem:$0x1FEF0]  }
0x255: {  	v0 =	vadd.f32 v49, v0;
	v9 =	vld [tilespmem:s3+$0x70]  }
0x256: {  	v15 =	vld [tilespmem:$0x1FEC0];
	v1 =	vadd.f32 v52, v1  }
0x257: {  	v2 =	vld [tilespmem:s31+$0x70];
	v7 =	vmul.f32 v7, v23;
	v0 =	vadd.f32 v4, v0  }
0x258: {  	s26 =	sadd.s32 $0x1, s26;
	v10 =	vld [tilespmem:s31+$0x60];
	v13 =	vadd.f32 v45, v1  }
0x259: {  	p0 =	slt.u32 s26, s22;
	v1 =	vadd.f32 v7, v12;
	v7 =	vmul.f32 v11, v22;
	v11 =	vadd.f32 v6, v0;
	v0 =	vld [tilespmem:$0x1FF00]  }
.Ltmp11:
0x25a: {  	v3 =	vld [tilespmem:s30+$0x60];
	v9 =	vmul.f32 v9, v23;
	(pc) =	sbr.rel @p0 .LBB2_10-.Ltmp11, $4  }
0x25b: {  	v22 =	vld [tilespmem:$0x1FEE0]  }
0x25c: {  	v9 =	vadd.f32 v9, v5;
	v5 =	vld [tilespmem:s29+$0x60]  }
0x25d: {  	v4 =	vld [tilespmem:s30+$0x70]  }
0x25e: {  	s28 =	sadd.s32 $0x800, s28;
	v60 =	vlaneseq.u32;
	v10 =	vmul.f32 v10, v19;
	v6 =	vld [tilespmem:s29+$0x70];
	v12 =	vadd.f32 v0, v13  }
.Ltmp12:
0x25f: {  	_ = 	snop;
	(pc) =	sbr.rel .LBB2_11-.Ltmp12, $1  }
0x260: {  	_ =	sdelay $0x3  }
.LBB2_16:
0x261: {  	_ =	sfence.sel $0x180000  }
0x262: {  	[bflag:$0x0] =	sbarrier.arrive $0xFFFF  }
0x263: {  	_ =	strace $0x90000047  }
0x264: {  	s0 =	stileid.u32;
	[bflag:$0x2] =	sbarrier.arrive $0xFFFF  }
0x265: {  	p0 =	sne.s32 s0, $0x0;
	s0 =	rddreg [dreg:$0x4]  }
0x266: {  	s0 =	sadd.s32 @!p0 $0x100000, s0  }
0x267: {  	[sflag:s0] =	ssyncadd.tile.s32 @!p0 $0x1;
	_ =	shalt  }
.Lfunc_end2:
_tile_overlayer_lowered:
.L_overlay_start_2:
0x268: {  	(tag) =	ssettag $0x2  }
0x269: {  	s0 =	rddreg [dreg:$0x0];
	s2 =	stileid.u32  }
0x26a: {  	s1 =	rddreg [dreg:$0x1];
	p0 =	sne.s32 s2, $0x0  }
0x26b: {  	s3 =	rddreg [dreg:$0x2];
	[bflag:$0x3] =	sbarrier.arrive $0xFFFF;
	s2 =	simm.s32 @!p0 $0x1C01  }
0x26c: {  	[timem:s3], [sflag:s2] =	dma.local @!p0 [hbm:s0], s1  }
0x26d: {  	s0 =	simm.s32 @!p0 $0x1  }
0x26e: {  	_ =	swait.ge @!p0 [sflag:s0], s1  }
0x26f: {  	s1 =	ssub.s32 @!p0 $0x0, s1;
	[sflag:s0] =	ssyncset.done @!p0 $0x0  }
0x270: {  	[sflag:s0] =	ssyncadd.s32 @!p0 s1  }
0x271: {  	[bflag:$0x3] =	sbarrier.arrive $0xFFFF  }
0x272: {  	_ =	shalt  }

</sc_bundles>
